<compile_context>
chip_gen: v7x
topology: tpu7x:2x2x1
jax: 0.10.2.dev20260603
libtpu: 0.0.44.dev20260713+nightly
codegen_flags: <defaults>
</compile_context>

<pallas_src>
import jax
import jax.numpy as jnp
from jax import lax
from jax.experimental import pallas as pl
from jax.experimental.pallas import tpu as pltpu
from jax.experimental.pallas import tpu_sc as plsc

N = 10000
E = 320000
D = 128
HOPS = 5
EPS = 1e-5

NP = 10112
NPT = 632
C = 128
NTILES = 16
NW = 32
SPLIT0 = 122
SPLIT1 = 36
IDXROWS = 122


def _stage_passes(split):
    if split <= IDXROWS:
        return [(0, split)]
    h1 = (split // 2 + 7) // 8 * 8
    return [(0, h1), (h1, split - h1)]
NCHUNK = SPLIT0 + SPLIT1
EP = (SPLIT0 + SPLIT1) * C * NTILES
PAD_SRC = NP - 2
PAD_DST = NP - 1
ZR = 64


def _mlp_body(x_ref, w1_ref, b1_ref, w2_ref, b2_ref, w3_ref, b3_ref, out_ref):
    x = x_ref[...]
    h = jnp.maximum(jnp.dot(x, w1_ref[...], preferred_element_type=jnp.float32)
                    + b1_ref[...], 0.0)
    h = jnp.maximum(jnp.dot(h, w2_ref[...], preferred_element_type=jnp.float32)
                    + b2_ref[...], 0.0)
    raw = jnp.dot(h, w3_ref[...], preferred_element_type=jnp.float32) + b3_ref[...]
    m = jnp.max(raw, axis=-1, keepdims=True)
    e = jnp.exp(raw - m)
    out_ref[...] = e / jnp.sum(e, axis=-1, keepdims=True)


def _mlp_alphas(static, W1, b1, W2, b2, W3, b3):
    blk = 1000
    grid = N // blk
    return pl.pallas_call(
        _mlp_body,
        grid=(grid,),
        in_specs=[
            pl.BlockSpec((blk, 16), lambda i: (i, 0)),
            pl.BlockSpec((16, 32), lambda i: (0, 0)),
            pl.BlockSpec((1, 32), lambda i: (0, 0)),
            pl.BlockSpec((32, 32), lambda i: (0, 0)),
            pl.BlockSpec((1, 32), lambda i: (0, 0)),
            pl.BlockSpec((32, HOPS + 1), lambda i: (0, 0)),
            pl.BlockSpec((1, HOPS + 1), lambda i: (0, 0)),
        ],
        out_specs=pl.BlockSpec((blk, HOPS + 1), lambda i: (i, 0)),
        out_shape=jax.ShapeDtypeStruct((N, HOPS + 1), jnp.float32),
    )(static, W1.T, b1[None, :], W2.T, b2[None, :], W3.T, b3[None, :])


def _make_sc_hop_body(nsrc):
    def _sc_body(*refs):
        srcs = refs[:nsrc]
        (s0_hbm, r0_hbm, s1_hbm, r1_hbm, out0, out1,
         sidx, ridx, rows, ashared) = refs[nsrc:]
        c = lax.axis_index("c")
        s = lax.axis_index("s")
        row0 = s * NPT

        def _zero_row(i, carry):
            for j in range(D // 16):
                rows[i, pl.ds(j * 16, 16)] = jnp.zeros((16,), jnp.float32)
            return carry
        lax.fori_loop(0, C, _zero_row, 0)
        full, rem = divmod(NPT, C)
        for jz in range(full):
            pltpu.sync_copy(rows, ashared.at[pl.ds(row0 + jz * C, C)])
        if rem:
            pltpu.sync_copy(rows.at[pl.ds(0, rem)],
                            ashared.at[pl.ds(row0 + full * C, rem)])
        plsc.subcore_barrier()

        p0, p1 = _stage_passes(SPLIT0), _stage_passes(SPLIT1)
        for p in range(max(len(p0), len(p1))):
            cnt0 = p0[p][1] if p < len(p0) else 0
            cnt1 = p1[p][1] if p < len(p1) else 0
            if cnt0:
                @pl.when(c == 0)
                def _():
                    off = p0[p][0]
                    pltpu.sync_copy(s0_hbm.at[s, pl.ds(off, cnt0)],
                                    sidx.at[pl.ds(0, cnt0)])
                    pltpu.sync_copy(r0_hbm.at[s, pl.ds(off, cnt0)],
                                    ridx.at[pl.ds(0, cnt0)])
            if cnt1:
                @pl.when(c == 1)
                def _():
                    off = p1[p][0]
                    pltpu.sync_copy(s1_hbm.at[s, pl.ds(off, cnt1)],
                                    sidx.at[pl.ds(0, cnt1)])
                    pltpu.sync_copy(r1_hbm.at[s, pl.ds(off, cnt1)],
                                    ridx.at[pl.ds(0, cnt1)])
            nchunk = jnp.where(c == 0, cnt0, cnt1)

            def _edge(ci, carry):
                for src in srcs:
                    pltpu.sync_copy(src.at[sidx.at[ci]], rows)
                    pltpu.sync_copy(rows, ashared.at[ridx.at[ci]], add=True)
                return carry
            lax.fori_loop(0, nchunk, _edge, 0)
        plsc.subcore_barrier()

        nck = -(-NPT // C)
        for jc in range(nck):
            r = row0 + jc * C
            nrow = C if jc < nck - 1 else NPT - (nck - 1) * C
            bslice = rows.at[pl.ds(0, nrow)] if nrow != C else rows
            pltpu.sync_copy(ashared.at[pl.ds(r, nrow)], bslice)

            @pl.when(c == 0)
            def _():
                pltpu.sync_copy(bslice, out0.at[pl.ds(r, nrow)])

            @pl.when(c == 1)
            def _():
                pltpu.sync_copy(bslice, out1.at[pl.ds(r, nrow)])
    return _sc_body


def _sc_hop(srcs, edge_refs):
    mesh = plsc.VectorSubcoreMesh(core_axis_name="c", subcore_axis_name="s",
                                  num_cores=2, num_subcores=NTILES)
    return pl.kernel(
        _make_sc_hop_body(len(srcs)),
        out_type=[jax.ShapeDtypeStruct((NP, D), jnp.float32)] * 2,
        mesh=mesh,
        scratch_types=[
            pltpu.VMEM((IDXROWS, C), jnp.int32),
            pltpu.VMEM((IDXROWS, C), jnp.int32),
            pltpu.VMEM((C, D), jnp.float32),
            pltpu.VMEM_SHARED((NP, D), jnp.float32),
        ],
    )(*srcs, *edge_refs)


def _combine_body(a_ref, b_ref, out_ref):
    out_ref[...] = a_ref[...] + b_ref[...]


def _combine(p0, p1):
    blk = 632
    spec = pl.BlockSpec((blk, D), lambda i: (i, 0))
    return pl.pallas_call(
        _combine_body,
        grid=(NP // blk,),
        in_specs=[spec, spec],
        out_specs=spec,
        out_shape=jax.ShapeDtypeStruct((NP, D), jnp.float32),
    )(p0, p1)


def _sc_hops(h_pad, edge_refs):
    hops = []
    srcs = [h_pad]
    for k in range(HOPS):
        p0, p1 = _sc_hop(srcs, edge_refs)
        if k < HOPS - 1:
            h = _combine(p0, p1)
            hops.append(h)
            srcs = [h]
        else:
            hops.append((p0, p1))
    return hops


def _finalize_body(a_ref, h0_ref, h1_ref, h2_ref, h3_ref, h4_ref,
                   p50_ref, p51_ref, hp_ref, w_ref, b_ref, m_ref, out_ref):
    a = a_ref[...]
    routed = a[:, 0:1] * h0_ref[...]
    for k, hk in enumerate((h1_ref, h2_ref, h3_ref, h4_ref)):
        routed = routed + a[:, k + 1:k + 2] * hk[...]
    routed = routed + a[:, HOPS:HOPS + 1] * (p50_ref[...] + p51_ref[...])
    ms = jnp.mean(routed * routed, axis=-1, keepdims=True)
    inv = lax.rsqrt(ms + EPS)
    out_ref[...] = m_ref[...] * (hp_ref[...] + routed * inv * w_ref[...]
                                 + b_ref[...])


def _finalize(alphas, H_runoff, hops, H_prev, rms_weight, rms_bias, maskf):
    blk = 1000
    grid = N // blk
    row_spec = pl.BlockSpec((blk, D), lambda i: (i, 0))
    h1, h2, h3, h4, (p50, p51) = hops
    return pl.pallas_call(
        _finalize_body,
        grid=(grid,),
        in_specs=[
            pl.BlockSpec((blk, HOPS + 1), lambda i: (i, 0)),
            row_spec,
            *([row_spec] * (HOPS + 1)),
            row_spec,
            pl.BlockSpec((1, D), lambda i: (0, 0)),
            pl.BlockSpec((1, D), lambda i: (0, 0)),
            pl.BlockSpec((blk, 1), lambda i: (i, 0)),
        ],
        out_specs=row_spec,
        out_shape=jax.ShapeDtypeStruct((N, D), jnp.float32),
    )(alphas, H_runoff, h1, h2, h3, h4, p50, p51, H_prev,
      rms_weight[None, :], rms_bias[None, :], maskf)


def kernel(static, H_runoff, H_prev, edges, node_mask,
           W1, b1, W2, b2, W3, b3, rms_weight, rms_bias):
    alphas = _mlp_alphas(static, W1, b1, W2, b2, W3, b3)

    h_pad = jnp.zeros((NP, D), jnp.float32).at[:N].set(H_runoff)
    senders = jnp.full((EP,), PAD_SRC, jnp.int32).at[:E].set(edges[0])
    receivers = jnp.full((EP,), PAD_DST, jnp.int32).at[:E].set(edges[1])
    e0 = SPLIT0 * C * NTILES
    edge_refs = (
        senders[:e0].reshape(NTILES, SPLIT0, C),
        receivers[:e0].reshape(NTILES, SPLIT0, C),
        senders[e0:].reshape(NTILES, SPLIT1, C),
        receivers[e0:].reshape(NTILES, SPLIT1, C),
    )
    parts = _sc_hops(h_pad, edge_refs)

    maskf = node_mask.astype(jnp.float32)[:, None]
    H_out = _finalize(alphas, H_runoff, parts, H_prev,
                      rms_weight, rms_bias, maskf)
    return (H_out, alphas)

# --- scband reference (transcript-rebuilt; emitter-appended) ---
"""Pipeline reference for scband-diffusion-routing-49512382988615 (READ-ONLY COPY).

The authoritative reference and input builder live on the scoring server;
editing this copy changes nothing except your own understanding.
"""

import jax, jax.numpy as jnp
import numpy as np

N = 10000
E = 320000
D = 128
S = 16
HOPS = 5
WIDTH = 32
EPS = 1e-5


def _linear_params(key, fan_in, fan_out):
    lim = 1.0 / float(np.sqrt(fan_in))
    kw, kb = jax.random.split(key)
    W = jax.random.uniform(kw, (fan_out, fan_in), minval=-lim, maxval=lim, dtype=jnp.float32)
    b = jax.random.uniform(kb, (fan_out,), minval=-lim, maxval=lim, dtype=jnp.float32)
    return W, b


def setup_inputs(seed: int = 0) -> dict:
    key = jax.random.key(seed)
    ks = jax.random.split(key, 8)
    static = jax.random.normal(ks[0], (N, S), dtype=jnp.float32)
    H_runoff = jax.random.normal(ks[1], (N, D), dtype=jnp.float32)
    H_prev = jax.random.normal(ks[2], (N, D), dtype=jnp.float32)
    edges = jax.random.randint(ks[3], (2, E), 0, N, dtype=jnp.int32)
    node_mask = jnp.ones((N,), dtype=bool)
    W1, b1 = _linear_params(ks[4], S, WIDTH)
    W2, b2 = _linear_params(ks[5], WIDTH, WIDTH)
    W3, b3 = _linear_params(ks[6], WIDTH, HOPS + 1)
    rms_weight = jnp.ones((D,), dtype=jnp.float32)
    rms_bias = jnp.zeros((D,), dtype=jnp.float32)
    return {
        "static": static,
        "H_runoff": H_runoff,
        "H_prev": H_prev,
        "edges": edges,
        "node_mask": node_mask,
        "W1": W1, "b1": b1,
        "W2": W2, "b2": b2,
        "W3": W3, "b3": b3,
        "rms_weight": rms_weight,
        "rms_bias": rms_bias,
    }


def reference(static, H_runoff, H_prev, edges, node_mask, W1, b1, W2, b2, W3, b3, rms_weight, rms_bias):
    senders = edges[0]
    receivers = edges[1]
    num_nodes = H_runoff.shape[0]
    # hop MLP (eqx.nn.MLP: depth=2 -> 3 linear layers, relu activations)
    h = jax.nn.relu(static @ W1.T + b1)
    h = jax.nn.relu(h @ W2.T + b2)
    raw_alphas = h @ W3.T + b3
    alphas = jax.nn.softmax(raw_alphas, axis=-1)
    Hk = H_runoff
    routed = alphas[:, 0:1] * Hk
    for k in range(1, HOPS + 1):
        agg = jnp.zeros((num_nodes, Hk.shape[-1]), dtype=Hk.dtype).at[receivers].add(Hk[senders])
        Hk = agg
        routed = routed + alphas[:, k:k + 1] * Hk
    # RMSNorm per node (weight + bias)
    ms = jnp.mean(routed * routed, axis=-1, keepdims=True)
    inv = jax.lax.rsqrt(ms + EPS)
    delta = routed * inv * rms_weight + rms_bias
    H_out = H_prev + delta
    H_out = jnp.where(node_mask[:, None], H_out, 0.0)
    return (H_out, alphas)

if __name__ == "__main__":
    import jax
    _d = setup_inputs()
    print(jax.jit(kernel)(*tuple(_d.values())))

</pallas_src>

<mosaic_0001>
#map = affine_map<(d0, d1) -> (0, 0)>
#map1 = affine_map<(d0, d1) -> (0, 0, 0)>
module attributes {stable_mosaic.version = 14 : i64} {
  func.func @_sc_body(%arg0: i32, %arg1: i32, %arg2: memref<10112x128xf32, #tpu.memory_space<hbm>>, %arg3: memref<16x122x128xi32, #tpu.memory_space<hbm>>, %arg4: memref<16x122x128xi32, #tpu.memory_space<hbm>>, %arg5: memref<16x36x128xi32, #tpu.memory_space<hbm>>, %arg6: memref<16x36x128xi32, #tpu.memory_space<hbm>>, %arg7: memref<10112x128xf32, #tpu.memory_space<hbm>>, %arg8: memref<10112x128xf32, #tpu.memory_space<hbm>>, %arg9: memref<122x128xi32, #tpu.memory_space<vmem>>, %arg10: memref<122x128xi32, #tpu.memory_space<vmem>>, %arg11: memref<128x128xf32, #tpu.memory_space<vmem>>, %arg12: memref<10112x128xf32, #tpu.memory_space<vmem_shared>>) attributes {dimension_semantics = [#tpu.dimension_semantics<core_parallel>, #tpu.dimension_semantics<subcore_parallel>], iteration_bounds = array<i64: 2, 16>, scalar_prefetch = 0 : i64, scratch_operands = 4 : i64, tpu.core_type = #tpu.core_type<sc_vector_subcore>, window_params = [{transform_indices = #map}, {transform_indices = #map1}, {transform_indices = #map1}, {transform_indices = #map1}, {transform_indices = #map1}, {transform_indices = #map}, {transform_indices = #map}]} {
    %mul3A = arith.constant 632 : i32
    %mul3A_0 = arith.muli %arg1, %mul3A : i32
    %scan3A = arith.constant 0 : i32
    %scan3A_1 = arith.constant 0 : i32
    %scan3A_2 = arith.constant 128 : i32
    %scan3A_3 = arith.addi %scan3A_1, %scan3A_2 : i32
    %scan3A_4 = arith.constant 1 : i32
    scf.for %scan3A_95 = %scan3A_1 to %scan3A_3 step %scan3A_4  : i32 {
      %broadcast_in_dim3A = arith.constant 0.000000e+00 : f32
      %broadcast_in_dim3A_96 = vector.broadcast %broadcast_in_dim3A : f32 to vector<16xf32>
      %swap3A = arith.index_cast %scan3A_95 : i32 to index
      %swap3A_97 = arith.constant 0 : index
      %swap3A_98 = tpu.vector_load %arg11[%swap3A, %swap3A_97] {strides = array<i32>} : memref<128x128xf32, #tpu.memory_space<vmem>>, vector<1x16xf32>,
      %swap3A_99 = vector.shape_cast %swap3A_98 : vector<1x16xf32> to vector<16xf32>
      %swap3A_100 = vector.shape_cast %broadcast_in_dim3A_96 : vector<16xf32> to vector<1x16xf32>
      tpu.vector_store %arg11[%swap3A, %swap3A_97], %swap3A_100 {strides = array<i32>} : memref<128x128xf32, #tpu.memory_space<vmem>>, vector<1x16xf32>,
      %broadcast_in_dim3A_101 = arith.constant 0.000000e+00 : f32
      %broadcast_in_dim3A_102 = vector.broadcast %broadcast_in_dim3A_101 : f32 to vector<16xf32>
      %swap3A_103 = arith.index_cast %scan3A_95 : i32 to index
      %swap3A_104 = arith.constant 16 : index
      %swap3A_105 = tpu.vector_load %arg11[%swap3A_103, %swap3A_104] {strides = array<i32>} : memref<128x128xf32, #tpu.memory_space<vmem>>, vector<1x16xf32>,
      %swap3A_106 = vector.shape_cast %swap3A_105 : vector<1x16xf32> to vector<16xf32>
      %swap3A_107 = vector.shape_cast %broadcast_in_dim3A_102 : vector<16xf32> to vector<1x16xf32>
      tpu.vector_store %arg11[%swap3A_103, %swap3A_104], %swap3A_107 {strides = array<i32>} : memref<128x128xf32, #tpu.memory_space<vmem>>, vector<1x16xf32>,
      %broadcast_in_dim3A_108 = arith.constant 0.000000e+00 : f32
      %broadcast_in_dim3A_109 = vector.broadcast %broadcast_in_dim3A_108 : f32 to vector<16xf32>
      %swap3A_110 = arith.index_cast %scan3A_95 : i32 to index
      %swap3A_111 = arith.constant 32 : index
      %swap3A_112 = tpu.vector_load %arg11[%swap3A_110, %swap3A_111] {strides = array<i32>} : memref<128x128xf32, #tpu.memory_space<vmem>>, vector<1x16xf32>,
      %swap3A_113 = vector.shape_cast %swap3A_112 : vector<1x16xf32> to vector<16xf32>
      %swap3A_114 = vector.shape_cast %broadcast_in_dim3A_109 : vector<16xf32> to vector<1x16xf32>
      tpu.vector_store %arg11[%swap3A_110, %swap3A_111], %swap3A_114 {strides = array<i32>} : memref<128x128xf32, #tpu.memory_space<vmem>>, vector<1x16xf32>,
      %broadcast_in_dim3A_115 = arith.constant 0.000000e+00 : f32
      %broadcast_in_dim3A_116 = vector.broadcast %broadcast_in_dim3A_115 : f32 to vector<16xf32>
      %swap3A_117 = arith.index_cast %scan3A_95 : i32 to index
      %swap3A_118 = arith.constant 48 : index
      %swap3A_119 = tpu.vector_load %arg11[%swap3A_117, %swap3A_118] {strides = array<i32>} : memref<128x128xf32, #tpu.memory_space<vmem>>, vector<1x16xf32>,
      %swap3A_120 = vector.shape_cast %swap3A_119 : vector<1x16xf32> to vector<16xf32>
      %swap3A_121 = vector.shape_cast %broadcast_in_dim3A_116 : vector<16xf32> to vector<1x16xf32>
      tpu.vector_store %arg11[%swap3A_117, %swap3A_118], %swap3A_121 {strides = array<i32>} : memref<128x128xf32, #tpu.memory_space<vmem>>, vector<1x16xf32>,
      %broadcast_in_dim3A_122 = arith.constant 0.000000e+00 : f32
      %broadcast_in_dim3A_123 = vector.broadcast %broadcast_in_dim3A_122 : f32 to vector<16xf32>
      %swap3A_124 = arith.index_cast %scan3A_95 : i32 to index
      %swap3A_125 = arith.constant 64 : index
      %swap3A_126 = tpu.vector_load %arg11[%swap3A_124, %swap3A_125] {strides = array<i32>} : memref<128x128xf32, #tpu.memory_space<vmem>>, vector<1x16xf32>,
      %swap3A_127 = vector.shape_cast %swap3A_126 : vector<1x16xf32> to vector<16xf32>
      %swap3A_128 = vector.shape_cast %broadcast_in_dim3A_123 : vector<16xf32> to vector<1x16xf32>
      tpu.vector_store %arg11[%swap3A_124, %swap3A_125], %swap3A_128 {strides = array<i32>} : memref<128x128xf32, #tpu.memory_space<vmem>>, vector<1x16xf32>,
      %broadcast_in_dim3A_129 = arith.constant 0.000000e+00 : f32
      %broadcast_in_dim3A_130 = vector.broadcast %broadcast_in_dim3A_129 : f32 to vector<16xf32>
      %swap3A_131 = arith.index_cast %scan3A_95 : i32 to index
      %swap3A_132 = arith.constant 80 : index
      %swap3A_133 = tpu.vector_load %arg11[%swap3A_131, %swap3A_132] {strides = array<i32>} : memref<128x128xf32, #tpu.memory_space<vmem>>, vector<1x16xf32>,
      %swap3A_134 = vector.shape_cast %swap3A_133 : vector<1x16xf32> to vector<16xf32>
      %swap3A_135 = vector.shape_cast %broadcast_in_dim3A_130 : vector<16xf32> to vector<1x16xf32>
      tpu.vector_store %arg11[%swap3A_131, %swap3A_132], %swap3A_135 {strides = array<i32>} : memref<128x128xf32, #tpu.memory_space<vmem>>, vector<1x16xf32>,
      %broadcast_in_dim3A_136 = arith.constant 0.000000e+00 : f32
      %broadcast_in_dim3A_137 = vector.broadcast %broadcast_in_dim3A_136 : f32 to vector<16xf32>
      %swap3A_138 = arith.index_cast %scan3A_95 : i32 to index
      %swap3A_139 = arith.constant 96 : index
      %swap3A_140 = tpu.vector_load %arg11[%swap3A_138, %swap3A_139] {strides = array<i32>} : memref<128x128xf32, #tpu.memory_space<vmem>>, vector<1x16xf32>,
      %swap3A_141 = vector.shape_cast %swap3A_140 : vector<1x16xf32> to vector<16xf32>
      %swap3A_142 = vector.shape_cast %broadcast_in_dim3A_137 : vector<16xf32> to vector<1x16xf32>
      tpu.vector_store %arg11[%swap3A_138, %swap3A_139], %swap3A_142 {strides = array<i32>} : memref<128x128xf32, #tpu.memory_space<vmem>>, vector<1x16xf32>,
      %broadcast_in_dim3A_143 = arith.constant 0.000000e+00 : f32
      %broadcast_in_dim3A_144 = vector.broadcast %broadcast_in_dim3A_143 : f32 to vector<16xf32>
      %swap3A_145 = arith.index_cast %scan3A_95 : i32 to index
      %swap3A_146 = arith.constant 112 : index
      %swap3A_147 = tpu.vector_load %arg11[%swap3A_145, %swap3A_146] {strides = array<i32>} : memref<128x128xf32, #tpu.memory_space<vmem>>, vector<1x16xf32>,
      %swap3A_148 = vector.shape_cast %swap3A_147 : vector<1x16xf32> to vector<16xf32>
      %swap3A_149 = vector.shape_cast %broadcast_in_dim3A_144 : vector<16xf32> to vector<1x16xf32>
      tpu.vector_store %arg11[%swap3A_145, %swap3A_146], %swap3A_149 {strides = array<i32>} : memref<128x128xf32, #tpu.memory_space<vmem>>, vector<1x16xf32>,
    }
    %scan3A_5 = arith.constant 128 : i32
    %add3A = arith.constant 0 : i32
    %add3A_6 = arith.addi %mul3A_0, %add3A : i32
    "tpu.region"() ({
      %run_scoped3A = tpu.sem_alloc : memref<!tpu.dma_semaphore, #tpu.memory_space<semaphore_mem>>
      %dma_start3A = arith.constant 0 : i32
      %dma_start3A_95 = tpu.memref_slice %arg12[%add3A_6, %dma_start3A] : memref<10112x128xf32, #tpu.memory_space<vmem_shared>> -> memref<128x128xf32, #tpu.memory_space<vmem_shared>>
      %dma_start3A_96 = arith.constant 0 : i32
      %dma_start3A_97 = tpu.memref_slice %arg12[%add3A_6, %dma_start3A_96] : memref<10112x128xf32, #tpu.memory_space<vmem_shared>> -> memref<128x128xf32, #tpu.memory_space<vmem_shared>>
      tpu.enqueue_dma source(%arg11 : memref<128x128xf32, #tpu.memory_space<vmem>>) target(%dma_start3A_97 : memref<128x128xf32, #tpu.memory_space<vmem_shared>>) target_semaphore(%run_scoped3A : memref<!tpu.dma_semaphore, #tpu.memory_space<semaphore_mem>>)
      %dma_wait3A = arith.constant 0 : i32
      %dma_wait3A_98 = tpu.memref_slice %arg12[%add3A_6, %dma_wait3A] : memref<10112x128xf32, #tpu.memory_space<vmem_shared>> -> memref<128x128xf32, #tpu.memory_space<vmem_shared>>
      %dma_wait3A_99 = arith.constant 0 : i32
      %dma_wait3A_100 = tpu.memref_slice %arg12[%add3A_6, %dma_wait3A_99] : memref<10112x128xf32, #tpu.memory_space<vmem_shared>> -> memref<128x128xf32, #tpu.memory_space<vmem_shared>>
      tpu.wait_dma2 semaphore(%run_scoped3A : memref<!tpu.dma_semaphore, #tpu.memory_space<semaphore_mem>>) src(%arg11 : memref<128x128xf32, #tpu.memory_space<vmem>>) dst(%dma_wait3A_100 : memref<128x128xf32, #tpu.memory_space<vmem_shared>>)
      tpu.yield
    }) : () -> ()
    %add3A_7 = arith.constant 128 : i32
    %add3A_8 = arith.addi %mul3A_0, %add3A_7 : i32
    "tpu.region"() ({
      %run_scoped3A = tpu.sem_alloc : memref<!tpu.dma_semaphore, #tpu.memory_space<semaphore_mem>>
      %dma_start3A = arith.constant 0 : i32
      %dma_start3A_95 = tpu.memref_slice %arg12[%add3A_8, %dma_start3A] : memref<10112x128xf32, #tpu.memory_space<vmem_shared>> -> memref<128x128xf32, #tpu.memory_space<vmem_shared>>
      %dma_start3A_96 = arith.constant 0 : i32
      %dma_start3A_97 = tpu.memref_slice %arg12[%add3A_8, %dma_start3A_96] : memref<10112x128xf32, #tpu.memory_space<vmem_shared>> -> memref<128x128xf32, #tpu.memory_space<vmem_shared>>
      tpu.enqueue_dma source(%arg11 : memref<128x128xf32, #tpu.memory_space<vmem>>) target(%dma_start3A_97 : memref<128x128xf32, #tpu.memory_space<vmem_shared>>) target_semaphore(%run_scoped3A : memref<!tpu.dma_semaphore, #tpu.memory_space<semaphore_mem>>)
      %dma_wait3A = arith.constant 0 : i32
      %dma_wait3A_98 = tpu.memref_slice %arg12[%add3A_8, %dma_wait3A] : memref<10112x128xf32, #tpu.memory_space<vmem_shared>> -> memref<128x128xf32, #tpu.memory_space<vmem_shared>>
      %dma_wait3A_99 = arith.constant 0 : i32
      %dma_wait3A_100 = tpu.memref_slice %arg12[%add3A_8, %dma_wait3A_99] : memref<10112x128xf32, #tpu.memory_space<vmem_shared>> -> memref<128x128xf32, #tpu.memory_space<vmem_shared>>
      tpu.wait_dma2 semaphore(%run_scoped3A : memref<!tpu.dma_semaphore, #tpu.memory_space<semaphore_mem>>) src(%arg11 : memref<128x128xf32, #tpu.memory_space<vmem>>) dst(%dma_wait3A_100 : memref<128x128xf32, #tpu.memory_space<vmem_shared>>)
      tpu.yield
    }) : () -> ()
    %add3A_9 = arith.constant 256 : i32
    %add3A_10 = arith.addi %mul3A_0, %add3A_9 : i32
    "tpu.region"() ({
      %run_scoped3A = tpu.sem_alloc : memref<!tpu.dma_semaphore, #tpu.memory_space<semaphore_mem>>
      %dma_start3A = arith.constant 0 : i32
      %dma_start3A_95 = tpu.memref_slice %arg12[%add3A_10, %dma_start3A] : memref<10112x128xf32, #tpu.memory_space<vmem_shared>> -> memref<128x128xf32, #tpu.memory_space<vmem_shared>>
      %dma_start3A_96 = arith.constant 0 : i32
      %dma_start3A_97 = tpu.memref_slice %arg12[%add3A_10, %dma_start3A_96] : memref<10112x128xf32, #tpu.memory_space<vmem_shared>> -> memref<128x128xf32, #tpu.memory_space<vmem_shared>>
      tpu.enqueue_dma source(%arg11 : memref<128x128xf32, #tpu.memory_space<vmem>>) target(%dma_start3A_97 : memref<128x128xf32, #tpu.memory_space<vmem_shared>>) target_semaphore(%run_scoped3A : memref<!tpu.dma_semaphore, #tpu.memory_space<semaphore_mem>>)
      %dma_wait3A = arith.constant 0 : i32
      %dma_wait3A_98 = tpu.memref_slice %arg12[%add3A_10, %dma_wait3A] : memref<10112x128xf32, #tpu.memory_space<vmem_shared>> -> memref<128x128xf32, #tpu.memory_space<vmem_shared>>
      %dma_wait3A_99 = arith.constant 0 : i32
      %dma_wait3A_100 = tpu.memref_slice %arg12[%add3A_10, %dma_wait3A_99] : memref<10112x128xf32, #tpu.memory_space<vmem_shared>> -> memref<128x128xf32, #tpu.memory_space<vmem_shared>>
      tpu.wait_dma2 semaphore(%run_scoped3A : memref<!tpu.dma_semaphore, #tpu.memory_space<semaphore_mem>>) src(%arg11 : memref<128x128xf32, #tpu.memory_space<vmem>>) dst(%dma_wait3A_100 : memref<128x128xf32, #tpu.memory_space<vmem_shared>>)
      tpu.yield
    }) : () -> ()
    %add3A_11 = arith.constant 384 : i32
    %add3A_12 = arith.addi %mul3A_0, %add3A_11 : i32
    "tpu.region"() ({
      %run_scoped3A = tpu.sem_alloc : memref<!tpu.dma_semaphore, #tpu.memory_space<semaphore_mem>>
      %dma_start3A = arith.constant 0 : i32
      %dma_start3A_95 = tpu.memref_slice %arg12[%add3A_12, %dma_start3A] : memref<10112x128xf32, #tpu.memory_space<vmem_shared>> -> memref<128x128xf32, #tpu.memory_space<vmem_shared>>
      %dma_start3A_96 = arith.constant 0 : i32
      %dma_start3A_97 = tpu.memref_slice %arg12[%add3A_12, %dma_start3A_96] : memref<10112x128xf32, #tpu.memory_space<vmem_shared>> -> memref<128x128xf32, #tpu.memory_space<vmem_shared>>
      tpu.enqueue_dma source(%arg11 : memref<128x128xf32, #tpu.memory_space<vmem>>) target(%dma_start3A_97 : memref<128x128xf32, #tpu.memory_space<vmem_shared>>) target_semaphore(%run_scoped3A : memref<!tpu.dma_semaphore, #tpu.memory_space<semaphore_mem>>)
      %dma_wait3A = arith.constant 0 : i32
      %dma_wait3A_98 = tpu.memref_slice %arg12[%add3A_12, %dma_wait3A] : memref<10112x128xf32, #tpu.memory_space<vmem_shared>> -> memref<128x128xf32, #tpu.memory_space<vmem_shared>>
      %dma_wait3A_99 = arith.constant 0 : i32
      %dma_wait3A_100 = tpu.memref_slice %arg12[%add3A_12, %dma_wait3A_99] : memref<10112x128xf32, #tpu.memory_space<vmem_shared>> -> memref<128x128xf32, #tpu.memory_space<vmem_shared>>
      tpu.wait_dma2 semaphore(%run_scoped3A : memref<!tpu.dma_semaphore, #tpu.memory_space<semaphore_mem>>) src(%arg11 : memref<128x128xf32, #tpu.memory_space<vmem>>) dst(%dma_wait3A_100 : memref<128x128xf32, #tpu.memory_space<vmem_shared>>)
      tpu.yield
    }) : () -> ()
    %add3A_13 = arith.constant 512 : i32
    %add3A_14 = arith.addi %mul3A_0, %add3A_13 : i32
    "tpu.region"() ({
      %run_scoped3A = tpu.sem_alloc : memref<!tpu.dma_semaphore, #tpu.memory_space<semaphore_mem>>
      %dma_start3A = arith.constant 0 : i32
      %dma_start3A_95 = arith.constant 0 : i32
      %dma_start3A_96 = tpu.memref_slice %arg11[%dma_start3A, %dma_start3A_95] : memref<128x128xf32, #tpu.memory_space<vmem>> -> memref<120x128xf32, #tpu.memory_space<vmem>>
      %dma_start3A_97 = arith.constant 0 : i32
      %dma_start3A_98 = tpu.memref_slice %arg12[%add3A_14, %dma_start3A_97] : memref<10112x128xf32, #tpu.memory_space<vmem_shared>> -> memref<120x128xf32, #tpu.memory_space<vmem_shared>>
      %dma_start3A_99 = arith.constant 0 : i32
      %dma_start3A_100 = tpu.memref_slice %arg12[%add3A_14, %dma_start3A_99] : memref<10112x128xf32, #tpu.memory_space<vmem_shared>> -> memref<120x128xf32, #tpu.memory_space<vmem_shared>>
      %dma_start3A_101 = arith.constant 0 : i32
      %dma_start3A_102 = arith.constant 0 : i32
      %dma_start3A_103 = tpu.memref_slice %arg11[%dma_start3A_101, %dma_start3A_102] : memref<128x128xf32, #tpu.memory_space<vmem>> -> memref<120x128xf32, #tpu.memory_space<vmem>>
      tpu.enqueue_dma source(%dma_start3A_103 : memref<120x128xf32, #tpu.memory_space<vmem>>) target(%dma_start3A_100 : memref<120x128xf32, #tpu.memory_space<vmem_shared>>) target_semaphore(%run_scoped3A : memref<!tpu.dma_semaphore, #tpu.memory_space<semaphore_mem>>)
      %dma_wait3A = arith.constant 0 : i32
      %dma_wait3A_104 = arith.constant 0 : i32
      %dma_wait3A_105 = tpu.memref_slice %arg11[%dma_wait3A, %dma_wait3A_104] : memref<128x128xf32, #tpu.memory_space<vmem>> -> memref<120x128xf32, #tpu.memory_space<vmem>>
      %dma_wait3A_106 = arith.constant 0 : i32
      %dma_wait3A_107 = tpu.memref_slice %arg12[%add3A_14, %dma_wait3A_106] : memref<10112x128xf32, #tpu.memory_space<vmem_shared>> -> memref<120x128xf32, #tpu.memory_space<vmem_shared>>
      %dma_wait3A_108 = arith.constant 0 : i32
      %dma_wait3A_109 = tpu.memref_slice %arg12[%add3A_14, %dma_wait3A_108] : memref<10112x128xf32, #tpu.memory_space<vmem_shared>> -> memref<120x128xf32, #tpu.memory_space<vmem_shared>>
      %dma_wait3A_110 = arith.constant 0 : i32
      %dma_wait3A_111 = arith.constant 0 : i32
      %dma_wait3A_112 = tpu.memref_slice %arg11[%dma_wait3A_110, %dma_wait3A_111] : memref<128x128xf32, #tpu.memory_space<vmem>> -> memref<120x128xf32, #tpu.memory_space<vmem>>
      tpu.wait_dma2 semaphore(%run_scoped3A : memref<!tpu.dma_semaphore, #tpu.memory_space<semaphore_mem>>) src(%dma_wait3A_112 : memref<120x128xf32, #tpu.memory_space<vmem>>) dst(%dma_wait3A_109 : memref<120x128xf32, #tpu.memory_space<vmem_shared>>)
      tpu.yield
    }) : () -> ()
    %barrier3A = arith.constant 0 : index
    tpu.barrier barrier_id(%barrier3A)
    %eq3A = arith.constant 0 : i32
    %eq3A_15 = arith.cmpi eq, %arg0, %eq3A : i32
    %convert_element_type3A = arith.extui %eq3A_15 : i1 to i32
    %cond3A = arith.constant 0 : i32
    %cond3A_16 = arith.cmpi ne, %convert_element_type3A, %cond3A : i32
    scf.if %cond3A_16 {
      "tpu.region"() ({
        %run_scoped3A = tpu.sem_alloc : memref<!tpu.dma_semaphore, #tpu.memory_space<semaphore_mem>>
        %dma_start3A = arith.constant 0 : i32
        %dma_start3A_95 = arith.constant 0 : i32
        %dma_start3A_96 = tpu.memref_slice %arg9[%dma_start3A, %dma_start3A_95] : memref<122x128xi32, #tpu.memory_space<vmem>> -> memref<122x128xi32, #tpu.memory_space<vmem>>
        %dma_start3A_97 = arith.constant 0 : i32
        %dma_start3A_98 = arith.constant 0 : i32
        %dma_start3A_99 = tpu.memref_slice %arg3[%arg1, %dma_start3A_97, %dma_start3A_98] : memref<16x122x128xi32, #tpu.memory_space<hbm>> -> memref<1x122x128xi32, #tpu.memory_space<hbm>>
        %dma_start3A_100 = tpu.memref_squeeze %dma_start3A_99 : memref<1x122x128xi32, #tpu.memory_space<hbm>> -> memref<122x128xi32, #tpu.memory_space<hbm>>
        %dma_start3A_101 = arith.constant 0 : i32
        %dma_start3A_102 = arith.constant 0 : i32
        %dma_start3A_103 = tpu.memref_slice %arg9[%dma_start3A_101, %dma_start3A_102] : memref<122x128xi32, #tpu.memory_space<vmem>> -> memref<122x128xi32, #tpu.memory_space<vmem>>
        %dma_start3A_104 = arith.constant 0 : i32
        %dma_start3A_105 = arith.constant 0 : i32
        %dma_start3A_106 = tpu.memref_slice %arg3[%arg1, %dma_start3A_104, %dma_start3A_105] : memref<16x122x128xi32, #tpu.memory_space<hbm>> -> memref<1x122x128xi32, #tpu.memory_space<hbm>>
        %dma_start3A_107 = tpu.memref_squeeze %dma_start3A_106 : memref<1x122x128xi32, #tpu.memory_space<hbm>> -> memref<122x128xi32, #tpu.memory_space<hbm>>
        tpu.enqueue_dma source(%dma_start3A_107 : memref<122x128xi32, #tpu.memory_space<hbm>>) target(%dma_start3A_103 : memref<122x128xi32, #tpu.memory_space<vmem>>) target_semaphore(%run_scoped3A : memref<!tpu.dma_semaphore, #tpu.memory_space<semaphore_mem>>)
        %dma_wait3A = arith.constant 0 : i32
        %dma_wait3A_108 = arith.constant 0 : i32
        %dma_wait3A_109 = tpu.memref_slice %arg9[%dma_wait3A, %dma_wait3A_108] : memref<122x128xi32, #tpu.memory_space<vmem>> -> memref<122x128xi32, #tpu.memory_space<vmem>>
        %dma_wait3A_110 = arith.constant 0 : i32
        %dma_wait3A_111 = arith.constant 0 : i32
        %dma_wait3A_112 = tpu.memref_slice %arg3[%arg1, %dma_wait3A_110, %dma_wait3A_111] : memref<16x122x128xi32, #tpu.memory_space<hbm>> -> memref<1x122x128xi32, #tpu.memory_space<hbm>>
        %dma_wait3A_113 = tpu.memref_squeeze %dma_wait3A_112 : memref<1x122x128xi32, #tpu.memory_space<hbm>> -> memref<122x128xi32, #tpu.memory_space<hbm>>
        %dma_wait3A_114 = arith.constant 0 : i32
        %dma_wait3A_115 = arith.constant 0 : i32
        %dma_wait3A_116 = tpu.memref_slice %arg9[%dma_wait3A_114, %dma_wait3A_115] : memref<122x128xi32, #tpu.memory_space<vmem>> -> memref<122x128xi32, #tpu.memory_space<vmem>>
        %dma_wait3A_117 = arith.constant 0 : i32
        %dma_wait3A_118 = arith.constant 0 : i32
        %dma_wait3A_119 = tpu.memref_slice %arg3[%arg1, %dma_wait3A_117, %dma_wait3A_118] : memref<16x122x128xi32, #tpu.memory_space<hbm>> -> memref<1x122x128xi32, #tpu.memory_space<hbm>>
        %dma_wait3A_120 = tpu.memref_squeeze %dma_wait3A_119 : memref<1x122x128xi32, #tpu.memory_space<hbm>> -> memref<122x128xi32, #tpu.memory_space<hbm>>
        tpu.wait_dma2 semaphore(%run_scoped3A : memref<!tpu.dma_semaphore, #tpu.memory_space<semaphore_mem>>) src(%dma_wait3A_120 : memref<122x128xi32, #tpu.memory_space<hbm>>) dst(%dma_wait3A_116 : memref<122x128xi32, #tpu.memory_space<vmem>>)
        tpu.yield
      }) : () -> ()
      "tpu.region"() ({
        %run_scoped3A = tpu.sem_alloc : memref<!tpu.dma_semaphore, #tpu.memory_space<semaphore_mem>>
        %dma_start3A = arith.constant 0 : i32
        %dma_start3A_95 = arith.constant 0 : i32
        %dma_start3A_96 = tpu.memref_slice %arg10[%dma_start3A, %dma_start3A_95] : memref<122x128xi32, #tpu.memory_space<vmem>> -> memref<122x128xi32, #tpu.memory_space<vmem>>
        %dma_start3A_97 = arith.constant 0 : i32
        %dma_start3A_98 = arith.constant 0 : i32
        %dma_start3A_99 = tpu.memref_slice %arg4[%arg1, %dma_start3A_97, %dma_start3A_98] : memref<16x122x128xi32, #tpu.memory_space<hbm>> -> memref<1x122x128xi32, #tpu.memory_space<hbm>>
        %dma_start3A_100 = tpu.memref_squeeze %dma_start3A_99 : memref<1x122x128xi32, #tpu.memory_space<hbm>> -> memref<122x128xi32, #tpu.memory_space<hbm>>
        %dma_start3A_101 = arith.constant 0 : i32
        %dma_start3A_102 = arith.constant 0 : i32
        %dma_start3A_103 = tpu.memref_slice %arg10[%dma_start3A_101, %dma_start3A_102] : memref<122x128xi32, #tpu.memory_space<vmem>> -> memref<122x128xi32, #tpu.memory_space<vmem>>
        %dma_start3A_104 = arith.constant 0 : i32
        %dma_start3A_105 = arith.constant 0 : i32
        %dma_start3A_106 = tpu.memref_slice %arg4[%arg1, %dma_start3A_104, %dma_start3A_105] : memref<16x122x128xi32, #tpu.memory_space<hbm>> -> memref<1x122x128xi32, #tpu.memory_space<hbm>>
        %dma_start3A_107 = tpu.memref_squeeze %dma_start3A_106 : memref<1x122x128xi32, #tpu.memory_space<hbm>> -> memref<122x128xi32, #tpu.memory_space<hbm>>
        tpu.enqueue_dma source(%dma_start3A_107 : memref<122x128xi32, #tpu.memory_space<hbm>>) target(%dma_start3A_103 : memref<122x128xi32, #tpu.memory_space<vmem>>) target_semaphore(%run_scoped3A : memref<!tpu.dma_semaphore, #tpu.memory_space<semaphore_mem>>)
        %dma_wait3A = arith.constant 0 : i32
        %dma_wait3A_108 = arith.constant 0 : i32
        %dma_wait3A_109 = tpu.memref_slice %arg10[%dma_wait3A, %dma_wait3A_108] : memref<122x128xi32, #tpu.memory_space<vmem>> -> memref<122x128xi32, #tpu.memory_space<vmem>>
        %dma_wait3A_110 = arith.constant 0 : i32
        %dma_wait3A_111 = arith.constant 0 : i32
        %dma_wait3A_112 = tpu.memref_slice %arg4[%arg1, %dma_wait3A_110, %dma_wait3A_111] : memref<16x122x128xi32, #tpu.memory_space<hbm>> -> memref<1x122x128xi32, #tpu.memory_space<hbm>>
        %dma_wait3A_113 = tpu.memref_squeeze %dma_wait3A_112 : memref<1x122x128xi32, #tpu.memory_space<hbm>> -> memref<122x128xi32, #tpu.memory_space<hbm>>
        %dma_wait3A_114 = arith.constant 0 : i32
        %dma_wait3A_115 = arith.constant 0 : i32
        %dma_wait3A_116 = tpu.memref_slice %arg10[%dma_wait3A_114, %dma_wait3A_115] : memref<122x128xi32, #tpu.memory_space<vmem>> -> memref<122x128xi32, #tpu.memory_space<vmem>>
        %dma_wait3A_117 = arith.constant 0 : i32
        %dma_wait3A_118 = arith.constant 0 : i32
        %dma_wait3A_119 = tpu.memref_slice %arg4[%arg1, %dma_wait3A_117, %dma_wait3A_118] : memref<16x122x128xi32, #tpu.memory_space<hbm>> -> memref<1x122x128xi32, #tpu.memory_space<hbm>>
        %dma_wait3A_120 = tpu.memref_squeeze %dma_wait3A_119 : memref<1x122x128xi32, #tpu.memory_space<hbm>> -> memref<122x128xi32, #tpu.memory_space<hbm>>
        tpu.wait_dma2 semaphore(%run_scoped3A : memref<!tpu.dma_semaphore, #tpu.memory_space<semaphore_mem>>) src(%dma_wait3A_120 : memref<122x128xi32, #tpu.memory_space<hbm>>) dst(%dma_wait3A_116 : memref<122x128xi32, #tpu.memory_space<vmem>>)
        tpu.yield
      }) : () -> ()
    } else {
    }
    %eq3A_17 = arith.constant 1 : i32
    %eq3A_18 = arith.cmpi eq, %arg0, %eq3A_17 : i32
    %convert_element_type3A_19 = arith.extui %eq3A_18 : i1 to i32
    %cond3A_20 = arith.constant 0 : i32
    %cond3A_21 = arith.cmpi ne, %convert_element_type3A_19, %cond3A_20 : i32
    scf.if %cond3A_21 {
      "tpu.region"() ({
        %run_scoped3A = tpu.sem_alloc : memref<!tpu.dma_semaphore, #tpu.memory_space<semaphore_mem>>
        %dma_start3A = arith.constant 0 : i32
        %dma_start3A_95 = arith.constant 0 : i32
        %dma_start3A_96 = tpu.memref_slice %arg9[%dma_start3A, %dma_start3A_95] : memref<122x128xi32, #tpu.memory_space<vmem>> -> memref<36x128xi32, #tpu.memory_space<vmem>>
        %dma_start3A_97 = arith.constant 0 : i32
        %dma_start3A_98 = arith.constant 0 : i32
        %dma_start3A_99 = tpu.memref_slice %arg5[%arg1, %dma_start3A_97, %dma_start3A_98] : memref<16x36x128xi32, #tpu.memory_space<hbm>> -> memref<1x36x128xi32, #tpu.memory_space<hbm>>
        %dma_start3A_100 = tpu.memref_squeeze %dma_start3A_99 : memref<1x36x128xi32, #tpu.memory_space<hbm>> -> memref<36x128xi32, #tpu.memory_space<hbm>>
        %dma_start3A_101 = arith.constant 0 : i32
        %dma_start3A_102 = arith.constant 0 : i32
        %dma_start3A_103 = tpu.memref_slice %arg9[%dma_start3A_101, %dma_start3A_102] : memref<122x128xi32, #tpu.memory_space<vmem>> -> memref<36x128xi32, #tpu.memory_space<vmem>>
        %dma_start3A_104 = arith.constant 0 : i32
        %dma_start3A_105 = arith.constant 0 : i32
        %dma_start3A_106 = tpu.memref_slice %arg5[%arg1, %dma_start3A_104, %dma_start3A_105] : memref<16x36x128xi32, #tpu.memory_space<hbm>> -> memref<1x36x128xi32, #tpu.memory_space<hbm>>
        %dma_start3A_107 = tpu.memref_squeeze %dma_start3A_106 : memref<1x36x128xi32, #tpu.memory_space<hbm>> -> memref<36x128xi32, #tpu.memory_space<hbm>>
        tpu.enqueue_dma source(%dma_start3A_107 : memref<36x128xi32, #tpu.memory_space<hbm>>) target(%dma_start3A_103 : memref<36x128xi32, #tpu.memory_space<vmem>>) target_semaphore(%run_scoped3A : memref<!tpu.dma_semaphore, #tpu.memory_space<semaphore_mem>>)
        %dma_wait3A = arith.constant 0 : i32
        %dma_wait3A_108 = arith.constant 0 : i32
        %dma_wait3A_109 = tpu.memref_slice %arg9[%dma_wait3A, %dma_wait3A_108] : memref<122x128xi32, #tpu.memory_space<vmem>> -> memref<36x128xi32, #tpu.memory_space<vmem>>
        %dma_wait3A_110 = arith.constant 0 : i32
        %dma_wait3A_111 = arith.constant 0 : i32
        %dma_wait3A_112 = tpu.memref_slice %arg5[%arg1, %dma_wait3A_110, %dma_wait3A_111] : memref<16x36x128xi32, #tpu.memory_space<hbm>> -> memref<1x36x128xi32, #tpu.memory_space<hbm>>
        %dma_wait3A_113 = tpu.memref_squeeze %dma_wait3A_112 : memref<1x36x128xi32, #tpu.memory_space<hbm>> -> memref<36x128xi32, #tpu.memory_space<hbm>>
        %dma_wait3A_114 = arith.constant 0 : i32
        %dma_wait3A_115 = arith.constant 0 : i32
        %dma_wait3A_116 = tpu.memref_slice %arg9[%dma_wait3A_114, %dma_wait3A_115] : memref<122x128xi32, #tpu.memory_space<vmem>> -> memref<36x128xi32, #tpu.memory_space<vmem>>
        %dma_wait3A_117 = arith.constant 0 : i32
        %dma_wait3A_118 = arith.constant 0 : i32
        %dma_wait3A_119 = tpu.memref_slice %arg5[%arg1, %dma_wait3A_117, %dma_wait3A_118] : memref<16x36x128xi32, #tpu.memory_space<hbm>> -> memref<1x36x128xi32, #tpu.memory_space<hbm>>
        %dma_wait3A_120 = tpu.memref_squeeze %dma_wait3A_119 : memref<1x36x128xi32, #tpu.memory_space<hbm>> -> memref<36x128xi32, #tpu.memory_space<hbm>>
        tpu.wait_dma2 semaphore(%run_scoped3A : memref<!tpu.dma_semaphore, #tpu.memory_space<semaphore_mem>>) src(%dma_wait3A_120 : memref<36x128xi32, #tpu.memory_space<hbm>>) dst(%dma_wait3A_116 : memref<36x128xi32, #tpu.memory_space<vmem>>)
        tpu.yield
      }) : () -> ()
      "tpu.region"() ({
        %run_scoped3A = tpu.sem_alloc : memref<!tpu.dma_semaphore, #tpu.memory_space<semaphore_mem>>
        %dma_start3A = arith.constant 0 : i32
        %dma_start3A_95 = arith.constant 0 : i32
        %dma_start3A_96 = tpu.memref_slice %arg10[%dma_start3A, %dma_start3A_95] : memref<122x128xi32, #tpu.memory_space<vmem>> -> memref<36x128xi32, #tpu.memory_space<vmem>>
        %dma_start3A_97 = arith.constant 0 : i32
        %dma_start3A_98 = arith.constant 0 : i32
        %dma_start3A_99 = tpu.memref_slice %arg6[%arg1, %dma_start3A_97, %dma_start3A_98] : memref<16x36x128xi32, #tpu.memory_space<hbm>> -> memref<1x36x128xi32, #tpu.memory_space<hbm>>
        %dma_start3A_100 = tpu.memref_squeeze %dma_start3A_99 : memref<1x36x128xi32, #tpu.memory_space<hbm>> -> memref<36x128xi32, #tpu.memory_space<hbm>>
        %dma_start3A_101 = arith.constant 0 : i32
        %dma_start3A_102 = arith.constant 0 : i32
        %dma_start3A_103 = tpu.memref_slice %arg10[%dma_start3A_101, %dma_start3A_102] : memref<122x128xi32, #tpu.memory_space<vmem>> -> memref<36x128xi32, #tpu.memory_space<vmem>>
        %dma_start3A_104 = arith.constant 0 : i32
        %dma_start3A_105 = arith.constant 0 : i32
        %dma_start3A_106 = tpu.memref_slice %arg6[%arg1, %dma_start3A_104, %dma_start3A_105] : memref<16x36x128xi32, #tpu.memory_space<hbm>> -> memref<1x36x128xi32, #tpu.memory_space<hbm>>
        %dma_start3A_107 = tpu.memref_squeeze %dma_start3A_106 : memref<1x36x128xi32, #tpu.memory_space<hbm>> -> memref<36x128xi32, #tpu.memory_space<hbm>>
        tpu.enqueue_dma source(%dma_start3A_107 : memref<36x128xi32, #tpu.memory_space<hbm>>) target(%dma_start3A_103 : memref<36x128xi32, #tpu.memory_space<vmem>>) target_semaphore(%run_scoped3A : memref<!tpu.dma_semaphore, #tpu.memory_space<semaphore_mem>>)
        %dma_wait3A = arith.constant 0 : i32
        %dma_wait3A_108 = arith.constant 0 : i32
        %dma_wait3A_109 = tpu.memref_slice %arg10[%dma_wait3A, %dma_wait3A_108] : memref<122x128xi32, #tpu.memory_space<vmem>> -> memref<36x128xi32, #tpu.memory_space<vmem>>
        %dma_wait3A_110 = arith.constant 0 : i32
        %dma_wait3A_111 = arith.constant 0 : i32
        %dma_wait3A_112 = tpu.memref_slice %arg6[%arg1, %dma_wait3A_110, %dma_wait3A_111] : memref<16x36x128xi32, #tpu.memory_space<hbm>> -> memref<1x36x128xi32, #tpu.memory_space<hbm>>
        %dma_wait3A_113 = tpu.memref_squeeze %dma_wait3A_112 : memref<1x36x128xi32, #tpu.memory_space<hbm>> -> memref<36x128xi32, #tpu.memory_space<hbm>>
        %dma_wait3A_114 = arith.constant 0 : i32
        %dma_wait3A_115 = arith.constant 0 : i32
        %dma_wait3A_116 = tpu.memref_slice %arg10[%dma_wait3A_114, %dma_wait3A_115] : memref<122x128xi32, #tpu.memory_space<vmem>> -> memref<36x128xi32, #tpu.memory_space<vmem>>
        %dma_wait3A_117 = arith.constant 0 : i32
        %dma_wait3A_118 = arith.constant 0 : i32
        %dma_wait3A_119 = tpu.memref_slice %arg6[%arg1, %dma_wait3A_117, %dma_wait3A_118] : memref<16x36x128xi32, #tpu.memory_space<hbm>> -> memref<1x36x128xi32, #tpu.memory_space<hbm>>
        %dma_wait3A_120 = tpu.memref_squeeze %dma_wait3A_119 : memref<1x36x128xi32, #tpu.memory_space<hbm>> -> memref<36x128xi32, #tpu.memory_space<hbm>>
        tpu.wait_dma2 semaphore(%run_scoped3A : memref<!tpu.dma_semaphore, #tpu.memory_space<semaphore_mem>>) src(%dma_wait3A_120 : memref<36x128xi32, #tpu.memory_space<hbm>>) dst(%dma_wait3A_116 : memref<36x128xi32, #tpu.memory_space<vmem>>)
        tpu.yield
      }) : () -> ()
    } else {
    }
    %eq3A_22 = arith.constant 0 : i32
    %eq3A_23 = arith.cmpi eq, %arg0, %eq3A_22 : i32
    %jit3A = arith.constant 122 : i32
    %jit3A_24 = arith.constant 36 : i32
    %select_n3A = arith.select %eq3A_23, %jit3A, %jit3A_24 : i32
    %while3A = arith.constant 0 : i32
    %while3A_25 = arith.constant 0 : i32
    %while3A_26 = arith.subi %select_n3A, %while3A_25 : i32
    %while3A_27 = arith.addi %while3A_25, %while3A_26 : i32
    %while3A_28 = arith.constant 1 : i32
    %while3A_29 = arith.divsi %while3A_26, %while3A_28 : i32
    %while3A_30 = arith.muli %while3A_29, %while3A_28 : i32
    %while3A_31 = arith.addi %while3A_25, %while3A_30 : i32
    %while3A_32 = arith.constant 1 : i32
    scf.for %while3A_95 = %while3A_25 to %while3A_31 step %while3A_32  : i32 {
      "tpu.region"() ({
        %run_scoped3A = tpu.sem_alloc : memref<!tpu.dma_semaphore, #tpu.memory_space<semaphore_mem>>
        %dma_start3A = arith.constant 0 : i32
        %dma_start3A_96 = tpu.memref_slice %arg9[%while3A_95, %dma_start3A] : memref<122x128xi32, #tpu.memory_space<vmem>> -> memref<1x128xi32, #tpu.memory_space<vmem>>
        %dma_start3A_97 = tpu.memref_squeeze %dma_start3A_96 : memref<1x128xi32, #tpu.memory_space<vmem>> -> memref<128xi32, #tpu.memory_space<vmem>>
        %dma_start3A_98 = arith.constant 0 : i32
        %dma_start3A_99 = arith.constant 0 : i32
        %dma_start3A_100 = tpu.memref_slice %arg2[%dma_start3A_98, %dma_start3A_99] : memref<10112x128xf32, #tpu.memory_space<hbm>> -> memref<10112x128xf32, #tpu.memory_space<hbm>>
        tpu.enqueue_indirect_dma source(%dma_start3A_100 : memref<10112x128xf32, #tpu.memory_space<hbm>>) target(%arg11 : memref<128x128xf32, #tpu.memory_space<vmem>>) offsets(%dma_start3A_97 : memref<128xi32, #tpu.memory_space<vmem>>) semaphore(%run_scoped3A : memref<!tpu.dma_semaphore, #tpu.memory_space<semaphore_mem>>)
        %dma_wait3A = arith.constant 0 : i32
        %dma_wait3A_101 = tpu.memref_slice %arg9[%while3A_95, %dma_wait3A] : memref<122x128xi32, #tpu.memory_space<vmem>> -> memref<1x128xi32, #tpu.memory_space<vmem>>
        %dma_wait3A_102 = tpu.memref_squeeze %dma_wait3A_101 : memref<1x128xi32, #tpu.memory_space<vmem>> -> memref<128xi32, #tpu.memory_space<vmem>>
        %dma_wait3A_103 = arith.constant 0 : i32
        %dma_wait3A_104 = arith.constant 0 : i32
        %dma_wait3A_105 = tpu.memref_slice %arg2[%dma_wait3A_103, %dma_wait3A_104] : memref<10112x128xf32, #tpu.memory_space<hbm>> -> memref<10112x128xf32, #tpu.memory_space<hbm>>
        tpu.wait_indirect_dma semaphore(%run_scoped3A : memref<!tpu.dma_semaphore, #tpu.memory_space<semaphore_mem>>) src(%dma_wait3A_105 : memref<10112x128xf32, #tpu.memory_space<hbm>>) dst(%arg11 : memref<128x128xf32, #tpu.memory_space<vmem>>)
        tpu.yield
      }) : () -> ()
      "tpu.region"() ({
        %run_scoped3A = tpu.sem_alloc : memref<!tpu.dma_semaphore, #tpu.memory_space<semaphore_mem>>
        %dma_start3A = arith.constant 0 : i32
        %dma_start3A_96 = tpu.memref_slice %arg10[%while3A_95, %dma_start3A] : memref<122x128xi32, #tpu.memory_space<vmem>> -> memref<1x128xi32, #tpu.memory_space<vmem>>
        %dma_start3A_97 = tpu.memref_squeeze %dma_start3A_96 : memref<1x128xi32, #tpu.memory_space<vmem>> -> memref<128xi32, #tpu.memory_space<vmem>>
        %dma_start3A_98 = arith.constant 0 : i32
        %dma_start3A_99 = arith.constant 0 : i32
        %dma_start3A_100 = tpu.memref_slice %arg12[%dma_start3A_98, %dma_start3A_99] : memref<10112x128xf32, #tpu.memory_space<vmem_shared>> -> memref<10112x128xf32, #tpu.memory_space<vmem_shared>>
        tpu.enqueue_indirect_dma source(%arg11 : memref<128x128xf32, #tpu.memory_space<vmem>>) target(%dma_start3A_100 : memref<10112x128xf32, #tpu.memory_space<vmem_shared>>) offsets(%dma_start3A_97 : memref<128xi32, #tpu.memory_space<vmem>>) semaphore(%run_scoped3A : memref<!tpu.dma_semaphore, #tpu.memory_space<semaphore_mem>>) {add = true}
        %dma_wait3A = arith.constant 0 : i32
        %dma_wait3A_101 = tpu.memref_slice %arg10[%while3A_95, %dma_wait3A] : memref<122x128xi32, #tpu.memory_space<vmem>> -> memref<1x128xi32, #tpu.memory_space<vmem>>
        %dma_wait3A_102 = tpu.memref_squeeze %dma_wait3A_101 : memref<1x128xi32, #tpu.memory_space<vmem>> -> memref<128xi32, #tpu.memory_space<vmem>>
        %dma_wait3A_103 = arith.constant 0 : i32
        %dma_wait3A_104 = arith.constant 0 : i32
        %dma_wait3A_105 = tpu.memref_slice %arg12[%dma_wait3A_103, %dma_wait3A_104] : memref<10112x128xf32, #tpu.memory_space<vmem_shared>> -> memref<10112x128xf32, #tpu.memory_space<vmem_shared>>
        tpu.wait_indirect_dma semaphore(%run_scoped3A : memref<!tpu.dma_semaphore, #tpu.memory_space<semaphore_mem>>) src(%arg11 : memref<128x128xf32, #tpu.memory_space<vmem>>) dst(%dma_wait3A_105 : memref<10112x128xf32, #tpu.memory_space<vmem_shared>>)
        tpu.yield
      }) : () -> ()
    }
    %while3A_33 = arith.constant 1 : i32
    scf.for %while3A_95 = %while3A_31 to %while3A_27 step %while3A_33  : i32 {
      "tpu.region"() ({
        %run_scoped3A = tpu.sem_alloc : memref<!tpu.dma_semaphore, #tpu.memory_space<semaphore_mem>>
        %dma_start3A = arith.constant 0 : i32
        %dma_start3A_96 = tpu.memref_slice %arg9[%while3A_95, %dma_start3A] : memref<122x128xi32, #tpu.memory_space<vmem>> -> memref<1x128xi32, #tpu.memory_space<vmem>>
        %dma_start3A_97 = tpu.memref_squeeze %dma_start3A_96 : memref<1x128xi32, #tpu.memory_space<vmem>> -> memref<128xi32, #tpu.memory_space<vmem>>
        %dma_start3A_98 = arith.constant 0 : i32
        %dma_start3A_99 = arith.constant 0 : i32
        %dma_start3A_100 = tpu.memref_slice %arg2[%dma_start3A_98, %dma_start3A_99] : memref<10112x128xf32, #tpu.memory_space<hbm>> -> memref<10112x128xf32, #tpu.memory_space<hbm>>
        tpu.enqueue_indirect_dma source(%dma_start3A_100 : memref<10112x128xf32, #tpu.memory_space<hbm>>) target(%arg11 : memref<128x128xf32, #tpu.memory_space<vmem>>) offsets(%dma_start3A_97 : memref<128xi32, #tpu.memory_space<vmem>>) semaphore(%run_scoped3A : memref<!tpu.dma_semaphore, #tpu.memory_space<semaphore_mem>>)
        %dma_wait3A = arith.constant 0 : i32
        %dma_wait3A_101 = tpu.memref_slice %arg9[%while3A_95, %dma_wait3A] : memref<122x128xi32, #tpu.memory_space<vmem>> -> memref<1x128xi32, #tpu.memory_space<vmem>>
        %dma_wait3A_102 = tpu.memref_squeeze %dma_wait3A_101 : memref<1x128xi32, #tpu.memory_space<vmem>> -> memref<128xi32, #tpu.memory_space<vmem>>
        %dma_wait3A_103 = arith.constant 0 : i32
        %dma_wait3A_104 = arith.constant 0 : i32
        %dma_wait3A_105 = tpu.memref_slice %arg2[%dma_wait3A_103, %dma_wait3A_104] : memref<10112x128xf32, #tpu.memory_space<hbm>> -> memref<10112x128xf32, #tpu.memory_space<hbm>>
        tpu.wait_indirect_dma semaphore(%run_scoped3A : memref<!tpu.dma_semaphore, #tpu.memory_space<semaphore_mem>>) src(%dma_wait3A_105 : memref<10112x128xf32, #tpu.memory_space<hbm>>) dst(%arg11 : memref<128x128xf32, #tpu.memory_space<vmem>>)
        tpu.yield
      }) : () -> ()
      "tpu.region"() ({
        %run_scoped3A = tpu.sem_alloc : memref<!tpu.dma_semaphore, #tpu.memory_space<semaphore_mem>>
        %dma_start3A = arith.constant 0 : i32
        %dma_start3A_96 = tpu.memref_slice %arg10[%while3A_95, %dma_start3A] : memref<122x128xi32, #tpu.memory_space<vmem>> -> memref<1x128xi32, #tpu.memory_space<vmem>>
        %dma_start3A_97 = tpu.memref_squeeze %dma_start3A_96 : memref<1x128xi32, #tpu.memory_space<vmem>> -> memref<128xi32, #tpu.memory_space<vmem>>
        %dma_start3A_98 = arith.constant 0 : i32
        %dma_start3A_99 = arith.constant 0 : i32
        %dma_start3A_100 = tpu.memref_slice %arg12[%dma_start3A_98, %dma_start3A_99] : memref<10112x128xf32, #tpu.memory_space<vmem_shared>> -> memref<10112x128xf32, #tpu.memory_space<vmem_shared>>
        tpu.enqueue_indirect_dma source(%arg11 : memref<128x128xf32, #tpu.memory_space<vmem>>) target(%dma_start3A_100 : memref<10112x128xf32, #tpu.memory_space<vmem_shared>>) offsets(%dma_start3A_97 : memref<128xi32, #tpu.memory_space<vmem>>) semaphore(%run_scoped3A : memref<!tpu.dma_semaphore, #tpu.memory_space<semaphore_mem>>) {add = true}
        %dma_wait3A = arith.constant 0 : i32
        %dma_wait3A_101 = tpu.memref_slice %arg10[%while3A_95, %dma_wait3A] : memref<122x128xi32, #tpu.memory_space<vmem>> -> memref<1x128xi32, #tpu.memory_space<vmem>>
        %dma_wait3A_102 = tpu.memref_squeeze %dma_wait3A_101 : memref<1x128xi32, #tpu.memory_space<vmem>> -> memref<128xi32, #tpu.memory_space<vmem>>
        %dma_wait3A_103 = arith.constant 0 : i32
        %dma_wait3A_104 = arith.constant 0 : i32
        %dma_wait3A_105 = tpu.memref_slice %arg12[%dma_wait3A_103, %dma_wait3A_104] : memref<10112x128xf32, #tpu.memory_space<vmem_shared>> -> memref<10112x128xf32, #tpu.memory_space<vmem_shared>>
        tpu.wait_indirect_dma semaphore(%run_scoped3A : memref<!tpu.dma_semaphore, #tpu.memory_space<semaphore_mem>>) src(%arg11 : memref<128x128xf32, #tpu.memory_space<vmem>>) dst(%dma_wait3A_105 : memref<10112x128xf32, #tpu.memory_space<vmem_shared>>)
        tpu.yield
      }) : () -> ()
    }
    %barrier3A_34 = arith.constant 0 : index
    tpu.barrier barrier_id(%barrier3A_34)
    %add3A_35 = arith.constant 0 : i32
    %add3A_36 = arith.addi %mul3A_0, %add3A_35 : i32
    "tpu.region"() ({
      %run_scoped3A = tpu.sem_alloc : memref<!tpu.dma_semaphore, #tpu.memory_space<semaphore_mem>>
      %dma_start3A = arith.constant 0 : i32
      %dma_start3A_95 = tpu.memref_slice %arg12[%add3A_36, %dma_start3A] : memref<10112x128xf32, #tpu.memory_space<vmem_shared>> -> memref<128x128xf32, #tpu.memory_space<vmem_shared>>
      %dma_start3A_96 = arith.constant 0 : i32
      %dma_start3A_97 = tpu.memref_slice %arg12[%add3A_36, %dma_start3A_96] : memref<10112x128xf32, #tpu.memory_space<vmem_shared>> -> memref<128x128xf32, #tpu.memory_space<vmem_shared>>
      tpu.enqueue_dma source(%dma_start3A_97 : memref<128x128xf32, #tpu.memory_space<vmem_shared>>) target(%arg11 : memref<128x128xf32, #tpu.memory_space<vmem>>) target_semaphore(%run_scoped3A : memref<!tpu.dma_semaphore, #tpu.memory_space<semaphore_mem>>)
      %dma_wait3A = arith.constant 0 : i32
      %dma_wait3A_98 = tpu.memref_slice %arg12[%add3A_36, %dma_wait3A] : memref<10112x128xf32, #tpu.memory_space<vmem_shared>> -> memref<128x128xf32, #tpu.memory_space<vmem_shared>>
      %dma_wait3A_99 = arith.constant 0 : i32
      %dma_wait3A_100 = tpu.memref_slice %arg12[%add3A_36, %dma_wait3A_99] : memref<10112x128xf32, #tpu.memory_space<vmem_shared>> -> memref<128x128xf32, #tpu.memory_space<vmem_shared>>
      tpu.wait_dma2 semaphore(%run_scoped3A : memref<!tpu.dma_semaphore, #tpu.memory_space<semaphore_mem>>) src(%dma_wait3A_100 : memref<128x128xf32, #tpu.memory_space<vmem_shared>>) dst(%arg11 : memref<128x128xf32, #tpu.memory_space<vmem>>)
      tpu.yield
    }) : () -> ()
    %eq3A_37 = arith.constant 0 : i32
    %eq3A_38 = arith.cmpi eq, %arg0, %eq3A_37 : i32
    %convert_element_type3A_39 = arith.extui %eq3A_38 : i1 to i32
    %cond3A_40 = arith.constant 0 : i32
    %cond3A_41 = arith.cmpi ne, %convert_element_type3A_39, %cond3A_40 : i32
    scf.if %cond3A_41 {
      "tpu.region"() ({
        %run_scoped3A = tpu.sem_alloc : memref<!tpu.dma_semaphore, #tpu.memory_space<semaphore_mem>>
        %dma_start3A = arith.constant 0 : i32
        %dma_start3A_95 = tpu.memref_slice %arg7[%add3A_36, %dma_start3A] : memref<10112x128xf32, #tpu.memory_space<hbm>> -> memref<128x128xf32, #tpu.memory_space<hbm>>
        %dma_start3A_96 = arith.constant 0 : i32
        %dma_start3A_97 = tpu.memref_slice %arg7[%add3A_36, %dma_start3A_96] : memref<10112x128xf32, #tpu.memory_space<hbm>> -> memref<128x128xf32, #tpu.memory_space<hbm>>
        tpu.enqueue_dma source(%arg11 : memref<128x128xf32, #tpu.memory_space<vmem>>) target(%dma_start3A_97 : memref<128x128xf32, #tpu.memory_space<hbm>>) target_semaphore(%run_scoped3A : memref<!tpu.dma_semaphore, #tpu.memory_space<semaphore_mem>>)
        %dma_wait3A = arith.constant 0 : i32
        %dma_wait3A_98 = tpu.memref_slice %arg7[%add3A_36, %dma_wait3A] : memref<10112x128xf32, #tpu.memory_space<hbm>> -> memref<128x128xf32, #tpu.memory_space<hbm>>
        %dma_wait3A_99 = arith.constant 0 : i32
        %dma_wait3A_100 = tpu.memref_slice %arg7[%add3A_36, %dma_wait3A_99] : memref<10112x128xf32, #tpu.memory_space<hbm>> -> memref<128x128xf32, #tpu.memory_space<hbm>>
        tpu.wait_dma2 semaphore(%run_scoped3A : memref<!tpu.dma_semaphore, #tpu.memory_space<semaphore_mem>>) src(%arg11 : memref<128x128xf32, #tpu.memory_space<vmem>>) dst(%dma_wait3A_100 : memref<128x128xf32, #tpu.memory_space<hbm>>)
        tpu.yield
      }) : () -> ()
    } else {
    }
    %eq3A_42 = arith.constant 1 : i32
    %eq3A_43 = arith.cmpi eq, %arg0, %eq3A_42 : i32
    %convert_element_type3A_44 = arith.extui %eq3A_43 : i1 to i32
    %cond3A_45 = arith.constant 0 : i32
    %cond3A_46 = arith.cmpi ne, %convert_element_type3A_44, %cond3A_45 : i32
    scf.if %cond3A_46 {
      "tpu.region"() ({
        %run_scoped3A = tpu.sem_alloc : memref<!tpu.dma_semaphore, #tpu.memory_space<semaphore_mem>>
        %dma_start3A = arith.constant 0 : i32
        %dma_start3A_95 = tpu.memref_slice %arg8[%add3A_36, %dma_start3A] : memref<10112x128xf32, #tpu.memory_space<hbm>> -> memref<128x128xf32, #tpu.memory_space<hbm>>
        %dma_start3A_96 = arith.constant 0 : i32
        %dma_start3A_97 = tpu.memref_slice %arg8[%add3A_36, %dma_start3A_96] : memref<10112x128xf32, #tpu.memory_space<hbm>> -> memref<128x128xf32, #tpu.memory_space<hbm>>
        tpu.enqueue_dma source(%arg11 : memref<128x128xf32, #tpu.memory_space<vmem>>) target(%dma_start3A_97 : memref<128x128xf32, #tpu.memory_space<hbm>>) target_semaphore(%run_scoped3A : memref<!tpu.dma_semaphore, #tpu.memory_space<semaphore_mem>>)
        %dma_wait3A = arith.constant 0 : i32
        %dma_wait3A_98 = tpu.memref_slice %arg8[%add3A_36, %dma_wait3A] : memref<10112x128xf32, #tpu.memory_space<hbm>> -> memref<128x128xf32, #tpu.memory_space<hbm>>
        %dma_wait3A_99 = arith.constant 0 : i32
        %dma_wait3A_100 = tpu.memref_slice %arg8[%add3A_36, %dma_wait3A_99] : memref<10112x128xf32, #tpu.memory_space<hbm>> -> memref<128x128xf32, #tpu.memory_space<hbm>>
        tpu.wait_dma2 semaphore(%run_scoped3A : memref<!tpu.dma_semaphore, #tpu.memory_space<semaphore_mem>>) src(%arg11 : memref<128x128xf32, #tpu.memory_space<vmem>>) dst(%dma_wait3A_100 : memref<128x128xf32, #tpu.memory_space<hbm>>)
        tpu.yield
      }) : () -> ()
    } else {
    }
    %add3A_47 = arith.constant 128 : i32
    %add3A_48 = arith.addi %mul3A_0, %add3A_47 : i32
    "tpu.region"() ({
      %run_scoped3A = tpu.sem_alloc : memref<!tpu.dma_semaphore, #tpu.memory_space<semaphore_mem>>
      %dma_start3A = arith.constant 0 : i32
      %dma_start3A_95 = tpu.memref_slice %arg12[%add3A_48, %dma_start3A] : memref<10112x128xf32, #tpu.memory_space<vmem_shared>> -> memref<128x128xf32, #tpu.memory_space<vmem_shared>>
      %dma_start3A_96 = arith.constant 0 : i32
      %dma_start3A_97 = tpu.memref_slice %arg12[%add3A_48, %dma_start3A_96] : memref<10112x128xf32, #tpu.memory_space<vmem_shared>> -> memref<128x128xf32, #tpu.memory_space<vmem_shared>>
      tpu.enqueue_dma source(%dma_start3A_97 : memref<128x128xf32, #tpu.memory_space<vmem_shared>>) target(%arg11 : memref<128x128xf32, #tpu.memory_space<vmem>>) target_semaphore(%run_scoped3A : memref<!tpu.dma_semaphore, #tpu.memory_space<semaphore_mem>>)
      %dma_wait3A = arith.constant 0 : i32
      %dma_wait3A_98 = tpu.memref_slice %arg12[%add3A_48, %dma_wait3A] : memref<10112x128xf32, #tpu.memory_space<vmem_shared>> -> memref<128x128xf32, #tpu.memory_space<vmem_shared>>
      %dma_wait3A_99 = arith.constant 0 : i32
      %dma_wait3A_100 = tpu.memref_slice %arg12[%add3A_48, %dma_wait3A_99] : memref<10112x128xf32, #tpu.memory_space<vmem_shared>> -> memref<128x128xf32, #tpu.memory_space<vmem_shared>>
      tpu.wait_dma2 semaphore(%run_scoped3A : memref<!tpu.dma_semaphore, #tpu.memory_space<semaphore_mem>>) src(%dma_wait3A_100 : memref<128x128xf32, #tpu.memory_space<vmem_shared>>) dst(%arg11 : memref<128x128xf32, #tpu.memory_space<vmem>>)
      tpu.yield
    }) : () -> ()
    %eq3A_49 = arith.constant 0 : i32
    %eq3A_50 = arith.cmpi eq, %arg0, %eq3A_49 : i32
    %convert_element_type3A_51 = arith.extui %eq3A_50 : i1 to i32
    %cond3A_52 = arith.constant 0 : i32
    %cond3A_53 = arith.cmpi ne, %convert_element_type3A_51, %cond3A_52 : i32
    scf.if %cond3A_53 {
      "tpu.region"() ({
        %run_scoped3A = tpu.sem_alloc : memref<!tpu.dma_semaphore, #tpu.memory_space<semaphore_mem>>
        %dma_start3A = arith.constant 0 : i32
        %dma_start3A_95 = tpu.memref_slice %arg7[%add3A_48, %dma_start3A] : memref<10112x128xf32, #tpu.memory_space<hbm>> -> memref<128x128xf32, #tpu.memory_space<hbm>>
        %dma_start3A_96 = arith.constant 0 : i32
        %dma_start3A_97 = tpu.memref_slice %arg7[%add3A_48, %dma_start3A_96] : memref<10112x128xf32, #tpu.memory_space<hbm>> -> memref<128x128xf32, #tpu.memory_space<hbm>>
        tpu.enqueue_dma source(%arg11 : memref<128x128xf32, #tpu.memory_space<vmem>>) target(%dma_start3A_97 : memref<128x128xf32, #tpu.memory_space<hbm>>) target_semaphore(%run_scoped3A : memref<!tpu.dma_semaphore, #tpu.memory_space<semaphore_mem>>)
        %dma_wait3A = arith.constant 0 : i32
        %dma_wait3A_98 = tpu.memref_slice %arg7[%add3A_48, %dma_wait3A] : memref<10112x128xf32, #tpu.memory_space<hbm>> -> memref<128x128xf32, #tpu.memory_space<hbm>>
        %dma_wait3A_99 = arith.constant 0 : i32
        %dma_wait3A_100 = tpu.memref_slice %arg7[%add3A_48, %dma_wait3A_99] : memref<10112x128xf32, #tpu.memory_space<hbm>> -> memref<128x128xf32, #tpu.memory_space<hbm>>
        tpu.wait_dma2 semaphore(%run_scoped3A : memref<!tpu.dma_semaphore, #tpu.memory_space<semaphore_mem>>) src(%arg11 : memref<128x128xf32, #tpu.memory_space<vmem>>) dst(%dma_wait3A_100 : memref<128x128xf32, #tpu.memory_space<hbm>>)
        tpu.yield
      }) : () -> ()
    } else {
    }
    %eq3A_54 = arith.constant 1 : i32
    %eq3A_55 = arith.cmpi eq, %arg0, %eq3A_54 : i32
    %convert_element_type3A_56 = arith.extui %eq3A_55 : i1 to i32
    %cond3A_57 = arith.constant 0 : i32
    %cond3A_58 = arith.cmpi ne, %convert_element_type3A_56, %cond3A_57 : i32
    scf.if %cond3A_58 {
      "tpu.region"() ({
        %run_scoped3A = tpu.sem_alloc : memref<!tpu.dma_semaphore, #tpu.memory_space<semaphore_mem>>
        %dma_start3A = arith.constant 0 : i32
        %dma_start3A_95 = tpu.memref_slice %arg8[%add3A_48, %dma_start3A] : memref<10112x128xf32, #tpu.memory_space<hbm>> -> memref<128x128xf32, #tpu.memory_space<hbm>>
        %dma_start3A_96 = arith.constant 0 : i32
        %dma_start3A_97 = tpu.memref_slice %arg8[%add3A_48, %dma_start3A_96] : memref<10112x128xf32, #tpu.memory_space<hbm>> -> memref<128x128xf32, #tpu.memory_space<hbm>>
        tpu.enqueue_dma source(%arg11 : memref<128x128xf32, #tpu.memory_space<vmem>>) target(%dma_start3A_97 : memref<128x128xf32, #tpu.memory_space<hbm>>) target_semaphore(%run_scoped3A : memref<!tpu.dma_semaphore, #tpu.memory_space<semaphore_mem>>)
        %dma_wait3A = arith.constant 0 : i32
        %dma_wait3A_98 = tpu.memref_slice %arg8[%add3A_48, %dma_wait3A] : memref<10112x128xf32, #tpu.memory_space<hbm>> -> memref<128x128xf32, #tpu.memory_space<hbm>>
        %dma_wait3A_99 = arith.constant 0 : i32
        %dma_wait3A_100 = tpu.memref_slice %arg8[%add3A_48, %dma_wait3A_99] : memref<10112x128xf32, #tpu.memory_space<hbm>> -> memref<128x128xf32, #tpu.memory_space<hbm>>
        tpu.wait_dma2 semaphore(%run_scoped3A : memref<!tpu.dma_semaphore, #tpu.memory_space<semaphore_mem>>) src(%arg11 : memref<128x128xf32, #tpu.memory_space<vmem>>) dst(%dma_wait3A_100 : memref<128x128xf32, #tpu.memory_space<hbm>>)
        tpu.yield
      }) : () -> ()
    } else {
    }
    %add3A_59 = arith.constant 256 : i32
    %add3A_60 = arith.addi %mul3A_0, %add3A_59 : i32
    "tpu.region"() ({
      %run_scoped3A = tpu.sem_alloc : memref<!tpu.dma_semaphore, #tpu.memory_space<semaphore_mem>>
      %dma_start3A = arith.constant 0 : i32
      %dma_start3A_95 = tpu.memref_slice %arg12[%add3A_60, %dma_start3A] : memref<10112x128xf32, #tpu.memory_space<vmem_shared>> -> memref<128x128xf32, #tpu.memory_space<vmem_shared>>
      %dma_start3A_96 = arith.constant 0 : i32
      %dma_start3A_97 = tpu.memref_slice %arg12[%add3A_60, %dma_start3A_96] : memref<10112x128xf32, #tpu.memory_space<vmem_shared>> -> memref<128x128xf32, #tpu.memory_space<vmem_shared>>
      tpu.enqueue_dma source(%dma_start3A_97 : memref<128x128xf32, #tpu.memory_space<vmem_shared>>) target(%arg11 : memref<128x128xf32, #tpu.memory_space<vmem>>) target_semaphore(%run_scoped3A : memref<!tpu.dma_semaphore, #tpu.memory_space<semaphore_mem>>)
      %dma_wait3A = arith.constant 0 : i32
      %dma_wait3A_98 = tpu.memref_slice %arg12[%add3A_60, %dma_wait3A] : memref<10112x128xf32, #tpu.memory_space<vmem_shared>> -> memref<128x128xf32, #tpu.memory_space<vmem_shared>>
      %dma_wait3A_99 = arith.constant 0 : i32
      %dma_wait3A_100 = tpu.memref_slice %arg12[%add3A_60, %dma_wait3A_99] : memref<10112x128xf32, #tpu.memory_space<vmem_shared>> -> memref<128x128xf32, #tpu.memory_space<vmem_shared>>
      tpu.wait_dma2 semaphore(%run_scoped3A : memref<!tpu.dma_semaphore, #tpu.memory_space<semaphore_mem>>) src(%dma_wait3A_100 : memref<128x128xf32, #tpu.memory_space<vmem_shared>>) dst(%arg11 : memref<128x128xf32, #tpu.memory_space<vmem>>)
      tpu.yield
    }) : () -> ()
    %eq3A_61 = arith.constant 0 : i32
    %eq3A_62 = arith.cmpi eq, %arg0, %eq3A_61 : i32
    %convert_element_type3A_63 = arith.extui %eq3A_62 : i1 to i32
    %cond3A_64 = arith.constant 0 : i32
    %cond3A_65 = arith.cmpi ne, %convert_element_type3A_63, %cond3A_64 : i32
    scf.if %cond3A_65 {
      "tpu.region"() ({
        %run_scoped3A = tpu.sem_alloc : memref<!tpu.dma_semaphore, #tpu.memory_space<semaphore_mem>>
        %dma_start3A = arith.constant 0 : i32
        %dma_start3A_95 = tpu.memref_slice %arg7[%add3A_60, %dma_start3A] : memref<10112x128xf32, #tpu.memory_space<hbm>> -> memref<128x128xf32, #tpu.memory_space<hbm>>
        %dma_start3A_96 = arith.constant 0 : i32
        %dma_start3A_97 = tpu.memref_slice %arg7[%add3A_60, %dma_start3A_96] : memref<10112x128xf32, #tpu.memory_space<hbm>> -> memref<128x128xf32, #tpu.memory_space<hbm>>
        tpu.enqueue_dma source(%arg11 : memref<128x128xf32, #tpu.memory_space<vmem>>) target(%dma_start3A_97 : memref<128x128xf32, #tpu.memory_space<hbm>>) target_semaphore(%run_scoped3A : memref<!tpu.dma_semaphore, #tpu.memory_space<semaphore_mem>>)
        %dma_wait3A = arith.constant 0 : i32
        %dma_wait3A_98 = tpu.memref_slice %arg7[%add3A_60, %dma_wait3A] : memref<10112x128xf32, #tpu.memory_space<hbm>> -> memref<128x128xf32, #tpu.memory_space<hbm>>
        %dma_wait3A_99 = arith.constant 0 : i32
        %dma_wait3A_100 = tpu.memref_slice %arg7[%add3A_60, %dma_wait3A_99] : memref<10112x128xf32, #tpu.memory_space<hbm>> -> memref<128x128xf32, #tpu.memory_space<hbm>>
        tpu.wait_dma2 semaphore(%run_scoped3A : memref<!tpu.dma_semaphore, #tpu.memory_space<semaphore_mem>>) src(%arg11 : memref<128x128xf32, #tpu.memory_space<vmem>>) dst(%dma_wait3A_100 : memref<128x128xf32, #tpu.memory_space<hbm>>)
        tpu.yield
      }) : () -> ()
    } else {
    }
    %eq3A_66 = arith.constant 1 : i32
    %eq3A_67 = arith.cmpi eq, %arg0, %eq3A_66 : i32
    %convert_element_type3A_68 = arith.extui %eq3A_67 : i1 to i32
    %cond3A_69 = arith.constant 0 : i32
    %cond3A_70 = arith.cmpi ne, %convert_element_type3A_68, %cond3A_69 : i32
    scf.if %cond3A_70 {
      "tpu.region"() ({
        %run_scoped3A = tpu.sem_alloc : memref<!tpu.dma_semaphore, #tpu.memory_space<semaphore_mem>>
        %dma_start3A = arith.constant 0 : i32
        %dma_start3A_95 = tpu.memref_slice %arg8[%add3A_60, %dma_start3A] : memref<10112x128xf32, #tpu.memory_space<hbm>> -> memref<128x128xf32, #tpu.memory_space<hbm>>
        %dma_start3A_96 = arith.constant 0 : i32
        %dma_start3A_97 = tpu.memref_slice %arg8[%add3A_60, %dma_start3A_96] : memref<10112x128xf32, #tpu.memory_space<hbm>> -> memref<128x128xf32, #tpu.memory_space<hbm>>
        tpu.enqueue_dma source(%arg11 : memref<128x128xf32, #tpu.memory_space<vmem>>) target(%dma_start3A_97 : memref<128x128xf32, #tpu.memory_space<hbm>>) target_semaphore(%run_scoped3A : memref<!tpu.dma_semaphore, #tpu.memory_space<semaphore_mem>>)
        %dma_wait3A = arith.constant 0 : i32
        %dma_wait3A_98 = tpu.memref_slice %arg8[%add3A_60, %dma_wait3A] : memref<10112x128xf32, #tpu.memory_space<hbm>> -> memref<128x128xf32, #tpu.memory_space<hbm>>
        %dma_wait3A_99 = arith.constant 0 : i32
        %dma_wait3A_100 = tpu.memref_slice %arg8[%add3A_60, %dma_wait3A_99] : memref<10112x128xf32, #tpu.memory_space<hbm>> -> memref<128x128xf32, #tpu.memory_space<hbm>>
        tpu.wait_dma2 semaphore(%run_scoped3A : memref<!tpu.dma_semaphore, #tpu.memory_space<semaphore_mem>>) src(%arg11 : memref<128x128xf32, #tpu.memory_space<vmem>>) dst(%dma_wait3A_100 : memref<128x128xf32, #tpu.memory_space<hbm>>)
        tpu.yield
      }) : () -> ()
    } else {
    }
    %add3A_71 = arith.constant 384 : i32
    %add3A_72 = arith.addi %mul3A_0, %add3A_71 : i32
    "tpu.region"() ({
      %run_scoped3A = tpu.sem_alloc : memref<!tpu.dma_semaphore, #tpu.memory_space<semaphore_mem>>
      %dma_start3A = arith.constant 0 : i32
      %dma_start3A_95 = tpu.memref_slice %arg12[%add3A_72, %dma_start3A] : memref<10112x128xf32, #tpu.memory_space<vmem_shared>> -> memref<128x128xf32, #tpu.memory_space<vmem_shared>>
      %dma_start3A_96 = arith.constant 0 : i32
      %dma_start3A_97 = tpu.memref_slice %arg12[%add3A_72, %dma_start3A_96] : memref<10112x128xf32, #tpu.memory_space<vmem_shared>> -> memref<128x128xf32, #tpu.memory_space<vmem_shared>>
      tpu.enqueue_dma source(%dma_start3A_97 : memref<128x128xf32, #tpu.memory_space<vmem_shared>>) target(%arg11 : memref<128x128xf32, #tpu.memory_space<vmem>>) target_semaphore(%run_scoped3A : memref<!tpu.dma_semaphore, #tpu.memory_space<semaphore_mem>>)
      %dma_wait3A = arith.constant 0 : i32
      %dma_wait3A_98 = tpu.memref_slice %arg12[%add3A_72, %dma_wait3A] : memref<10112x128xf32, #tpu.memory_space<vmem_shared>> -> memref<128x128xf32, #tpu.memory_space<vmem_shared>>
      %dma_wait3A_99 = arith.constant 0 : i32
      %dma_wait3A_100 = tpu.memref_slice %arg12[%add3A_72, %dma_wait3A_99] : memref<10112x128xf32, #tpu.memory_space<vmem_shared>> -> memref<128x128xf32, #tpu.memory_space<vmem_shared>>
      tpu.wait_dma2 semaphore(%run_scoped3A : memref<!tpu.dma_semaphore, #tpu.memory_space<semaphore_mem>>) src(%dma_wait3A_100 : memref<128x128xf32, #tpu.memory_space<vmem_shared>>) dst(%arg11 : memref<128x128xf32, #tpu.memory_space<vmem>>)
      tpu.yield
    }) : () -> ()
    %eq3A_73 = arith.constant 0 : i32
    %eq3A_74 = arith.cmpi eq, %arg0, %eq3A_73 : i32
    %convert_element_type3A_75 = arith.extui %eq3A_74 : i1 to i32
    %cond3A_76 = arith.constant 0 : i32
    %cond3A_77 = arith.cmpi ne, %convert_element_type3A_75, %cond3A_76 : i32
    scf.if %cond3A_77 {
      "tpu.region"() ({
        %run_scoped3A = tpu.sem_alloc : memref<!tpu.dma_semaphore, #tpu.memory_space<semaphore_mem>>
        %dma_start3A = arith.constant 0 : i32
        %dma_start3A_95 = tpu.memref_slice %arg7[%add3A_72, %dma_start3A] : memref<10112x128xf32, #tpu.memory_space<hbm>> -> memref<128x128xf32, #tpu.memory_space<hbm>>
        %dma_start3A_96 = arith.constant 0 : i32
        %dma_start3A_97 = tpu.memref_slice %arg7[%add3A_72, %dma_start3A_96] : memref<10112x128xf32, #tpu.memory_space<hbm>> -> memref<128x128xf32, #tpu.memory_space<hbm>>
        tpu.enqueue_dma source(%arg11 : memref<128x128xf32, #tpu.memory_space<vmem>>) target(%dma_start3A_97 : memref<128x128xf32, #tpu.memory_space<hbm>>) target_semaphore(%run_scoped3A : memref<!tpu.dma_semaphore, #tpu.memory_space<semaphore_mem>>)
        %dma_wait3A = arith.constant 0 : i32
        %dma_wait3A_98 = tpu.memref_slice %arg7[%add3A_72, %dma_wait3A] : memref<10112x128xf32, #tpu.memory_space<hbm>> -> memref<128x128xf32, #tpu.memory_space<hbm>>
        %dma_wait3A_99 = arith.constant 0 : i32
        %dma_wait3A_100 = tpu.memref_slice %arg7[%add3A_72, %dma_wait3A_99] : memref<10112x128xf32, #tpu.memory_space<hbm>> -> memref<128x128xf32, #tpu.memory_space<hbm>>
        tpu.wait_dma2 semaphore(%run_scoped3A : memref<!tpu.dma_semaphore, #tpu.memory_space<semaphore_mem>>) src(%arg11 : memref<128x128xf32, #tpu.memory_space<vmem>>) dst(%dma_wait3A_100 : memref<128x128xf32, #tpu.memory_space<hbm>>)
        tpu.yield
      }) : () -> ()
    } else {
    }
    %eq3A_78 = arith.constant 1 : i32
    %eq3A_79 = arith.cmpi eq, %arg0, %eq3A_78 : i32
    %convert_element_type3A_80 = arith.extui %eq3A_79 : i1 to i32
    %cond3A_81 = arith.constant 0 : i32
    %cond3A_82 = arith.cmpi ne, %convert_element_type3A_80, %cond3A_81 : i32
    scf.if %cond3A_82 {
      "tpu.region"() ({
        %run_scoped3A = tpu.sem_alloc : memref<!tpu.dma_semaphore, #tpu.memory_space<semaphore_mem>>
        %dma_start3A = arith.constant 0 : i32
        %dma_start3A_95 = tpu.memref_slice %arg8[%add3A_72, %dma_start3A] : memref<10112x128xf32, #tpu.memory_space<hbm>> -> memref<128x128xf32, #tpu.memory_space<hbm>>
        %dma_start3A_96 = arith.constant 0 : i32
        %dma_start3A_97 = tpu.memref_slice %arg8[%add3A_72, %dma_start3A_96] : memref<10112x128xf32, #tpu.memory_space<hbm>> -> memref<128x128xf32, #tpu.memory_space<hbm>>
        tpu.enqueue_dma source(%arg11 : memref<128x128xf32, #tpu.memory_space<vmem>>) target(%dma_start3A_97 : memref<128x128xf32, #tpu.memory_space<hbm>>) target_semaphore(%run_scoped3A : memref<!tpu.dma_semaphore, #tpu.memory_space<semaphore_mem>>)
        %dma_wait3A = arith.constant 0 : i32
        %dma_wait3A_98 = tpu.memref_slice %arg8[%add3A_72, %dma_wait3A] : memref<10112x128xf32, #tpu.memory_space<hbm>> -> memref<128x128xf32, #tpu.memory_space<hbm>>
        %dma_wait3A_99 = arith.constant 0 : i32
        %dma_wait3A_100 = tpu.memref_slice %arg8[%add3A_72, %dma_wait3A_99] : memref<10112x128xf32, #tpu.memory_space<hbm>> -> memref<128x128xf32, #tpu.memory_space<hbm>>
        tpu.wait_dma2 semaphore(%run_scoped3A : memref<!tpu.dma_semaphore, #tpu.memory_space<semaphore_mem>>) src(%arg11 : memref<128x128xf32, #tpu.memory_space<vmem>>) dst(%dma_wait3A_100 : memref<128x128xf32, #tpu.memory_space<hbm>>)
        tpu.yield
      }) : () -> ()
    } else {
    }
    %add3A_83 = arith.constant 512 : i32
    %add3A_84 = arith.addi %mul3A_0, %add3A_83 : i32
    "tpu.region"() ({
      %run_scoped3A = tpu.sem_alloc : memref<!tpu.dma_semaphore, #tpu.memory_space<semaphore_mem>>
      %dma_start3A = arith.constant 0 : i32
      %dma_start3A_95 = arith.constant 0 : i32
      %dma_start3A_96 = tpu.memref_slice %arg11[%dma_start3A, %dma_start3A_95] : memref<128x128xf32, #tpu.memory_space<vmem>> -> memref<120x128xf32, #tpu.memory_space<vmem>>
      %dma_start3A_97 = arith.constant 0 : i32
      %dma_start3A_98 = tpu.memref_slice %arg12[%add3A_84, %dma_start3A_97] : memref<10112x128xf32, #tpu.memory_space<vmem_shared>> -> memref<120x128xf32, #tpu.memory_space<vmem_shared>>
      %dma_start3A_99 = arith.constant 0 : i32
      %dma_start3A_100 = arith.constant 0 : i32
      %dma_start3A_101 = tpu.memref_slice %arg11[%dma_start3A_99, %dma_start3A_100] : memref<128x128xf32, #tpu.memory_space<vmem>> -> memref<120x128xf32, #tpu.memory_space<vmem>>
      %dma_start3A_102 = arith.constant 0 : i32
      %dma_start3A_103 = tpu.memref_slice %arg12[%add3A_84, %dma_start3A_102] : memref<10112x128xf32, #tpu.memory_space<vmem_shared>> -> memref<120x128xf32, #tpu.memory_space<vmem_shared>>
      tpu.enqueue_dma source(%dma_start3A_103 : memref<120x128xf32, #tpu.memory_space<vmem_shared>>) target(%dma_start3A_101 : memref<120x128xf32, #tpu.memory_space<vmem>>) target_semaphore(%run_scoped3A : memref<!tpu.dma_semaphore, #tpu.memory_space<semaphore_mem>>)
      %dma_wait3A = arith.constant 0 : i32
      %dma_wait3A_104 = arith.constant 0 : i32
      %dma_wait3A_105 = tpu.memref_slice %arg11[%dma_wait3A, %dma_wait3A_104] : memref<128x128xf32, #tpu.memory_space<vmem>> -> memref<120x128xf32, #tpu.memory_space<vmem>>
      %dma_wait3A_106 = arith.constant 0 : i32
      %dma_wait3A_107 = tpu.memref_slice %arg12[%add3A_84, %dma_wait3A_106] : memref<10112x128xf32, #tpu.memory_space<vmem_shared>> -> memref<120x128xf32, #tpu.memory_space<vmem_shared>>
      %dma_wait3A_108 = arith.constant 0 : i32
      %dma_wait3A_109 = arith.constant 0 : i32
      %dma_wait3A_110 = tpu.memref_slice %arg11[%dma_wait3A_108, %dma_wait3A_109] : memref<128x128xf32, #tpu.memory_space<vmem>> -> memref<120x128xf32, #tpu.memory_space<vmem>>
      %dma_wait3A_111 = arith.constant 0 : i32
      %dma_wait3A_112 = tpu.memref_slice %arg12[%add3A_84, %dma_wait3A_111] : memref<10112x128xf32, #tpu.memory_space<vmem_shared>> -> memref<120x128xf32, #tpu.memory_space<vmem_shared>>
      tpu.wait_dma2 semaphore(%run_scoped3A : memref<!tpu.dma_semaphore, #tpu.memory_space<semaphore_mem>>) src(%dma_wait3A_112 : memref<120x128xf32, #tpu.memory_space<vmem_shared>>) dst(%dma_wait3A_110 : memref<120x128xf32, #tpu.memory_space<vmem>>)
      tpu.yield
    }) : () -> ()
    %eq3A_85 = arith.constant 0 : i32
    %eq3A_86 = arith.cmpi eq, %arg0, %eq3A_85 : i32
    %convert_element_type3A_87 = arith.extui %eq3A_86 : i1 to i32
    %cond3A_88 = arith.constant 0 : i32
    %cond3A_89 = arith.cmpi ne, %convert_element_type3A_87, %cond3A_88 : i32
    scf.if %cond3A_89 {
      "tpu.region"() ({
        %run_scoped3A = tpu.sem_alloc : memref<!tpu.dma_semaphore, #tpu.memory_space<semaphore_mem>>
        %dma_start3A = arith.constant 0 : i32
        %dma_start3A_95 = arith.constant 0 : i32
        %dma_start3A_96 = tpu.memref_slice %arg11[%dma_start3A, %dma_start3A_95] : memref<128x128xf32, #tpu.memory_space<vmem>> -> memref<120x128xf32, #tpu.memory_space<vmem>>
        %dma_start3A_97 = arith.constant 0 : i32
        %dma_start3A_98 = tpu.memref_slice %arg7[%add3A_84, %dma_start3A_97] : memref<10112x128xf32, #tpu.memory_space<hbm>> -> memref<120x128xf32, #tpu.memory_space<hbm>>
        %dma_start3A_99 = arith.constant 0 : i32
        %dma_start3A_100 = tpu.memref_slice %arg7[%add3A_84, %dma_start3A_99] : memref<10112x128xf32, #tpu.memory_space<hbm>> -> memref<120x128xf32, #tpu.memory_space<hbm>>
        %dma_start3A_101 = arith.constant 0 : i32
        %dma_start3A_102 = arith.constant 0 : i32
        %dma_start3A_103 = tpu.memref_slice %arg11[%dma_start3A_101, %dma_start3A_102] : memref<128x128xf32, #tpu.memory_space<vmem>> -> memref<120x128xf32, #tpu.memory_space<vmem>>
        tpu.enqueue_dma source(%dma_start3A_103 : memref<120x128xf32, #tpu.memory_space<vmem>>) target(%dma_start3A_100 : memref<120x128xf32, #tpu.memory_space<hbm>>) target_semaphore(%run_scoped3A : memref<!tpu.dma_semaphore, #tpu.memory_space<semaphore_mem>>)
        %dma_wait3A = arith.constant 0 : i32
        %dma_wait3A_104 = arith.constant 0 : i32
        %dma_wait3A_105 = tpu.memref_slice %arg11[%dma_wait3A, %dma_wait3A_104] : memref<128x128xf32, #tpu.memory_space<vmem>> -> memref<120x128xf32, #tpu.memory_space<vmem>>
        %dma_wait3A_106 = arith.constant 0 : i32
        %dma_wait3A_107 = tpu.memref_slice %arg7[%add3A_84, %dma_wait3A_106] : memref<10112x128xf32, #tpu.memory_space<hbm>> -> memref<120x128xf32, #tpu.memory_space<hbm>>
        %dma_wait3A_108 = arith.constant 0 : i32
        %dma_wait3A_109 = tpu.memref_slice %arg7[%add3A_84, %dma_wait3A_108] : memref<10112x128xf32, #tpu.memory_space<hbm>> -> memref<120x128xf32, #tpu.memory_space<hbm>>
        %dma_wait3A_110 = arith.constant 0 : i32
        %dma_wait3A_111 = arith.constant 0 : i32
        %dma_wait3A_112 = tpu.memref_slice %arg11[%dma_wait3A_110, %dma_wait3A_111] : memref<128x128xf32, #tpu.memory_space<vmem>> -> memref<120x128xf32, #tpu.memory_space<vmem>>
        tpu.wait_dma2 semaphore(%run_scoped3A : memref<!tpu.dma_semaphore, #tpu.memory_space<semaphore_mem>>) src(%dma_wait3A_112 : memref<120x128xf32, #tpu.memory_space<vmem>>) dst(%dma_wait3A_109 : memref<120x128xf32, #tpu.memory_space<hbm>>)
        tpu.yield
      }) : () -> ()
    } else {
    }
    %eq3A_90 = arith.constant 1 : i32
    %eq3A_91 = arith.cmpi eq, %arg0, %eq3A_90 : i32
    %convert_element_type3A_92 = arith.extui %eq3A_91 : i1 to i32
    %cond3A_93 = arith.constant 0 : i32
    %cond3A_94 = arith.cmpi ne, %convert_element_type3A_92, %cond3A_93 : i32
    scf.if %cond3A_94 {
      "tpu.region"() ({
        %run_scoped3A = tpu.sem_alloc : memref<!tpu.dma_semaphore, #tpu.memory_space<semaphore_mem>>
        %dma_start3A = arith.constant 0 : i32
        %dma_start3A_95 = arith.constant 0 : i32
        %dma_start3A_96 = tpu.memref_slice %arg11[%dma_start3A, %dma_start3A_95] : memref<128x128xf32, #tpu.memory_space<vmem>> -> memref<120x128xf32, #tpu.memory_space<vmem>>
        %dma_start3A_97 = arith.constant 0 : i32
        %dma_start3A_98 = tpu.memref_slice %arg8[%add3A_84, %dma_start3A_97] : memref<10112x128xf32, #tpu.memory_space<hbm>> -> memref<120x128xf32, #tpu.memory_space<hbm>>
        %dma_start3A_99 = arith.constant 0 : i32
        %dma_start3A_100 = tpu.memref_slice %arg8[%add3A_84, %dma_start3A_99] : memref<10112x128xf32, #tpu.memory_space<hbm>> -> memref<120x128xf32, #tpu.memory_space<hbm>>
        %dma_start3A_101 = arith.constant 0 : i32
        %dma_start3A_102 = arith.constant 0 : i32
        %dma_start3A_103 = tpu.memref_slice %arg11[%dma_start3A_101, %dma_start3A_102] : memref<128x128xf32, #tpu.memory_space<vmem>> -> memref<120x128xf32, #tpu.memory_space<vmem>>
        tpu.enqueue_dma source(%dma_start3A_103 : memref<120x128xf32, #tpu.memory_space<vmem>>) target(%dma_start3A_100 : memref<120x128xf32, #tpu.memory_space<hbm>>) target_semaphore(%run_scoped3A : memref<!tpu.dma_semaphore, #tpu.memory_space<semaphore_mem>>)
        %dma_wait3A = arith.constant 0 : i32
        %dma_wait3A_104 = arith.constant 0 : i32
        %dma_wait3A_105 = tpu.memref_slice %arg11[%dma_wait3A, %dma_wait3A_104] : memref<128x128xf32, #tpu.memory_space<vmem>> -> memref<120x128xf32, #tpu.memory_space<vmem>>
        %dma_wait3A_106 = arith.constant 0 : i32
        %dma_wait3A_107 = tpu.memref_slice %arg8[%add3A_84, %dma_wait3A_106] : memref<10112x128xf32, #tpu.memory_space<hbm>> -> memref<120x128xf32, #tpu.memory_space<hbm>>
        %dma_wait3A_108 = arith.constant 0 : i32
        %dma_wait3A_109 = tpu.memref_slice %arg8[%add3A_84, %dma_wait3A_108] : memref<10112x128xf32, #tpu.memory_space<hbm>> -> memref<120x128xf32, #tpu.memory_space<hbm>>
        %dma_wait3A_110 = arith.constant 0 : i32
        %dma_wait3A_111 = arith.constant 0 : i32
        %dma_wait3A_112 = tpu.memref_slice %arg11[%dma_wait3A_110, %dma_wait3A_111] : memref<128x128xf32, #tpu.memory_space<vmem>> -> memref<120x128xf32, #tpu.memory_space<vmem>>
        tpu.wait_dma2 semaphore(%run_scoped3A : memref<!tpu.dma_semaphore, #tpu.memory_space<semaphore_mem>>) src(%dma_wait3A_112 : memref<120x128xf32, #tpu.memory_space<vmem>>) dst(%dma_wait3A_109 : memref<120x128xf32, #tpu.memory_space<hbm>>)
        tpu.yield
      }) : () -> ()
    } else {
    }
    return
  }
}

#map = affine_map<(d0, d1) -> (0, 0)>
#map1 = affine_map<(d0, d1) -> (0, 0, 0)>
module attributes {stable_mosaic.version = 14 : i64} {
  func.func @_sc_body(%arg0: i32, %arg1: i32, %arg2: memref<10112x128xf32, #tpu.memory_space<hbm>>, %arg3: memref<16x122x128xi32, #tpu.memory_space<hbm>>, %arg4: memref<16x122x128xi32, #tpu.memory_space<hbm>>, %arg5: memref<16x36x128xi32, #tpu.memory_space<hbm>>, %arg6: memref<16x36x128xi32, #tpu.memory_space<hbm>>, %arg7: memref<10112x128xf32, #tpu.memory_space<hbm>>, %arg8: memref<10112x128xf32, #tpu.memory_space<hbm>>, %arg9: memref<122x128xi32, #tpu.memory_space<vmem>>, %arg10: memref<122x128xi32, #tpu.memory_space<vmem>>, %arg11: memref<128x128xf32, #tpu.memory_space<vmem>>, %arg12: memref<10112x128xf32, #tpu.memory_space<vmem_shared>>) attributes {dimension_semantics = [#tpu.dimension_semantics<core_parallel>, #tpu.dimension_semantics<subcore_parallel>], iteration_bounds = array<i64: 2, 16>, scalar_prefetch = 0 : i64, scratch_operands = 4 : i64, tpu.core_type = #tpu.core_type<sc_vector_subcore>, window_params = [{transform_indices = #map}, {transform_indices = #map1}, {transform_indices = #map1}, {transform_indices = #map1}, {transform_indices = #map1}, {transform_indices = #map}, {transform_indices = #map}]} {
    %mul3A = arith.constant 632 : i32
    %mul3A_0 = arith.muli %arg1, %mul3A : i32
    %scan3A = arith.constant 0 : i32
    %scan3A_1 = arith.constant 0 : i32
    %scan3A_2 = arith.constant 128 : i32
    %scan3A_3 = arith.addi %scan3A_1, %scan3A_2 : i32
    %scan3A_4 = arith.constant 1 : i32
    scf.for %scan3A_95 = %scan3A_1 to %scan3A_3 step %scan3A_4  : i32 {
      %broadcast_in_dim3A = arith.constant 0.000000e+00 : f32
      %broadcast_in_dim3A_96 = vector.broadcast %broadcast_in_dim3A : f32 to vector<16xf32>
      %swap3A = arith.index_cast %scan3A_95 : i32 to index
      %swap3A_97 = arith.constant 0 : index
      %swap3A_98 = tpu.vector_load %arg11[%swap3A, %swap3A_97] {strides = array<i32>} : memref<128x128xf32, #tpu.memory_space<vmem>>, vector<1x16xf32>,
      %swap3A_99 = vector.shape_cast %swap3A_98 : vector<1x16xf32> to vector<16xf32>
      %swap3A_100 = vector.shape_cast %broadcast_in_dim3A_96 : vector<16xf32> to vector<1x16xf32>
      tpu.vector_store %arg11[%swap3A, %swap3A_97], %swap3A_100 {strides = array<i32>} : memref<128x128xf32, #tpu.memory_space<vmem>>, vector<1x16xf32>,
      %broadcast_in_dim3A_101 = arith.constant 0.000000e+00 : f32
      %broadcast_in_dim3A_102 = vector.broadcast %broadcast_in_dim3A_101 : f32 to vector<16xf32>
      %swap3A_103 = arith.index_cast %scan3A_95 : i32 to index
      %swap3A_104 = arith.constant 16 : index
      %swap3A_105 = tpu.vector_load %arg11[%swap3A_103, %swap3A_104] {strides = array<i32>} : memref<128x128xf32, #tpu.memory_space<vmem>>, vector<1x16xf32>,
      %swap3A_106 = vector.shape_cast %swap3A_105 : vector<1x16xf32> to vector<16xf32>
      %swap3A_107 = vector.shape_cast %broadcast_in_dim3A_102 : vector<16xf32> to vector<1x16xf32>
      tpu.vector_store %arg11[%swap3A_103, %swap3A_104], %swap3A_107 {strides = array<i32>} : memref<128x128xf32, #tpu.memory_space<vmem>>, vector<1x16xf32>,
      %broadcast_in_dim3A_108 = arith.constant 0.000000e+00 : f32
      %broadcast_in_dim3A_109 = vector.broadcast %broadcast_in_dim3A_108 : f32 to vector<16xf32>
      %swap3A_110 = arith.index_cast %scan3A_95 : i32 to index
      %swap3A_111 = arith.constant 32 : index
      %swap3A_112 = tpu.vector_load %arg11[%swap3A_110, %swap3A_111] {strides = array<i32>} : memref<128x128xf32, #tpu.memory_space<vmem>>, vector<1x16xf32>,
      %swap3A_113 = vector.shape_cast %swap3A_112 : vector<1x16xf32> to vector<16xf32>
      %swap3A_114 = vector.shape_cast %broadcast_in_dim3A_109 : vector<16xf32> to vector<1x16xf32>
      tpu.vector_store %arg11[%swap3A_110, %swap3A_111], %swap3A_114 {strides = array<i32>} : memref<128x128xf32, #tpu.memory_space<vmem>>, vector<1x16xf32>,
      %broadcast_in_dim3A_115 = arith.constant 0.000000e+00 : f32
      %broadcast_in_dim3A_116 = vector.broadcast %broadcast_in_dim3A_115 : f32 to vector<16xf32>
      %swap3A_117 = arith.index_cast %scan3A_95 : i32 to index
      %swap3A_118 = arith.constant 48 : index
      %swap3A_119 = tpu.vector_load %arg11[%swap3A_117, %swap3A_118] {strides = array<i32>} : memref<128x128xf32, #tpu.memory_space<vmem>>, vector<1x16xf32>,
      %swap3A_120 = vector.shape_cast %swap3A_119 : vector<1x16xf32> to vector<16xf32>
      %swap3A_121 = vector.shape_cast %broadcast_in_dim3A_116 : vector<16xf32> to vector<1x16xf32>
      tpu.vector_store %arg11[%swap3A_117, %swap3A_118], %swap3A_121 {strides = array<i32>} : memref<128x128xf32, #tpu.memory_space<vmem>>, vector<1x16xf32>,
      %broadcast_in_dim3A_122 = arith.constant 0.000000e+00 : f32
      %broadcast_in_dim3A_123 = vector.broadcast %broadcast_in_dim3A_122 : f32 to vector<16xf32>
      %swap3A_124 = arith.index_cast %scan3A_95 : i32 to index
      %swap3A_125 = arith.constant 64 : index
      %swap3A_126 = tpu.vector_load %arg11[%swap3A_124, %swap3A_125] {strides = array<i32>} : memref<128x128xf32, #tpu.memory_space<vmem>>, vector<1x16xf32>,
      %swap3A_127 = vector.shape_cast %swap3A_126 : vector<1x16xf32> to vector<16xf32>
      %swap3A_128 = vector.shape_cast %broadcast_in_dim3A_123 : vector<16xf32> to vector<1x16xf32>
      tpu.vector_store %arg11[%swap3A_124, %swap3A_125], %swap3A_128 {strides = array<i32>} : memref<128x128xf32, #tpu.memory_space<vmem>>, vector<1x16xf32>,
      %broadcast_in_dim3A_129 = arith.constant 0.000000e+00 : f32
      %broadcast_in_dim3A_130 = vector.broadcast %broadcast_in_dim3A_129 : f32 to vector<16xf32>
      %swap3A_131 = arith.index_cast %scan3A_95 : i32 to index
      %swap3A_132 = arith.constant 80 : index
      %swap3A_133 = tpu.vector_load %arg11[%swap3A_131, %swap3A_132] {strides = array<i32>} : memref<128x128xf32, #tpu.memory_space<vmem>>, vector<1x16xf32>,
      %swap3A_134 = vector.shape_cast %swap3A_133 : vector<1x16xf32> to vector<16xf32>
      %swap3A_135 = vector.shape_cast %broadcast_in_dim3A_130 : vector<16xf32> to vector<1x16xf32>
      tpu.vector_store %arg11[%swap3A_131, %swap3A_132], %swap3A_135 {strides = array<i32>} : memref<128x128xf32, #tpu.memory_space<vmem>>, vector<1x16xf32>,
      %broadcast_in_dim3A_136 = arith.constant 0.000000e+00 : f32
      %broadcast_in_dim3A_137 = vector.broadcast %broadcast_in_dim3A_136 : f32 to vector<16xf32>
      %swap3A_138 = arith.index_cast %scan3A_95 : i32 to index
      %swap3A_139 = arith.constant 96 : index
      %swap3A_140 = tpu.vector_load %arg11[%swap3A_138, %swap3A_139] {strides = array<i32>} : memref<128x128xf32, #tpu.memory_space<vmem>>, vector<1x16xf32>,
      %swap3A_141 = vector.shape_cast %swap3A_140 : vector<1x16xf32> to vector<16xf32>
      %swap3A_142 = vector.shape_cast %broadcast_in_dim3A_137 : vector<16xf32> to vector<1x16xf32>
      tpu.vector_store %arg11[%swap3A_138, %swap3A_139], %swap3A_142 {strides = array<i32>} : memref<128x128xf32, #tpu.memory_space<vmem>>, vector<1x16xf32>,
      %broadcast_in_dim3A_143 = arith.constant 0.000000e+00 : f32
      %broadcast_in_dim3A_144 = vector.broadcast %broadcast_in_dim3A_143 : f32 to vector<16xf32>
      %swap3A_145 = arith.index_cast %scan3A_95 : i32 to index
      %swap3A_146 = arith.constant 112 : index
      %swap3A_147 = tpu.vector_load %arg11[%swap3A_145, %swap3A_146] {strides = array<i32>} : memref<128x128xf32, #tpu.memory_space<vmem>>, vector<1x16xf32>,
      %swap3A_148 = vector.shape_cast %swap3A_147 : vector<1x16xf32> to vector<16xf32>
      %swap3A_149 = vector.shape_cast %broadcast_in_dim3A_144 : vector<16xf32> to vector<1x16xf32>
      tpu.vector_store %arg11[%swap3A_145, %swap3A_146], %swap3A_149 {strides = array<i32>} : memref<128x128xf32, #tpu.memory_space<vmem>>, vector<1x16xf32>,
    }
    %scan3A_5 = arith.constant 128 : i32
    %add3A = arith.constant 0 : i32
    %add3A_6 = arith.addi %mul3A_0, %add3A : i32
    "tpu.region"() ({
      %run_scoped3A = tpu.sem_alloc : memref<!tpu.dma_semaphore, #tpu.memory_space<semaphore_mem>>
      %dma_start3A = arith.constant 0 : i32
      %dma_start3A_95 = tpu.memref_slice %arg12[%add3A_6, %dma_start3A] : memref<10112x128xf32, #tpu.memory_space<vmem_shared>> -> memref<128x128xf32, #tpu.memory_space<vmem_shared>>
      %dma_start3A_96 = arith.constant 0 : i32
      %dma_start3A_97 = tpu.memref_slice %arg12[%add3A_6, %dma_start3A_96] : memref<10112x128xf32, #tpu.memory_space<vmem_shared>> -> memref<128x128xf32, #tpu.memory_space<vmem_shared>>
      tpu.enqueue_dma source(%arg11 : memref<128x128xf32, #tpu.memory_space<vmem>>) target(%dma_start3A_97 : memref<128x128xf32, #tpu.memory_space<vmem_shared>>) target_semaphore(%run_scoped3A : memref<!tpu.dma_semaphore, #tpu.memory_space<semaphore_mem>>)
      %dma_wait3A = arith.constant 0 : i32
      %dma_wait3A_98 = tpu.memref_slice %arg12[%add3A_6, %dma_wait3A] : memref<10112x128xf32, #tpu.memory_space<vmem_shared>> -> memref<128x128xf32, #tpu.memory_space<vmem_shared>>
      %dma_wait3A_99 = arith.constant 0 : i32
      %dma_wait3A_100 = tpu.memref_slice %arg12[%add3A_6, %dma_wait3A_99] : memref<10112x128xf32, #tpu.memory_space<vmem_shared>> -> memref<128x128xf32, #tpu.memory_space<vmem_shared>>
      tpu.wait_dma2 semaphore(%run_scoped3A : memref<!tpu.dma_semaphore, #tpu.memory_space<semaphore_mem>>) src(%arg11 : memref<128x128xf32, #tpu.memory_space<vmem>>) dst(%dma_wait3A_100 : memref<128x128xf32, #tpu.memory_space<vmem_shared>>)
      tpu.yield
    }) : () -> ()
    %add3A_7 = arith.constant 128 : i32
    %add3A_8 = arith.addi %mul3A_0, %add3A_7 : i32
    "tpu.region"() ({
      %run_scoped3A = tpu.sem_alloc : memref<!tpu.dma_semaphore, #tpu.memory_space<semaphore_mem>>
      %dma_start3A = arith.constant 0 : i32
      %dma_start3A_95 = tpu.memref_slice %arg12[%add3A_8, %dma_start3A] : memref<10112x128xf32, #tpu.memory_space<vmem_shared>> -> memref<128x128xf32, #tpu.memory_space<vmem_shared>>
      %dma_start3A_96 = arith.constant 0 : i32
      %dma_start3A_97 = tpu.memref_slice %arg12[%add3A_8, %dma_start3A_96] : memref<10112x128xf32, #tpu.memory_space<vmem_shared>> -> memref<128x128xf32, #tpu.memory_space<vmem_shared>>
      tpu.enqueue_dma source(%arg11 : memref<128x128xf32, #tpu.memory_space<vmem>>) target(%dma_start3A_97 : memref<128x128xf32, #tpu.memory_space<vmem_shared>>) target_semaphore(%run_scoped3A : memref<!tpu.dma_semaphore, #tpu.memory_space<semaphore_mem>>)
      %dma_wait3A = arith.constant 0 : i32
      %dma_wait3A_98 = tpu.memref_slice %arg12[%add3A_8, %dma_wait3A] : memref<10112x128xf32, #tpu.memory_space<vmem_shared>> -> memref<128x128xf32, #tpu.memory_space<vmem_shared>>
      %dma_wait3A_99 = arith.constant 0 : i32
      %dma_wait3A_100 = tpu.memref_slice %arg12[%add3A_8, %dma_wait3A_99] : memref<10112x128xf32, #tpu.memory_space<vmem_shared>> -> memref<128x128xf32, #tpu.memory_space<vmem_shared>>
      tpu.wait_dma2 semaphore(%run_scoped3A : memref<!tpu.dma_semaphore, #tpu.memory_space<semaphore_mem>>) src(%arg11 : memref<128x128xf32, #tpu.memory_space<vmem>>) dst(%dma_wait3A_100 : memref<128x128xf32, #tpu.memory_space<vmem_shared>>)
      tpu.yield
    }) : () -> ()
    %add3A_9 = arith.constant 256 : i32
    %add3A_10 = arith.addi %mul3A_0, %add3A_9 : i32
    "tpu.region"() ({
      %run_scoped3A = tpu.sem_alloc : memref<!tpu.dma_semaphore, #tpu.memory_space<semaphore_mem>>
      %dma_start3A = arith.constant 0 : i32
      %dma_start3A_95 = tpu.memref_slice %arg12[%add3A_10, %dma_start3A] : memref<10112x128xf32, #tpu.memory_space<vmem_shared>> -> memref<128x128xf32, #tpu.memory_space<vmem_shared>>
      %dma_start3A_96 = arith.constant 0 : i32
      %dma_start3A_97 = tpu.memref_slice %arg12[%add3A_10, %dma_start3A_96] : memref<10112x128xf32, #tpu.memory_space<vmem_shared>> -> memref<128x128xf32, #tpu.memory_space<vmem_shared>>
      tpu.enqueue_dma source(%arg11 : memref<128x128xf32, #tpu.memory_space<vmem>>) target(%dma_start3A_97 : memref<128x128xf32, #tpu.memory_space<vmem_shared>>) target_semaphore(%run_scoped3A : memref<!tpu.dma_semaphore, #tpu.memory_space<semaphore_mem>>)
      %dma_wait3A = arith.constant 0 : i32
      %dma_wait3A_98 = tpu.memref_slice %arg12[%add3A_10, %dma_wait3A] : memref<10112x128xf32, #tpu.memory_space<vmem_shared>> -> memref<128x128xf32, #tpu.memory_space<vmem_shared>>
      %dma_wait3A_99 = arith.constant 0 : i32
      %dma_wait3A_100 = tpu.memref_slice %arg12[%add3A_10, %dma_wait3A_99] : memref<10112x128xf32, #tpu.memory_space<vmem_shared>> -> memref<128x128xf32, #tpu.memory_space<vmem_shared>>
      tpu.wait_dma2 semaphore(%run_scoped3A : memref<!tpu.dma_semaphore, #tpu.memory_space<semaphore_mem>>) src(%arg11 : memref<128x128xf32, #tpu.memory_space<vmem>>) dst(%dma_wait3A_100 : memref<128x128xf32, #tpu.memory_space<vmem_shared>>)
      tpu.yield
    }) : () -> ()
    %add3A_11 = arith.constant 384 : i32
    %add3A_12 = arith.addi %mul3A_0, %add3A_11 : i32
    "tpu.region"() ({
      %run_scoped3A = tpu.sem_alloc : memref<!tpu.dma_semaphore, #tpu.memory_space<semaphore_mem>>
      %dma_start3A = arith.constant 0 : i32
      %dma_start3A_95 = tpu.memref_slice %arg12[%add3A_12, %dma_start3A] : memref<10112x128xf32, #tpu.memory_space<vmem_shared>> -> memref<128x128xf32, #tpu.memory_space<vmem_shared>>
      %dma_start3A_96 = arith.constant 0 : i32
      %dma_start3A_97 = tpu.memref_slice %arg12[%add3A_12, %dma_start3A_96] : memref<10112x128xf32, #tpu.memory_space<vmem_shared>> -> memref<128x128xf32, #tpu.memory_space<vmem_shared>>
      tpu.enqueue_dma source(%arg11 : memref<128x128xf32, #tpu.memory_space<vmem>>) target(%dma_start3A_97 : memref<128x128xf32, #tpu.memory_space<vmem_shared>>) target_semaphore(%run_scoped3A : memref<!tpu.dma_semaphore, #tpu.memory_space<semaphore_mem>>)
      %dma_wait3A = arith.constant 0 : i32
      %dma_wait3A_98 = tpu.memref_slice %arg12[%add3A_12, %dma_wait3A] : memref<10112x128xf32, #tpu.memory_space<vmem_shared>> -> memref<128x128xf32, #tpu.memory_space<vmem_shared>>
      %dma_wait3A_99 = arith.constant 0 : i32
      %dma_wait3A_100 = tpu.memref_slice %arg12[%add3A_12, %dma_wait3A_99] : memref<10112x128xf32, #tpu.memory_space<vmem_shared>> -> memref<128x128xf32, #tpu.memory_space<vmem_shared>>
      tpu.wait_dma2 semaphore(%run_scoped3A : memref<!tpu.dma_semaphore, #tpu.memory_space<semaphore_mem>>) src(%arg11 : memref<128x128xf32, #tpu.memory_space<vmem>>) dst(%dma_wait3A_100 : memref<128x128xf32, #tpu.memory_space<vmem_shared>>)
      tpu.yield
    }) : () -> ()
    %add3A_13 = arith.constant 512 : i32
    %add3A_14 = arith.addi %mul3A_0, %add3A_13 : i32
    "tpu.region"() ({
      %run_scoped3A = tpu.sem_alloc : memref<!tpu.dma_semaphore, #tpu.memory_space<semaphore_mem>>
      %dma_start3A = arith.constant 0 : i32
      %dma_start3A_95 = arith.constant 0 : i32
      %dma_start3A_96 = tpu.memref_slice %arg11[%dma_start3A, %dma_start3A_95] : memref<128x128xf32, #tpu.memory_space<vmem>> -> memref<120x128xf32, #tpu.memory_space<vmem>>
      %dma_start3A_97 = arith.constant 0 : i32
      %dma_start3A_98 = tpu.memref_slice %arg12[%add3A_14, %dma_start3A_97] : memref<10112x128xf32, #tpu.memory_space<vmem_shared>> -> memref<120x128xf32, #tpu.memory_space<vmem_shared>>
      %dma_start3A_99 = arith.constant 0 : i32
      %dma_start3A_100 = tpu.memref_slice %arg12[%add3A_14, %dma_start3A_99] : memref<10112x128xf32, #tpu.memory_space<vmem_shared>> -> memref<120x128xf32, #tpu.memory_space<vmem_shared>>
      %dma_start3A_101 = arith.constant 0 : i32
      %dma_start3A_102 = arith.constant 0 : i32
      %dma_start3A_103 = tpu.memref_slice %arg11[%dma_start3A_101, %dma_start3A_102] : memref<128x128xf32, #tpu.memory_space<vmem>> -> memref<120x128xf32, #tpu.memory_space<vmem>>
      tpu.enqueue_dma source(%dma_start3A_103 : memref<120x128xf32, #tpu.memory_space<vmem>>) target(%dma_start3A_100 : memref<120x128xf32, #tpu.memory_space<vmem_shared>>) target_semaphore(%run_scoped3A : memref<!tpu.dma_semaphore, #tpu.memory_space<semaphore_mem>>)
      %dma_wait3A = arith.constant 0 : i32
      %dma_wait3A_104 = arith.constant 0 : i32
      %dma_wait3A_105 = tpu.memref_slice %arg11[%dma_wait3A, %dma_wait3A_104] : memref<128x128xf32, #tpu.memory_space<vmem>> -> memref<120x128xf32, #tpu.memory_space<vmem>>
      %dma_wait3A_106 = arith.constant 0 : i32
      %dma_wait3A_107 = tpu.memref_slice %arg12[%add3A_14, %dma_wait3A_106] : memref<10112x128xf32, #tpu.memory_space<vmem_shared>> -> memref<120x128xf32, #tpu.memory_space<vmem_shared>>
      %dma_wait3A_108 = arith.constant 0 : i32
      %dma_wait3A_109 = tpu.memref_slice %arg12[%add3A_14, %dma_wait3A_108] : memref<10112x128xf32, #tpu.memory_space<vmem_shared>> -> memref<120x128xf32, #tpu.memory_space<vmem_shared>>
      %dma_wait3A_110 = arith.constant 0 : i32
      %dma_wait3A_111 = arith.constant 0 : i32
      %dma_wait3A_112 = tpu.memref_slice %arg11[%dma_wait3A_110, %dma_wait3A_111] : memref<128x128xf32, #tpu.memory_space<vmem>> -> memref<120x128xf32, #tpu.memory_space<vmem>>
      tpu.wait_dma2 semaphore(%run_scoped3A : memref<!tpu.dma_semaphore, #tpu.memory_space<semaphore_mem>>) src(%dma_wait3A_112 : memref<120x128xf32, #tpu.memory_space<vmem>>) dst(%dma_wait3A_109 : memref<120x128xf32, #tpu.memory_space<vmem_shared>>)
      tpu.yield
    }) : () -> ()
    %barrier3A = arith.constant 0 : index
    tpu.barrier barrier_id(%barrier3A)
    %eq3A = arith.constant 0 : i32
    %eq3A_15 = arith.cmpi eq, %arg0, %eq3A : i32
    %convert_element_type3A = arith.extui %eq3A_15 : i1 to i32
    %cond3A = arith.constant 0 : i32
    %cond3A_16 = arith.cmpi ne, %convert_element_type3A, %cond3A : i32
    scf.if %cond3A_16 {
      "tpu.region"() ({
        %run_scoped3A = tpu.sem_alloc : memref<!tpu.dma_semaphore, #tpu.memory_space<semaphore_mem>>
        %dma_start3A = arith.constant 0 : i32
        %dma_start3A_95 = arith.constant 0 : i32
        %dma_start3A_96 = tpu.memref_slice %arg9[%dma_start3A, %dma_start3A_95] : memref<122x128xi32, #tpu.memory_space<vmem>> -> memref<122x128xi32, #tpu.memory_space<vmem>>
        %dma_start3A_97 = arith.constant 0 : i32
        %dma_start3A_98 = arith.constant 0 : i32
        %dma_start3A_99 = tpu.memref_slice %arg3[%arg1, %dma_start3A_97, %dma_start3A_98] : memref<16x122x128xi32, #tpu.memory_space<hbm>> -> memref<1x122x128xi32, #tpu.memory_space<hbm>>
        %dma_start3A_100 = tpu.memref_squeeze %dma_start3A_99 : memref<1x122x128xi32, #tpu.memory_space<hbm>> -> memref<122x128xi32, #tpu.memory_space<hbm>>
        %dma_start3A_101 = arith.constant 0 : i32
        %dma_start3A_102 = arith.constant 0 : i32
        %dma_start3A_103 = tpu.memref_slice %arg9[%dma_start3A_101, %dma_start3A_102] : memref<122x128xi32, #tpu.memory_space<vmem>> -> memref<122x128xi32, #tpu.memory_space<vmem>>
        %dma_start3A_104 = arith.constant 0 : i32
        %dma_start3A_105 = arith.constant 0 : i32
        %dma_start3A_106 = tpu.memref_slice %arg3[%arg1, %dma_start3A_104, %dma_start3A_105] : memref<16x122x128xi32, #tpu.memory_space<hbm>> -> memref<1x122x128xi32, #tpu.memory_space<hbm>>
        %dma_start3A_107 = tpu.memref_squeeze %dma_start3A_106 : memref<1x122x128xi32, #tpu.memory_space<hbm>> -> memref<122x128xi32, #tpu.memory_space<hbm>>
        tpu.enqueue_dma source(%dma_start3A_107 : memref<122x128xi32, #tpu.memory_space<hbm>>) target(%dma_start3A_103 : memref<122x128xi32, #tpu.memory_space<vmem>>) target_semaphore(%run_scoped3A : memref<!tpu.dma_semaphore, #tpu.memory_space<semaphore_mem>>)
        %dma_wait3A = arith.constant 0 : i32
        %dma_wait3A_108 = arith.constant 0 : i32
        %dma_wait3A_109 = tpu.memref_slice %arg9[%dma_wait3A, %dma_wait3A_108] : memref<122x128xi32, #tpu.memory_space<vmem>> -> memref<122x128xi32, #tpu.memory_space<vmem>>
        %dma_wait3A_110 = arith.constant 0 : i32
        %dma_wait3A_111 = arith.constant 0 : i32
        %dma_wait3A_112 = tpu.memref_slice %arg3[%arg1, %dma_wait3A_110, %dma_wait3A_111] : memref<16x122x128xi32, #tpu.memory_space<hbm>> -> memref<1x122x128xi32, #tpu.memory_space<hbm>>
        %dma_wait3A_113 = tpu.memref_squeeze %dma_wait3A_112 : memref<1x122x128xi32, #tpu.memory_space<hbm>> -> memref<122x128xi32, #tpu.memory_space<hbm>>
        %dma_wait3A_114 = arith.constant 0 : i32
        %dma_wait3A_115 = arith.constant 0 : i32
        %dma_wait3A_116 = tpu.memref_slice %arg9[%dma_wait3A_114, %dma_wait3A_115] : memref<122x128xi32, #tpu.memory_space<vmem>> -> memref<122x128xi32, #tpu.memory_space<vmem>>
        %dma_wait3A_117 = arith.constant 0 : i32
        %dma_wait3A_118 = arith.constant 0 : i32
        %dma_wait3A_119 = tpu.memref_slice %arg3[%arg1, %dma_wait3A_117, %dma_wait3A_118] : memref<16x122x128xi32, #tpu.memory_space<hbm>> -> memref<1x122x128xi32, #tpu.memory_space<hbm>>
        %dma_wait3A_120 = tpu.memref_squeeze %dma_wait3A_119 : memref<1x122x128xi32, #tpu.memory_space<hbm>> -> memref<122x128xi32, #tpu.memory_space<hbm>>
        tpu.wait_dma2 semaphore(%run_scoped3A : memref<!tpu.dma_semaphore, #tpu.memory_space<semaphore_mem>>) src(%dma_wait3A_120 : memref<122x128xi32, #tpu.memory_space<hbm>>) dst(%dma_wait3A_116 : memref<122x128xi32, #tpu.memory_space<vmem>>)
        tpu.yield
      }) : () -> ()
      "tpu.region"() ({
        %run_scoped3A = tpu.sem_alloc : memref<!tpu.dma_semaphore, #tpu.memory_space<semaphore_mem>>
        %dma_start3A = arith.constant 0 : i32
        %dma_start3A_95 = arith.constant 0 : i32
        %dma_start3A_96 = tpu.memref_slice %arg10[%dma_start3A, %dma_start3A_95] : memref<122x128xi32, #tpu.memory_space<vmem>> -> memref<122x128xi32, #tpu.memory_space<vmem>>
        %dma_start3A_97 = arith.constant 0 : i32
        %dma_start3A_98 = arith.constant 0 : i32
        %dma_start3A_99 = tpu.memref_slice %arg4[%arg1, %dma_start3A_97, %dma_start3A_98] : memref<16x122x128xi32, #tpu.memory_space<hbm>> -> memref<1x122x128xi32, #tpu.memory_space<hbm>>
        %dma_start3A_100 = tpu.memref_squeeze %dma_start3A_99 : memref<1x122x128xi32, #tpu.memory_space<hbm>> -> memref<122x128xi32, #tpu.memory_space<hbm>>
        %dma_start3A_101 = arith.constant 0 : i32
        %dma_start3A_102 = arith.constant 0 : i32
        %dma_start3A_103 = tpu.memref_slice %arg10[%dma_start3A_101, %dma_start3A_102] : memref<122x128xi32, #tpu.memory_space<vmem>> -> memref<122x128xi32, #tpu.memory_space<vmem>>
        %dma_start3A_104 = arith.constant 0 : i32
        %dma_start3A_105 = arith.constant 0 : i32
        %dma_start3A_106 = tpu.memref_slice %arg4[%arg1, %dma_start3A_104, %dma_start3A_105] : memref<16x122x128xi32, #tpu.memory_space<hbm>> -> memref<1x122x128xi32, #tpu.memory_space<hbm>>
        %dma_start3A_107 = tpu.memref_squeeze %dma_start3A_106 : memref<1x122x128xi32, #tpu.memory_space<hbm>> -> memref<122x128xi32, #tpu.memory_space<hbm>>
        tpu.enqueue_dma source(%dma_start3A_107 : memref<122x128xi32, #tpu.memory_space<hbm>>) target(%dma_start3A_103 : memref<122x128xi32, #tpu.memory_space<vmem>>) target_semaphore(%run_scoped3A : memref<!tpu.dma_semaphore, #tpu.memory_space<semaphore_mem>>)
        %dma_wait3A = arith.constant 0 : i32
        %dma_wait3A_108 = arith.constant 0 : i32
        %dma_wait3A_109 = tpu.memref_slice %arg10[%dma_wait3A, %dma_wait3A_108] : memref<122x128xi32, #tpu.memory_space<vmem>> -> memref<122x128xi32, #tpu.memory_space<vmem>>
        %dma_wait3A_110 = arith.constant 0 : i32
        %dma_wait3A_111 = arith.constant 0 : i32
        %dma_wait3A_112 = tpu.memref_slice %arg4[%arg1, %dma_wait3A_110, %dma_wait3A_111] : memref<16x122x128xi32, #tpu.memory_space<hbm>> -> memref<1x122x128xi32, #tpu.memory_space<hbm>>
        %dma_wait3A_113 = tpu.memref_squeeze %dma_wait3A_112 : memref<1x122x128xi32, #tpu.memory_space<hbm>> -> memref<122x128xi32, #tpu.memory_space<hbm>>
        %dma_wait3A_114 = arith.constant 0 : i32
        %dma_wait3A_115 = arith.constant 0 : i32
        %dma_wait3A_116 = tpu.memref_slice %arg10[%dma_wait3A_114, %dma_wait3A_115] : memref<122x128xi32, #tpu.memory_space<vmem>> -> memref<122x128xi32, #tpu.memory_space<vmem>>
        %dma_wait3A_117 = arith.constant 0 : i32
        %dma_wait3A_118 = arith.constant 0 : i32
        %dma_wait3A_119 = tpu.memref_slice %arg4[%arg1, %dma_wait3A_117, %dma_wait3A_118] : memref<16x122x128xi32, #tpu.memory_space<hbm>> -> memref<1x122x128xi32, #tpu.memory_space<hbm>>
        %dma_wait3A_120 = tpu.memref_squeeze %dma_wait3A_119 : memref<1x122x128xi32, #tpu.memory_space<hbm>> -> memref<122x128xi32, #tpu.memory_space<hbm>>
        tpu.wait_dma2 semaphore(%run_scoped3A : memref<!tpu.dma_semaphore, #tpu.memory_space<semaphore_mem>>) src(%dma_wait3A_120 : memref<122x128xi32, #tpu.memory_space<hbm>>) dst(%dma_wait3A_116 : memref<122x128xi32, #tpu.memory_space<vmem>>)
        tpu.yield
      }) : () -> ()
    } else {
    }
    %eq3A_17 = arith.constant 1 : i32
    %eq3A_18 = arith.cmpi eq, %arg0, %eq3A_17 : i32
    %convert_element_type3A_19 = arith.extui %eq3A_18 : i1 to i32
    %cond3A_20 = arith.constant 0 : i32
    %cond3A_21 = arith.cmpi ne, %convert_element_type3A_19, %cond3A_20 : i32
    scf.if %cond3A_21 {
      "tpu.region"() ({
        %run_scoped3A = tpu.sem_alloc : memref<!tpu.dma_semaphore, #tpu.memory_space<semaphore_mem>>
        %dma_start3A = arith.constant 0 : i32
        %dma_start3A_95 = arith.constant 0 : i32
        %dma_start3A_96 = tpu.memref_slice %arg9[%dma_start3A, %dma_start3A_95] : memref<122x128xi32, #tpu.memory_space<vmem>> -> memref<36x128xi32, #tpu.memory_space<vmem>>
        %dma_start3A_97 = arith.constant 0 : i32
        %dma_start3A_98 = arith.constant 0 : i32
        %dma_start3A_99 = tpu.memref_slice %arg5[%arg1, %dma_start3A_97, %dma_start3A_98] : memref<16x36x128xi32, #tpu.memory_space<hbm>> -> memref<1x36x128xi32, #tpu.memory_space<hbm>>
        %dma_start3A_100 = tpu.memref_squeeze %dma_start3A_99 : memref<1x36x128xi32, #tpu.memory_space<hbm>> -> memref<36x128xi32, #tpu.memory_space<hbm>>
        %dma_start3A_101 = arith.constant 0 : i32
        %dma_start3A_102 = arith.constant 0 : i32
        %dma_start3A_103 = tpu.memref_slice %arg9[%dma_start3A_101, %dma_start3A_102] : memref<122x128xi32, #tpu.memory_space<vmem>> -> memref<36x128xi32, #tpu.memory_space<vmem>>
        %dma_start3A_104 = arith.constant 0 : i32
        %dma_start3A_105 = arith.constant 0 : i32
        %dma_start3A_106 = tpu.memref_slice %arg5[%arg1, %dma_start3A_104, %dma_start3A_105] : memref<16x36x128xi32, #tpu.memory_space<hbm>> -> memref<1x36x128xi32, #tpu.memory_space<hbm>>
        %dma_start3A_107 = tpu.memref_squeeze %dma_start3A_106 : memref<1x36x128xi32, #tpu.memory_space<hbm>> -> memref<36x128xi32, #tpu.memory_space<hbm>>
        tpu.enqueue_dma source(%dma_start3A_107 : memref<36x128xi32, #tpu.memory_space<hbm>>) target(%dma_start3A_103 : memref<36x128xi32, #tpu.memory_space<vmem>>) target_semaphore(%run_scoped3A : memref<!tpu.dma_semaphore, #tpu.memory_space<semaphore_mem>>)
        %dma_wait3A = arith.constant 0 : i32
        %dma_wait3A_108 = arith.constant 0 : i32
        %dma_wait3A_109 = tpu.memref_slice %arg9[%dma_wait3A, %dma_wait3A_108] : memref<122x128xi32, #tpu.memory_space<vmem>> -> memref<36x128xi32, #tpu.memory_space<vmem>>
        %dma_wait3A_110 = arith.constant 0 : i32
        %dma_wait3A_111 = arith.constant 0 : i32
        %dma_wait3A_112 = tpu.memref_slice %arg5[%arg1, %dma_wait3A_110, %dma_wait3A_111] : memref<16x36x128xi32, #tpu.memory_space<hbm>> -> memref<1x36x128xi32, #tpu.memory_space<hbm>>
        %dma_wait3A_113 = tpu.memref_squeeze %dma_wait3A_112 : memref<1x36x128xi32, #tpu.memory_space<hbm>> -> memref<36x128xi32, #tpu.memory_space<hbm>>
        %dma_wait3A_114 = arith.constant 0 : i32
        %dma_wait3A_115 = arith.constant 0 : i32
        %dma_wait3A_116 = tpu.memref_slice %arg9[%dma_wait3A_114, %dma_wait3A_115] : memref<122x128xi32, #tpu.memory_space<vmem>> -> memref<36x128xi32, #tpu.memory_space<vmem>>
        %dma_wait3A_117 = arith.constant 0 : i32
        %dma_wait3A_118 = arith.constant 0 : i32
        %dma_wait3A_119 = tpu.memref_slice %arg5[%arg1, %dma_wait3A_117, %dma_wait3A_118] : memref<16x36x128xi32, #tpu.memory_space<hbm>> -> memref<1x36x128xi32, #tpu.memory_space<hbm>>
        %dma_wait3A_120 = tpu.memref_squeeze %dma_wait3A_119 : memref<1x36x128xi32, #tpu.memory_space<hbm>> -> memref<36x128xi32, #tpu.memory_space<hbm>>
        tpu.wait_dma2 semaphore(%run_scoped3A : memref<!tpu.dma_semaphore, #tpu.memory_space<semaphore_mem>>) src(%dma_wait3A_120 : memref<36x128xi32, #tpu.memory_space<hbm>>) dst(%dma_wait3A_116 : memref<36x128xi32, #tpu.memory_space<vmem>>)
        tpu.yield
      }) : () -> ()
      "tpu.region"() ({
        %run_scoped3A = tpu.sem_alloc : memref<!tpu.dma_semaphore, #tpu.memory_space<semaphore_mem>>
        %dma_start3A = arith.constant 0 : i32
        %dma_start3A_95 = arith.constant 0 : i32
        %dma_start3A_96 = tpu.memref_slice %arg10[%dma_start3A, %dma_start3A_95] : memref<122x128xi32, #tpu.memory_space<vmem>> -> memref<36x128xi32, #tpu.memory_space<vmem>>
        %dma_start3A_97 = arith.constant 0 : i32
        %dma_start3A_98 = arith.constant 0 : i32
        %dma_start3A_99 = tpu.memref_slice %arg6[%arg1, %dma_start3A_97, %dma_start3A_98] : memref<16x36x128xi32, #tpu.memory_space<hbm>> -> memref<1x36x128xi32, #tpu.memory_space<hbm>>
        %dma_start3A_100 = tpu.memref_squeeze %dma_start3A_99 : memref<1x36x128xi32, #tpu.memory_space<hbm>> -> memref<36x128xi32, #tpu.memory_space<hbm>>
        %dma_start3A_101 = arith.constant 0 : i32
        %dma_start3A_102 = arith.constant 0 : i32
        %dma_start3A_103 = tpu.memref_slice %arg10[%dma_start3A_101, %dma_start3A_102] : memref<122x128xi32, #tpu.memory_space<vmem>> -> memref<36x128xi32, #tpu.memory_space<vmem>>
        %dma_start3A_104 = arith.constant 0 : i32
        %dma_start3A_105 = arith.constant 0 : i32
        %dma_start3A_106 = tpu.memref_slice %arg6[%arg1, %dma_start3A_104, %dma_start3A_105] : memref<16x36x128xi32, #tpu.memory_space<hbm>> -> memref<1x36x128xi32, #tpu.memory_space<hbm>>
        %dma_start3A_107 = tpu.memref_squeeze %dma_start3A_106 : memref<1x36x128xi32, #tpu.memory_space<hbm>> -> memref<36x128xi32, #tpu.memory_space<hbm>>
        tpu.enqueue_dma source(%dma_start3A_107 : memref<36x128xi32, #tpu.memory_space<hbm>>) target(%dma_start3A_103 : memref<36x128xi32, #tpu.memory_space<vmem>>) target_semaphore(%run_scoped3A : memref<!tpu.dma_semaphore, #tpu.memory_space<semaphore_mem>>)
        %dma_wait3A = arith.constant 0 : i32
        %dma_wait3A_108 = arith.constant 0 : i32
        %dma_wait3A_109 = tpu.memref_slice %arg10[%dma_wait3A, %dma_wait3A_108] : memref<122x128xi32, #tpu.memory_space<vmem>> -> memref<36x128xi32, #tpu.memory_space<vmem>>
        %dma_wait3A_110 = arith.constant 0 : i32
        %dma_wait3A_111 = arith.constant 0 : i32
        %dma_wait3A_112 = tpu.memref_slice %arg6[%arg1, %dma_wait3A_110, %dma_wait3A_111] : memref<16x36x128xi32, #tpu.memory_space<hbm>> -> memref<1x36x128xi32, #tpu.memory_space<hbm>>
        %dma_wait3A_113 = tpu.memref_squeeze %dma_wait3A_112 : memref<1x36x128xi32, #tpu.memory_space<hbm>> -> memref<36x128xi32, #tpu.memory_space<hbm>>
        %dma_wait3A_114 = arith.constant 0 : i32
        %dma_wait3A_115 = arith.constant 0 : i32
        %dma_wait3A_116 = tpu.memref_slice %arg10[%dma_wait3A_114, %dma_wait3A_115] : memref<122x128xi32, #tpu.memory_space<vmem>> -> memref<36x128xi32, #tpu.memory_space<vmem>>
        %dma_wait3A_117 = arith.constant 0 : i32
        %dma_wait3A_118 = arith.constant 0 : i32
        %dma_wait3A_119 = tpu.memref_slice %arg6[%arg1, %dma_wait3A_117, %dma_wait3A_118] : memref<16x36x128xi32, #tpu.memory_space<hbm>> -> memref<1x36x128xi32, #tpu.memory_space<hbm>>
        %dma_wait3A_120 = tpu.memref_squeeze %dma_wait3A_119 : memref<1x36x128xi32, #tpu.memory_space<hbm>> -> memref<36x128xi32, #tpu.memory_space<hbm>>
        tpu.wait_dma2 semaphore(%run_scoped3A : memref<!tpu.dma_semaphore, #tpu.memory_space<semaphore_mem>>) src(%dma_wait3A_120 : memref<36x128xi32, #tpu.memory_space<hbm>>) dst(%dma_wait3A_116 : memref<36x128xi32, #tpu.memory_space<vmem>>)
        tpu.yield
      }) : () -> ()
    } else {
    }
    %eq3A_22 = arith.constant 0 : i32
    %eq3A_23 = arith.cmpi eq, %arg0, %eq3A_22 : i32
    %jit3A = arith.constant 122 : i32
    %jit3A_24 = arith.constant 36 : i32
    %select_n3A = arith.select %eq3A_23, %jit3A, %jit3A_24 : i32
    %while3A = arith.constant 0 : i32
    %while3A_25 = arith.constant 0 : i32
    %while3A_26 = arith.subi %select_n3A, %while3A_25 : i32
    %while3A_27 = arith.addi %while3A_25, %while3A_26 : i32
    %while3A_28 = arith.constant 1 : i32
    %while3A_29 = arith.divsi %while3A_26, %while3A_28 : i32
    %while3A_30 = arith.muli %while3A_29, %while3A_28 : i32
    %while3A_31 = arith.addi %while3A_25, %while3A_30 : i32
    %while3A_32 = arith.constant 1 : i32
    scf.for %while3A_95 = %while3A_25 to %while3A_31 step %while3A_32  : i32 {
      "tpu.region"() ({
        %run_scoped3A = tpu.sem_alloc : memref<!tpu.dma_semaphore, #tpu.memory_space<semaphore_mem>>
        %dma_start3A = arith.constant 0 : i32
        %dma_start3A_96 = tpu.memref_slice %arg9[%while3A_95, %dma_start3A] : memref<122x128xi32, #tpu.memory_space<vmem>> -> memref<1x128xi32, #tpu.memory_space<vmem>>
        %dma_start3A_97 = tpu.memref_squeeze %dma_start3A_96 : memref<1x128xi32, #tpu.memory_space<vmem>> -> memref<128xi32, #tpu.memory_space<vmem>>
        %dma_start3A_98 = arith.constant 0 : i32
        %dma_start3A_99 = arith.constant 0 : i32
        %dma_start3A_100 = tpu.memref_slice %arg2[%dma_start3A_98, %dma_start3A_99] : memref<10112x128xf32, #tpu.memory_space<hbm>> -> memref<10112x128xf32, #tpu.memory_space<hbm>>
        tpu.enqueue_indirect_dma source(%dma_start3A_100 : memref<10112x128xf32, #tpu.memory_space<hbm>>) target(%arg11 : memref<128x128xf32, #tpu.memory_space<vmem>>) offsets(%dma_start3A_97 : memref<128xi32, #tpu.memory_space<vmem>>) semaphore(%run_scoped3A : memref<!tpu.dma_semaphore, #tpu.memory_space<semaphore_mem>>)
        %dma_wait3A = arith.constant 0 : i32
        %dma_wait3A_101 = tpu.memref_slice %arg9[%while3A_95, %dma_wait3A] : memref<122x128xi32, #tpu.memory_space<vmem>> -> memref<1x128xi32, #tpu.memory_space<vmem>>
        %dma_wait3A_102 = tpu.memref_squeeze %dma_wait3A_101 : memref<1x128xi32, #tpu.memory_space<vmem>> -> memref<128xi32, #tpu.memory_space<vmem>>
        %dma_wait3A_103 = arith.constant 0 : i32
        %dma_wait3A_104 = arith.constant 0 : i32
        %dma_wait3A_105 = tpu.memref_slice %arg2[%dma_wait3A_103, %dma_wait3A_104] : memref<10112x128xf32, #tpu.memory_space<hbm>> -> memref<10112x128xf32, #tpu.memory_space<hbm>>
        tpu.wait_indirect_dma semaphore(%run_scoped3A : memref<!tpu.dma_semaphore, #tpu.memory_space<semaphore_mem>>) src(%dma_wait3A_105 : memref<10112x128xf32, #tpu.memory_space<hbm>>) dst(%arg11 : memref<128x128xf32, #tpu.memory_space<vmem>>)
        tpu.yield
      }) : () -> ()
      "tpu.region"() ({
        %run_scoped3A = tpu.sem_alloc : memref<!tpu.dma_semaphore, #tpu.memory_space<semaphore_mem>>
        %dma_start3A = arith.constant 0 : i32
        %dma_start3A_96 = tpu.memref_slice %arg10[%while3A_95, %dma_start3A] : memref<122x128xi32, #tpu.memory_space<vmem>> -> memref<1x128xi32, #tpu.memory_space<vmem>>
        %dma_start3A_97 = tpu.memref_squeeze %dma_start3A_96 : memref<1x128xi32, #tpu.memory_space<vmem>> -> memref<128xi32, #tpu.memory_space<vmem>>
        %dma_start3A_98 = arith.constant 0 : i32
        %dma_start3A_99 = arith.constant 0 : i32
        %dma_start3A_100 = tpu.memref_slice %arg12[%dma_start3A_98, %dma_start3A_99] : memref<10112x128xf32, #tpu.memory_space<vmem_shared>> -> memref<10112x128xf32, #tpu.memory_space<vmem_shared>>
        tpu.enqueue_indirect_dma source(%arg11 : memref<128x128xf32, #tpu.memory_space<vmem>>) target(%dma_start3A_100 : memref<10112x128xf32, #tpu.memory_space<vmem_shared>>) offsets(%dma_start3A_97 : memref<128xi32, #tpu.memory_space<vmem>>) semaphore(%run_scoped3A : memref<!tpu.dma_semaphore, #tpu.memory_space<semaphore_mem>>) {add = true}
        %dma_wait3A = arith.constant 0 : i32
        %dma_wait3A_101 = tpu.memref_slice %arg10[%while3A_95, %dma_wait3A] : memref<122x128xi32, #tpu.memory_space<vmem>> -> memref<1x128xi32, #tpu.memory_space<vmem>>
        %dma_wait3A_102 = tpu.memref_squeeze %dma_wait3A_101 : memref<1x128xi32, #tpu.memory_space<vmem>> -> memref<128xi32, #tpu.memory_space<vmem>>
        %dma_wait3A_103 = arith.constant 0 : i32
        %dma_wait3A_104 = arith.constant 0 : i32
        %dma_wait3A_105 = tpu.memref_slice %arg12[%dma_wait3A_103, %dma_wait3A_104] : memref<10112x128xf32, #tpu.memory_space<vmem_shared>> -> memref<10112x128xf32, #tpu.memory_space<vmem_shared>>
        tpu.wait_indirect_dma semaphore(%run_scoped3A : memref<!tpu.dma_semaphore, #tpu.memory_space<semaphore_mem>>) src(%arg11 : memref<128x128xf32, #tpu.memory_space<vmem>>) dst(%dma_wait3A_105 : memref<10112x128xf32, #tpu.memory_space<vmem_shared>>)
        tpu.yield
      }) : () -> ()
    }
    %while3A_33 = arith.constant 1 : i32
    scf.for %while3A_95 = %while3A_31 to %while3A_27 step %while3A_33  : i32 {
      "tpu.region"() ({
        %run_scoped3A = tpu.sem_alloc : memref<!tpu.dma_semaphore, #tpu.memory_space<semaphore_mem>>
        %dma_start3A = arith.constant 0 : i32
        %dma_start3A_96 = tpu.memref_slice %arg9[%while3A_95, %dma_start3A] : memref<122x128xi32, #tpu.memory_space<vmem>> -> memref<1x128xi32, #tpu.memory_space<vmem>>
        %dma_start3A_97 = tpu.memref_squeeze %dma_start3A_96 : memref<1x128xi32, #tpu.memory_space<vmem>> -> memref<128xi32, #tpu.memory_space<vmem>>
        %dma_start3A_98 = arith.constant 0 : i32
        %dma_start3A_99 = arith.constant 0 : i32
        %dma_start3A_100 = tpu.memref_slice %arg2[%dma_start3A_98, %dma_start3A_99] : memref<10112x128xf32, #tpu.memory_space<hbm>> -> memref<10112x128xf32, #tpu.memory_space<hbm>>
        tpu.enqueue_indirect_dma source(%dma_start3A_100 : memref<10112x128xf32, #tpu.memory_space<hbm>>) target(%arg11 : memref<128x128xf32, #tpu.memory_space<vmem>>) offsets(%dma_start3A_97 : memref<128xi32, #tpu.memory_space<vmem>>) semaphore(%run_scoped3A : memref<!tpu.dma_semaphore, #tpu.memory_space<semaphore_mem>>)
        %dma_wait3A = arith.constant 0 : i32
        %dma_wait3A_101 = tpu.memref_slice %arg9[%while3A_95, %dma_wait3A] : memref<122x128xi32, #tpu.memory_space<vmem>> -> memref<1x128xi32, #tpu.memory_space<vmem>>
        %dma_wait3A_102 = tpu.memref_squeeze %dma_wait3A_101 : memref<1x128xi32, #tpu.memory_space<vmem>> -> memref<128xi32, #tpu.memory_space<vmem>>
        %dma_wait3A_103 = arith.constant 0 : i32
        %dma_wait3A_104 = arith.constant 0 : i32
        %dma_wait3A_105 = tpu.memref_slice %arg2[%dma_wait3A_103, %dma_wait3A_104] : memref<10112x128xf32, #tpu.memory_space<hbm>> -> memref<10112x128xf32, #tpu.memory_space<hbm>>
        tpu.wait_indirect_dma semaphore(%run_scoped3A : memref<!tpu.dma_semaphore, #tpu.memory_space<semaphore_mem>>) src(%dma_wait3A_105 : memref<10112x128xf32, #tpu.memory_space<hbm>>) dst(%arg11 : memref<128x128xf32, #tpu.memory_space<vmem>>)
        tpu.yield
      }) : () -> ()
      "tpu.region"() ({
        %run_scoped3A = tpu.sem_alloc : memref<!tpu.dma_semaphore, #tpu.memory_space<semaphore_mem>>
        %dma_start3A = arith.constant 0 : i32
        %dma_start3A_96 = tpu.memref_slice %arg10[%while3A_95, %dma_start3A] : memref<122x128xi32, #tpu.memory_space<vmem>> -> memref<1x128xi32, #tpu.memory_space<vmem>>
        %dma_start3A_97 = tpu.memref_squeeze %dma_start3A_96 : memref<1x128xi32, #tpu.memory_space<vmem>> -> memref<128xi32, #tpu.memory_space<vmem>>
        %dma_start3A_98 = arith.constant 0 : i32
        %dma_start3A_99 = arith.constant 0 : i32
        %dma_start3A_100 = tpu.memref_slice %arg12[%dma_start3A_98, %dma_start3A_99] : memref<10112x128xf32, #tpu.memory_space<vmem_shared>> -> memref<10112x128xf32, #tpu.memory_space<vmem_shared>>
        tpu.enqueue_indirect_dma source(%arg11 : memref<128x128xf32, #tpu.memory_space<vmem>>) target(%dma_start3A_100 : memref<10112x128xf32, #tpu.memory_space<vmem_shared>>) offsets(%dma_start3A_97 : memref<128xi32, #tpu.memory_space<vmem>>) semaphore(%run_scoped3A : memref<!tpu.dma_semaphore, #tpu.memory_space<semaphore_mem>>) {add = true}
        %dma_wait3A = arith.constant 0 : i32
        %dma_wait3A_101 = tpu.memref_slice %arg10[%while3A_95, %dma_wait3A] : memref<122x128xi32, #tpu.memory_space<vmem>> -> memref<1x128xi32, #tpu.memory_space<vmem>>
        %dma_wait3A_102 = tpu.memref_squeeze %dma_wait3A_101 : memref<1x128xi32, #tpu.memory_space<vmem>> -> memref<128xi32, #tpu.memory_space<vmem>>
        %dma_wait3A_103 = arith.constant 0 : i32
        %dma_wait3A_104 = arith.constant 0 : i32
        %dma_wait3A_105 = tpu.memref_slice %arg12[%dma_wait3A_103, %dma_wait3A_104] : memref<10112x128xf32, #tpu.memory_space<vmem_shared>> -> memref<10112x128xf32, #tpu.memory_space<vmem_shared>>
        tpu.wait_indirect_dma semaphore(%run_scoped3A : memref<!tpu.dma_semaphore, #tpu.memory_space<semaphore_mem>>) src(%arg11 : memref<128x128xf32, #tpu.memory_space<vmem>>) dst(%dma_wait3A_105 : memref<10112x128xf32, #tpu.memory_space<vmem_shared>>)
        tpu.yield
      }) : () -> ()
    }
    %barrier3A_34 = arith.constant 0 : index
    tpu.barrier barrier_id(%barrier3A_34)
    %add3A_35 = arith.constant 0 : i32
    %add3A_36 = arith.addi %mul3A_0, %add3A_35 : i32
    "tpu.region"() ({
      %run_scoped3A = tpu.sem_alloc : memref<!tpu.dma_semaphore, #tpu.memory_space<semaphore_mem>>
      %dma_start3A = arith.constant 0 : i32
      %dma_start3A_95 = tpu.memref_slice %arg12[%add3A_36, %dma_start3A] : memref<10112x128xf32, #tpu.memory_space<vmem_shared>> -> memref<128x128xf32, #tpu.memory_space<vmem_shared>>
      %dma_start3A_96 = arith.constant 0 : i32
      %dma_start3A_97 = tpu.memref_slice %arg12[%add3A_36, %dma_start3A_96] : memref<10112x128xf32, #tpu.memory_space<vmem_shared>> -> memref<128x128xf32, #tpu.memory_space<vmem_shared>>
      tpu.enqueue_dma source(%dma_start3A_97 : memref<128x128xf32, #tpu.memory_space<vmem_shared>>) target(%arg11 : memref<128x128xf32, #tpu.memory_space<vmem>>) target_semaphore(%run_scoped3A : memref<!tpu.dma_semaphore, #tpu.memory_space<semaphore_mem>>)
      %dma_wait3A = arith.constant 0 : i32
      %dma_wait3A_98 = tpu.memref_slice %arg12[%add3A_36, %dma_wait3A] : memref<10112x128xf32, #tpu.memory_space<vmem_shared>> -> memref<128x128xf32, #tpu.memory_space<vmem_shared>>
      %dma_wait3A_99 = arith.constant 0 : i32
      %dma_wait3A_100 = tpu.memref_slice %arg12[%add3A_36, %dma_wait3A_99] : memref<10112x128xf32, #tpu.memory_space<vmem_shared>> -> memref<128x128xf32, #tpu.memory_space<vmem_shared>>
      tpu.wait_dma2 semaphore(%run_scoped3A : memref<!tpu.dma_semaphore, #tpu.memory_space<semaphore_mem>>) src(%dma_wait3A_100 : memref<128x128xf32, #tpu.memory_space<vmem_shared>>) dst(%arg11 : memref<128x128xf32, #tpu.memory_space<vmem>>)
      tpu.yield
    }) : () -> ()
    %eq3A_37 = arith.constant 0 : i32
    %eq3A_38 = arith.cmpi eq, %arg0, %eq3A_37 : i32
    %convert_element_type3A_39 = arith.extui %eq3A_38 : i1 to i32
    %cond3A_40 = arith.constant 0 : i32
    %cond3A_41 = arith.cmpi ne, %convert_element_type3A_39, %cond3A_40 : i32
    scf.if %cond3A_41 {
      "tpu.region"() ({
        %run_scoped3A = tpu.sem_alloc : memref<!tpu.dma_semaphore, #tpu.memory_space<semaphore_mem>>
        %dma_start3A = arith.constant 0 : i32
        %dma_start3A_95 = tpu.memref_slice %arg7[%add3A_36, %dma_start3A] : memref<10112x128xf32, #tpu.memory_space<hbm>> -> memref<128x128xf32, #tpu.memory_space<hbm>>
        %dma_start3A_96 = arith.constant 0 : i32
        %dma_start3A_97 = tpu.memref_slice %arg7[%add3A_36, %dma_start3A_96] : memref<10112x128xf32, #tpu.memory_space<hbm>> -> memref<128x128xf32, #tpu.memory_space<hbm>>
        tpu.enqueue_dma source(%arg11 : memref<128x128xf32, #tpu.memory_space<vmem>>) target(%dma_start3A_97 : memref<128x128xf32, #tpu.memory_space<hbm>>) target_semaphore(%run_scoped3A : memref<!tpu.dma_semaphore, #tpu.memory_space<semaphore_mem>>)
        %dma_wait3A = arith.constant 0 : i32
        %dma_wait3A_98 = tpu.memref_slice %arg7[%add3A_36, %dma_wait3A] : memref<10112x128xf32, #tpu.memory_space<hbm>> -> memref<128x128xf32, #tpu.memory_space<hbm>>
        %dma_wait3A_99 = arith.constant 0 : i32
        %dma_wait3A_100 = tpu.memref_slice %arg7[%add3A_36, %dma_wait3A_99] : memref<10112x128xf32, #tpu.memory_space<hbm>> -> memref<128x128xf32, #tpu.memory_space<hbm>>
        tpu.wait_dma2 semaphore(%run_scoped3A : memref<!tpu.dma_semaphore, #tpu.memory_space<semaphore_mem>>) src(%arg11 : memref<128x128xf32, #tpu.memory_space<vmem>>) dst(%dma_wait3A_100 : memref<128x128xf32, #tpu.memory_space<hbm>>)
        tpu.yield
      }) : () -> ()
    } else {
    }
    %eq3A_42 = arith.constant 1 : i32
    %eq3A_43 = arith.cmpi eq, %arg0, %eq3A_42 : i32
    %convert_element_type3A_44 = arith.extui %eq3A_43 : i1 to i32
    %cond3A_45 = arith.constant 0 : i32
    %cond3A_46 = arith.cmpi ne, %convert_element_type3A_44, %cond3A_45 : i32
    scf.if %cond3A_46 {
      "tpu.region"() ({
        %run_scoped3A = tpu.sem_alloc : memref<!tpu.dma_semaphore, #tpu.memory_space<semaphore_mem>>
        %dma_start3A = arith.constant 0 : i32
        %dma_start3A_95 = tpu.memref_slice %arg8[%add3A_36, %dma_start3A] : memref<10112x128xf32, #tpu.memory_space<hbm>> -> memref<128x128xf32, #tpu.memory_space<hbm>>
        %dma_start3A_96 = arith.constant 0 : i32
        %dma_start3A_97 = tpu.memref_slice %arg8[%add3A_36, %dma_start3A_96] : memref<10112x128xf32, #tpu.memory_space<hbm>> -> memref<128x128xf32, #tpu.memory_space<hbm>>
        tpu.enqueue_dma source(%arg11 : memref<128x128xf32, #tpu.memory_space<vmem>>) target(%dma_start3A_97 : memref<128x128xf32, #tpu.memory_space<hbm>>) target_semaphore(%run_scoped3A : memref<!tpu.dma_semaphore, #tpu.memory_space<semaphore_mem>>)
        %dma_wait3A = arith.constant 0 : i32
        %dma_wait3A_98 = tpu.memref_slice %arg8[%add3A_36, %dma_wait3A] : memref<10112x128xf32, #tpu.memory_space<hbm>> -> memref<128x128xf32, #tpu.memory_space<hbm>>
        %dma_wait3A_99 = arith.constant 0 : i32
        %dma_wait3A_100 = tpu.memref_slice %arg8[%add3A_36, %dma_wait3A_99] : memref<10112x128xf32, #tpu.memory_space<hbm>> -> memref<128x128xf32, #tpu.memory_space<hbm>>
        tpu.wait_dma2 semaphore(%run_scoped3A : memref<!tpu.dma_semaphore, #tpu.memory_space<semaphore_mem>>) src(%arg11 : memref<128x128xf32, #tpu.memory_space<vmem>>) dst(%dma_wait3A_100 : memref<128x128xf32, #tpu.memory_space<hbm>>)
        tpu.yield
      }) : () -> ()
    } else {
    }
    %add3A_47 = arith.constant 128 : i32
    %add3A_48 = arith.addi %mul3A_0, %add3A_47 : i32
    "tpu.region"() ({
      %run_scoped3A = tpu.sem_alloc : memref<!tpu.dma_semaphore, #tpu.memory_space<semaphore_mem>>
      %dma_start3A = arith.constant 0 : i32
      %dma_start3A_95 = tpu.memref_slice %arg12[%add3A_48, %dma_start3A] : memref<10112x128xf32, #tpu.memory_space<vmem_shared>> -> memref<128x128xf32, #tpu.memory_space<vmem_shared>>
      %dma_start3A_96 = arith.constant 0 : i32
      %dma_start3A_97 = tpu.memref_slice %arg12[%add3A_48, %dma_start3A_96] : memref<10112x128xf32, #tpu.memory_space<vmem_shared>> -> memref<128x128xf32, #tpu.memory_space<vmem_shared>>
      tpu.enqueue_dma source(%dma_start3A_97 : memref<128x128xf32, #tpu.memory_space<vmem_shared>>) target(%arg11 : memref<128x128xf32, #tpu.memory_space<vmem>>) target_semaphore(%run_scoped3A : memref<!tpu.dma_semaphore, #tpu.memory_space<semaphore_mem>>)
      %dma_wait3A = arith.constant 0 : i32
      %dma_wait3A_98 = tpu.memref_slice %arg12[%add3A_48, %dma_wait3A] : memref<10112x128xf32, #tpu.memory_space<vmem_shared>> -> memref<128x128xf32, #tpu.memory_space<vmem_shared>>
      %dma_wait3A_99 = arith.constant 0 : i32
      %dma_wait3A_100 = tpu.memref_slice %arg12[%add3A_48, %dma_wait3A_99] : memref<10112x128xf32, #tpu.memory_space<vmem_shared>> -> memref<128x128xf32, #tpu.memory_space<vmem_shared>>
      tpu.wait_dma2 semaphore(%run_scoped3A : memref<!tpu.dma_semaphore, #tpu.memory_space<semaphore_mem>>) src(%dma_wait3A_100 : memref<128x128xf32, #tpu.memory_space<vmem_shared>>) dst(%arg11 : memref<128x128xf32, #tpu.memory_space<vmem>>)
      tpu.yield
    }) : () -> ()
    %eq3A_49 = arith.constant 0 : i32
    %eq3A_50 = arith.cmpi eq, %arg0, %eq3A_49 : i32
    %convert_element_type3A_51 = arith.extui %eq3A_50 : i1 to i32
    %cond3A_52 = arith.constant 0 : i32
    %cond3A_53 = arith.cmpi ne, %convert_element_type3A_51, %cond3A_52 : i32
    scf.if %cond3A_53 {
      "tpu.region"() ({
        %run_scoped3A = tpu.sem_alloc : memref<!tpu.dma_semaphore, #tpu.memory_space<semaphore_mem>>
        %dma_start3A = arith.constant 0 : i32
        %dma_start3A_95 = tpu.memref_slice %arg7[%add3A_48, %dma_start3A] : memref<10112x128xf32, #tpu.memory_space<hbm>> -> memref<128x128xf32, #tpu.memory_space<hbm>>
        %dma_start3A_96 = arith.constant 0 : i32
        %dma_start3A_97 = tpu.memref_slice %arg7[%add3A_48, %dma_start3A_96] : memref<10112x128xf32, #tpu.memory_space<hbm>> -> memref<128x128xf32, #tpu.memory_space<hbm>>
        tpu.enqueue_dma source(%arg11 : memref<128x128xf32, #tpu.memory_space<vmem>>) target(%dma_start3A_97 : memref<128x128xf32, #tpu.memory_space<hbm>>) target_semaphore(%run_scoped3A : memref<!tpu.dma_semaphore, #tpu.memory_space<semaphore_mem>>)
        %dma_wait3A = arith.constant 0 : i32
        %dma_wait3A_98 = tpu.memref_slice %arg7[%add3A_48, %dma_wait3A] : memref<10112x128xf32, #tpu.memory_space<hbm>> -> memref<128x128xf32, #tpu.memory_space<hbm>>
        %dma_wait3A_99 = arith.constant 0 : i32
        %dma_wait3A_100 = tpu.memref_slice %arg7[%add3A_48, %dma_wait3A_99] : memref<10112x128xf32, #tpu.memory_space<hbm>> -> memref<128x128xf32, #tpu.memory_space<hbm>>
        tpu.wait_dma2 semaphore(%run_scoped3A : memref<!tpu.dma_semaphore, #tpu.memory_space<semaphore_mem>>) src(%arg11 : memref<128x128xf32, #tpu.memory_space<vmem>>) dst(%dma_wait3A_100 : memref<128x128xf32, #tpu.memory_space<hbm>>)
        tpu.yield
      }) : () -> ()
    } else {
    }
    %eq3A_54 = arith.constant 1 : i32
    %eq3A_55 = arith.cmpi eq, %arg0, %eq3A_54 : i32
    %convert_element_type3A_56 = arith.extui %eq3A_55 : i1 to i32
    %cond3A_57 = arith.constant 0 : i32
    %cond3A_58 = arith.cmpi ne, %convert_element_type3A_56, %cond3A_57 : i32
    scf.if %cond3A_58 {
      "tpu.region"() ({
        %run_scoped3A = tpu.sem_alloc : memref<!tpu.dma_semaphore, #tpu.memory_space<semaphore_mem>>
        %dma_start3A = arith.constant 0 : i32
        %dma_start3A_95 = tpu.memref_slice %arg8[%add3A_48, %dma_start3A] : memref<10112x128xf32, #tpu.memory_space<hbm>> -> memref<128x128xf32, #tpu.memory_space<hbm>>
        %dma_start3A_96 = arith.constant 0 : i32
        %dma_start3A_97 = tpu.memref_slice %arg8[%add3A_48, %dma_start3A_96] : memref<10112x128xf32, #tpu.memory_space<hbm>> -> memref<128x128xf32, #tpu.memory_space<hbm>>
        tpu.enqueue_dma source(%arg11 : memref<128x128xf32, #tpu.memory_space<vmem>>) target(%dma_start3A_97 : memref<128x128xf32, #tpu.memory_space<hbm>>) target_semaphore(%run_scoped3A : memref<!tpu.dma_semaphore, #tpu.memory_space<semaphore_mem>>)
        %dma_wait3A = arith.constant 0 : i32
        %dma_wait3A_98 = tpu.memref_slice %arg8[%add3A_48, %dma_wait3A] : memref<10112x128xf32, #tpu.memory_space<hbm>> -> memref<128x128xf32, #tpu.memory_space<hbm>>
        %dma_wait3A_99 = arith.constant 0 : i32
        %dma_wait3A_100 = tpu.memref_slice %arg8[%add3A_48, %dma_wait3A_99] : memref<10112x128xf32, #tpu.memory_space<hbm>> -> memref<128x128xf32, #tpu.memory_space<hbm>>
        tpu.wait_dma2 semaphore(%run_scoped3A : memref<!tpu.dma_semaphore, #tpu.memory_space<semaphore_mem>>) src(%arg11 : memref<128x128xf32, #tpu.memory_space<vmem>>) dst(%dma_wait3A_100 : memref<128x128xf32, #tpu.memory_space<hbm>>)
        tpu.yield
      }) : () -> ()
    } else {
    }
    %add3A_59 = arith.constant 256 : i32
    %add3A_60 = arith.addi %mul3A_0, %add3A_59 : i32
    "tpu.region"() ({
      %run_scoped3A = tpu.sem_alloc : memref<!tpu.dma_semaphore, #tpu.memory_space<semaphore_mem>>
      %dma_start3A = arith.constant 0 : i32
      %dma_start3A_95 = tpu.memref_slice %arg12[%add3A_60, %dma_start3A] : memref<10112x128xf32, #tpu.memory_space<vmem_shared>> -> memref<128x128xf32, #tpu.memory_space<vmem_shared>>
      %dma_start3A_96 = arith.constant 0 : i32
      %dma_start3A_97 = tpu.memref_slice %arg12[%add3A_60, %dma_start3A_96] : memref<10112x128xf32, #tpu.memory_space<vmem_shared>> -> memref<128x128xf32, #tpu.memory_space<vmem_shared>>
      tpu.enqueue_dma source(%dma_start3A_97 : memref<128x128xf32, #tpu.memory_space<vmem_shared>>) target(%arg11 : memref<128x128xf32, #tpu.memory_space<vmem>>) target_semaphore(%run_scoped3A : memref<!tpu.dma_semaphore, #tpu.memory_space<semaphore_mem>>)
      %dma_wait3A = arith.constant 0 : i32
      %dma_wait3A_98 = tpu.memref_slice %arg12[%add3A_60, %dma_wait3A] : memref<10112x128xf32, #tpu.memory_space<vmem_shared>> -> memref<128x128xf32, #tpu.memory_space<vmem_shared>>
      %dma_wait3A_99 = arith.constant 0 : i32
      %dma_wait3A_100 = tpu.memref_slice %arg12[%add3A_60, %dma_wait3A_99] : memref<10112x128xf32, #tpu.memory_space<vmem_shared>> -> memref<128x128xf32, #tpu.memory_space<vmem_shared>>
      tpu.wait_dma2 semaphore(%run_scoped3A : memref<!tpu.dma_semaphore, #tpu.memory_space<semaphore_mem>>) src(%dma_wait3A_100 : memref<128x128xf32, #tpu.memory_space<vmem_shared>>) dst(%arg11 : memref<128x128xf32, #tpu.memory_space<vmem>>)
      tpu.yield
    }) : () -> ()
    %eq3A_61 = arith.constant 0 : i32
    %eq3A_62 = arith.cmpi eq, %arg0, %eq3A_61 : i32
    %convert_element_type3A_63 = arith.extui %eq3A_62 : i1 to i32
    %cond3A_64 = arith.constant 0 : i32
    %cond3A_65 = arith.cmpi ne, %convert_element_type3A_63, %cond3A_64 : i32
    scf.if %cond3A_65 {
      "tpu.region"() ({
        %run_scoped3A = tpu.sem_alloc : memref<!tpu.dma_semaphore, #tpu.memory_space<semaphore_mem>>
        %dma_start3A = arith.constant 0 : i32
        %dma_start3A_95 = tpu.memref_slice %arg7[%add3A_60, %dma_start3A] : memref<10112x128xf32, #tpu.memory_space<hbm>> -> memref<128x128xf32, #tpu.memory_space<hbm>>
        %dma_start3A_96 = arith.constant 0 : i32
        %dma_start3A_97 = tpu.memref_slice %arg7[%add3A_60, %dma_start3A_96] : memref<10112x128xf32, #tpu.memory_space<hbm>> -> memref<128x128xf32, #tpu.memory_space<hbm>>
        tpu.enqueue_dma source(%arg11 : memref<128x128xf32, #tpu.memory_space<vmem>>) target(%dma_start3A_97 : memref<128x128xf32, #tpu.memory_space<hbm>>) target_semaphore(%run_scoped3A : memref<!tpu.dma_semaphore, #tpu.memory_space<semaphore_mem>>)
        %dma_wait3A = arith.constant 0 : i32
        %dma_wait3A_98 = tpu.memref_slice %arg7[%add3A_60, %dma_wait3A] : memref<10112x128xf32, #tpu.memory_space<hbm>> -> memref<128x128xf32, #tpu.memory_space<hbm>>
        %dma_wait3A_99 = arith.constant 0 : i32
        %dma_wait3A_100 = tpu.memref_slice %arg7[%add3A_60, %dma_wait3A_99] : memref<10112x128xf32, #tpu.memory_space<hbm>> -> memref<128x128xf32, #tpu.memory_space<hbm>>
        tpu.wait_dma2 semaphore(%run_scoped3A : memref<!tpu.dma_semaphore, #tpu.memory_space<semaphore_mem>>) src(%arg11 : memref<128x128xf32, #tpu.memory_space<vmem>>) dst(%dma_wait3A_100 : memref<128x128xf32, #tpu.memory_space<hbm>>)
        tpu.yield
      }) : () -> ()
    } else {
    }
    %eq3A_66 = arith.constant 1 : i32
    %eq3A_67 = arith.cmpi eq, %arg0, %eq3A_66 : i32
    %convert_element_type3A_68 = arith.extui %eq3A_67 : i1 to i32
    %cond3A_69 = arith.constant 0 : i32
    %cond3A_70 = arith.cmpi ne, %convert_element_type3A_68, %cond3A_69 : i32
    scf.if %cond3A_70 {
      "tpu.region"() ({
        %run_scoped3A = tpu.sem_alloc : memref<!tpu.dma_semaphore, #tpu.memory_space<semaphore_mem>>
        %dma_start3A = arith.constant 0 : i32
        %dma_start3A_95 = tpu.memref_slice %arg8[%add3A_60, %dma_start3A] : memref<10112x128xf32, #tpu.memory_space<hbm>> -> memref<128x128xf32, #tpu.memory_space<hbm>>
        %dma_start3A_96 = arith.constant 0 : i32
        %dma_start3A_97 = tpu.memref_slice %arg8[%add3A_60, %dma_start3A_96] : memref<10112x128xf32, #tpu.memory_space<hbm>> -> memref<128x128xf32, #tpu.memory_space<hbm>>
        tpu.enqueue_dma source(%arg11 : memref<128x128xf32, #tpu.memory_space<vmem>>) target(%dma_start3A_97 : memref<128x128xf32, #tpu.memory_space<hbm>>) target_semaphore(%run_scoped3A : memref<!tpu.dma_semaphore, #tpu.memory_space<semaphore_mem>>)
        %dma_wait3A = arith.constant 0 : i32
        %dma_wait3A_98 = tpu.memref_slice %arg8[%add3A_60, %dma_wait3A] : memref<10112x128xf32, #tpu.memory_space<hbm>> -> memref<128x128xf32, #tpu.memory_space<hbm>>
        %dma_wait3A_99 = arith.constant 0 : i32
        %dma_wait3A_100 = tpu.memref_slice %arg8[%add3A_60, %dma_wait3A_99] : memref<10112x128xf32, #tpu.memory_space<hbm>> -> memref<128x128xf32, #tpu.memory_space<hbm>>
        tpu.wait_dma2 semaphore(%run_scoped3A : memref<!tpu.dma_semaphore, #tpu.memory_space<semaphore_mem>>) src(%arg11 : memref<128x128xf32, #tpu.memory_space<vmem>>) dst(%dma_wait3A_100 : memref<128x128xf32, #tpu.memory_space<hbm>>)
        tpu.yield
      }) : () -> ()
    } else {
    }
    %add3A_71 = arith.constant 384 : i32
    %add3A_72 = arith.addi %mul3A_0, %add3A_71 : i32
    "tpu.region"() ({
      %run_scoped3A = tpu.sem_alloc : memref<!tpu.dma_semaphore, #tpu.memory_space<semaphore_mem>>
      %dma_start3A = arith.constant 0 : i32
      %dma_start3A_95 = tpu.memref_slice %arg12[%add3A_72, %dma_start3A] : memref<10112x128xf32, #tpu.memory_space<vmem_shared>> -> memref<128x128xf32, #tpu.memory_space<vmem_shared>>
      %dma_start3A_96 = arith.constant 0 : i32
      %dma_start3A_97 = tpu.memref_slice %arg12[%add3A_72, %dma_start3A_96] : memref<10112x128xf32, #tpu.memory_space<vmem_shared>> -> memref<128x128xf32, #tpu.memory_space<vmem_shared>>
      tpu.enqueue_dma source(%dma_start3A_97 : memref<128x128xf32, #tpu.memory_space<vmem_shared>>) target(%arg11 : memref<128x128xf32, #tpu.memory_space<vmem>>) target_semaphore(%run_scoped3A : memref<!tpu.dma_semaphore, #tpu.memory_space<semaphore_mem>>)
      %dma_wait3A = arith.constant 0 : i32
      %dma_wait3A_98 = tpu.memref_slice %arg12[%add3A_72, %dma_wait3A] : memref<10112x128xf32, #tpu.memory_space<vmem_shared>> -> memref<128x128xf32, #tpu.memory_space<vmem_shared>>
      %dma_wait3A_99 = arith.constant 0 : i32
      %dma_wait3A_100 = tpu.memref_slice %arg12[%add3A_72, %dma_wait3A_99] : memref<10112x128xf32, #tpu.memory_space<vmem_shared>> -> memref<128x128xf32, #tpu.memory_space<vmem_shared>>
      tpu.wait_dma2 semaphore(%run_scoped3A : memref<!tpu.dma_semaphore, #tpu.memory_space<semaphore_mem>>) src(%dma_wait3A_100 : memref<128x128xf32, #tpu.memory_space<vmem_shared>>) dst(%arg11 : memref<128x128xf32, #tpu.memory_space<vmem>>)
      tpu.yield
    }) : () -> ()
    %eq3A_73 = arith.constant 0 : i32
    %eq3A_74 = arith.cmpi eq, %arg0, %eq3A_73 : i32
    %convert_element_type3A_75 = arith.extui %eq3A_74 : i1 to i32
    %cond3A_76 = arith.constant 0 : i32
    %cond3A_77 = arith.cmpi ne, %convert_element_type3A_75, %cond3A_76 : i32
    scf.if %cond3A_77 {
      "tpu.region"() ({
        %run_scoped3A = tpu.sem_alloc : memref<!tpu.dma_semaphore, #tpu.memory_space<semaphore_mem>>
        %dma_start3A = arith.constant 0 : i32
        %dma_start3A_95 = tpu.memref_slice %arg7[%add3A_72, %dma_start3A] : memref<10112x128xf32, #tpu.memory_space<hbm>> -> memref<128x128xf32, #tpu.memory_space<hbm>>
        %dma_start3A_96 = arith.constant 0 : i32
        %dma_start3A_97 = tpu.memref_slice %arg7[%add3A_72, %dma_start3A_96] : memref<10112x128xf32, #tpu.memory_space<hbm>> -> memref<128x128xf32, #tpu.memory_space<hbm>>
        tpu.enqueue_dma source(%arg11 : memref<128x128xf32, #tpu.memory_space<vmem>>) target(%dma_start3A_97 : memref<128x128xf32, #tpu.memory_space<hbm>>) target_semaphore(%run_scoped3A : memref<!tpu.dma_semaphore, #tpu.memory_space<semaphore_mem>>)
        %dma_wait3A = arith.constant 0 : i32
        %dma_wait3A_98 = tpu.memref_slice %arg7[%add3A_72, %dma_wait3A] : memref<10112x128xf32, #tpu.memory_space<hbm>> -> memref<128x128xf32, #tpu.memory_space<hbm>>
        %dma_wait3A_99 = arith.constant 0 : i32
        %dma_wait3A_100 = tpu.memref_slice %arg7[%add3A_72, %dma_wait3A_99] : memref<10112x128xf32, #tpu.memory_space<hbm>> -> memref<128x128xf32, #tpu.memory_space<hbm>>
        tpu.wait_dma2 semaphore(%run_scoped3A : memref<!tpu.dma_semaphore, #tpu.memory_space<semaphore_mem>>) src(%arg11 : memref<128x128xf32, #tpu.memory_space<vmem>>) dst(%dma_wait3A_100 : memref<128x128xf32, #tpu.memory_space<hbm>>)
        tpu.yield
      }) : () -> ()
    } else {
    }
    %eq3A_78 = arith.constant 1 : i32
    %eq3A_79 = arith.cmpi eq, %arg0, %eq3A_78 : i32
    %convert_element_type3A_80 = arith.extui %eq3A_79 : i1 to i32
    %cond3A_81 = arith.constant 0 : i32
    %cond3A_82 = arith.cmpi ne, %convert_element_type3A_80, %cond3A_81 : i32
    scf.if %cond3A_82 {
      "tpu.region"() ({
        %run_scoped3A = tpu.sem_alloc : memref<!tpu.dma_semaphore, #tpu.memory_space<semaphore_mem>>
        %dma_start3A = arith.constant 0 : i32
        %dma_start3A_95 = tpu.memref_slice %arg8[%add3A_72, %dma_start3A] : memref<10112x128xf32, #tpu.memory_space<hbm>> -> memref<128x128xf32, #tpu.memory_space<hbm>>
        %dma_start3A_96 = arith.constant 0 : i32
        %dma_start3A_97 = tpu.memref_slice %arg8[%add3A_72, %dma_start3A_96] : memref<10112x128xf32, #tpu.memory_space<hbm>> -> memref<128x128xf32, #tpu.memory_space<hbm>>
        tpu.enqueue_dma source(%arg11 : memref<128x128xf32, #tpu.memory_space<vmem>>) target(%dma_start3A_97 : memref<128x128xf32, #tpu.memory_space<hbm>>) target_semaphore(%run_scoped3A : memref<!tpu.dma_semaphore, #tpu.memory_space<semaphore_mem>>)
        %dma_wait3A = arith.constant 0 : i32
        %dma_wait3A_98 = tpu.memref_slice %arg8[%add3A_72, %dma_wait3A] : memref<10112x128xf32, #tpu.memory_space<hbm>> -> memref<128x128xf32, #tpu.memory_space<hbm>>
        %dma_wait3A_99 = arith.constant 0 : i32
        %dma_wait3A_100 = tpu.memref_slice %arg8[%add3A_72, %dma_wait3A_99] : memref<10112x128xf32, #tpu.memory_space<hbm>> -> memref<128x128xf32, #tpu.memory_space<hbm>>
        tpu.wait_dma2 semaphore(%run_scoped3A : memref<!tpu.dma_semaphore, #tpu.memory_space<semaphore_mem>>) src(%arg11 : memref<128x128xf32, #tpu.memory_space<vmem>>) dst(%dma_wait3A_100 : memref<128x128xf32, #tpu.memory_space<hbm>>)
        tpu.yield
      }) : () -> ()
    } else {
    }
    %add3A_83 = arith.constant 512 : i32
    %add3A_84 = arith.addi %mul3A_0, %add3A_83 : i32
    "tpu.region"() ({
      %run_scoped3A = tpu.sem_alloc : memref<!tpu.dma_semaphore, #tpu.memory_space<semaphore_mem>>
      %dma_start3A = arith.constant 0 : i32
      %dma_start3A_95 = arith.constant 0 : i32
      %dma_start3A_96 = tpu.memref_slice %arg11[%dma_start3A, %dma_start3A_95] : memref<128x128xf32, #tpu.memory_space<vmem>> -> memref<120x128xf32, #tpu.memory_space<vmem>>
      %dma_start3A_97 = arith.constant 0 : i32
      %dma_start3A_98 = tpu.memref_slice %arg12[%add3A_84, %dma_start3A_97] : memref<10112x128xf32, #tpu.memory_space<vmem_shared>> -> memref<120x128xf32, #tpu.memory_space<vmem_shared>>
      %dma_start3A_99 = arith.constant 0 : i32
      %dma_start3A_100 = arith.constant 0 : i32
      %dma_start3A_101 = tpu.memref_slice %arg11[%dma_start3A_99, %dma_start3A_100] : memref<128x128xf32, #tpu.memory_space<vmem>> -> memref<120x128xf32, #tpu.memory_space<vmem>>
      %dma_start3A_102 = arith.constant 0 : i32
      %dma_start3A_103 = tpu.memref_slice %arg12[%add3A_84, %dma_start3A_102] : memref<10112x128xf32, #tpu.memory_space<vmem_shared>> -> memref<120x128xf32, #tpu.memory_space<vmem_shared>>
      tpu.enqueue_dma source(%dma_start3A_103 : memref<120x128xf32, #tpu.memory_space<vmem_shared>>) target(%dma_start3A_101 : memref<120x128xf32, #tpu.memory_space<vmem>>) target_semaphore(%run_scoped3A : memref<!tpu.dma_semaphore, #tpu.memory_space<semaphore_mem>>)
      %dma_wait3A = arith.constant 0 : i32
      %dma_wait3A_104 = arith.constant 0 : i32
      %dma_wait3A_105 = tpu.memref_slice %arg11[%dma_wait3A, %dma_wait3A_104] : memref<128x128xf32, #tpu.memory_space<vmem>> -> memref<120x128xf32, #tpu.memory_space<vmem>>
      %dma_wait3A_106 = arith.constant 0 : i32
      %dma_wait3A_107 = tpu.memref_slice %arg12[%add3A_84, %dma_wait3A_106] : memref<10112x128xf32, #tpu.memory_space<vmem_shared>> -> memref<120x128xf32, #tpu.memory_space<vmem_shared>>
      %dma_wait3A_108 = arith.constant 0 : i32
      %dma_wait3A_109 = arith.constant 0 : i32
      %dma_wait3A_110 = tpu.memref_slice %arg11[%dma_wait3A_108, %dma_wait3A_109] : memref<128x128xf32, #tpu.memory_space<vmem>> -> memref<120x128xf32, #tpu.memory_space<vmem>>
      %dma_wait3A_111 = arith.constant 0 : i32
      %dma_wait3A_112 = tpu.memref_slice %arg12[%add3A_84, %dma_wait3A_111] : memref<10112x128xf32, #tpu.memory_space<vmem_shared>> -> memref<120x128xf32, #tpu.memory_space<vmem_shared>>
      tpu.wait_dma2 semaphore(%run_scoped3A : memref<!tpu.dma_semaphore, #tpu.memory_space<semaphore_mem>>) src(%dma_wait3A_112 : memref<120x128xf32, #tpu.memory_space<vmem_shared>>) dst(%dma_wait3A_110 : memref<120x128xf32, #tpu.memory_space<vmem>>)
      tpu.yield
    }) : () -> ()
    %eq3A_85 = arith.constant 0 : i32
    %eq3A_86 = arith.cmpi eq, %arg0, %eq3A_85 : i32
    %convert_element_type3A_87 = arith.extui %eq3A_86 : i1 to i32
    %cond3A_88 = arith.constant 0 : i32
    %cond3A_89 = arith.cmpi ne, %convert_element_type3A_87, %cond3A_88 : i32
    scf.if %cond3A_89 {
      "tpu.region"() ({
        %run_scoped3A = tpu.sem_alloc : memref<!tpu.dma_semaphore, #tpu.memory_space<semaphore_mem>>
        %dma_start3A = arith.constant 0 : i32
        %dma_start3A_95 = arith.constant 0 : i32
        %dma_start3A_96 = tpu.memref_slice %arg11[%dma_start3A, %dma_start3A_95] : memref<128x128xf32, #tpu.memory_space<vmem>> -> memref<120x128xf32, #tpu.memory_space<vmem>>
        %dma_start3A_97 = arith.constant 0 : i32
        %dma_start3A_98 = tpu.memref_slice %arg7[%add3A_84, %dma_start3A_97] : memref<10112x128xf32, #tpu.memory_space<hbm>> -> memref<120x128xf32, #tpu.memory_space<hbm>>
        %dma_start3A_99 = arith.constant 0 : i32
        %dma_start3A_100 = tpu.memref_slice %arg7[%add3A_84, %dma_start3A_99] : memref<10112x128xf32, #tpu.memory_space<hbm>> -> memref<120x128xf32, #tpu.memory_space<hbm>>
        %dma_start3A_101 = arith.constant 0 : i32
        %dma_start3A_102 = arith.constant 0 : i32
        %dma_start3A_103 = tpu.memref_slice %arg11[%dma_start3A_101, %dma_start3A_102] : memref<128x128xf32, #tpu.memory_space<vmem>> -> memref<120x128xf32, #tpu.memory_space<vmem>>
        tpu.enqueue_dma source(%dma_start3A_103 : memref<120x128xf32, #tpu.memory_space<vmem>>) target(%dma_start3A_100 : memref<120x128xf32, #tpu.memory_space<hbm>>) target_semaphore(%run_scoped3A : memref<!tpu.dma_semaphore, #tpu.memory_space<semaphore_mem>>)
        %dma_wait3A = arith.constant 0 : i32
        %dma_wait3A_104 = arith.constant 0 : i32
        %dma_wait3A_105 = tpu.memref_slice %arg11[%dma_wait3A, %dma_wait3A_104] : memref<128x128xf32, #tpu.memory_space<vmem>> -> memref<120x128xf32, #tpu.memory_space<vmem>>
        %dma_wait3A_106 = arith.constant 0 : i32
        %dma_wait3A_107 = tpu.memref_slice %arg7[%add3A_84, %dma_wait3A_106] : memref<10112x128xf32, #tpu.memory_space<hbm>> -> memref<120x128xf32, #tpu.memory_space<hbm>>
        %dma_wait3A_108 = arith.constant 0 : i32
        %dma_wait3A_109 = tpu.memref_slice %arg7[%add3A_84, %dma_wait3A_108] : memref<10112x128xf32, #tpu.memory_space<hbm>> -> memref<120x128xf32, #tpu.memory_space<hbm>>
        %dma_wait3A_110 = arith.constant 0 : i32
        %dma_wait3A_111 = arith.constant 0 : i32
        %dma_wait3A_112 = tpu.memref_slice %arg11[%dma_wait3A_110, %dma_wait3A_111] : memref<128x128xf32, #tpu.memory_space<vmem>> -> memref<120x128xf32, #tpu.memory_space<vmem>>
        tpu.wait_dma2 semaphore(%run_scoped3A : memref<!tpu.dma_semaphore, #tpu.memory_space<semaphore_mem>>) src(%dma_wait3A_112 : memref<120x128xf32, #tpu.memory_space<vmem>>) dst(%dma_wait3A_109 : memref<120x128xf32, #tpu.memory_space<hbm>>)
        tpu.yield
      }) : () -> ()
    } else {
    }
    %eq3A_90 = arith.constant 1 : i32
    %eq3A_91 = arith.cmpi eq, %arg0, %eq3A_90 : i32
    %convert_element_type3A_92 = arith.extui %eq3A_91 : i1 to i32
    %cond3A_93 = arith.constant 0 : i32
    %cond3A_94 = arith.cmpi ne, %convert_element_type3A_92, %cond3A_93 : i32
    scf.if %cond3A_94 {
      "tpu.region"() ({
        %run_scoped3A = tpu.sem_alloc : memref<!tpu.dma_semaphore, #tpu.memory_space<semaphore_mem>>
        %dma_start3A = arith.constant 0 : i32
        %dma_start3A_95 = arith.constant 0 : i32
        %dma_start3A_96 = tpu.memref_slice %arg11[%dma_start3A, %dma_start3A_95] : memref<128x128xf32, #tpu.memory_space<vmem>> -> memref<120x128xf32, #tpu.memory_space<vmem>>
        %dma_start3A_97 = arith.constant 0 : i32
        %dma_start3A_98 = tpu.memref_slice %arg8[%add3A_84, %dma_start3A_97] : memref<10112x128xf32, #tpu.memory_space<hbm>> -> memref<120x128xf32, #tpu.memory_space<hbm>>
        %dma_start3A_99 = arith.constant 0 : i32
        %dma_start3A_100 = tpu.memref_slice %arg8[%add3A_84, %dma_start3A_99] : memref<10112x128xf32, #tpu.memory_space<hbm>> -> memref<120x128xf32, #tpu.memory_space<hbm>>
        %dma_start3A_101 = arith.constant 0 : i32
        %dma_start3A_102 = arith.constant 0 : i32
        %dma_start3A_103 = tpu.memref_slice %arg11[%dma_start3A_101, %dma_start3A_102] : memref<128x128xf32, #tpu.memory_space<vmem>> -> memref<120x128xf32, #tpu.memory_space<vmem>>
        tpu.enqueue_dma source(%dma_start3A_103 : memref<120x128xf32, #tpu.memory_space<vmem>>) target(%dma_start3A_100 : memref<120x128xf32, #tpu.memory_space<hbm>>) target_semaphore(%run_scoped3A : memref<!tpu.dma_semaphore, #tpu.memory_space<semaphore_mem>>)
        %dma_wait3A = arith.constant 0 : i32
        %dma_wait3A_104 = arith.constant 0 : i32
        %dma_wait3A_105 = tpu.memref_slice %arg11[%dma_wait3A, %dma_wait3A_104] : memref<128x128xf32, #tpu.memory_space<vmem>> -> memref<120x128xf32, #tpu.memory_space<vmem>>
        %dma_wait3A_106 = arith.constant 0 : i32
        %dma_wait3A_107 = tpu.memref_slice %arg8[%add3A_84, %dma_wait3A_106] : memref<10112x128xf32, #tpu.memory_space<hbm>> -> memref<120x128xf32, #tpu.memory_space<hbm>>
        %dma_wait3A_108 = arith.constant 0 : i32
        %dma_wait3A_109 = tpu.memref_slice %arg8[%add3A_84, %dma_wait3A_108] : memref<10112x128xf32, #tpu.memory_space<hbm>> -> memref<120x128xf32, #tpu.memory_space<hbm>>
        %dma_wait3A_110 = arith.constant 0 : i32
        %dma_wait3A_111 = arith.constant 0 : i32
        %dma_wait3A_112 = tpu.memref_slice %arg11[%dma_wait3A_110, %dma_wait3A_111] : memref<128x128xf32, #tpu.memory_space<vmem>> -> memref<120x128xf32, #tpu.memory_space<vmem>>
        tpu.wait_dma2 semaphore(%run_scoped3A : memref<!tpu.dma_semaphore, #tpu.memory_space<semaphore_mem>>) src(%dma_wait3A_112 : memref<120x128xf32, #tpu.memory_space<vmem>>) dst(%dma_wait3A_109 : memref<120x128xf32, #tpu.memory_space<hbm>>)
        tpu.yield
      }) : () -> ()
    } else {
    }
    return
  }
}

#map = affine_map<(d0, d1) -> (0, 0)>
#map1 = affine_map<(d0, d1) -> (0, 0, 0)>
module attributes {stable_mosaic.version = 14 : i64} {
  func.func @_sc_body(%arg0: i32, %arg1: i32, %arg2: memref<10112x128xf32, #tpu.memory_space<hbm>>, %arg3: memref<16x122x128xi32, #tpu.memory_space<hbm>>, %arg4: memref<16x122x128xi32, #tpu.memory_space<hbm>>, %arg5: memref<16x36x128xi32, #tpu.memory_space<hbm>>, %arg6: memref<16x36x128xi32, #tpu.memory_space<hbm>>, %arg7: memref<10112x128xf32, #tpu.memory_space<hbm>>, %arg8: memref<10112x128xf32, #tpu.memory_space<hbm>>, %arg9: memref<122x128xi32, #tpu.memory_space<vmem>>, %arg10: memref<122x128xi32, #tpu.memory_space<vmem>>, %arg11: memref<128x128xf32, #tpu.memory_space<vmem>>, %arg12: memref<10112x128xf32, #tpu.memory_space<vmem_shared>>) attributes {dimension_semantics = [#tpu.dimension_semantics<core_parallel>, #tpu.dimension_semantics<subcore_parallel>], iteration_bounds = array<i64: 2, 16>, scalar_prefetch = 0 : i64, scratch_operands = 4 : i64, tpu.core_type = #tpu.core_type<sc_vector_subcore>, window_params = [{transform_indices = #map}, {transform_indices = #map1}, {transform_indices = #map1}, {transform_indices = #map1}, {transform_indices = #map1}, {transform_indices = #map}, {transform_indices = #map}]} {
    %mul3A = arith.constant 632 : i32
    %mul3A_0 = arith.muli %arg1, %mul3A : i32
    %scan3A = arith.constant 0 : i32
    %scan3A_1 = arith.constant 0 : i32
    %scan3A_2 = arith.constant 128 : i32
    %scan3A_3 = arith.addi %scan3A_1, %scan3A_2 : i32
    %scan3A_4 = arith.constant 1 : i32
    scf.for %scan3A_95 = %scan3A_1 to %scan3A_3 step %scan3A_4  : i32 {
      %broadcast_in_dim3A = arith.constant 0.000000e+00 : f32
      %broadcast_in_dim3A_96 = vector.broadcast %broadcast_in_dim3A : f32 to vector<16xf32>
      %swap3A = arith.index_cast %scan3A_95 : i32 to index
      %swap3A_97 = arith.constant 0 : index
      %swap3A_98 = tpu.vector_load %arg11[%swap3A, %swap3A_97] {strides = array<i32>} : memref<128x128xf32, #tpu.memory_space<vmem>>, vector<1x16xf32>,
      %swap3A_99 = vector.shape_cast %swap3A_98 : vector<1x16xf32> to vector<16xf32>
      %swap3A_100 = vector.shape_cast %broadcast_in_dim3A_96 : vector<16xf32> to vector<1x16xf32>
      tpu.vector_store %arg11[%swap3A, %swap3A_97], %swap3A_100 {strides = array<i32>} : memref<128x128xf32, #tpu.memory_space<vmem>>, vector<1x16xf32>,
      %broadcast_in_dim3A_101 = arith.constant 0.000000e+00 : f32
      %broadcast_in_dim3A_102 = vector.broadcast %broadcast_in_dim3A_101 : f32 to vector<16xf32>
      %swap3A_103 = arith.index_cast %scan3A_95 : i32 to index
      %swap3A_104 = arith.constant 16 : index
      %swap3A_105 = tpu.vector_load %arg11[%swap3A_103, %swap3A_104] {strides = array<i32>} : memref<128x128xf32, #tpu.memory_space<vmem>>, vector<1x16xf32>,
      %swap3A_106 = vector.shape_cast %swap3A_105 : vector<1x16xf32> to vector<16xf32>
      %swap3A_107 = vector.shape_cast %broadcast_in_dim3A_102 : vector<16xf32> to vector<1x16xf32>
      tpu.vector_store %arg11[%swap3A_103, %swap3A_104], %swap3A_107 {strides = array<i32>} : memref<128x128xf32, #tpu.memory_space<vmem>>, vector<1x16xf32>,
      %broadcast_in_dim3A_108 = arith.constant 0.000000e+00 : f32
      %broadcast_in_dim3A_109 = vector.broadcast %broadcast_in_dim3A_108 : f32 to vector<16xf32>
      %swap3A_110 = arith.index_cast %scan3A_95 : i32 to index
      %swap3A_111 = arith.constant 32 : index
      %swap3A_112 = tpu.vector_load %arg11[%swap3A_110, %swap3A_111] {strides = array<i32>} : memref<128x128xf32, #tpu.memory_space<vmem>>, vector<1x16xf32>,
      %swap3A_113 = vector.shape_cast %swap3A_112 : vector<1x16xf32> to vector<16xf32>
      %swap3A_114 = vector.shape_cast %broadcast_in_dim3A_109 : vector<16xf32> to vector<1x16xf32>
      tpu.vector_store %arg11[%swap3A_110, %swap3A_111], %swap3A_114 {strides = array<i32>} : memref<128x128xf32, #tpu.memory_space<vmem>>, vector<1x16xf32>,
      %broadcast_in_dim3A_115 = arith.constant 0.000000e+00 : f32
      %broadcast_in_dim3A_116 = vector.broadcast %broadcast_in_dim3A_115 : f32 to vector<16xf32>
      %swap3A_117 = arith.index_cast %scan3A_95 : i32 to index
      %swap3A_118 = arith.constant 48 : index
      %swap3A_119 = tpu.vector_load %arg11[%swap3A_117, %swap3A_118] {strides = array<i32>} : memref<128x128xf32, #tpu.memory_space<vmem>>, vector<1x16xf32>,
      %swap3A_120 = vector.shape_cast %swap3A_119 : vector<1x16xf32> to vector<16xf32>
      %swap3A_121 = vector.shape_cast %broadcast_in_dim3A_116 : vector<16xf32> to vector<1x16xf32>
      tpu.vector_store %arg11[%swap3A_117, %swap3A_118], %swap3A_121 {strides = array<i32>} : memref<128x128xf32, #tpu.memory_space<vmem>>, vector<1x16xf32>,
      %broadcast_in_dim3A_122 = arith.constant 0.000000e+00 : f32
      %broadcast_in_dim3A_123 = vector.broadcast %broadcast_in_dim3A_122 : f32 to vector<16xf32>
      %swap3A_124 = arith.index_cast %scan3A_95 : i32 to index
      %swap3A_125 = arith.constant 64 : index
      %swap3A_126 = tpu.vector_load %arg11[%swap3A_124, %swap3A_125] {strides = array<i32>} : memref<128x128xf32, #tpu.memory_space<vmem>>, vector<1x16xf32>,
      %swap3A_127 = vector.shape_cast %swap3A_126 : vector<1x16xf32> to vector<16xf32>
      %swap3A_128 = vector.shape_cast %broadcast_in_dim3A_123 : vector<16xf32> to vector<1x16xf32>
      tpu.vector_store %arg11[%swap3A_124, %swap3A_125], %swap3A_128 {strides = array<i32>} : memref<128x128xf32, #tpu.memory_space<vmem>>, vector<1x16xf32>,
      %broadcast_in_dim3A_129 = arith.constant 0.000000e+00 : f32
      %broadcast_in_dim3A_130 = vector.broadcast %broadcast_in_dim3A_129 : f32 to vector<16xf32>
      %swap3A_131 = arith.index_cast %scan3A_95 : i32 to index
      %swap3A_132 = arith.constant 80 : index
      %swap3A_133 = tpu.vector_load %arg11[%swap3A_131, %swap3A_132] {strides = array<i32>} : memref<128x128xf32, #tpu.memory_space<vmem>>, vector<1x16xf32>,
      %swap3A_134 = vector.shape_cast %swap3A_133 : vector<1x16xf32> to vector<16xf32>
      %swap3A_135 = vector.shape_cast %broadcast_in_dim3A_130 : vector<16xf32> to vector<1x16xf32>
      tpu.vector_store %arg11[%swap3A_131, %swap3A_132], %swap3A_135 {strides = array<i32>} : memref<128x128xf32, #tpu.memory_space<vmem>>, vector<1x16xf32>,
      %broadcast_in_dim3A_136 = arith.constant 0.000000e+00 : f32
      %broadcast_in_dim3A_137 = vector.broadcast %broadcast_in_dim3A_136 : f32 to vector<16xf32>
      %swap3A_138 = arith.index_cast %scan3A_95 : i32 to index
      %swap3A_139 = arith.constant 96 : index
      %swap3A_140 = tpu.vector_load %arg11[%swap3A_138, %swap3A_139] {strides = array<i32>} : memref<128x128xf32, #tpu.memory_space<vmem>>, vector<1x16xf32>,
      %swap3A_141 = vector.shape_cast %swap3A_140 : vector<1x16xf32> to vector<16xf32>
      %swap3A_142 = vector.shape_cast %broadcast_in_dim3A_137 : vector<16xf32> to vector<1x16xf32>
      tpu.vector_store %arg11[%swap3A_138, %swap3A_139], %swap3A_142 {strides = array<i32>} : memref<128x128xf32, #tpu.memory_space<vmem>>, vector<1x16xf32>,
      %broadcast_in_dim3A_143 = arith.constant 0.000000e+00 : f32
      %broadcast_in_dim3A_144 = vector.broadcast %broadcast_in_dim3A_143 : f32 to vector<16xf32>
      %swap3A_145 = arith.index_cast %scan3A_95 : i32 to index
      %swap3A_146 = arith.constant 112 : index
      %swap3A_147 = tpu.vector_load %arg11[%swap3A_145, %swap3A_146] {strides = array<i32>} : memref<128x128xf32, #tpu.memory_space<vmem>>, vector<1x16xf32>,
      %swap3A_148 = vector.shape_cast %swap3A_147 : vector<1x16xf32> to vector<16xf32>
      %swap3A_149 = vector.shape_cast %broadcast_in_dim3A_144 : vector<16xf32> to vector<1x16xf32>
      tpu.vector_store %arg11[%swap3A_145, %swap3A_146], %swap3A_149 {strides = array<i32>} : memref<128x128xf32, #tpu.memory_space<vmem>>, vector<1x16xf32>,
    }
    %scan3A_5 = arith.constant 128 : i32
    %add3A = arith.constant 0 : i32
    %add3A_6 = arith.addi %mul3A_0, %add3A : i32
    "tpu.region"() ({
      %run_scoped3A = tpu.sem_alloc : memref<!tpu.dma_semaphore, #tpu.memory_space<semaphore_mem>>
      %dma_start3A = arith.constant 0 : i32
      %dma_start3A_95 = tpu.memref_slice %arg12[%add3A_6, %dma_start3A] : memref<10112x128xf32, #tpu.memory_space<vmem_shared>> -> memref<128x128xf32, #tpu.memory_space<vmem_shared>>
      %dma_start3A_96 = arith.constant 0 : i32
      %dma_start3A_97 = tpu.memref_slice %arg12[%add3A_6, %dma_start3A_96] : memref<10112x128xf32, #tpu.memory_space<vmem_shared>> -> memref<128x128xf32, #tpu.memory_space<vmem_shared>>
      tpu.enqueue_dma source(%arg11 : memref<128x128xf32, #tpu.memory_space<vmem>>) target(%dma_start3A_97 : memref<128x128xf32, #tpu.memory_space<vmem_shared>>) target_semaphore(%run_scoped3A : memref<!tpu.dma_semaphore, #tpu.memory_space<semaphore_mem>>)
      %dma_wait3A = arith.constant 0 : i32
      %dma_wait3A_98 = tpu.memref_slice %arg12[%add3A_6, %dma_wait3A] : memref<10112x128xf32, #tpu.memory_space<vmem_shared>> -> memref<128x128xf32, #tpu.memory_space<vmem_shared>>
      %dma_wait3A_99 = arith.constant 0 : i32
      %dma_wait3A_100 = tpu.memref_slice %arg12[%add3A_6, %dma_wait3A_99] : memref<10112x128xf32, #tpu.memory_space<vmem_shared>> -> memref<128x128xf32, #tpu.memory_space<vmem_shared>>
      tpu.wait_dma2 semaphore(%run_scoped3A : memref<!tpu.dma_semaphore, #tpu.memory_space<semaphore_mem>>) src(%arg11 : memref<128x128xf32, #tpu.memory_space<vmem>>) dst(%dma_wait3A_100 : memref<128x128xf32, #tpu.memory_space<vmem_shared>>)
      tpu.yield
    }) : () -> ()
    %add3A_7 = arith.constant 128 : i32
    %add3A_8 = arith.addi %mul3A_0, %add3A_7 : i32
    "tpu.region"() ({
      %run_scoped3A = tpu.sem_alloc : memref<!tpu.dma_semaphore, #tpu.memory_space<semaphore_mem>>
      %dma_start3A = arith.constant 0 : i32
      %dma_start3A_95 = tpu.memref_slice %arg12[%add3A_8, %dma_start3A] : memref<10112x128xf32, #tpu.memory_space<vmem_shared>> -> memref<128x128xf32, #tpu.memory_space<vmem_shared>>
      %dma_start3A_96 = arith.constant 0 : i32
      %dma_start3A_97 = tpu.memref_slice %arg12[%add3A_8, %dma_start3A_96] : memref<10112x128xf32, #tpu.memory_space<vmem_shared>> -> memref<128x128xf32, #tpu.memory_space<vmem_shared>>
      tpu.enqueue_dma source(%arg11 : memref<128x128xf32, #tpu.memory_space<vmem>>) target(%dma_start3A_97 : memref<128x128xf32, #tpu.memory_space<vmem_shared>>) target_semaphore(%run_scoped3A : memref<!tpu.dma_semaphore, #tpu.memory_space<semaphore_mem>>)
      %dma_wait3A = arith.constant 0 : i32
      %dma_wait3A_98 = tpu.memref_slice %arg12[%add3A_8, %dma_wait3A] : memref<10112x128xf32, #tpu.memory_space<vmem_shared>> -> memref<128x128xf32, #tpu.memory_space<vmem_shared>>
      %dma_wait3A_99 = arith.constant 0 : i32
      %dma_wait3A_100 = tpu.memref_slice %arg12[%add3A_8, %dma_wait3A_99] : memref<10112x128xf32, #tpu.memory_space<vmem_shared>> -> memref<128x128xf32, #tpu.memory_space<vmem_shared>>
      tpu.wait_dma2 semaphore(%run_scoped3A : memref<!tpu.dma_semaphore, #tpu.memory_space<semaphore_mem>>) src(%arg11 : memref<128x128xf32, #tpu.memory_space<vmem>>) dst(%dma_wait3A_100 : memref<128x128xf32, #tpu.memory_space<vmem_shared>>)
      tpu.yield
    }) : () -> ()
    %add3A_9 = arith.constant 256 : i32
    %add3A_10 = arith.addi %mul3A_0, %add3A_9 : i32
    "tpu.region"() ({
      %run_scoped3A = tpu.sem_alloc : memref<!tpu.dma_semaphore, #tpu.memory_space<semaphore_mem>>
      %dma_start3A = arith.constant 0 : i32
      %dma_start3A_95 = tpu.memref_slice %arg12[%add3A_10, %dma_start3A] : memref<10112x128xf32, #tpu.memory_space<vmem_shared>> -> memref<128x128xf32, #tpu.memory_space<vmem_shared>>
      %dma_start3A_96 = arith.constant 0 : i32
      %dma_start3A_97 = tpu.memref_slice %arg12[%add3A_10, %dma_start3A_96] : memref<10112x128xf32, #tpu.memory_space<vmem_shared>> -> memref<128x128xf32, #tpu.memory_space<vmem_shared>>
      tpu.enqueue_dma source(%arg11 : memref<128x128xf32, #tpu.memory_space<vmem>>) target(%dma_start3A_97 : memref<128x128xf32, #tpu.memory_space<vmem_shared>>) target_semaphore(%run_scoped3A : memref<!tpu.dma_semaphore, #tpu.memory_space<semaphore_mem>>)
      %dma_wait3A = arith.constant 0 : i32
      %dma_wait3A_98 = tpu.memref_slice %arg12[%add3A_10, %dma_wait3A] : memref<10112x128xf32, #tpu.memory_space<vmem_shared>> -> memref<128x128xf32, #tpu.memory_space<vmem_shared>>
      %dma_wait3A_99 = arith.constant 0 : i32
      %dma_wait3A_100 = tpu.memref_slice %arg12[%add3A_10, %dma_wait3A_99] : memref<10112x128xf32, #tpu.memory_space<vmem_shared>> -> memref<128x128xf32, #tpu.memory_space<vmem_shared>>
      tpu.wait_dma2 semaphore(%run_scoped3A : memref<!tpu.dma_semaphore, #tpu.memory_space<semaphore_mem>>) src(%arg11 : memref<128x128xf32, #tpu.memory_space<vmem>>) dst(%dma_wait3A_100 : memref<128x128xf32, #tpu.memory_space<vmem_shared>>)
      tpu.yield
    }) : () -> ()
    %add3A_11 = arith.constant 384 : i32
    %add3A_12 = arith.addi %mul3A_0, %add3A_11 : i32
    "tpu.region"() ({
      %run_scoped3A = tpu.sem_alloc : memref<!tpu.dma_semaphore, #tpu.memory_space<semaphore_mem>>
      %dma_start3A = arith.constant 0 : i32
      %dma_start3A_95 = tpu.memref_slice %arg12[%add3A_12, %dma_start3A] : memref<10112x128xf32, #tpu.memory_space<vmem_shared>> -> memref<128x128xf32, #tpu.memory_space<vmem_shared>>
      %dma_start3A_96 = arith.constant 0 : i32
      %dma_start3A_97 = tpu.memref_slice %arg12[%add3A_12, %dma_start3A_96] : memref<10112x128xf32, #tpu.memory_space<vmem_shared>> -> memref<128x128xf32, #tpu.memory_space<vmem_shared>>
      tpu.enqueue_dma source(%arg11 : memref<128x128xf32, #tpu.memory_space<vmem>>) target(%dma_start3A_97 : memref<128x128xf32, #tpu.memory_space<vmem_shared>>) target_semaphore(%run_scoped3A : memref<!tpu.dma_semaphore, #tpu.memory_space<semaphore_mem>>)
      %dma_wait3A = arith.constant 0 : i32
      %dma_wait3A_98 = tpu.memref_slice %arg12[%add3A_12, %dma_wait3A] : memref<10112x128xf32, #tpu.memory_space<vmem_shared>> -> memref<128x128xf32, #tpu.memory_space<vmem_shared>>
      %dma_wait3A_99 = arith.constant 0 : i32
      %dma_wait3A_100 = tpu.memref_slice %arg12[%add3A_12, %dma_wait3A_99] : memref<10112x128xf32, #tpu.memory_space<vmem_shared>> -> memref<128x128xf32, #tpu.memory_space<vmem_shared>>
      tpu.wait_dma2 semaphore(%run_scoped3A : memref<!tpu.dma_semaphore, #tpu.memory_space<semaphore_mem>>) src(%arg11 : memref<128x128xf32, #tpu.memory_space<vmem>>) dst(%dma_wait3A_100 : memref<128x128xf32, #tpu.memory_space<vmem_shared>>)
      tpu.yield
    }) : () -> ()
    %add3A_13 = arith.constant 512 : i32
    %add3A_14 = arith.addi %mul3A_0, %add3A_13 : i32
    "tpu.region"() ({
      %run_scoped3A = tpu.sem_alloc : memref<!tpu.dma_semaphore, #tpu.memory_space<semaphore_mem>>
      %dma_start3A = arith.constant 0 : i32
      %dma_start3A_95 = arith.constant 0 : i32
      %dma_start3A_96 = tpu.memref_slice %arg11[%dma_start3A, %dma_start3A_95] : memref<128x128xf32, #tpu.memory_space<vmem>> -> memref<120x128xf32, #tpu.memory_space<vmem>>
      %dma_start3A_97 = arith.constant 0 : i32
      %dma_start3A_98 = tpu.memref_slice %arg12[%add3A_14, %dma_start3A_97] : memref<10112x128xf32, #tpu.memory_space<vmem_shared>> -> memref<120x128xf32, #tpu.memory_space<vmem_shared>>
      %dma_start3A_99 = arith.constant 0 : i32
      %dma_start3A_100 = tpu.memref_slice %arg12[%add3A_14, %dma_start3A_99] : memref<10112x128xf32, #tpu.memory_space<vmem_shared>> -> memref<120x128xf32, #tpu.memory_space<vmem_shared>>
      %dma_start3A_101 = arith.constant 0 : i32
      %dma_start3A_102 = arith.constant 0 : i32
      %dma_start3A_103 = tpu.memref_slice %arg11[%dma_start3A_101, %dma_start3A_102] : memref<128x128xf32, #tpu.memory_space<vmem>> -> memref<120x128xf32, #tpu.memory_space<vmem>>
      tpu.enqueue_dma source(%dma_start3A_103 : memref<120x128xf32, #tpu.memory_space<vmem>>) target(%dma_start3A_100 : memref<120x128xf32, #tpu.memory_space<vmem_shared>>) target_semaphore(%run_scoped3A : memref<!tpu.dma_semaphore, #tpu.memory_space<semaphore_mem>>)
      %dma_wait3A = arith.constant 0 : i32
      %dma_wait3A_104 = arith.constant 0 : i32
      %dma_wait3A_105 = tpu.memref_slice %arg11[%dma_wait3A, %dma_wait3A_104] : memref<128x128xf32, #tpu.memory_space<vmem>> -> memref<120x128xf32, #tpu.memory_space<vmem>>
      %dma_wait3A_106 = arith.constant 0 : i32
      %dma_wait3A_107 = tpu.memref_slice %arg12[%add3A_14, %dma_wait3A_106] : memref<10112x128xf32, #tpu.memory_space<vmem_shared>> -> memref<120x128xf32, #tpu.memory_space<vmem_shared>>
      %dma_wait3A_108 = arith.constant 0 : i32
      %dma_wait3A_109 = tpu.memref_slice %arg12[%add3A_14, %dma_wait3A_108] : memref<10112x128xf32, #tpu.memory_space<vmem_shared>> -> memref<120x128xf32, #tpu.memory_space<vmem_shared>>
      %dma_wait3A_110 = arith.constant 0 : i32
      %dma_wait3A_111 = arith.constant 0 : i32
      %dma_wait3A_112 = tpu.memref_slice %arg11[%dma_wait3A_110, %dma_wait3A_111] : memref<128x128xf32, #tpu.memory_space<vmem>> -> memref<120x128xf32, #tpu.memory_space<vmem>>
      tpu.wait_dma2 semaphore(%run_scoped3A : memref<!tpu.dma_semaphore, #tpu.memory_space<semaphore_mem>>) src(%dma_wait3A_112 : memref<120x128xf32, #tpu.memory_space<vmem>>) dst(%dma_wait3A_109 : memref<120x128xf32, #tpu.memory_space<vmem_shared>>)
      tpu.yield
    }) : () -> ()
    %barrier3A = arith.constant 0 : index
    tpu.barrier barrier_id(%barrier3A)
    %eq3A = arith.constant 0 : i32
    %eq3A_15 = arith.cmpi eq, %arg0, %eq3A : i32
    %convert_element_type3A = arith.extui %eq3A_15 : i1 to i32
    %cond3A = arith.constant 0 : i32
    %cond3A_16 = arith.cmpi ne, %convert_element_type3A, %cond3A : i32
    scf.if %cond3A_16 {
      "tpu.region"() ({
        %run_scoped3A = tpu.sem_alloc : memref<!tpu.dma_semaphore, #tpu.memory_space<semaphore_mem>>
        %dma_start3A = arith.constant 0 : i32
        %dma_start3A_95 = arith.constant 0 : i32
        %dma_start3A_96 = tpu.memref_slice %arg9[%dma_start3A, %dma_start3A_95] : memref<122x128xi32, #tpu.memory_space<vmem>> -> memref<122x128xi32, #tpu.memory_space<vmem>>
        %dma_start3A_97 = arith.constant 0 : i32
        %dma_start3A_98 = arith.constant 0 : i32
        %dma_start3A_99 = tpu.memref_slice %arg3[%arg1, %dma_start3A_97, %dma_start3A_98] : memref<16x122x128xi32, #tpu.memory_space<hbm>> -> memref<1x122x128xi32, #tpu.memory_space<hbm>>
        %dma_start3A_100 = tpu.memref_squeeze %dma_start3A_99 : memref<1x122x128xi32, #tpu.memory_space<hbm>> -> memref<122x128xi32, #tpu.memory_space<hbm>>
        %dma_start3A_101 = arith.constant 0 : i32
        %dma_start3A_102 = arith.constant 0 : i32
        %dma_start3A_103 = tpu.memref_slice %arg9[%dma_start3A_101, %dma_start3A_102] : memref<122x128xi32, #tpu.memory_space<vmem>> -> memref<122x128xi32, #tpu.memory_space<vmem>>
        %dma_start3A_104 = arith.constant 0 : i32
        %dma_start3A_105 = arith.constant 0 : i32
        %dma_start3A_106 = tpu.memref_slice %arg3[%arg1, %dma_start3A_104, %dma_start3A_105] : memref<16x122x128xi32, #tpu.memory_space<hbm>> -> memref<1x122x128xi32, #tpu.memory_space<hbm>>
        %dma_start3A_107 = tpu.memref_squeeze %dma_start3A_106 : memref<1x122x128xi32, #tpu.memory_space<hbm>> -> memref<122x128xi32, #tpu.memory_space<hbm>>
        tpu.enqueue_dma source(%dma_start3A_107 : memref<122x128xi32, #tpu.memory_space<hbm>>) target(%dma_start3A_103 : memref<122x128xi32, #tpu.memory_space<vmem>>) target_semaphore(%run_scoped3A : memref<!tpu.dma_semaphore, #tpu.memory_space<semaphore_mem>>)
        %dma_wait3A = arith.constant 0 : i32
        %dma_wait3A_108 = arith.constant 0 : i32
        %dma_wait3A_109 = tpu.memref_slice %arg9[%dma_wait3A, %dma_wait3A_108] : memref<122x128xi32, #tpu.memory_space<vmem>> -> memref<122x128xi32, #tpu.memory_space<vmem>>
        %dma_wait3A_110 = arith.constant 0 : i32
        %dma_wait3A_111 = arith.constant 0 : i32
        %dma_wait3A_112 = tpu.memref_slice %arg3[%arg1, %dma_wait3A_110, %dma_wait3A_111] : memref<16x122x128xi32, #tpu.memory_space<hbm>> -> memref<1x122x128xi32, #tpu.memory_space<hbm>>
        %dma_wait3A_113 = tpu.memref_squeeze %dma_wait3A_112 : memref<1x122x128xi32, #tpu.memory_space<hbm>> -> memref<122x128xi32, #tpu.memory_space<hbm>>
        %dma_wait3A_114 = arith.constant 0 : i32
        %dma_wait3A_115 = arith.constant 0 : i32
        %dma_wait3A_116 = tpu.memref_slice %arg9[%dma_wait3A_114, %dma_wait3A_115] : memref<122x128xi32, #tpu.memory_space<vmem>> -> memref<122x128xi32, #tpu.memory_space<vmem>>
        %dma_wait3A_117 = arith.constant 0 : i32
        %dma_wait3A_118 = arith.constant 0 : i32
        %dma_wait3A_119 = tpu.memref_slice %arg3[%arg1, %dma_wait3A_117, %dma_wait3A_118] : memref<16x122x128xi32, #tpu.memory_space<hbm>> -> memref<1x122x128xi32, #tpu.memory_space<hbm>>
        %dma_wait3A_120 = tpu.memref_squeeze %dma_wait3A_119 : memref<1x122x128xi32, #tpu.memory_space<hbm>> -> memref<122x128xi32, #tpu.memory_space<hbm>>
        tpu.wait_dma2 semaphore(%run_scoped3A : memref<!tpu.dma_semaphore, #tpu.memory_space<semaphore_mem>>) src(%dma_wait3A_120 : memref<122x128xi32, #tpu.memory_space<hbm>>) dst(%dma_wait3A_116 : memref<122x128xi32, #tpu.memory_space<vmem>>)
        tpu.yield
      }) : () -> ()
      "tpu.region"() ({
        %run_scoped3A = tpu.sem_alloc : memref<!tpu.dma_semaphore, #tpu.memory_space<semaphore_mem>>
        %dma_start3A = arith.constant 0 : i32
        %dma_start3A_95 = arith.constant 0 : i32
        %dma_start3A_96 = tpu.memref_slice %arg10[%dma_start3A, %dma_start3A_95] : memref<122x128xi32, #tpu.memory_space<vmem>> -> memref<122x128xi32, #tpu.memory_space<vmem>>
        %dma_start3A_97 = arith.constant 0 : i32
        %dma_start3A_98 = arith.constant 0 : i32
        %dma_start3A_99 = tpu.memref_slice %arg4[%arg1, %dma_start3A_97, %dma_start3A_98] : memref<16x122x128xi32, #tpu.memory_space<hbm>> -> memref<1x122x128xi32, #tpu.memory_space<hbm>>
        %dma_start3A_100 = tpu.memref_squeeze %dma_start3A_99 : memref<1x122x128xi32, #tpu.memory_space<hbm>> -> memref<122x128xi32, #tpu.memory_space<hbm>>
        %dma_start3A_101 = arith.constant 0 : i32
        %dma_start3A_102 = arith.constant 0 : i32
        %dma_start3A_103 = tpu.memref_slice %arg10[%dma_start3A_101, %dma_start3A_102] : memref<122x128xi32, #tpu.memory_space<vmem>> -> memref<122x128xi32, #tpu.memory_space<vmem>>
        %dma_start3A_104 = arith.constant 0 : i32
        %dma_start3A_105 = arith.constant 0 : i32
        %dma_start3A_106 = tpu.memref_slice %arg4[%arg1, %dma_start3A_104, %dma_start3A_105] : memref<16x122x128xi32, #tpu.memory_space<hbm>> -> memref<1x122x128xi32, #tpu.memory_space<hbm>>
        %dma_start3A_107 = tpu.memref_squeeze %dma_start3A_106 : memref<1x122x128xi32, #tpu.memory_space<hbm>> -> memref<122x128xi32, #tpu.memory_space<hbm>>
        tpu.enqueue_dma source(%dma_start3A_107 : memref<122x128xi32, #tpu.memory_space<hbm>>) target(%dma_start3A_103 : memref<122x128xi32, #tpu.memory_space<vmem>>) target_semaphore(%run_scoped3A : memref<!tpu.dma_semaphore, #tpu.memory_space<semaphore_mem>>)
        %dma_wait3A = arith.constant 0 : i32
        %dma_wait3A_108 = arith.constant 0 : i32
        %dma_wait3A_109 = tpu.memref_slice %arg10[%dma_wait3A, %dma_wait3A_108] : memref<122x128xi32, #tpu.memory_space<vmem>> -> memref<122x128xi32, #tpu.memory_space<vmem>>
        %dma_wait3A_110 = arith.constant 0 : i32
        %dma_wait3A_111 = arith.constant 0 : i32
        %dma_wait3A_112 = tpu.memref_slice %arg4[%arg1, %dma_wait3A_110, %dma_wait3A_111] : memref<16x122x128xi32, #tpu.memory_space<hbm>> -> memref<1x122x128xi32, #tpu.memory_space<hbm>>
        %dma_wait3A_113 = tpu.memref_squeeze %dma_wait3A_112 : memref<1x122x128xi32, #tpu.memory_space<hbm>> -> memref<122x128xi32, #tpu.memory_space<hbm>>
        %dma_wait3A_114 = arith.constant 0 : i32
        %dma_wait3A_115 = arith.constant 0 : i32
        %dma_wait3A_116 = tpu.memref_slice %arg10[%dma_wait3A_114, %dma_wait3A_115] : memref<122x128xi32, #tpu.memory_space<vmem>> -> memref<122x128xi32, #tpu.memory_space<vmem>>
        %dma_wait3A_117 = arith.constant 0 : i32
        %dma_wait3A_118 = arith.constant 0 : i32
        %dma_wait3A_119 = tpu.memref_slice %arg4[%arg1, %dma_wait3A_117, %dma_wait3A_118] : memref<16x122x128xi32, #tpu.memory_space<hbm>> -> memref<1x122x128xi32, #tpu.memory_space<hbm>>
        %dma_wait3A_120 = tpu.memref_squeeze %dma_wait3A_119 : memref<1x122x128xi32, #tpu.memory_space<hbm>> -> memref<122x128xi32, #tpu.memory_space<hbm>>
        tpu.wait_dma2 semaphore(%run_scoped3A : memref<!tpu.dma_semaphore, #tpu.memory_space<semaphore_mem>>) src(%dma_wait3A_120 : memref<122x128xi32, #tpu.memory_space<hbm>>) dst(%dma_wait3A_116 : memref<122x128xi32, #tpu.memory_space<vmem>>)
        tpu.yield
      }) : () -> ()
    } else {
    }
    %eq3A_17 = arith.constant 1 : i32
    %eq3A_18 = arith.cmpi eq, %arg0, %eq3A_17 : i32
    %convert_element_type3A_19 = arith.extui %eq3A_18 : i1 to i32
    %cond3A_20 = arith.constant 0 : i32
    %cond3A_21 = arith.cmpi ne, %convert_element_type3A_19, %cond3A_20 : i32
    scf.if %cond3A_21 {
      "tpu.region"() ({
        %run_scoped3A = tpu.sem_alloc : memref<!tpu.dma_semaphore, #tpu.memory_space<semaphore_mem>>
        %dma_start3A = arith.constant 0 : i32
        %dma_start3A_95 = arith.constant 0 : i32
        %dma_start3A_96 = tpu.memref_slice %arg9[%dma_start3A, %dma_start3A_95] : memref<122x128xi32, #tpu.memory_space<vmem>> -> memref<36x128xi32, #tpu.memory_space<vmem>>
        %dma_start3A_97 = arith.constant 0 : i32
        %dma_start3A_98 = arith.constant 0 : i32
        %dma_start3A_99 = tpu.memref_slice %arg5[%arg1, %dma_start3A_97, %dma_start3A_98] : memref<16x36x128xi32, #tpu.memory_space<hbm>> -> memref<1x36x128xi32, #tpu.memory_space<hbm>>
        %dma_start3A_100 = tpu.memref_squeeze %dma_start3A_99 : memref<1x36x128xi32, #tpu.memory_space<hbm>> -> memref<36x128xi32, #tpu.memory_space<hbm>>
        %dma_start3A_101 = arith.constant 0 : i32
        %dma_start3A_102 = arith.constant 0 : i32
        %dma_start3A_103 = tpu.memref_slice %arg9[%dma_start3A_101, %dma_start3A_102] : memref<122x128xi32, #tpu.memory_space<vmem>> -> memref<36x128xi32, #tpu.memory_space<vmem>>
        %dma_start3A_104 = arith.constant 0 : i32
        %dma_start3A_105 = arith.constant 0 : i32
        %dma_start3A_106 = tpu.memref_slice %arg5[%arg1, %dma_start3A_104, %dma_start3A_105] : memref<16x36x128xi32, #tpu.memory_space<hbm>> -> memref<1x36x128xi32, #tpu.memory_space<hbm>>
        %dma_start3A_107 = tpu.memref_squeeze %dma_start3A_106 : memref<1x36x128xi32, #tpu.memory_space<hbm>> -> memref<36x128xi32, #tpu.memory_space<hbm>>
        tpu.enqueue_dma source(%dma_start3A_107 : memref<36x128xi32, #tpu.memory_space<hbm>>) target(%dma_start3A_103 : memref<36x128xi32, #tpu.memory_space<vmem>>) target_semaphore(%run_scoped3A : memref<!tpu.dma_semaphore, #tpu.memory_space<semaphore_mem>>)
        %dma_wait3A = arith.constant 0 : i32
        %dma_wait3A_108 = arith.constant 0 : i32
        %dma_wait3A_109 = tpu.memref_slice %arg9[%dma_wait3A, %dma_wait3A_108] : memref<122x128xi32, #tpu.memory_space<vmem>> -> memref<36x128xi32, #tpu.memory_space<vmem>>
        %dma_wait3A_110 = arith.constant 0 : i32
        %dma_wait3A_111 = arith.constant 0 : i32
        %dma_wait3A_112 = tpu.memref_slice %arg5[%arg1, %dma_wait3A_110, %dma_wait3A_111] : memref<16x36x128xi32, #tpu.memory_space<hbm>> -> memref<1x36x128xi32, #tpu.memory_space<hbm>>
        %dma_wait3A_113 = tpu.memref_squeeze %dma_wait3A_112 : memref<1x36x128xi32, #tpu.memory_space<hbm>> -> memref<36x128xi32, #tpu.memory_space<hbm>>
        %dma_wait3A_114 = arith.constant 0 : i32
        %dma_wait3A_115 = arith.constant 0 : i32
        %dma_wait3A_116 = tpu.memref_slice %arg9[%dma_wait3A_114, %dma_wait3A_115] : memref<122x128xi32, #tpu.memory_space<vmem>> -> memref<36x128xi32, #tpu.memory_space<vmem>>
        %dma_wait3A_117 = arith.constant 0 : i32
        %dma_wait3A_118 = arith.constant 0 : i32
        %dma_wait3A_119 = tpu.memref_slice %arg5[%arg1, %dma_wait3A_117, %dma_wait3A_118] : memref<16x36x128xi32, #tpu.memory_space<hbm>> -> memref<1x36x128xi32, #tpu.memory_space<hbm>>
        %dma_wait3A_120 = tpu.memref_squeeze %dma_wait3A_119 : memref<1x36x128xi32, #tpu.memory_space<hbm>> -> memref<36x128xi32, #tpu.memory_space<hbm>>
        tpu.wait_dma2 semaphore(%run_scoped3A : memref<!tpu.dma_semaphore, #tpu.memory_space<semaphore_mem>>) src(%dma_wait3A_120 : memref<36x128xi32, #tpu.memory_space<hbm>>) dst(%dma_wait3A_116 : memref<36x128xi32, #tpu.memory_space<vmem>>)
        tpu.yield
      }) : () -> ()
      "tpu.region"() ({
        %run_scoped3A = tpu.sem_alloc : memref<!tpu.dma_semaphore, #tpu.memory_space<semaphore_mem>>
        %dma_start3A = arith.constant 0 : i32
        %dma_start3A_95 = arith.constant 0 : i32
        %dma_start3A_96 = tpu.memref_slice %arg10[%dma_start3A, %dma_start3A_95] : memref<122x128xi32, #tpu.memory_space<vmem>> -> memref<36x128xi32, #tpu.memory_space<vmem>>
        %dma_start3A_97 = arith.constant 0 : i32
        %dma_start3A_98 = arith.constant 0 : i32
        %dma_start3A_99 = tpu.memref_slice %arg6[%arg1, %dma_start3A_97, %dma_start3A_98] : memref<16x36x128xi32, #tpu.memory_space<hbm>> -> memref<1x36x128xi32, #tpu.memory_space<hbm>>
        %dma_start3A_100 = tpu.memref_squeeze %dma_start3A_99 : memref<1x36x128xi32, #tpu.memory_space<hbm>> -> memref<36x128xi32, #tpu.memory_space<hbm>>
        %dma_start3A_101 = arith.constant 0 : i32
        %dma_start3A_102 = arith.constant 0 : i32
        %dma_start3A_103 = tpu.memref_slice %arg10[%dma_start3A_101, %dma_start3A_102] : memref<122x128xi32, #tpu.memory_space<vmem>> -> memref<36x128xi32, #tpu.memory_space<vmem>>
        %dma_start3A_104 = arith.constant 0 : i32
        %dma_start3A_105 = arith.constant 0 : i32
        %dma_start3A_106 = tpu.memref_slice %arg6[%arg1, %dma_start3A_104, %dma_start3A_105] : memref<16x36x128xi32, #tpu.memory_space<hbm>> -> memref<1x36x128xi32, #tpu.memory_space<hbm>>
        %dma_start3A_107 = tpu.memref_squeeze %dma_start3A_106 : memref<1x36x128xi32, #tpu.memory_space<hbm>> -> memref<36x128xi32, #tpu.memory_space<hbm>>
        tpu.enqueue_dma source(%dma_start3A_107 : memref<36x128xi32, #tpu.memory_space<hbm>>) target(%dma_start3A_103 : memref<36x128xi32, #tpu.memory_space<vmem>>) target_semaphore(%run_scoped3A : memref<!tpu.dma_semaphore, #tpu.memory_space<semaphore_mem>>)
        %dma_wait3A = arith.constant 0 : i32
        %dma_wait3A_108 = arith.constant 0 : i32
        %dma_wait3A_109 = tpu.memref_slice %arg10[%dma_wait3A, %dma_wait3A_108] : memref<122x128xi32, #tpu.memory_space<vmem>> -> memref<36x128xi32, #tpu.memory_space<vmem>>
        %dma_wait3A_110 = arith.constant 0 : i32
        %dma_wait3A_111 = arith.constant 0 : i32
        %dma_wait3A_112 = tpu.memref_slice %arg6[%arg1, %dma_wait3A_110, %dma_wait3A_111] : memref<16x36x128xi32, #tpu.memory_space<hbm>> -> memref<1x36x128xi32, #tpu.memory_space<hbm>>
        %dma_wait3A_113 = tpu.memref_squeeze %dma_wait3A_112 : memref<1x36x128xi32, #tpu.memory_space<hbm>> -> memref<36x128xi32, #tpu.memory_space<hbm>>
        %dma_wait3A_114 = arith.constant 0 : i32
        %dma_wait3A_115 = arith.constant 0 : i32
        %dma_wait3A_116 = tpu.memref_slice %arg10[%dma_wait3A_114, %dma_wait3A_115] : memref<122x128xi32, #tpu.memory_space<vmem>> -> memref<36x128xi32, #tpu.memory_space<vmem>>
        %dma_wait3A_117 = arith.constant 0 : i32
        %dma_wait3A_118 = arith.constant 0 : i32
        %dma_wait3A_119 = tpu.memref_slice %arg6[%arg1, %dma_wait3A_117, %dma_wait3A_118] : memref<16x36x128xi32, #tpu.memory_space<hbm>> -> memref<1x36x128xi32, #tpu.memory_space<hbm>>
        %dma_wait3A_120 = tpu.memref_squeeze %dma_wait3A_119 : memref<1x36x128xi32, #tpu.memory_space<hbm>> -> memref<36x128xi32, #tpu.memory_space<hbm>>
        tpu.wait_dma2 semaphore(%run_scoped3A : memref<!tpu.dma_semaphore, #tpu.memory_space<semaphore_mem>>) src(%dma_wait3A_120 : memref<36x128xi32, #tpu.memory_space<hbm>>) dst(%dma_wait3A_116 : memref<36x128xi32, #tpu.memory_space<vmem>>)
        tpu.yield
      }) : () -> ()
    } else {
    }
    %eq3A_22 = arith.constant 0 : i32
    %eq3A_23 = arith.cmpi eq, %arg0, %eq3A_22 : i32
    %jit3A = arith.constant 122 : i32
    %jit3A_24 = arith.constant 36 : i32
    %select_n3A = arith.select %eq3A_23, %jit3A, %jit3A_24 : i32
    %while3A = arith.constant 0 : i32
    %while3A_25 = arith.constant 0 : i32
    %while3A_26 = arith.subi %select_n3A, %while3A_25 : i32
    %while3A_27 = arith.addi %while3A_25, %while3A_26 : i32
    %while3A_28 = arith.constant 1 : i32
    %while3A_29 = arith.divsi %while3A_26, %while3A_28 : i32
    %while3A_30 = arith.muli %while3A_29, %while3A_28 : i32
    %while3A_31 = arith.addi %while3A_25, %while3A_30 : i32
    %while3A_32 = arith.constant 1 : i32
    scf.for %while3A_95 = %while3A_25 to %while3A_31 step %while3A_32  : i32 {
      "tpu.region"() ({
        %run_scoped3A = tpu.sem_alloc : memref<!tpu.dma_semaphore, #tpu.memory_space<semaphore_mem>>
        %dma_start3A = arith.constant 0 : i32
        %dma_start3A_96 = tpu.memref_slice %arg9[%while3A_95, %dma_start3A] : memref<122x128xi32, #tpu.memory_space<vmem>> -> memref<1x128xi32, #tpu.memory_space<vmem>>
        %dma_start3A_97 = tpu.memref_squeeze %dma_start3A_96 : memref<1x128xi32, #tpu.memory_space<vmem>> -> memref<128xi32, #tpu.memory_space<vmem>>
        %dma_start3A_98 = arith.constant 0 : i32
        %dma_start3A_99 = arith.constant 0 : i32
        %dma_start3A_100 = tpu.memref_slice %arg2[%dma_start3A_98, %dma_start3A_99] : memref<10112x128xf32, #tpu.memory_space<hbm>> -> memref<10112x128xf32, #tpu.memory_space<hbm>>
        tpu.enqueue_indirect_dma source(%dma_start3A_100 : memref<10112x128xf32, #tpu.memory_space<hbm>>) target(%arg11 : memref<128x128xf32, #tpu.memory_space<vmem>>) offsets(%dma_start3A_97 : memref<128xi32, #tpu.memory_space<vmem>>) semaphore(%run_scoped3A : memref<!tpu.dma_semaphore, #tpu.memory_space<semaphore_mem>>)
        %dma_wait3A = arith.constant 0 : i32
        %dma_wait3A_101 = tpu.memref_slice %arg9[%while3A_95, %dma_wait3A] : memref<122x128xi32, #tpu.memory_space<vmem>> -> memref<1x128xi32, #tpu.memory_space<vmem>>
        %dma_wait3A_102 = tpu.memref_squeeze %dma_wait3A_101 : memref<1x128xi32, #tpu.memory_space<vmem>> -> memref<128xi32, #tpu.memory_space<vmem>>
        %dma_wait3A_103 = arith.constant 0 : i32
        %dma_wait3A_104 = arith.constant 0 : i32
        %dma_wait3A_105 = tpu.memref_slice %arg2[%dma_wait3A_103, %dma_wait3A_104] : memref<10112x128xf32, #tpu.memory_space<hbm>> -> memref<10112x128xf32, #tpu.memory_space<hbm>>
        tpu.wait_indirect_dma semaphore(%run_scoped3A : memref<!tpu.dma_semaphore, #tpu.memory_space<semaphore_mem>>) src(%dma_wait3A_105 : memref<10112x128xf32, #tpu.memory_space<hbm>>) dst(%arg11 : memref<128x128xf32, #tpu.memory_space<vmem>>)
        tpu.yield
      }) : () -> ()
      "tpu.region"() ({
        %run_scoped3A = tpu.sem_alloc : memref<!tpu.dma_semaphore, #tpu.memory_space<semaphore_mem>>
        %dma_start3A = arith.constant 0 : i32
        %dma_start3A_96 = tpu.memref_slice %arg10[%while3A_95, %dma_start3A] : memref<122x128xi32, #tpu.memory_space<vmem>> -> memref<1x128xi32, #tpu.memory_space<vmem>>
        %dma_start3A_97 = tpu.memref_squeeze %dma_start3A_96 : memref<1x128xi32, #tpu.memory_space<vmem>> -> memref<128xi32, #tpu.memory_space<vmem>>
        %dma_start3A_98 = arith.constant 0 : i32
        %dma_start3A_99 = arith.constant 0 : i32
        %dma_start3A_100 = tpu.memref_slice %arg12[%dma_start3A_98, %dma_start3A_99] : memref<10112x128xf32, #tpu.memory_space<vmem_shared>> -> memref<10112x128xf32, #tpu.memory_space<vmem_shared>>
        tpu.enqueue_indirect_dma source(%arg11 : memref<128x128xf32, #tpu.memory_space<vmem>>) target(%dma_start3A_100 : memref<10112x128xf32, #tpu.memory_space<vmem_shared>>) offsets(%dma_start3A_97 : memref<128xi32, #tpu.memory_space<vmem>>) semaphore(%run_scoped3A : memref<!tpu.dma_semaphore, #tpu.memory_space<semaphore_mem>>) {add = true}
        %dma_wait3A = arith.constant 0 : i32
        %dma_wait3A_101 = tpu.memref_slice %arg10[%while3A_95, %dma_wait3A] : memref<122x128xi32, #tpu.memory_space<vmem>> -> memref<1x128xi32, #tpu.memory_space<vmem>>
        %dma_wait3A_102 = tpu.memref_squeeze %dma_wait3A_101 : memref<1x128xi32, #tpu.memory_space<vmem>> -> memref<128xi32, #tpu.memory_space<vmem>>
        %dma_wait3A_103 = arith.constant 0 : i32
        %dma_wait3A_104 = arith.constant 0 : i32
        %dma_wait3A_105 = tpu.memref_slice %arg12[%dma_wait3A_103, %dma_wait3A_104] : memref<10112x128xf32, #tpu.memory_space<vmem_shared>> -> memref<10112x128xf32, #tpu.memory_space<vmem_shared>>
        tpu.wait_indirect_dma semaphore(%run_scoped3A : memref<!tpu.dma_semaphore, #tpu.memory_space<semaphore_mem>>) src(%arg11 : memref<128x128xf32, #tpu.memory_space<vmem>>) dst(%dma_wait3A_105 : memref<10112x128xf32, #tpu.memory_space<vmem_shared>>)
        tpu.yield
      }) : () -> ()
    }
    %while3A_33 = arith.constant 1 : i32
    scf.for %while3A_95 = %while3A_31 to %while3A_27 step %while3A_33  : i32 {
      "tpu.region"() ({
        %run_scoped3A = tpu.sem_alloc : memref<!tpu.dma_semaphore, #tpu.memory_space<semaphore_mem>>
        %dma_start3A = arith.constant 0 : i32
        %dma_start3A_96 = tpu.memref_slice %arg9[%while3A_95, %dma_start3A] : memref<122x128xi32, #tpu.memory_space<vmem>> -> memref<1x128xi32, #tpu.memory_space<vmem>>
        %dma_start3A_97 = tpu.memref_squeeze %dma_start3A_96 : memref<1x128xi32, #tpu.memory_space<vmem>> -> memref<128xi32, #tpu.memory_space<vmem>>
        %dma_start3A_98 = arith.constant 0 : i32
        %dma_start3A_99 = arith.constant 0 : i32
        %dma_start3A_100 = tpu.memref_slice %arg2[%dma_start3A_98, %dma_start3A_99] : memref<10112x128xf32, #tpu.memory_space<hbm>> -> memref<10112x128xf32, #tpu.memory_space<hbm>>
        tpu.enqueue_indirect_dma source(%dma_start3A_100 : memref<10112x128xf32, #tpu.memory_space<hbm>>) target(%arg11 : memref<128x128xf32, #tpu.memory_space<vmem>>) offsets(%dma_start3A_97 : memref<128xi32, #tpu.memory_space<vmem>>) semaphore(%run_scoped3A : memref<!tpu.dma_semaphore, #tpu.memory_space<semaphore_mem>>)
        %dma_wait3A = arith.constant 0 : i32
        %dma_wait3A_101 = tpu.memref_slice %arg9[%while3A_95, %dma_wait3A] : memref<122x128xi32, #tpu.memory_space<vmem>> -> memref<1x128xi32, #tpu.memory_space<vmem>>
        %dma_wait3A_102 = tpu.memref_squeeze %dma_wait3A_101 : memref<1x128xi32, #tpu.memory_space<vmem>> -> memref<128xi32, #tpu.memory_space<vmem>>
        %dma_wait3A_103 = arith.constant 0 : i32
        %dma_wait3A_104 = arith.constant 0 : i32
        %dma_wait3A_105 = tpu.memref_slice %arg2[%dma_wait3A_103, %dma_wait3A_104] : memref<10112x128xf32, #tpu.memory_space<hbm>> -> memref<10112x128xf32, #tpu.memory_space<hbm>>
        tpu.wait_indirect_dma semaphore(%run_scoped3A : memref<!tpu.dma_semaphore, #tpu.memory_space<semaphore_mem>>) src(%dma_wait3A_105 : memref<10112x128xf32, #tpu.memory_space<hbm>>) dst(%arg11 : memref<128x128xf32, #tpu.memory_space<vmem>>)
        tpu.yield
      }) : () -> ()
      "tpu.region"() ({
        %run_scoped3A = tpu.sem_alloc : memref<!tpu.dma_semaphore, #tpu.memory_space<semaphore_mem>>
        %dma_start3A = arith.constant 0 : i32
        %dma_start3A_96 = tpu.memref_slice %arg10[%while3A_95, %dma_start3A] : memref<122x128xi32, #tpu.memory_space<vmem>> -> memref<1x128xi32, #tpu.memory_space<vmem>>
        %dma_start3A_97 = tpu.memref_squeeze %dma_start3A_96 : memref<1x128xi32, #tpu.memory_space<vmem>> -> memref<128xi32, #tpu.memory_space<vmem>>
        %dma_start3A_98 = arith.constant 0 : i32
        %dma_start3A_99 = arith.constant 0 : i32
        %dma_start3A_100 = tpu.memref_slice %arg12[%dma_start3A_98, %dma_start3A_99] : memref<10112x128xf32, #tpu.memory_space<vmem_shared>> -> memref<10112x128xf32, #tpu.memory_space<vmem_shared>>
        tpu.enqueue_indirect_dma source(%arg11 : memref<128x128xf32, #tpu.memory_space<vmem>>) target(%dma_start3A_100 : memref<10112x128xf32, #tpu.memory_space<vmem_shared>>) offsets(%dma_start3A_97 : memref<128xi32, #tpu.memory_space<vmem>>) semaphore(%run_scoped3A : memref<!tpu.dma_semaphore, #tpu.memory_space<semaphore_mem>>) {add = true}
        %dma_wait3A = arith.constant 0 : i32
        %dma_wait3A_101 = tpu.memref_slice %arg10[%while3A_95, %dma_wait3A] : memref<122x128xi32, #tpu.memory_space<vmem>> -> memref<1x128xi32, #tpu.memory_space<vmem>>
        %dma_wait3A_102 = tpu.memref_squeeze %dma_wait3A_101 : memref<1x128xi32, #tpu.memory_space<vmem>> -> memref<128xi32, #tpu.memory_space<vmem>>
        %dma_wait3A_103 = arith.constant 0 : i32
        %dma_wait3A_104 = arith.constant 0 : i32
        %dma_wait3A_105 = tpu.memref_slice %arg12[%dma_wait3A_103, %dma_wait3A_104] : memref<10112x128xf32, #tpu.memory_space<vmem_shared>> -> memref<10112x128xf32, #tpu.memory_space<vmem_shared>>
        tpu.wait_indirect_dma semaphore(%run_scoped3A : memref<!tpu.dma_semaphore, #tpu.memory_space<semaphore_mem>>) src(%arg11 : memref<128x128xf32, #tpu.memory_space<vmem>>) dst(%dma_wait3A_105 : memref<10112x128xf32, #tpu.memory_space<vmem_shared>>)
        tpu.yield
      }) : () -> ()
    }
    %barrier3A_34 = arith.constant 0 : index
    tpu.barrier barrier_id(%barrier3A_34)
    %add3A_35 = arith.constant 0 : i32
    %add3A_36 = arith.addi %mul3A_0, %add3A_35 : i32
    "tpu.region"() ({
      %run_scoped3A = tpu.sem_alloc : memref<!tpu.dma_semaphore, #tpu.memory_space<semaphore_mem>>
      %dma_start3A = arith.constant 0 : i32
      %dma_start3A_95 = tpu.memref_slice %arg12[%add3A_36, %dma_start3A] : memref<10112x128xf32, #tpu.memory_space<vmem_shared>> -> memref<128x128xf32, #tpu.memory_space<vmem_shared>>
      %dma_start3A_96 = arith.constant 0 : i32
      %dma_start3A_97 = tpu.memref_slice %arg12[%add3A_36, %dma_start3A_96] : memref<10112x128xf32, #tpu.memory_space<vmem_shared>> -> memref<128x128xf32, #tpu.memory_space<vmem_shared>>
      tpu.enqueue_dma source(%dma_start3A_97 : memref<128x128xf32, #tpu.memory_space<vmem_shared>>) target(%arg11 : memref<128x128xf32, #tpu.memory_space<vmem>>) target_semaphore(%run_scoped3A : memref<!tpu.dma_semaphore, #tpu.memory_space<semaphore_mem>>)
      %dma_wait3A = arith.constant 0 : i32
      %dma_wait3A_98 = tpu.memref_slice %arg12[%add3A_36, %dma_wait3A] : memref<10112x128xf32, #tpu.memory_space<vmem_shared>> -> memref<128x128xf32, #tpu.memory_space<vmem_shared>>
      %dma_wait3A_99 = arith.constant 0 : i32
      %dma_wait3A_100 = tpu.memref_slice %arg12[%add3A_36, %dma_wait3A_99] : memref<10112x128xf32, #tpu.memory_space<vmem_shared>> -> memref<128x128xf32, #tpu.memory_space<vmem_shared>>
      tpu.wait_dma2 semaphore(%run_scoped3A : memref<!tpu.dma_semaphore, #tpu.memory_space<semaphore_mem>>) src(%dma_wait3A_100 : memref<128x128xf32, #tpu.memory_space<vmem_shared>>) dst(%arg11 : memref<128x128xf32, #tpu.memory_space<vmem>>)
      tpu.yield
    }) : () -> ()
    %eq3A_37 = arith.constant 0 : i32
    %eq3A_38 = arith.cmpi eq, %arg0, %eq3A_37 : i32
    %convert_element_type3A_39 = arith.extui %eq3A_38 : i1 to i32
    %cond3A_40 = arith.constant 0 : i32
    %cond3A_41 = arith.cmpi ne, %convert_element_type3A_39, %cond3A_40 : i32
    scf.if %cond3A_41 {
      "tpu.region"() ({
        %run_scoped3A = tpu.sem_alloc : memref<!tpu.dma_semaphore, #tpu.memory_space<semaphore_mem>>
        %dma_start3A = arith.constant 0 : i32
        %dma_start3A_95 = tpu.memref_slice %arg7[%add3A_36, %dma_start3A] : memref<10112x128xf32, #tpu.memory_space<hbm>> -> memref<128x128xf32, #tpu.memory_space<hbm>>
        %dma_start3A_96 = arith.constant 0 : i32
        %dma_start3A_97 = tpu.memref_slice %arg7[%add3A_36, %dma_start3A_96] : memref<10112x128xf32, #tpu.memory_space<hbm>> -> memref<128x128xf32, #tpu.memory_space<hbm>>
        tpu.enqueue_dma source(%arg11 : memref<128x128xf32, #tpu.memory_space<vmem>>) target(%dma_start3A_97 : memref<128x128xf32, #tpu.memory_space<hbm>>) target_semaphore(%run_scoped3A : memref<!tpu.dma_semaphore, #tpu.memory_space<semaphore_mem>>)
        %dma_wait3A = arith.constant 0 : i32
        %dma_wait3A_98 = tpu.memref_slice %arg7[%add3A_36, %dma_wait3A] : memref<10112x128xf32, #tpu.memory_space<hbm>> -> memref<128x128xf32, #tpu.memory_space<hbm>>
        %dma_wait3A_99 = arith.constant 0 : i32
        %dma_wait3A_100 = tpu.memref_slice %arg7[%add3A_36, %dma_wait3A_99] : memref<10112x128xf32, #tpu.memory_space<hbm>> -> memref<128x128xf32, #tpu.memory_space<hbm>>
        tpu.wait_dma2 semaphore(%run_scoped3A : memref<!tpu.dma_semaphore, #tpu.memory_space<semaphore_mem>>) src(%arg11 : memref<128x128xf32, #tpu.memory_space<vmem>>) dst(%dma_wait3A_100 : memref<128x128xf32, #tpu.memory_space<hbm>>)
        tpu.yield
      }) : () -> ()
    } else {
    }
    %eq3A_42 = arith.constant 1 : i32
    %eq3A_43 = arith.cmpi eq, %arg0, %eq3A_42 : i32
    %convert_element_type3A_44 = arith.extui %eq3A_43 : i1 to i32
    %cond3A_45 = arith.constant 0 : i32
    %cond3A_46 = arith.cmpi ne, %convert_element_type3A_44, %cond3A_45 : i32
    scf.if %cond3A_46 {
      "tpu.region"() ({
        %run_scoped3A = tpu.sem_alloc : memref<!tpu.dma_semaphore, #tpu.memory_space<semaphore_mem>>
        %dma_start3A = arith.constant 0 : i32
        %dma_start3A_95 = tpu.memref_slice %arg8[%add3A_36, %dma_start3A] : memref<10112x128xf32, #tpu.memory_space<hbm>> -> memref<128x128xf32, #tpu.memory_space<hbm>>
        %dma_start3A_96 = arith.constant 0 : i32
        %dma_start3A_97 = tpu.memref_slice %arg8[%add3A_36, %dma_start3A_96] : memref<10112x128xf32, #tpu.memory_space<hbm>> -> memref<128x128xf32, #tpu.memory_space<hbm>>
        tpu.enqueue_dma source(%arg11 : memref<128x128xf32, #tpu.memory_space<vmem>>) target(%dma_start3A_97 : memref<128x128xf32, #tpu.memory_space<hbm>>) target_semaphore(%run_scoped3A : memref<!tpu.dma_semaphore, #tpu.memory_space<semaphore_mem>>)
        %dma_wait3A = arith.constant 0 : i32
        %dma_wait3A_98 = tpu.memref_slice %arg8[%add3A_36, %dma_wait3A] : memref<10112x128xf32, #tpu.memory_space<hbm>> -> memref<128x128xf32, #tpu.memory_space<hbm>>
        %dma_wait3A_99 = arith.constant 0 : i32
        %dma_wait3A_100 = tpu.memref_slice %arg8[%add3A_36, %dma_wait3A_99] : memref<10112x128xf32, #tpu.memory_space<hbm>> -> memref<128x128xf32, #tpu.memory_space<hbm>>
        tpu.wait_dma2 semaphore(%run_scoped3A : memref<!tpu.dma_semaphore, #tpu.memory_space<semaphore_mem>>) src(%arg11 : memref<128x128xf32, #tpu.memory_space<vmem>>) dst(%dma_wait3A_100 : memref<128x128xf32, #tpu.memory_space<hbm>>)
        tpu.yield
      }) : () -> ()
    } else {
    }
    %add3A_47 = arith.constant 128 : i32
    %add3A_48 = arith.addi %mul3A_0, %add3A_47 : i32
    "tpu.region"() ({
      %run_scoped3A = tpu.sem_alloc : memref<!tpu.dma_semaphore, #tpu.memory_space<semaphore_mem>>
      %dma_start3A = arith.constant 0 : i32
      %dma_start3A_95 = tpu.memref_slice %arg12[%add3A_48, %dma_start3A] : memref<10112x128xf32, #tpu.memory_space<vmem_shared>> -> memref<128x128xf32, #tpu.memory_space<vmem_shared>>
      %dma_start3A_96 = arith.constant 0 : i32
      %dma_start3A_97 = tpu.memref_slice %arg12[%add3A_48, %dma_start3A_96] : memref<10112x128xf32, #tpu.memory_space<vmem_shared>> -> memref<128x128xf32, #tpu.memory_space<vmem_shared>>
      tpu.enqueue_dma source(%dma_start3A_97 : memref<128x128xf32, #tpu.memory_space<vmem_shared>>) target(%arg11 : memref<128x128xf32, #tpu.memory_space<vmem>>) target_semaphore(%run_scoped3A : memref<!tpu.dma_semaphore, #tpu.memory_space<semaphore_mem>>)
      %dma_wait3A = arith.constant 0 : i32
      %dma_wait3A_98 = tpu.memref_slice %arg12[%add3A_48, %dma_wait3A] : memref<10112x128xf32, #tpu.memory_space<vmem_shared>> -> memref<128x128xf32, #tpu.memory_space<vmem_shared>>
      %dma_wait3A_99 = arith.constant 0 : i32
      %dma_wait3A_100 = tpu.memref_slice %arg12[%add3A_48, %dma_wait3A_99] : memref<10112x128xf32, #tpu.memory_space<vmem_shared>> -> memref<128x128xf32, #tpu.memory_space<vmem_shared>>
      tpu.wait_dma2 semaphore(%run_scoped3A : memref<!tpu.dma_semaphore, #tpu.memory_space<semaphore_mem>>) src(%dma_wait3A_100 : memref<128x128xf32, #tpu.memory_space<vmem_shared>>) dst(%arg11 : memref<128x128xf32, #tpu.memory_space<vmem>>)
      tpu.yield
    }) : () -> ()
    %eq3A_49 = arith.constant 0 : i32
    %eq3A_50 = arith.cmpi eq, %arg0, %eq3A_49 : i32
    %convert_element_type3A_51 = arith.extui %eq3A_50 : i1 to i32
    %cond3A_52 = arith.constant 0 : i32
    %cond3A_53 = arith.cmpi ne, %convert_element_type3A_51, %cond3A_52 : i32
    scf.if %cond3A_53 {
      "tpu.region"() ({
        %run_scoped3A = tpu.sem_alloc : memref<!tpu.dma_semaphore, #tpu.memory_space<semaphore_mem>>
        %dma_start3A = arith.constant 0 : i32
        %dma_start3A_95 = tpu.memref_slice %arg7[%add3A_48, %dma_start3A] : memref<10112x128xf32, #tpu.memory_space<hbm>> -> memref<128x128xf32, #tpu.memory_space<hbm>>
        %dma_start3A_96 = arith.constant 0 : i32
        %dma_start3A_97 = tpu.memref_slice %arg7[%add3A_48, %dma_start3A_96] : memref<10112x128xf32, #tpu.memory_space<hbm>> -> memref<128x128xf32, #tpu.memory_space<hbm>>
        tpu.enqueue_dma source(%arg11 : memref<128x128xf32, #tpu.memory_space<vmem>>) target(%dma_start3A_97 : memref<128x128xf32, #tpu.memory_space<hbm>>) target_semaphore(%run_scoped3A : memref<!tpu.dma_semaphore, #tpu.memory_space<semaphore_mem>>)
        %dma_wait3A = arith.constant 0 : i32
        %dma_wait3A_98 = tpu.memref_slice %arg7[%add3A_48, %dma_wait3A] : memref<10112x128xf32, #tpu.memory_space<hbm>> -> memref<128x128xf32, #tpu.memory_space<hbm>>
        %dma_wait3A_99 = arith.constant 0 : i32
        %dma_wait3A_100 = tpu.memref_slice %arg7[%add3A_48, %dma_wait3A_99] : memref<10112x128xf32, #tpu.memory_space<hbm>> -> memref<128x128xf32, #tpu.memory_space<hbm>>
        tpu.wait_dma2 semaphore(%run_scoped3A : memref<!tpu.dma_semaphore, #tpu.memory_space<semaphore_mem>>) src(%arg11 : memref<128x128xf32, #tpu.memory_space<vmem>>) dst(%dma_wait3A_100 : memref<128x128xf32, #tpu.memory_space<hbm>>)
        tpu.yield
      }) : () -> ()
    } else {
    }
    %eq3A_54 = arith.constant 1 : i32
    %eq3A_55 = arith.cmpi eq, %arg0, %eq3A_54 : i32
    %convert_element_type3A_56 = arith.extui %eq3A_55 : i1 to i32
    %cond3A_57 = arith.constant 0 : i32
    %cond3A_58 = arith.cmpi ne, %convert_element_type3A_56, %cond3A_57 : i32
    scf.if %cond3A_58 {
      "tpu.region"() ({
        %run_scoped3A = tpu.sem_alloc : memref<!tpu.dma_semaphore, #tpu.memory_space<semaphore_mem>>
        %dma_start3A = arith.constant 0 : i32
        %dma_start3A_95 = tpu.memref_slice %arg8[%add3A_48, %dma_start3A] : memref<10112x128xf32, #tpu.memory_space<hbm>> -> memref<128x128xf32, #tpu.memory_space<hbm>>
        %dma_start3A_96 = arith.constant 0 : i32
        %dma_start3A_97 = tpu.memref_slice %arg8[%add3A_48, %dma_start3A_96] : memref<10112x128xf32, #tpu.memory_space<hbm>> -> memref<128x128xf32, #tpu.memory_space<hbm>>
        tpu.enqueue_dma source(%arg11 : memref<128x128xf32, #tpu.memory_space<vmem>>) target(%dma_start3A_97 : memref<128x128xf32, #tpu.memory_space<hbm>>) target_semaphore(%run_scoped3A : memref<!tpu.dma_semaphore, #tpu.memory_space<semaphore_mem>>)
        %dma_wait3A = arith.constant 0 : i32
        %dma_wait3A_98 = tpu.memref_slice %arg8[%add3A_48, %dma_wait3A] : memref<10112x128xf32, #tpu.memory_space<hbm>> -> memref<128x128xf32, #tpu.memory_space<hbm>>
        %dma_wait3A_99 = arith.constant 0 : i32
        %dma_wait3A_100 = tpu.memref_slice %arg8[%add3A_48, %dma_wait3A_99] : memref<10112x128xf32, #tpu.memory_space<hbm>> -> memref<128x128xf32, #tpu.memory_space<hbm>>
        tpu.wait_dma2 semaphore(%run_scoped3A : memref<!tpu.dma_semaphore, #tpu.memory_space<semaphore_mem>>) src(%arg11 : memref<128x128xf32, #tpu.memory_space<vmem>>) dst(%dma_wait3A_100 : memref<128x128xf32, #tpu.memory_space<hbm>>)
        tpu.yield
      }) : () -> ()
    } else {
    }
    %add3A_59 = arith.constant 256 : i32
    %add3A_60 = arith.addi %mul3A_0, %add3A_59 : i32
    "tpu.region"() ({
      %run_scoped3A = tpu.sem_alloc : memref<!tpu.dma_semaphore, #tpu.memory_space<semaphore_mem>>
      %dma_start3A = arith.constant 0 : i32
      %dma_start3A_95 = tpu.memref_slice %arg12[%add3A_60, %dma_start3A] : memref<10112x128xf32, #tpu.memory_space<vmem_shared>> -> memref<128x128xf32, #tpu.memory_space<vmem_shared>>
      %dma_start3A_96 = arith.constant 0 : i32
      %dma_start3A_97 = tpu.memref_slice %arg12[%add3A_60, %dma_start3A_96] : memref<10112x128xf32, #tpu.memory_space<vmem_shared>> -> memref<128x128xf32, #tpu.memory_space<vmem_shared>>
      tpu.enqueue_dma source(%dma_start3A_97 : memref<128x128xf32, #tpu.memory_space<vmem_shared>>) target(%arg11 : memref<128x128xf32, #tpu.memory_space<vmem>>) target_semaphore(%run_scoped3A : memref<!tpu.dma_semaphore, #tpu.memory_space<semaphore_mem>>)
      %dma_wait3A = arith.constant 0 : i32
      %dma_wait3A_98 = tpu.memref_slice %arg12[%add3A_60, %dma_wait3A] : memref<10112x128xf32, #tpu.memory_space<vmem_shared>> -> memref<128x128xf32, #tpu.memory_space<vmem_shared>>
      %dma_wait3A_99 = arith.constant 0 : i32
      %dma_wait3A_100 = tpu.memref_slice %arg12[%add3A_60, %dma_wait3A_99] : memref<10112x128xf32, #tpu.memory_space<vmem_shared>> -> memref<128x128xf32, #tpu.memory_space<vmem_shared>>
      tpu.wait_dma2 semaphore(%run_scoped3A : memref<!tpu.dma_semaphore, #tpu.memory_space<semaphore_mem>>) src(%dma_wait3A_100 : memref<128x128xf32, #tpu.memory_space<vmem_shared>>) dst(%arg11 : memref<128x128xf32, #tpu.memory_space<vmem>>)
      tpu.yield
    }) : () -> ()
    %eq3A_61 = arith.constant 0 : i32
    %eq3A_62 = arith.cmpi eq, %arg0, %eq3A_61 : i32
    %convert_element_type3A_63 = arith.extui %eq3A_62 : i1 to i32
    %cond3A_64 = arith.constant 0 : i32
    %cond3A_65 = arith.cmpi ne, %convert_element_type3A_63, %cond3A_64 : i32
    scf.if %cond3A_65 {
      "tpu.region"() ({
        %run_scoped3A = tpu.sem_alloc : memref<!tpu.dma_semaphore, #tpu.memory_space<semaphore_mem>>
        %dma_start3A = arith.constant 0 : i32
        %dma_start3A_95 = tpu.memref_slice %arg7[%add3A_60, %dma_start3A] : memref<10112x128xf32, #tpu.memory_space<hbm>> -> memref<128x128xf32, #tpu.memory_space<hbm>>
        %dma_start3A_96 = arith.constant 0 : i32
        %dma_start3A_97 = tpu.memref_slice %arg7[%add3A_60, %dma_start3A_96] : memref<10112x128xf32, #tpu.memory_space<hbm>> -> memref<128x128xf32, #tpu.memory_space<hbm>>
        tpu.enqueue_dma source(%arg11 : memref<128x128xf32, #tpu.memory_space<vmem>>) target(%dma_start3A_97 : memref<128x128xf32, #tpu.memory_space<hbm>>) target_semaphore(%run_scoped3A : memref<!tpu.dma_semaphore, #tpu.memory_space<semaphore_mem>>)
        %dma_wait3A = arith.constant 0 : i32
        %dma_wait3A_98 = tpu.memref_slice %arg7[%add3A_60, %dma_wait3A] : memref<10112x128xf32, #tpu.memory_space<hbm>> -> memref<128x128xf32, #tpu.memory_space<hbm>>
        %dma_wait3A_99 = arith.constant 0 : i32
        %dma_wait3A_100 = tpu.memref_slice %arg7[%add3A_60, %dma_wait3A_99] : memref<10112x128xf32, #tpu.memory_space<hbm>> -> memref<128x128xf32, #tpu.memory_space<hbm>>
        tpu.wait_dma2 semaphore(%run_scoped3A : memref<!tpu.dma_semaphore, #tpu.memory_space<semaphore_mem>>) src(%arg11 : memref<128x128xf32, #tpu.memory_space<vmem>>) dst(%dma_wait3A_100 : memref<128x128xf32, #tpu.memory_space<hbm>>)
        tpu.yield
      }) : () -> ()
    } else {
    }
    %eq3A_66 = arith.constant 1 : i32
    %eq3A_67 = arith.cmpi eq, %arg0, %eq3A_66 : i32
    %convert_element_type3A_68 = arith.extui %eq3A_67 : i1 to i32
    %cond3A_69 = arith.constant 0 : i32
    %cond3A_70 = arith.cmpi ne, %convert_element_type3A_68, %cond3A_69 : i32
    scf.if %cond3A_70 {
      "tpu.region"() ({
        %run_scoped3A = tpu.sem_alloc : memref<!tpu.dma_semaphore, #tpu.memory_space<semaphore_mem>>
        %dma_start3A = arith.constant 0 : i32
        %dma_start3A_95 = tpu.memref_slice %arg8[%add3A_60, %dma_start3A] : memref<10112x128xf32, #tpu.memory_space<hbm>> -> memref<128x128xf32, #tpu.memory_space<hbm>>
        %dma_start3A_96 = arith.constant 0 : i32
        %dma_start3A_97 = tpu.memref_slice %arg8[%add3A_60, %dma_start3A_96] : memref<10112x128xf32, #tpu.memory_space<hbm>> -> memref<128x128xf32, #tpu.memory_space<hbm>>
        tpu.enqueue_dma source(%arg11 : memref<128x128xf32, #tpu.memory_space<vmem>>) target(%dma_start3A_97 : memref<128x128xf32, #tpu.memory_space<hbm>>) target_semaphore(%run_scoped3A : memref<!tpu.dma_semaphore, #tpu.memory_space<semaphore_mem>>)
        %dma_wait3A = arith.constant 0 : i32
        %dma_wait3A_98 = tpu.memref_slice %arg8[%add3A_60, %dma_wait3A] : memref<10112x128xf32, #tpu.memory_space<hbm>> -> memref<128x128xf32, #tpu.memory_space<hbm>>
        %dma_wait3A_99 = arith.constant 0 : i32
        %dma_wait3A_100 = tpu.memref_slice %arg8[%add3A_60, %dma_wait3A_99] : memref<10112x128xf32, #tpu.memory_space<hbm>> -> memref<128x128xf32, #tpu.memory_space<hbm>>
        tpu.wait_dma2 semaphore(%run_scoped3A : memref<!tpu.dma_semaphore, #tpu.memory_space<semaphore_mem>>) src(%arg11 : memref<128x128xf32, #tpu.memory_space<vmem>>) dst(%dma_wait3A_100 : memref<128x128xf32, #tpu.memory_space<hbm>>)
        tpu.yield
      }) : () -> ()
    } else {
    }
    %add3A_71 = arith.constant 384 : i32
    %add3A_72 = arith.addi %mul3A_0, %add3A_71 : i32
    "tpu.region"() ({
      %run_scoped3A = tpu.sem_alloc : memref<!tpu.dma_semaphore, #tpu.memory_space<semaphore_mem>>
      %dma_start3A = arith.constant 0 : i32
      %dma_start3A_95 = tpu.memref_slice %arg12[%add3A_72, %dma_start3A] : memref<10112x128xf32, #tpu.memory_space<vmem_shared>> -> memref<128x128xf32, #tpu.memory_space<vmem_shared>>
      %dma_start3A_96 = arith.constant 0 : i32
      %dma_start3A_97 = tpu.memref_slice %arg12[%add3A_72, %dma_start3A_96] : memref<10112x128xf32, #tpu.memory_space<vmem_shared>> -> memref<128x128xf32, #tpu.memory_space<vmem_shared>>
      tpu.enqueue_dma source(%dma_start3A_97 : memref<128x128xf32, #tpu.memory_space<vmem_shared>>) target(%arg11 : memref<128x128xf32, #tpu.memory_space<vmem>>) target_semaphore(%run_scoped3A : memref<!tpu.dma_semaphore, #tpu.memory_space<semaphore_mem>>)
      %dma_wait3A = arith.constant 0 : i32
      %dma_wait3A_98 = tpu.memref_slice %arg12[%add3A_72, %dma_wait3A] : memref<10112x128xf32, #tpu.memory_space<vmem_shared>> -> memref<128x128xf32, #tpu.memory_space<vmem_shared>>
      %dma_wait3A_99 = arith.constant 0 : i32
      %dma_wait3A_100 = tpu.memref_slice %arg12[%add3A_72, %dma_wait3A_99] : memref<10112x128xf32, #tpu.memory_space<vmem_shared>> -> memref<128x128xf32, #tpu.memory_space<vmem_shared>>
      tpu.wait_dma2 semaphore(%run_scoped3A : memref<!tpu.dma_semaphore, #tpu.memory_space<semaphore_mem>>) src(%dma_wait3A_100 : memref<128x128xf32, #tpu.memory_space<vmem_shared>>) dst(%arg11 : memref<128x128xf32, #tpu.memory_space<vmem>>)
      tpu.yield
    }) : () -> ()
    %eq3A_73 = arith.constant 0 : i32
    %eq3A_74 = arith.cmpi eq, %arg0, %eq3A_73 : i32
    %convert_element_type3A_75 = arith.extui %eq3A_74 : i1 to i32
    %cond3A_76 = arith.constant 0 : i32
    %cond3A_77 = arith.cmpi ne, %convert_element_type3A_75, %cond3A_76 : i32
    scf.if %cond3A_77 {
      "tpu.region"() ({
        %run_scoped3A = tpu.sem_alloc : memref<!tpu.dma_semaphore, #tpu.memory_space<semaphore_mem>>
        %dma_start3A = arith.constant 0 : i32
        %dma_start3A_95 = tpu.memref_slice %arg7[%add3A_72, %dma_start3A] : memref<10112x128xf32, #tpu.memory_space<hbm>> -> memref<128x128xf32, #tpu.memory_space<hbm>>
        %dma_start3A_96 = arith.constant 0 : i32
        %dma_start3A_97 = tpu.memref_slice %arg7[%add3A_72, %dma_start3A_96] : memref<10112x128xf32, #tpu.memory_space<hbm>> -> memref<128x128xf32, #tpu.memory_space<hbm>>
        tpu.enqueue_dma source(%arg11 : memref<128x128xf32, #tpu.memory_space<vmem>>) target(%dma_start3A_97 : memref<128x128xf32, #tpu.memory_space<hbm>>) target_semaphore(%run_scoped3A : memref<!tpu.dma_semaphore, #tpu.memory_space<semaphore_mem>>)
        %dma_wait3A = arith.constant 0 : i32
        %dma_wait3A_98 = tpu.memref_slice %arg7[%add3A_72, %dma_wait3A] : memref<10112x128xf32, #tpu.memory_space<hbm>> -> memref<128x128xf32, #tpu.memory_space<hbm>>
        %dma_wait3A_99 = arith.constant 0 : i32
        %dma_wait3A_100 = tpu.memref_slice %arg7[%add3A_72, %dma_wait3A_99] : memref<10112x128xf32, #tpu.memory_space<hbm>> -> memref<128x128xf32, #tpu.memory_space<hbm>>
        tpu.wait_dma2 semaphore(%run_scoped3A : memref<!tpu.dma_semaphore, #tpu.memory_space<semaphore_mem>>) src(%arg11 : memref<128x128xf32, #tpu.memory_space<vmem>>) dst(%dma_wait3A_100 : memref<128x128xf32, #tpu.memory_space<hbm>>)
        tpu.yield
      }) : () -> ()
    } else {
    }
    %eq3A_78 = arith.constant 1 : i32
    %eq3A_79 = arith.cmpi eq, %arg0, %eq3A_78 : i32
    %convert_element_type3A_80 = arith.extui %eq3A_79 : i1 to i32
    %cond3A_81 = arith.constant 0 : i32
    %cond3A_82 = arith.cmpi ne, %convert_element_type3A_80, %cond3A_81 : i32
    scf.if %cond3A_82 {
      "tpu.region"() ({
        %run_scoped3A = tpu.sem_alloc : memref<!tpu.dma_semaphore, #tpu.memory_space<semaphore_mem>>
        %dma_start3A = arith.constant 0 : i32
        %dma_start3A_95 = tpu.memref_slice %arg8[%add3A_72, %dma_start3A] : memref<10112x128xf32, #tpu.memory_space<hbm>> -> memref<128x128xf32, #tpu.memory_space<hbm>>
        %dma_start3A_96 = arith.constant 0 : i32
        %dma_start3A_97 = tpu.memref_slice %arg8[%add3A_72, %dma_start3A_96] : memref<10112x128xf32, #tpu.memory_space<hbm>> -> memref<128x128xf32, #tpu.memory_space<hbm>>
        tpu.enqueue_dma source(%arg11 : memref<128x128xf32, #tpu.memory_space<vmem>>) target(%dma_start3A_97 : memref<128x128xf32, #tpu.memory_space<hbm>>) target_semaphore(%run_scoped3A : memref<!tpu.dma_semaphore, #tpu.memory_space<semaphore_mem>>)
        %dma_wait3A = arith.constant 0 : i32
        %dma_wait3A_98 = tpu.memref_slice %arg8[%add3A_72, %dma_wait3A] : memref<10112x128xf32, #tpu.memory_space<hbm>> -> memref<128x128xf32, #tpu.memory_space<hbm>>
        %dma_wait3A_99 = arith.constant 0 : i32
        %dma_wait3A_100 = tpu.memref_slice %arg8[%add3A_72, %dma_wait3A_99] : memref<10112x128xf32, #tpu.memory_space<hbm>> -> memref<128x128xf32, #tpu.memory_space<hbm>>
        tpu.wait_dma2 semaphore(%run_scoped3A : memref<!tpu.dma_semaphore, #tpu.memory_space<semaphore_mem>>) src(%arg11 : memref<128x128xf32, #tpu.memory_space<vmem>>) dst(%dma_wait3A_100 : memref<128x128xf32, #tpu.memory_space<hbm>>)
        tpu.yield
      }) : () -> ()
    } else {
    }
    %add3A_83 = arith.constant 512 : i32
    %add3A_84 = arith.addi %mul3A_0, %add3A_83 : i32
    "tpu.region"() ({
      %run_scoped3A = tpu.sem_alloc : memref<!tpu.dma_semaphore, #tpu.memory_space<semaphore_mem>>
      %dma_start3A = arith.constant 0 : i32
      %dma_start3A_95 = arith.constant 0 : i32
      %dma_start3A_96 = tpu.memref_slice %arg11[%dma_start3A, %dma_start3A_95] : memref<128x128xf32, #tpu.memory_space<vmem>> -> memref<120x128xf32, #tpu.memory_space<vmem>>
      %dma_start3A_97 = arith.constant 0 : i32
      %dma_start3A_98 = tpu.memref_slice %arg12[%add3A_84, %dma_start3A_97] : memref<10112x128xf32, #tpu.memory_space<vmem_shared>> -> memref<120x128xf32, #tpu.memory_space<vmem_shared>>
      %dma_start3A_99 = arith.constant 0 : i32
      %dma_start3A_100 = arith.constant 0 : i32
      %dma_start3A_101 = tpu.memref_slice %arg11[%dma_start3A_99, %dma_start3A_100] : memref<128x128xf32, #tpu.memory_space<vmem>> -> memref<120x128xf32, #tpu.memory_space<vmem>>
      %dma_start3A_102 = arith.constant 0 : i32
      %dma_start3A_103 = tpu.memref_slice %arg12[%add3A_84, %dma_start3A_102] : memref<10112x128xf32, #tpu.memory_space<vmem_shared>> -> memref<120x128xf32, #tpu.memory_space<vmem_shared>>
      tpu.enqueue_dma source(%dma_start3A_103 : memref<120x128xf32, #tpu.memory_space<vmem_shared>>) target(%dma_start3A_101 : memref<120x128xf32, #tpu.memory_space<vmem>>) target_semaphore(%run_scoped3A : memref<!tpu.dma_semaphore, #tpu.memory_space<semaphore_mem>>)
      %dma_wait3A = arith.constant 0 : i32
      %dma_wait3A_104 = arith.constant 0 : i32
      %dma_wait3A_105 = tpu.memref_slice %arg11[%dma_wait3A, %dma_wait3A_104] : memref<128x128xf32, #tpu.memory_space<vmem>> -> memref<120x128xf32, #tpu.memory_space<vmem>>
      %dma_wait3A_106 = arith.constant 0 : i32
      %dma_wait3A_107 = tpu.memref_slice %arg12[%add3A_84, %dma_wait3A_106] : memref<10112x128xf32, #tpu.memory_space<vmem_shared>> -> memref<120x128xf32, #tpu.memory_space<vmem_shared>>
      %dma_wait3A_108 = arith.constant 0 : i32
      %dma_wait3A_109 = arith.constant 0 : i32
      %dma_wait3A_110 = tpu.memref_slice %arg11[%dma_wait3A_108, %dma_wait3A_109] : memref<128x128xf32, #tpu.memory_space<vmem>> -> memref<120x128xf32, #tpu.memory_space<vmem>>
      %dma_wait3A_111 = arith.constant 0 : i32
      %dma_wait3A_112 = tpu.memref_slice %arg12[%add3A_84, %dma_wait3A_111] : memref<10112x128xf32, #tpu.memory_space<vmem_shared>> -> memref<120x128xf32, #tpu.memory_space<vmem_shared>>
      tpu.wait_dma2 semaphore(%run_scoped3A : memref<!tpu.dma_semaphore, #tpu.memory_space<semaphore_mem>>) src(%dma_wait3A_112 : memref<120x128xf32, #tpu.memory_space<vmem_shared>>) dst(%dma_wait3A_110 : memref<120x128xf32, #tpu.memory_space<vmem>>)
      tpu.yield
    }) : () -> ()
    %eq3A_85 = arith.constant 0 : i32
    %eq3A_86 = arith.cmpi eq, %arg0, %eq3A_85 : i32
    %convert_element_type3A_87 = arith.extui %eq3A_86 : i1 to i32
    %cond3A_88 = arith.constant 0 : i32
    %cond3A_89 = arith.cmpi ne, %convert_element_type3A_87, %cond3A_88 : i32
    scf.if %cond3A_89 {
      "tpu.region"() ({
        %run_scoped3A = tpu.sem_alloc : memref<!tpu.dma_semaphore, #tpu.memory_space<semaphore_mem>>
        %dma_start3A = arith.constant 0 : i32
        %dma_start3A_95 = arith.constant 0 : i32
        %dma_start3A_96 = tpu.memref_slice %arg11[%dma_start3A, %dma_start3A_95] : memref<128x128xf32, #tpu.memory_space<vmem>> -> memref<120x128xf32, #tpu.memory_space<vmem>>
        %dma_start3A_97 = arith.constant 0 : i32
        %dma_start3A_98 = tpu.memref_slice %arg7[%add3A_84, %dma_start3A_97] : memref<10112x128xf32, #tpu.memory_space<hbm>> -> memref<120x128xf32, #tpu.memory_space<hbm>>
        %dma_start3A_99 = arith.constant 0 : i32
        %dma_start3A_100 = tpu.memref_slice %arg7[%add3A_84, %dma_start3A_99] : memref<10112x128xf32, #tpu.memory_space<hbm>> -> memref<120x128xf32, #tpu.memory_space<hbm>>
        %dma_start3A_101 = arith.constant 0 : i32
        %dma_start3A_102 = arith.constant 0 : i32
        %dma_start3A_103 = tpu.memref_slice %arg11[%dma_start3A_101, %dma_start3A_102] : memref<128x128xf32, #tpu.memory_space<vmem>> -> memref<120x128xf32, #tpu.memory_space<vmem>>
        tpu.enqueue_dma source(%dma_start3A_103 : memref<120x128xf32, #tpu.memory_space<vmem>>) target(%dma_start3A_100 : memref<120x128xf32, #tpu.memory_space<hbm>>) target_semaphore(%run_scoped3A : memref<!tpu.dma_semaphore, #tpu.memory_space<semaphore_mem>>)
        %dma_wait3A = arith.constant 0 : i32
        %dma_wait3A_104 = arith.constant 0 : i32
        %dma_wait3A_105 = tpu.memref_slice %arg11[%dma_wait3A, %dma_wait3A_104] : memref<128x128xf32, #tpu.memory_space<vmem>> -> memref<120x128xf32, #tpu.memory_space<vmem>>
        %dma_wait3A_106 = arith.constant 0 : i32
        %dma_wait3A_107 = tpu.memref_slice %arg7[%add3A_84, %dma_wait3A_106] : memref<10112x128xf32, #tpu.memory_space<hbm>> -> memref<120x128xf32, #tpu.memory_space<hbm>>
        %dma_wait3A_108 = arith.constant 0 : i32
        %dma_wait3A_109 = tpu.memref_slice %arg7[%add3A_84, %dma_wait3A_108] : memref<10112x128xf32, #tpu.memory_space<hbm>> -> memref<120x128xf32, #tpu.memory_space<hbm>>
        %dma_wait3A_110 = arith.constant 0 : i32
        %dma_wait3A_111 = arith.constant 0 : i32
        %dma_wait3A_112 = tpu.memref_slice %arg11[%dma_wait3A_110, %dma_wait3A_111] : memref<128x128xf32, #tpu.memory_space<vmem>> -> memref<120x128xf32, #tpu.memory_space<vmem>>
        tpu.wait_dma2 semaphore(%run_scoped3A : memref<!tpu.dma_semaphore, #tpu.memory_space<semaphore_mem>>) src(%dma_wait3A_112 : memref<120x128xf32, #tpu.memory_space<vmem>>) dst(%dma_wait3A_109 : memref<120x128xf32, #tpu.memory_space<hbm>>)
        tpu.yield
      }) : () -> ()
    } else {
    }
    %eq3A_90 = arith.constant 1 : i32
    %eq3A_91 = arith.cmpi eq, %arg0, %eq3A_90 : i32
    %convert_element_type3A_92 = arith.extui %eq3A_91 : i1 to i32
    %cond3A_93 = arith.constant 0 : i32
    %cond3A_94 = arith.cmpi ne, %convert_element_type3A_92, %cond3A_93 : i32
    scf.if %cond3A_94 {
      "tpu.region"() ({
        %run_scoped3A = tpu.sem_alloc : memref<!tpu.dma_semaphore, #tpu.memory_space<semaphore_mem>>
        %dma_start3A = arith.constant 0 : i32
        %dma_start3A_95 = arith.constant 0 : i32
        %dma_start3A_96 = tpu.memref_slice %arg11[%dma_start3A, %dma_start3A_95] : memref<128x128xf32, #tpu.memory_space<vmem>> -> memref<120x128xf32, #tpu.memory_space<vmem>>
        %dma_start3A_97 = arith.constant 0 : i32
        %dma_start3A_98 = tpu.memref_slice %arg8[%add3A_84, %dma_start3A_97] : memref<10112x128xf32, #tpu.memory_space<hbm>> -> memref<120x128xf32, #tpu.memory_space<hbm>>
        %dma_start3A_99 = arith.constant 0 : i32
        %dma_start3A_100 = tpu.memref_slice %arg8[%add3A_84, %dma_start3A_99] : memref<10112x128xf32, #tpu.memory_space<hbm>> -> memref<120x128xf32, #tpu.memory_space<hbm>>
        %dma_start3A_101 = arith.constant 0 : i32
        %dma_start3A_102 = arith.constant 0 : i32
        %dma_start3A_103 = tpu.memref_slice %arg11[%dma_start3A_101, %dma_start3A_102] : memref<128x128xf32, #tpu.memory_space<vmem>> -> memref<120x128xf32, #tpu.memory_space<vmem>>
        tpu.enqueue_dma source(%dma_start3A_103 : memref<120x128xf32, #tpu.memory_space<vmem>>) target(%dma_start3A_100 : memref<120x128xf32, #tpu.memory_space<hbm>>) target_semaphore(%run_scoped3A : memref<!tpu.dma_semaphore, #tpu.memory_space<semaphore_mem>>)
        %dma_wait3A = arith.constant 0 : i32
        %dma_wait3A_104 = arith.constant 0 : i32
        %dma_wait3A_105 = tpu.memref_slice %arg11[%dma_wait3A, %dma_wait3A_104] : memref<128x128xf32, #tpu.memory_space<vmem>> -> memref<120x128xf32, #tpu.memory_space<vmem>>
        %dma_wait3A_106 = arith.constant 0 : i32
        %dma_wait3A_107 = tpu.memref_slice %arg8[%add3A_84, %dma_wait3A_106] : memref<10112x128xf32, #tpu.memory_space<hbm>> -> memref<120x128xf32, #tpu.memory_space<hbm>>
        %dma_wait3A_108 = arith.constant 0 : i32
        %dma_wait3A_109 = tpu.memref_slice %arg8[%add3A_84, %dma_wait3A_108] : memref<10112x128xf32, #tpu.memory_space<hbm>> -> memref<120x128xf32, #tpu.memory_space<hbm>>
        %dma_wait3A_110 = arith.constant 0 : i32
        %dma_wait3A_111 = arith.constant 0 : i32
        %dma_wait3A_112 = tpu.memref_slice %arg11[%dma_wait3A_110, %dma_wait3A_111] : memref<128x128xf32, #tpu.memory_space<vmem>> -> memref<120x128xf32, #tpu.memory_space<vmem>>
        tpu.wait_dma2 semaphore(%run_scoped3A : memref<!tpu.dma_semaphore, #tpu.memory_space<semaphore_mem>>) src(%dma_wait3A_112 : memref<120x128xf32, #tpu.memory_space<vmem>>) dst(%dma_wait3A_109 : memref<120x128xf32, #tpu.memory_space<hbm>>)
        tpu.yield
      }) : () -> ()
    } else {
    }
    return
  }
}

#map = affine_map<(d0, d1) -> (0, 0)>
#map1 = affine_map<(d0, d1) -> (0, 0, 0)>
module attributes {stable_mosaic.version = 14 : i64} {
  func.func @_sc_body(%arg0: i32, %arg1: i32, %arg2: memref<10112x128xf32, #tpu.memory_space<hbm>>, %arg3: memref<16x122x128xi32, #tpu.memory_space<hbm>>, %arg4: memref<16x122x128xi32, #tpu.memory_space<hbm>>, %arg5: memref<16x36x128xi32, #tpu.memory_space<hbm>>, %arg6: memref<16x36x128xi32, #tpu.memory_space<hbm>>, %arg7: memref<10112x128xf32, #tpu.memory_space<hbm>>, %arg8: memref<10112x128xf32, #tpu.memory_space<hbm>>, %arg9: memref<122x128xi32, #tpu.memory_space<vmem>>, %arg10: memref<122x128xi32, #tpu.memory_space<vmem>>, %arg11: memref<128x128xf32, #tpu.memory_space<vmem>>, %arg12: memref<10112x128xf32, #tpu.memory_space<vmem_shared>>) attributes {dimension_semantics = [#tpu.dimension_semantics<core_parallel>, #tpu.dimension_semantics<subcore_parallel>], iteration_bounds = array<i64: 2, 16>, scalar_prefetch = 0 : i64, scratch_operands = 4 : i64, tpu.core_type = #tpu.core_type<sc_vector_subcore>, window_params = [{transform_indices = #map}, {transform_indices = #map1}, {transform_indices = #map1}, {transform_indices = #map1}, {transform_indices = #map1}, {transform_indices = #map}, {transform_indices = #map}]} {
    %mul3A = arith.constant 632 : i32
    %mul3A_0 = arith.muli %arg1, %mul3A : i32
    %scan3A = arith.constant 0 : i32
    %scan3A_1 = arith.constant 0 : i32
    %scan3A_2 = arith.constant 128 : i32
    %scan3A_3 = arith.addi %scan3A_1, %scan3A_2 : i32
    %scan3A_4 = arith.constant 1 : i32
    scf.for %scan3A_95 = %scan3A_1 to %scan3A_3 step %scan3A_4  : i32 {
      %broadcast_in_dim3A = arith.constant 0.000000e+00 : f32
      %broadcast_in_dim3A_96 = vector.broadcast %broadcast_in_dim3A : f32 to vector<16xf32>
      %swap3A = arith.index_cast %scan3A_95 : i32 to index
      %swap3A_97 = arith.constant 0 : index
      %swap3A_98 = tpu.vector_load %arg11[%swap3A, %swap3A_97] {strides = array<i32>} : memref<128x128xf32, #tpu.memory_space<vmem>>, vector<1x16xf32>,
      %swap3A_99 = vector.shape_cast %swap3A_98 : vector<1x16xf32> to vector<16xf32>
      %swap3A_100 = vector.shape_cast %broadcast_in_dim3A_96 : vector<16xf32> to vector<1x16xf32>
      tpu.vector_store %arg11[%swap3A, %swap3A_97], %swap3A_100 {strides = array<i32>} : memref<128x128xf32, #tpu.memory_space<vmem>>, vector<1x16xf32>,
      %broadcast_in_dim3A_101 = arith.constant 0.000000e+00 : f32
      %broadcast_in_dim3A_102 = vector.broadcast %broadcast_in_dim3A_101 : f32 to vector<16xf32>
      %swap3A_103 = arith.index_cast %scan3A_95 : i32 to index
      %swap3A_104 = arith.constant 16 : index
      %swap3A_105 = tpu.vector_load %arg11[%swap3A_103, %swap3A_104] {strides = array<i32>} : memref<128x128xf32, #tpu.memory_space<vmem>>, vector<1x16xf32>,
      %swap3A_106 = vector.shape_cast %swap3A_105 : vector<1x16xf32> to vector<16xf32>
      %swap3A_107 = vector.shape_cast %broadcast_in_dim3A_102 : vector<16xf32> to vector<1x16xf32>
      tpu.vector_store %arg11[%swap3A_103, %swap3A_104], %swap3A_107 {strides = array<i32>} : memref<128x128xf32, #tpu.memory_space<vmem>>, vector<1x16xf32>,
      %broadcast_in_dim3A_108 = arith.constant 0.000000e+00 : f32
      %broadcast_in_dim3A_109 = vector.broadcast %broadcast_in_dim3A_108 : f32 to vector<16xf32>
      %swap3A_110 = arith.index_cast %scan3A_95 : i32 to index
      %swap3A_111 = arith.constant 32 : index
      %swap3A_112 = tpu.vector_load %arg11[%swap3A_110, %swap3A_111] {strides = array<i32>} : memref<128x128xf32, #tpu.memory_space<vmem>>, vector<1x16xf32>,
      %swap3A_113 = vector.shape_cast %swap3A_112 : vector<1x16xf32> to vector<16xf32>
      %swap3A_114 = vector.shape_cast %broadcast_in_dim3A_109 : vector<16xf32> to vector<1x16xf32>
      tpu.vector_store %arg11[%swap3A_110, %swap3A_111], %swap3A_114 {strides = array<i32>} : memref<128x128xf32, #tpu.memory_space<vmem>>, vector<1x16xf32>,
      %broadcast_in_dim3A_115 = arith.constant 0.000000e+00 : f32
      %broadcast_in_dim3A_116 = vector.broadcast %broadcast_in_dim3A_115 : f32 to vector<16xf32>
      %swap3A_117 = arith.index_cast %scan3A_95 : i32 to index
      %swap3A_118 = arith.constant 48 : index
      %swap3A_119 = tpu.vector_load %arg11[%swap3A_117, %swap3A_118] {strides = array<i32>} : memref<128x128xf32, #tpu.memory_space<vmem>>, vector<1x16xf32>,
      %swap3A_120 = vector.shape_cast %swap3A_119 : vector<1x16xf32> to vector<16xf32>
      %swap3A_121 = vector.shape_cast %broadcast_in_dim3A_116 : vector<16xf32> to vector<1x16xf32>
      tpu.vector_store %arg11[%swap3A_117, %swap3A_118], %swap3A_121 {strides = array<i32>} : memref<128x128xf32, #tpu.memory_space<vmem>>, vector<1x16xf32>,
      %broadcast_in_dim3A_122 = arith.constant 0.000000e+00 : f32
      %broadcast_in_dim3A_123 = vector.broadcast %broadcast_in_dim3A_122 : f32 to vector<16xf32>
      %swap3A_124 = arith.index_cast %scan3A_95 : i32 to index
      %swap3A_125 = arith.constant 64 : index
      %swap3A_126 = tpu.vector_load %arg11[%swap3A_124, %swap3A_125] {strides = array<i32>} : memref<128x128xf32, #tpu.memory_space<vmem>>, vector<1x16xf32>,
      %swap3A_127 = vector.shape_cast %swap3A_126 : vector<1x16xf32> to vector<16xf32>
      %swap3A_128 = vector.shape_cast %broadcast_in_dim3A_123 : vector<16xf32> to vector<1x16xf32>
      tpu.vector_store %arg11[%swap3A_124, %swap3A_125], %swap3A_128 {strides = array<i32>} : memref<128x128xf32, #tpu.memory_space<vmem>>, vector<1x16xf32>,
      %broadcast_in_dim3A_129 = arith.constant 0.000000e+00 : f32
      %broadcast_in_dim3A_130 = vector.broadcast %broadcast_in_dim3A_129 : f32 to vector<16xf32>
      %swap3A_131 = arith.index_cast %scan3A_95 : i32 to index
      %swap3A_132 = arith.constant 80 : index
      %swap3A_133 = tpu.vector_load %arg11[%swap3A_131, %swap3A_132] {strides = array<i32>} : memref<128x128xf32, #tpu.memory_space<vmem>>, vector<1x16xf32>,
      %swap3A_134 = vector.shape_cast %swap3A_133 : vector<1x16xf32> to vector<16xf32>
      %swap3A_135 = vector.shape_cast %broadcast_in_dim3A_130 : vector<16xf32> to vector<1x16xf32>
      tpu.vector_store %arg11[%swap3A_131, %swap3A_132], %swap3A_135 {strides = array<i32>} : memref<128x128xf32, #tpu.memory_space<vmem>>, vector<1x16xf32>,
      %broadcast_in_dim3A_136 = arith.constant 0.000000e+00 : f32
      %broadcast_in_dim3A_137 = vector.broadcast %broadcast_in_dim3A_136 : f32 to vector<16xf32>
      %swap3A_138 = arith.index_cast %scan3A_95 : i32 to index
      %swap3A_139 = arith.constant 96 : index
      %swap3A_140 = tpu.vector_load %arg11[%swap3A_138, %swap3A_139] {strides = array<i32>} : memref<128x128xf32, #tpu.memory_space<vmem>>, vector<1x16xf32>,
      %swap3A_141 = vector.shape_cast %swap3A_140 : vector<1x16xf32> to vector<16xf32>
      %swap3A_142 = vector.shape_cast %broadcast_in_dim3A_137 : vector<16xf32> to vector<1x16xf32>
      tpu.vector_store %arg11[%swap3A_138, %swap3A_139], %swap3A_142 {strides = array<i32>} : memref<128x128xf32, #tpu.memory_space<vmem>>, vector<1x16xf32>,
      %broadcast_in_dim3A_143 = arith.constant 0.000000e+00 : f32
      %broadcast_in_dim3A_144 = vector.broadcast %broadcast_in_dim3A_143 : f32 to vector<16xf32>
      %swap3A_145 = arith.index_cast %scan3A_95 : i32 to index
      %swap3A_146 = arith.constant 112 : index
      %swap3A_147 = tpu.vector_load %arg11[%swap3A_145, %swap3A_146] {strides = array<i32>} : memref<128x128xf32, #tpu.memory_space<vmem>>, vector<1x16xf32>,
      %swap3A_148 = vector.shape_cast %swap3A_147 : vector<1x16xf32> to vector<16xf32>
      %swap3A_149 = vector.shape_cast %broadcast_in_dim3A_144 : vector<16xf32> to vector<1x16xf32>
      tpu.vector_store %arg11[%swap3A_145, %swap3A_146], %swap3A_149 {strides = array<i32>} : memref<128x128xf32, #tpu.memory_space<vmem>>, vector<1x16xf32>,
    }
    %scan3A_5 = arith.constant 128 : i32
    %add3A = arith.constant 0 : i32
    %add3A_6 = arith.addi %mul3A_0, %add3A : i32
    "tpu.region"() ({
      %run_scoped3A = tpu.sem_alloc : memref<!tpu.dma_semaphore, #tpu.memory_space<semaphore_mem>>
      %dma_start3A = arith.constant 0 : i32
      %dma_start3A_95 = tpu.memref_slice %arg12[%add3A_6, %dma_start3A] : memref<10112x128xf32, #tpu.memory_space<vmem_shared>> -> memref<128x128xf32, #tpu.memory_space<vmem_shared>>
      %dma_start3A_96 = arith.constant 0 : i32
      %dma_start3A_97 = tpu.memref_slice %arg12[%add3A_6, %dma_start3A_96] : memref<10112x128xf32, #tpu.memory_space<vmem_shared>> -> memref<128x128xf32, #tpu.memory_space<vmem_shared>>
      tpu.enqueue_dma source(%arg11 : memref<128x128xf32, #tpu.memory_space<vmem>>) target(%dma_start3A_97 : memref<128x128xf32, #tpu.memory_space<vmem_shared>>) target_semaphore(%run_scoped3A : memref<!tpu.dma_semaphore, #tpu.memory_space<semaphore_mem>>)
      %dma_wait3A = arith.constant 0 : i32
      %dma_wait3A_98 = tpu.memref_slice %arg12[%add3A_6, %dma_wait3A] : memref<10112x128xf32, #tpu.memory_space<vmem_shared>> -> memref<128x128xf32, #tpu.memory_space<vmem_shared>>
      %dma_wait3A_99 = arith.constant 0 : i32
      %dma_wait3A_100 = tpu.memref_slice %arg12[%add3A_6, %dma_wait3A_99] : memref<10112x128xf32, #tpu.memory_space<vmem_shared>> -> memref<128x128xf32, #tpu.memory_space<vmem_shared>>
      tpu.wait_dma2 semaphore(%run_scoped3A : memref<!tpu.dma_semaphore, #tpu.memory_space<semaphore_mem>>) src(%arg11 : memref<128x128xf32, #tpu.memory_space<vmem>>) dst(%dma_wait3A_100 : memref<128x128xf32, #tpu.memory_space<vmem_shared>>)
      tpu.yield
    }) : () -> ()
    %add3A_7 = arith.constant 128 : i32
    %add3A_8 = arith.addi %mul3A_0, %add3A_7 : i32
    "tpu.region"() ({
      %run_scoped3A = tpu.sem_alloc : memref<!tpu.dma_semaphore, #tpu.memory_space<semaphore_mem>>
      %dma_start3A = arith.constant 0 : i32
      %dma_start3A_95 = tpu.memref_slice %arg12[%add3A_8, %dma_start3A] : memref<10112x128xf32, #tpu.memory_space<vmem_shared>> -> memref<128x128xf32, #tpu.memory_space<vmem_shared>>
      %dma_start3A_96 = arith.constant 0 : i32
      %dma_start3A_97 = tpu.memref_slice %arg12[%add3A_8, %dma_start3A_96] : memref<10112x128xf32, #tpu.memory_space<vmem_shared>> -> memref<128x128xf32, #tpu.memory_space<vmem_shared>>
      tpu.enqueue_dma source(%arg11 : memref<128x128xf32, #tpu.memory_space<vmem>>) target(%dma_start3A_97 : memref<128x128xf32, #tpu.memory_space<vmem_shared>>) target_semaphore(%run_scoped3A : memref<!tpu.dma_semaphore, #tpu.memory_space<semaphore_mem>>)
      %dma_wait3A = arith.constant 0 : i32
      %dma_wait3A_98 = tpu.memref_slice %arg12[%add3A_8, %dma_wait3A] : memref<10112x128xf32, #tpu.memory_space<vmem_shared>> -> memref<128x128xf32, #tpu.memory_space<vmem_shared>>
      %dma_wait3A_99 = arith.constant 0 : i32
      %dma_wait3A_100 = tpu.memref_slice %arg12[%add3A_8, %dma_wait3A_99] : memref<10112x128xf32, #tpu.memory_space<vmem_shared>> -> memref<128x128xf32, #tpu.memory_space<vmem_shared>>
      tpu.wait_dma2 semaphore(%run_scoped3A : memref<!tpu.dma_semaphore, #tpu.memory_space<semaphore_mem>>) src(%arg11 : memref<128x128xf32, #tpu.memory_space<vmem>>) dst(%dma_wait3A_100 : memref<128x128xf32, #tpu.memory_space<vmem_shared>>)
      tpu.yield
    }) : () -> ()
    %add3A_9 = arith.constant 256 : i32
    %add3A_10 = arith.addi %mul3A_0, %add3A_9 : i32
    "tpu.region"() ({
      %run_scoped3A = tpu.sem_alloc : memref<!tpu.dma_semaphore, #tpu.memory_space<semaphore_mem>>
      %dma_start3A = arith.constant 0 : i32
      %dma_start3A_95 = tpu.memref_slice %arg12[%add3A_10, %dma_start3A] : memref<10112x128xf32, #tpu.memory_space<vmem_shared>> -> memref<128x128xf32, #tpu.memory_space<vmem_shared>>
      %dma_start3A_96 = arith.constant 0 : i32
      %dma_start3A_97 = tpu.memref_slice %arg12[%add3A_10, %dma_start3A_96] : memref<10112x128xf32, #tpu.memory_space<vmem_shared>> -> memref<128x128xf32, #tpu.memory_space<vmem_shared>>
      tpu.enqueue_dma source(%arg11 : memref<128x128xf32, #tpu.memory_space<vmem>>) target(%dma_start3A_97 : memref<128x128xf32, #tpu.memory_space<vmem_shared>>) target_semaphore(%run_scoped3A : memref<!tpu.dma_semaphore, #tpu.memory_space<semaphore_mem>>)
      %dma_wait3A = arith.constant 0 : i32
      %dma_wait3A_98 = tpu.memref_slice %arg12[%add3A_10, %dma_wait3A] : memref<10112x128xf32, #tpu.memory_space<vmem_shared>> -> memref<128x128xf32, #tpu.memory_space<vmem_shared>>
      %dma_wait3A_99 = arith.constant 0 : i32
      %dma_wait3A_100 = tpu.memref_slice %arg12[%add3A_10, %dma_wait3A_99] : memref<10112x128xf32, #tpu.memory_space<vmem_shared>> -> memref<128x128xf32, #tpu.memory_space<vmem_shared>>
      tpu.wait_dma2 semaphore(%run_scoped3A : memref<!tpu.dma_semaphore, #tpu.memory_space<semaphore_mem>>) src(%arg11 : memref<128x128xf32, #tpu.memory_space<vmem>>) dst(%dma_wait3A_100 : memref<128x128xf32, #tpu.memory_space<vmem_shared>>)
      tpu.yield
    }) : () -> ()
    %add3A_11 = arith.constant 384 : i32
    %add3A_12 = arith.addi %mul3A_0, %add3A_11 : i32
    "tpu.region"() ({
      %run_scoped3A = tpu.sem_alloc : memref<!tpu.dma_semaphore, #tpu.memory_space<semaphore_mem>>
      %dma_start3A = arith.constant 0 : i32
      %dma_start3A_95 = tpu.memref_slice %arg12[%add3A_12, %dma_start3A] : memref<10112x128xf32, #tpu.memory_space<vmem_shared>> -> memref<128x128xf32, #tpu.memory_space<vmem_shared>>
      %dma_start3A_96 = arith.constant 0 : i32
      %dma_start3A_97 = tpu.memref_slice %arg12[%add3A_12, %dma_start3A_96] : memref<10112x128xf32, #tpu.memory_space<vmem_shared>> -> memref<128x128xf32, #tpu.memory_space<vmem_shared>>
      tpu.enqueue_dma source(%arg11 : memref<128x128xf32, #tpu.memory_space<vmem>>) target(%dma_start3A_97 : memref<128x128xf32, #tpu.memory_space<vmem_shared>>) target_semaphore(%run_scoped3A : memref<!tpu.dma_semaphore, #tpu.memory_space<semaphore_mem>>)
      %dma_wait3A = arith.constant 0 : i32
      %dma_wait3A_98 = tpu.memref_slice %arg12[%add3A_12, %dma_wait3A] : memref<10112x128xf32, #tpu.memory_space<vmem_shared>> -> memref<128x128xf32, #tpu.memory_space<vmem_shared>>
      %dma_wait3A_99 = arith.constant 0 : i32
      %dma_wait3A_100 = tpu.memref_slice %arg12[%add3A_12, %dma_wait3A_99] : memref<10112x128xf32, #tpu.memory_space<vmem_shared>> -> memref<128x128xf32, #tpu.memory_space<vmem_shared>>
      tpu.wait_dma2 semaphore(%run_scoped3A : memref<!tpu.dma_semaphore, #tpu.memory_space<semaphore_mem>>) src(%arg11 : memref<128x128xf32, #tpu.memory_space<vmem>>) dst(%dma_wait3A_100 : memref<128x128xf32, #tpu.memory_space<vmem_shared>>)
      tpu.yield
    }) : () -> ()
    %add3A_13 = arith.constant 512 : i32
    %add3A_14 = arith.addi %mul3A_0, %add3A_13 : i32
    "tpu.region"() ({
      %run_scoped3A = tpu.sem_alloc : memref<!tpu.dma_semaphore, #tpu.memory_space<semaphore_mem>>
      %dma_start3A = arith.constant 0 : i32
      %dma_start3A_95 = arith.constant 0 : i32
      %dma_start3A_96 = tpu.memref_slice %arg11[%dma_start3A, %dma_start3A_95] : memref<128x128xf32, #tpu.memory_space<vmem>> -> memref<120x128xf32, #tpu.memory_space<vmem>>
      %dma_start3A_97 = arith.constant 0 : i32
      %dma_start3A_98 = tpu.memref_slice %arg12[%add3A_14, %dma_start3A_97] : memref<10112x128xf32, #tpu.memory_space<vmem_shared>> -> memref<120x128xf32, #tpu.memory_space<vmem_shared>>
      %dma_start3A_99 = arith.constant 0 : i32
      %dma_start3A_100 = tpu.memref_slice %arg12[%add3A_14, %dma_start3A_99] : memref<10112x128xf32, #tpu.memory_space<vmem_shared>> -> memref<120x128xf32, #tpu.memory_space<vmem_shared>>
      %dma_start3A_101 = arith.constant 0 : i32
      %dma_start3A_102 = arith.constant 0 : i32
      %dma_start3A_103 = tpu.memref_slice %arg11[%dma_start3A_101, %dma_start3A_102] : memref<128x128xf32, #tpu.memory_space<vmem>> -> memref<120x128xf32, #tpu.memory_space<vmem>>
      tpu.enqueue_dma source(%dma_start3A_103 : memref<120x128xf32, #tpu.memory_space<vmem>>) target(%dma_start3A_100 : memref<120x128xf32, #tpu.memory_space<vmem_shared>>) target_semaphore(%run_scoped3A : memref<!tpu.dma_semaphore, #tpu.memory_space<semaphore_mem>>)
      %dma_wait3A = arith.constant 0 : i32
      %dma_wait3A_104 = arith.constant 0 : i32
      %dma_wait3A_105 = tpu.memref_slice %arg11[%dma_wait3A, %dma_wait3A_104] : memref<128x128xf32, #tpu.memory_space<vmem>> -> memref<120x128xf32, #tpu.memory_space<vmem>>
      %dma_wait3A_106 = arith.constant 0 : i32
      %dma_wait3A_107 = tpu.memref_slice %arg12[%add3A_14, %dma_wait3A_106] : memref<10112x128xf32, #tpu.memory_space<vmem_shared>> -> memref<120x128xf32, #tpu.memory_space<vmem_shared>>
      %dma_wait3A_108 = arith.constant 0 : i32
      %dma_wait3A_109 = tpu.memref_slice %arg12[%add3A_14, %dma_wait3A_108] : memref<10112x128xf32, #tpu.memory_space<vmem_shared>> -> memref<120x128xf32, #tpu.memory_space<vmem_shared>>
      %dma_wait3A_110 = arith.constant 0 : i32
      %dma_wait3A_111 = arith.constant 0 : i32
      %dma_wait3A_112 = tpu.memref_slice %arg11[%dma_wait3A_110, %dma_wait3A_111] : memref<128x128xf32, #tpu.memory_space<vmem>> -> memref<120x128xf32, #tpu.memory_space<vmem>>
      tpu.wait_dma2 semaphore(%run_scoped3A : memref<!tpu.dma_semaphore, #tpu.memory_space<semaphore_mem>>) src(%dma_wait3A_112 : memref<120x128xf32, #tpu.memory_space<vmem>>) dst(%dma_wait3A_109 : memref<120x128xf32, #tpu.memory_space<vmem_shared>>)
      tpu.yield
    }) : () -> ()
    %barrier3A = arith.constant 0 : index
    tpu.barrier barrier_id(%barrier3A)
    %eq3A = arith.constant 0 : i32
    %eq3A_15 = arith.cmpi eq, %arg0, %eq3A : i32
    %convert_element_type3A = arith.extui %eq3A_15 : i1 to i32
    %cond3A = arith.constant 0 : i32
    %cond3A_16 = arith.cmpi ne, %convert_element_type3A, %cond3A : i32
    scf.if %cond3A_16 {
      "tpu.region"() ({
        %run_scoped3A = tpu.sem_alloc : memref<!tpu.dma_semaphore, #tpu.memory_space<semaphore_mem>>
        %dma_start3A = arith.constant 0 : i32
        %dma_start3A_95 = arith.constant 0 : i32
        %dma_start3A_96 = tpu.memref_slice %arg9[%dma_start3A, %dma_start3A_95] : memref<122x128xi32, #tpu.memory_space<vmem>> -> memref<122x128xi32, #tpu.memory_space<vmem>>
        %dma_start3A_97 = arith.constant 0 : i32
        %dma_start3A_98 = arith.constant 0 : i32
        %dma_start3A_99 = tpu.memref_slice %arg3[%arg1, %dma_start3A_97, %dma_start3A_98] : memref<16x122x128xi32, #tpu.memory_space<hbm>> -> memref<1x122x128xi32, #tpu.memory_space<hbm>>
        %dma_start3A_100 = tpu.memref_squeeze %dma_start3A_99 : memref<1x122x128xi32, #tpu.memory_space<hbm>> -> memref<122x128xi32, #tpu.memory_space<hbm>>
        %dma_start3A_101 = arith.constant 0 : i32
        %dma_start3A_102 = arith.constant 0 : i32
        %dma_start3A_103 = tpu.memref_slice %arg9[%dma_start3A_101, %dma_start3A_102] : memref<122x128xi32, #tpu.memory_space<vmem>> -> memref<122x128xi32, #tpu.memory_space<vmem>>
        %dma_start3A_104 = arith.constant 0 : i32
        %dma_start3A_105 = arith.constant 0 : i32
        %dma_start3A_106 = tpu.memref_slice %arg3[%arg1, %dma_start3A_104, %dma_start3A_105] : memref<16x122x128xi32, #tpu.memory_space<hbm>> -> memref<1x122x128xi32, #tpu.memory_space<hbm>>
        %dma_start3A_107 = tpu.memref_squeeze %dma_start3A_106 : memref<1x122x128xi32, #tpu.memory_space<hbm>> -> memref<122x128xi32, #tpu.memory_space<hbm>>
        tpu.enqueue_dma source(%dma_start3A_107 : memref<122x128xi32, #tpu.memory_space<hbm>>) target(%dma_start3A_103 : memref<122x128xi32, #tpu.memory_space<vmem>>) target_semaphore(%run_scoped3A : memref<!tpu.dma_semaphore, #tpu.memory_space<semaphore_mem>>)
        %dma_wait3A = arith.constant 0 : i32
        %dma_wait3A_108 = arith.constant 0 : i32
        %dma_wait3A_109 = tpu.memref_slice %arg9[%dma_wait3A, %dma_wait3A_108] : memref<122x128xi32, #tpu.memory_space<vmem>> -> memref<122x128xi32, #tpu.memory_space<vmem>>
        %dma_wait3A_110 = arith.constant 0 : i32
        %dma_wait3A_111 = arith.constant 0 : i32
        %dma_wait3A_112 = tpu.memref_slice %arg3[%arg1, %dma_wait3A_110, %dma_wait3A_111] : memref<16x122x128xi32, #tpu.memory_space<hbm>> -> memref<1x122x128xi32, #tpu.memory_space<hbm>>
        %dma_wait3A_113 = tpu.memref_squeeze %dma_wait3A_112 : memref<1x122x128xi32, #tpu.memory_space<hbm>> -> memref<122x128xi32, #tpu.memory_space<hbm>>
        %dma_wait3A_114 = arith.constant 0 : i32
        %dma_wait3A_115 = arith.constant 0 : i32
        %dma_wait3A_116 = tpu.memref_slice %arg9[%dma_wait3A_114, %dma_wait3A_115] : memref<122x128xi32, #tpu.memory_space<vmem>> -> memref<122x128xi32, #tpu.memory_space<vmem>>
        %dma_wait3A_117 = arith.constant 0 : i32
        %dma_wait3A_118 = arith.constant 0 : i32
        %dma_wait3A_119 = tpu.memref_slice %arg3[%arg1, %dma_wait3A_117, %dma_wait3A_118] : memref<16x122x128xi32, #tpu.memory_space<hbm>> -> memref<1x122x128xi32, #tpu.memory_space<hbm>>
        %dma_wait3A_120 = tpu.memref_squeeze %dma_wait3A_119 : memref<1x122x128xi32, #tpu.memory_space<hbm>> -> memref<122x128xi32, #tpu.memory_space<hbm>>
        tpu.wait_dma2 semaphore(%run_scoped3A : memref<!tpu.dma_semaphore, #tpu.memory_space<semaphore_mem>>) src(%dma_wait3A_120 : memref<122x128xi32, #tpu.memory_space<hbm>>) dst(%dma_wait3A_116 : memref<122x128xi32, #tpu.memory_space<vmem>>)
        tpu.yield
      }) : () -> ()
      "tpu.region"() ({
        %run_scoped3A = tpu.sem_alloc : memref<!tpu.dma_semaphore, #tpu.memory_space<semaphore_mem>>
        %dma_start3A = arith.constant 0 : i32
        %dma_start3A_95 = arith.constant 0 : i32
        %dma_start3A_96 = tpu.memref_slice %arg10[%dma_start3A, %dma_start3A_95] : memref<122x128xi32, #tpu.memory_space<vmem>> -> memref<122x128xi32, #tpu.memory_space<vmem>>
        %dma_start3A_97 = arith.constant 0 : i32
        %dma_start3A_98 = arith.constant 0 : i32
        %dma_start3A_99 = tpu.memref_slice %arg4[%arg1, %dma_start3A_97, %dma_start3A_98] : memref<16x122x128xi32, #tpu.memory_space<hbm>> -> memref<1x122x128xi32, #tpu.memory_space<hbm>>
        %dma_start3A_100 = tpu.memref_squeeze %dma_start3A_99 : memref<1x122x128xi32, #tpu.memory_space<hbm>> -> memref<122x128xi32, #tpu.memory_space<hbm>>
        %dma_start3A_101 = arith.constant 0 : i32
        %dma_start3A_102 = arith.constant 0 : i32
        %dma_start3A_103 = tpu.memref_slice %arg10[%dma_start3A_101, %dma_start3A_102] : memref<122x128xi32, #tpu.memory_space<vmem>> -> memref<122x128xi32, #tpu.memory_space<vmem>>
        %dma_start3A_104 = arith.constant 0 : i32
        %dma_start3A_105 = arith.constant 0 : i32
        %dma_start3A_106 = tpu.memref_slice %arg4[%arg1, %dma_start3A_104, %dma_start3A_105] : memref<16x122x128xi32, #tpu.memory_space<hbm>> -> memref<1x122x128xi32, #tpu.memory_space<hbm>>
        %dma_start3A_107 = tpu.memref_squeeze %dma_start3A_106 : memref<1x122x128xi32, #tpu.memory_space<hbm>> -> memref<122x128xi32, #tpu.memory_space<hbm>>
        tpu.enqueue_dma source(%dma_start3A_107 : memref<122x128xi32, #tpu.memory_space<hbm>>) target(%dma_start3A_103 : memref<122x128xi32, #tpu.memory_space<vmem>>) target_semaphore(%run_scoped3A : memref<!tpu.dma_semaphore, #tpu.memory_space<semaphore_mem>>)
        %dma_wait3A = arith.constant 0 : i32
        %dma_wait3A_108 = arith.constant 0 : i32
        %dma_wait3A_109 = tpu.memref_slice %arg10[%dma_wait3A, %dma_wait3A_108] : memref<122x128xi32, #tpu.memory_space<vmem>> -> memref<122x128xi32, #tpu.memory_space<vmem>>
        %dma_wait3A_110 = arith.constant 0 : i32
        %dma_wait3A_111 = arith.constant 0 : i32
        %dma_wait3A_112 = tpu.memref_slice %arg4[%arg1, %dma_wait3A_110, %dma_wait3A_111] : memref<16x122x128xi32, #tpu.memory_space<hbm>> -> memref<1x122x128xi32, #tpu.memory_space<hbm>>
        %dma_wait3A_113 = tpu.memref_squeeze %dma_wait3A_112 : memref<1x122x128xi32, #tpu.memory_space<hbm>> -> memref<122x128xi32, #tpu.memory_space<hbm>>
        %dma_wait3A_114 = arith.constant 0 : i32
        %dma_wait3A_115 = arith.constant 0 : i32
        %dma_wait3A_116 = tpu.memref_slice %arg10[%dma_wait3A_114, %dma_wait3A_115] : memref<122x128xi32, #tpu.memory_space<vmem>> -> memref<122x128xi32, #tpu.memory_space<vmem>>
        %dma_wait3A_117 = arith.constant 0 : i32
        %dma_wait3A_118 = arith.constant 0 : i32
        %dma_wait3A_119 = tpu.memref_slice %arg4[%arg1, %dma_wait3A_117, %dma_wait3A_118] : memref<16x122x128xi32, #tpu.memory_space<hbm>> -> memref<1x122x128xi32, #tpu.memory_space<hbm>>
        %dma_wait3A_120 = tpu.memref_squeeze %dma_wait3A_119 : memref<1x122x128xi32, #tpu.memory_space<hbm>> -> memref<122x128xi32, #tpu.memory_space<hbm>>
        tpu.wait_dma2 semaphore(%run_scoped3A : memref<!tpu.dma_semaphore, #tpu.memory_space<semaphore_mem>>) src(%dma_wait3A_120 : memref<122x128xi32, #tpu.memory_space<hbm>>) dst(%dma_wait3A_116 : memref<122x128xi32, #tpu.memory_space<vmem>>)
        tpu.yield
      }) : () -> ()
    } else {
    }
    %eq3A_17 = arith.constant 1 : i32
    %eq3A_18 = arith.cmpi eq, %arg0, %eq3A_17 : i32
    %convert_element_type3A_19 = arith.extui %eq3A_18 : i1 to i32
    %cond3A_20 = arith.constant 0 : i32
    %cond3A_21 = arith.cmpi ne, %convert_element_type3A_19, %cond3A_20 : i32
    scf.if %cond3A_21 {
      "tpu.region"() ({
        %run_scoped3A = tpu.sem_alloc : memref<!tpu.dma_semaphore, #tpu.memory_space<semaphore_mem>>
        %dma_start3A = arith.constant 0 : i32
        %dma_start3A_95 = arith.constant 0 : i32
        %dma_start3A_96 = tpu.memref_slice %arg9[%dma_start3A, %dma_start3A_95] : memref<122x128xi32, #tpu.memory_space<vmem>> -> memref<36x128xi32, #tpu.memory_space<vmem>>
        %dma_start3A_97 = arith.constant 0 : i32
        %dma_start3A_98 = arith.constant 0 : i32
        %dma_start3A_99 = tpu.memref_slice %arg5[%arg1, %dma_start3A_97, %dma_start3A_98] : memref<16x36x128xi32, #tpu.memory_space<hbm>> -> memref<1x36x128xi32, #tpu.memory_space<hbm>>
        %dma_start3A_100 = tpu.memref_squeeze %dma_start3A_99 : memref<1x36x128xi32, #tpu.memory_space<hbm>> -> memref<36x128xi32, #tpu.memory_space<hbm>>
        %dma_start3A_101 = arith.constant 0 : i32
        %dma_start3A_102 = arith.constant 0 : i32
        %dma_start3A_103 = tpu.memref_slice %arg9[%dma_start3A_101, %dma_start3A_102] : memref<122x128xi32, #tpu.memory_space<vmem>> -> memref<36x128xi32, #tpu.memory_space<vmem>>
        %dma_start3A_104 = arith.constant 0 : i32
        %dma_start3A_105 = arith.constant 0 : i32
        %dma_start3A_106 = tpu.memref_slice %arg5[%arg1, %dma_start3A_104, %dma_start3A_105] : memref<16x36x128xi32, #tpu.memory_space<hbm>> -> memref<1x36x128xi32, #tpu.memory_space<hbm>>
        %dma_start3A_107 = tpu.memref_squeeze %dma_start3A_106 : memref<1x36x128xi32, #tpu.memory_space<hbm>> -> memref<36x128xi32, #tpu.memory_space<hbm>>
        tpu.enqueue_dma source(%dma_start3A_107 : memref<36x128xi32, #tpu.memory_space<hbm>>) target(%dma_start3A_103 : memref<36x128xi32, #tpu.memory_space<vmem>>) target_semaphore(%run_scoped3A : memref<!tpu.dma_semaphore, #tpu.memory_space<semaphore_mem>>)
        %dma_wait3A = arith.constant 0 : i32
        %dma_wait3A_108 = arith.constant 0 : i32
        %dma_wait3A_109 = tpu.memref_slice %arg9[%dma_wait3A, %dma_wait3A_108] : memref<122x128xi32, #tpu.memory_space<vmem>> -> memref<36x128xi32, #tpu.memory_space<vmem>>
        %dma_wait3A_110 = arith.constant 0 : i32
        %dma_wait3A_111 = arith.constant 0 : i32
        %dma_wait3A_112 = tpu.memref_slice %arg5[%arg1, %dma_wait3A_110, %dma_wait3A_111] : memref<16x36x128xi32, #tpu.memory_space<hbm>> -> memref<1x36x128xi32, #tpu.memory_space<hbm>>
        %dma_wait3A_113 = tpu.memref_squeeze %dma_wait3A_112 : memref<1x36x128xi32, #tpu.memory_space<hbm>> -> memref<36x128xi32, #tpu.memory_space<hbm>>
        %dma_wait3A_114 = arith.constant 0 : i32
        %dma_wait3A_115 = arith.constant 0 : i32
        %dma_wait3A_116 = tpu.memref_slice %arg9[%dma_wait3A_114, %dma_wait3A_115] : memref<122x128xi32, #tpu.memory_space<vmem>> -> memref<36x128xi32, #tpu.memory_space<vmem>>
        %dma_wait3A_117 = arith.constant 0 : i32
        %dma_wait3A_118 = arith.constant 0 : i32
        %dma_wait3A_119 = tpu.memref_slice %arg5[%arg1, %dma_wait3A_117, %dma_wait3A_118] : memref<16x36x128xi32, #tpu.memory_space<hbm>> -> memref<1x36x128xi32, #tpu.memory_space<hbm>>
        %dma_wait3A_120 = tpu.memref_squeeze %dma_wait3A_119 : memref<1x36x128xi32, #tpu.memory_space<hbm>> -> memref<36x128xi32, #tpu.memory_space<hbm>>
        tpu.wait_dma2 semaphore(%run_scoped3A : memref<!tpu.dma_semaphore, #tpu.memory_space<semaphore_mem>>) src(%dma_wait3A_120 : memref<36x128xi32, #tpu.memory_space<hbm>>) dst(%dma_wait3A_116 : memref<36x128xi32, #tpu.memory_space<vmem>>)
        tpu.yield
      }) : () -> ()
      "tpu.region"() ({
        %run_scoped3A = tpu.sem_alloc : memref<!tpu.dma_semaphore, #tpu.memory_space<semaphore_mem>>
        %dma_start3A = arith.constant 0 : i32
        %dma_start3A_95 = arith.constant 0 : i32
        %dma_start3A_96 = tpu.memref_slice %arg10[%dma_start3A, %dma_start3A_95] : memref<122x128xi32, #tpu.memory_space<vmem>> -> memref<36x128xi32, #tpu.memory_space<vmem>>
        %dma_start3A_97 = arith.constant 0 : i32
        %dma_start3A_98 = arith.constant 0 : i32
        %dma_start3A_99 = tpu.memref_slice %arg6[%arg1, %dma_start3A_97, %dma_start3A_98] : memref<16x36x128xi32, #tpu.memory_space<hbm>> -> memref<1x36x128xi32, #tpu.memory_space<hbm>>
        %dma_start3A_100 = tpu.memref_squeeze %dma_start3A_99 : memref<1x36x128xi32, #tpu.memory_space<hbm>> -> memref<36x128xi32, #tpu.memory_space<hbm>>
        %dma_start3A_101 = arith.constant 0 : i32
        %dma_start3A_102 = arith.constant 0 : i32
        %dma_start3A_103 = tpu.memref_slice %arg10[%dma_start3A_101, %dma_start3A_102] : memref<122x128xi32, #tpu.memory_space<vmem>> -> memref<36x128xi32, #tpu.memory_space<vmem>>
        %dma_start3A_104 = arith.constant 0 : i32
        %dma_start3A_105 = arith.constant 0 : i32
        %dma_start3A_106 = tpu.memref_slice %arg6[%arg1, %dma_start3A_104, %dma_start3A_105] : memref<16x36x128xi32, #tpu.memory_space<hbm>> -> memref<1x36x128xi32, #tpu.memory_space<hbm>>
        %dma_start3A_107 = tpu.memref_squeeze %dma_start3A_106 : memref<1x36x128xi32, #tpu.memory_space<hbm>> -> memref<36x128xi32, #tpu.memory_space<hbm>>
        tpu.enqueue_dma source(%dma_start3A_107 : memref<36x128xi32, #tpu.memory_space<hbm>>) target(%dma_start3A_103 : memref<36x128xi32, #tpu.memory_space<vmem>>) target_semaphore(%run_scoped3A : memref<!tpu.dma_semaphore, #tpu.memory_space<semaphore_mem>>)
        %dma_wait3A = arith.constant 0 : i32
        %dma_wait3A_108 = arith.constant 0 : i32
        %dma_wait3A_109 = tpu.memref_slice %arg10[%dma_wait3A, %dma_wait3A_108] : memref<122x128xi32, #tpu.memory_space<vmem>> -> memref<36x128xi32, #tpu.memory_space<vmem>>
        %dma_wait3A_110 = arith.constant 0 : i32
        %dma_wait3A_111 = arith.constant 0 : i32
        %dma_wait3A_112 = tpu.memref_slice %arg6[%arg1, %dma_wait3A_110, %dma_wait3A_111] : memref<16x36x128xi32, #tpu.memory_space<hbm>> -> memref<1x36x128xi32, #tpu.memory_space<hbm>>
        %dma_wait3A_113 = tpu.memref_squeeze %dma_wait3A_112 : memref<1x36x128xi32, #tpu.memory_space<hbm>> -> memref<36x128xi32, #tpu.memory_space<hbm>>
        %dma_wait3A_114 = arith.constant 0 : i32
        %dma_wait3A_115 = arith.constant 0 : i32
        %dma_wait3A_116 = tpu.memref_slice %arg10[%dma_wait3A_114, %dma_wait3A_115] : memref<122x128xi32, #tpu.memory_space<vmem>> -> memref<36x128xi32, #tpu.memory_space<vmem>>
        %dma_wait3A_117 = arith.constant 0 : i32
        %dma_wait3A_118 = arith.constant 0 : i32
        %dma_wait3A_119 = tpu.memref_slice %arg6[%arg1, %dma_wait3A_117, %dma_wait3A_118] : memref<16x36x128xi32, #tpu.memory_space<hbm>> -> memref<1x36x128xi32, #tpu.memory_space<hbm>>
        %dma_wait3A_120 = tpu.memref_squeeze %dma_wait3A_119 : memref<1x36x128xi32, #tpu.memory_space<hbm>> -> memref<36x128xi32, #tpu.memory_space<hbm>>
        tpu.wait_dma2 semaphore(%run_scoped3A : memref<!tpu.dma_semaphore, #tpu.memory_space<semaphore_mem>>) src(%dma_wait3A_120 : memref<36x128xi32, #tpu.memory_space<hbm>>) dst(%dma_wait3A_116 : memref<36x128xi32, #tpu.memory_space<vmem>>)
        tpu.yield
      }) : () -> ()
    } else {
    }
    %eq3A_22 = arith.constant 0 : i32
    %eq3A_23 = arith.cmpi eq, %arg0, %eq3A_22 : i32
    %jit3A = arith.constant 122 : i32
    %jit3A_24 = arith.constant 36 : i32
    %select_n3A = arith.select %eq3A_23, %jit3A, %jit3A_24 : i32
    %while3A = arith.constant 0 : i32
    %while3A_25 = arith.constant 0 : i32
    %while3A_26 = arith.subi %select_n3A, %while3A_25 : i32
    %while3A_27 = arith.addi %while3A_25, %while3A_26 : i32
    %while3A_28 = arith.constant 1 : i32
    %while3A_29 = arith.divsi %while3A_26, %while3A_28 : i32
    %while3A_30 = arith.muli %while3A_29, %while3A_28 : i32
    %while3A_31 = arith.addi %while3A_25, %while3A_30 : i32
    %while3A_32 = arith.constant 1 : i32
    scf.for %while3A_95 = %while3A_25 to %while3A_31 step %while3A_32  : i32 {
      "tpu.region"() ({
        %run_scoped3A = tpu.sem_alloc : memref<!tpu.dma_semaphore, #tpu.memory_space<semaphore_mem>>
        %dma_start3A = arith.constant 0 : i32
        %dma_start3A_96 = tpu.memref_slice %arg9[%while3A_95, %dma_start3A] : memref<122x128xi32, #tpu.memory_space<vmem>> -> memref<1x128xi32, #tpu.memory_space<vmem>>
        %dma_start3A_97 = tpu.memref_squeeze %dma_start3A_96 : memref<1x128xi32, #tpu.memory_space<vmem>> -> memref<128xi32, #tpu.memory_space<vmem>>
        %dma_start3A_98 = arith.constant 0 : i32
        %dma_start3A_99 = arith.constant 0 : i32
        %dma_start3A_100 = tpu.memref_slice %arg2[%dma_start3A_98, %dma_start3A_99] : memref<10112x128xf32, #tpu.memory_space<hbm>> -> memref<10112x128xf32, #tpu.memory_space<hbm>>
        tpu.enqueue_indirect_dma source(%dma_start3A_100 : memref<10112x128xf32, #tpu.memory_space<hbm>>) target(%arg11 : memref<128x128xf32, #tpu.memory_space<vmem>>) offsets(%dma_start3A_97 : memref<128xi32, #tpu.memory_space<vmem>>) semaphore(%run_scoped3A : memref<!tpu.dma_semaphore, #tpu.memory_space<semaphore_mem>>)
        %dma_wait3A = arith.constant 0 : i32
        %dma_wait3A_101 = tpu.memref_slice %arg9[%while3A_95, %dma_wait3A] : memref<122x128xi32, #tpu.memory_space<vmem>> -> memref<1x128xi32, #tpu.memory_space<vmem>>
        %dma_wait3A_102 = tpu.memref_squeeze %dma_wait3A_101 : memref<1x128xi32, #tpu.memory_space<vmem>> -> memref<128xi32, #tpu.memory_space<vmem>>
        %dma_wait3A_103 = arith.constant 0 : i32
        %dma_wait3A_104 = arith.constant 0 : i32
        %dma_wait3A_105 = tpu.memref_slice %arg2[%dma_wait3A_103, %dma_wait3A_104] : memref<10112x128xf32, #tpu.memory_space<hbm>> -> memref<10112x128xf32, #tpu.memory_space<hbm>>
        tpu.wait_indirect_dma semaphore(%run_scoped3A : memref<!tpu.dma_semaphore, #tpu.memory_space<semaphore_mem>>) src(%dma_wait3A_105 : memref<10112x128xf32, #tpu.memory_space<hbm>>) dst(%arg11 : memref<128x128xf32, #tpu.memory_space<vmem>>)
        tpu.yield
      }) : () -> ()
      "tpu.region"() ({
        %run_scoped3A = tpu.sem_alloc : memref<!tpu.dma_semaphore, #tpu.memory_space<semaphore_mem>>
        %dma_start3A = arith.constant 0 : i32
        %dma_start3A_96 = tpu.memref_slice %arg10[%while3A_95, %dma_start3A] : memref<122x128xi32, #tpu.memory_space<vmem>> -> memref<1x128xi32, #tpu.memory_space<vmem>>
        %dma_start3A_97 = tpu.memref_squeeze %dma_start3A_96 : memref<1x128xi32, #tpu.memory_space<vmem>> -> memref<128xi32, #tpu.memory_space<vmem>>
        %dma_start3A_98 = arith.constant 0 : i32
        %dma_start3A_99 = arith.constant 0 : i32
        %dma_start3A_100 = tpu.memref_slice %arg12[%dma_start3A_98, %dma_start3A_99] : memref<10112x128xf32, #tpu.memory_space<vmem_shared>> -> memref<10112x128xf32, #tpu.memory_space<vmem_shared>>
        tpu.enqueue_indirect_dma source(%arg11 : memref<128x128xf32, #tpu.memory_space<vmem>>) target(%dma_start3A_100 : memref<10112x128xf32, #tpu.memory_space<vmem_shared>>) offsets(%dma_start3A_97 : memref<128xi32, #tpu.memory_space<vmem>>) semaphore(%run_scoped3A : memref<!tpu.dma_semaphore, #tpu.memory_space<semaphore_mem>>) {add = true}
        %dma_wait3A = arith.constant 0 : i32
        %dma_wait3A_101 = tpu.memref_slice %arg10[%while3A_95, %dma_wait3A] : memref<122x128xi32, #tpu.memory_space<vmem>> -> memref<1x128xi32, #tpu.memory_space<vmem>>
        %dma_wait3A_102 = tpu.memref_squeeze %dma_wait3A_101 : memref<1x128xi32, #tpu.memory_space<vmem>> -> memref<128xi32, #tpu.memory_space<vmem>>
        %dma_wait3A_103 = arith.constant 0 : i32
        %dma_wait3A_104 = arith.constant 0 : i32
        %dma_wait3A_105 = tpu.memref_slice %arg12[%dma_wait3A_103, %dma_wait3A_104] : memref<10112x128xf32, #tpu.memory_space<vmem_shared>> -> memref<10112x128xf32, #tpu.memory_space<vmem_shared>>
        tpu.wait_indirect_dma semaphore(%run_scoped3A : memref<!tpu.dma_semaphore, #tpu.memory_space<semaphore_mem>>) src(%arg11 : memref<128x128xf32, #tpu.memory_space<vmem>>) dst(%dma_wait3A_105 : memref<10112x128xf32, #tpu.memory_space<vmem_shared>>)
        tpu.yield
      }) : () -> ()
    }
    %while3A_33 = arith.constant 1 : i32
    scf.for %while3A_95 = %while3A_31 to %while3A_27 step %while3A_33  : i32 {
      "tpu.region"() ({
        %run_scoped3A = tpu.sem_alloc : memref<!tpu.dma_semaphore, #tpu.memory_space<semaphore_mem>>
        %dma_start3A = arith.constant 0 : i32
        %dma_start3A_96 = tpu.memref_slice %arg9[%while3A_95, %dma_start3A] : memref<122x128xi32, #tpu.memory_space<vmem>> -> memref<1x128xi32, #tpu.memory_space<vmem>>
        %dma_start3A_97 = tpu.memref_squeeze %dma_start3A_96 : memref<1x128xi32, #tpu.memory_space<vmem>> -> memref<128xi32, #tpu.memory_space<vmem>>
        %dma_start3A_98 = arith.constant 0 : i32
        %dma_start3A_99 = arith.constant 0 : i32
        %dma_start3A_100 = tpu.memref_slice %arg2[%dma_start3A_98, %dma_start3A_99] : memref<10112x128xf32, #tpu.memory_space<hbm>> -> memref<10112x128xf32, #tpu.memory_space<hbm>>
        tpu.enqueue_indirect_dma source(%dma_start3A_100 : memref<10112x128xf32, #tpu.memory_space<hbm>>) target(%arg11 : memref<128x128xf32, #tpu.memory_space<vmem>>) offsets(%dma_start3A_97 : memref<128xi32, #tpu.memory_space<vmem>>) semaphore(%run_scoped3A : memref<!tpu.dma_semaphore, #tpu.memory_space<semaphore_mem>>)
        %dma_wait3A = arith.constant 0 : i32
        %dma_wait3A_101 = tpu.memref_slice %arg9[%while3A_95, %dma_wait3A] : memref<122x128xi32, #tpu.memory_space<vmem>> -> memref<1x128xi32, #tpu.memory_space<vmem>>
        %dma_wait3A_102 = tpu.memref_squeeze %dma_wait3A_101 : memref<1x128xi32, #tpu.memory_space<vmem>> -> memref<128xi32, #tpu.memory_space<vmem>>
        %dma_wait3A_103 = arith.constant 0 : i32
        %dma_wait3A_104 = arith.constant 0 : i32
        %dma_wait3A_105 = tpu.memref_slice %arg2[%dma_wait3A_103, %dma_wait3A_104] : memref<10112x128xf32, #tpu.memory_space<hbm>> -> memref<10112x128xf32, #tpu.memory_space<hbm>>
        tpu.wait_indirect_dma semaphore(%run_scoped3A : memref<!tpu.dma_semaphore, #tpu.memory_space<semaphore_mem>>) src(%dma_wait3A_105 : memref<10112x128xf32, #tpu.memory_space<hbm>>) dst(%arg11 : memref<128x128xf32, #tpu.memory_space<vmem>>)
        tpu.yield
      }) : () -> ()
      "tpu.region"() ({
        %run_scoped3A = tpu.sem_alloc : memref<!tpu.dma_semaphore, #tpu.memory_space<semaphore_mem>>
        %dma_start3A = arith.constant 0 : i32
        %dma_start3A_96 = tpu.memref_slice %arg10[%while3A_95, %dma_start3A] : memref<122x128xi32, #tpu.memory_space<vmem>> -> memref<1x128xi32, #tpu.memory_space<vmem>>
        %dma_start3A_97 = tpu.memref_squeeze %dma_start3A_96 : memref<1x128xi32, #tpu.memory_space<vmem>> -> memref<128xi32, #tpu.memory_space<vmem>>
        %dma_start3A_98 = arith.constant 0 : i32
        %dma_start3A_99 = arith.constant 0 : i32
        %dma_start3A_100 = tpu.memref_slice %arg12[%dma_start3A_98, %dma_start3A_99] : memref<10112x128xf32, #tpu.memory_space<vmem_shared>> -> memref<10112x128xf32, #tpu.memory_space<vmem_shared>>
        tpu.enqueue_indirect_dma source(%arg11 : memref<128x128xf32, #tpu.memory_space<vmem>>) target(%dma_start3A_100 : memref<10112x128xf32, #tpu.memory_space<vmem_shared>>) offsets(%dma_start3A_97 : memref<128xi32, #tpu.memory_space<vmem>>) semaphore(%run_scoped3A : memref<!tpu.dma_semaphore, #tpu.memory_space<semaphore_mem>>) {add = true}
        %dma_wait3A = arith.constant 0 : i32
        %dma_wait3A_101 = tpu.memref_slice %arg10[%while3A_95, %dma_wait3A] : memref<122x128xi32, #tpu.memory_space<vmem>> -> memref<1x128xi32, #tpu.memory_space<vmem>>
        %dma_wait3A_102 = tpu.memref_squeeze %dma_wait3A_101 : memref<1x128xi32, #tpu.memory_space<vmem>> -> memref<128xi32, #tpu.memory_space<vmem>>
        %dma_wait3A_103 = arith.constant 0 : i32
        %dma_wait3A_104 = arith.constant 0 : i32
        %dma_wait3A_105 = tpu.memref_slice %arg12[%dma_wait3A_103, %dma_wait3A_104] : memref<10112x128xf32, #tpu.memory_space<vmem_shared>> -> memref<10112x128xf32, #tpu.memory_space<vmem_shared>>
        tpu.wait_indirect_dma semaphore(%run_scoped3A : memref<!tpu.dma_semaphore, #tpu.memory_space<semaphore_mem>>) src(%arg11 : memref<128x128xf32, #tpu.memory_space<vmem>>) dst(%dma_wait3A_105 : memref<10112x128xf32, #tpu.memory_space<vmem_shared>>)
        tpu.yield
      }) : () -> ()
    }
    %barrier3A_34 = arith.constant 0 : index
    tpu.barrier barrier_id(%barrier3A_34)
    %add3A_35 = arith.constant 0 : i32
    %add3A_36 = arith.addi %mul3A_0, %add3A_35 : i32
    "tpu.region"() ({
      %run_scoped3A = tpu.sem_alloc : memref<!tpu.dma_semaphore, #tpu.memory_space<semaphore_mem>>
      %dma_start3A = arith.constant 0 : i32
      %dma_start3A_95 = tpu.memref_slice %arg12[%add3A_36, %dma_start3A] : memref<10112x128xf32, #tpu.memory_space<vmem_shared>> -> memref<128x128xf32, #tpu.memory_space<vmem_shared>>
      %dma_start3A_96 = arith.constant 0 : i32
      %dma_start3A_97 = tpu.memref_slice %arg12[%add3A_36, %dma_start3A_96] : memref<10112x128xf32, #tpu.memory_space<vmem_shared>> -> memref<128x128xf32, #tpu.memory_space<vmem_shared>>
      tpu.enqueue_dma source(%dma_start3A_97 : memref<128x128xf32, #tpu.memory_space<vmem_shared>>) target(%arg11 : memref<128x128xf32, #tpu.memory_space<vmem>>) target_semaphore(%run_scoped3A : memref<!tpu.dma_semaphore, #tpu.memory_space<semaphore_mem>>)
      %dma_wait3A = arith.constant 0 : i32
      %dma_wait3A_98 = tpu.memref_slice %arg12[%add3A_36, %dma_wait3A] : memref<10112x128xf32, #tpu.memory_space<vmem_shared>> -> memref<128x128xf32, #tpu.memory_space<vmem_shared>>
      %dma_wait3A_99 = arith.constant 0 : i32
      %dma_wait3A_100 = tpu.memref_slice %arg12[%add3A_36, %dma_wait3A_99] : memref<10112x128xf32, #tpu.memory_space<vmem_shared>> -> memref<128x128xf32, #tpu.memory_space<vmem_shared>>
      tpu.wait_dma2 semaphore(%run_scoped3A : memref<!tpu.dma_semaphore, #tpu.memory_space<semaphore_mem>>) src(%dma_wait3A_100 : memref<128x128xf32, #tpu.memory_space<vmem_shared>>) dst(%arg11 : memref<128x128xf32, #tpu.memory_space<vmem>>)
      tpu.yield
    }) : () -> ()
    %eq3A_37 = arith.constant 0 : i32
    %eq3A_38 = arith.cmpi eq, %arg0, %eq3A_37 : i32
    %convert_element_type3A_39 = arith.extui %eq3A_38 : i1 to i32
    %cond3A_40 = arith.constant 0 : i32
    %cond3A_41 = arith.cmpi ne, %convert_element_type3A_39, %cond3A_40 : i32
    scf.if %cond3A_41 {
      "tpu.region"() ({
        %run_scoped3A = tpu.sem_alloc : memref<!tpu.dma_semaphore, #tpu.memory_space<semaphore_mem>>
        %dma_start3A = arith.constant 0 : i32
        %dma_start3A_95 = tpu.memref_slice %arg7[%add3A_36, %dma_start3A] : memref<10112x128xf32, #tpu.memory_space<hbm>> -> memref<128x128xf32, #tpu.memory_space<hbm>>
        %dma_start3A_96 = arith.constant 0 : i32
        %dma_start3A_97 = tpu.memref_slice %arg7[%add3A_36, %dma_start3A_96] : memref<10112x128xf32, #tpu.memory_space<hbm>> -> memref<128x128xf32, #tpu.memory_space<hbm>>
        tpu.enqueue_dma source(%arg11 : memref<128x128xf32, #tpu.memory_space<vmem>>) target(%dma_start3A_97 : memref<128x128xf32, #tpu.memory_space<hbm>>) target_semaphore(%run_scoped3A : memref<!tpu.dma_semaphore, #tpu.memory_space<semaphore_mem>>)
        %dma_wait3A = arith.constant 0 : i32
        %dma_wait3A_98 = tpu.memref_slice %arg7[%add3A_36, %dma_wait3A] : memref<10112x128xf32, #tpu.memory_space<hbm>> -> memref<128x128xf32, #tpu.memory_space<hbm>>
        %dma_wait3A_99 = arith.constant 0 : i32
        %dma_wait3A_100 = tpu.memref_slice %arg7[%add3A_36, %dma_wait3A_99] : memref<10112x128xf32, #tpu.memory_space<hbm>> -> memref<128x128xf32, #tpu.memory_space<hbm>>
        tpu.wait_dma2 semaphore(%run_scoped3A : memref<!tpu.dma_semaphore, #tpu.memory_space<semaphore_mem>>) src(%arg11 : memref<128x128xf32, #tpu.memory_space<vmem>>) dst(%dma_wait3A_100 : memref<128x128xf32, #tpu.memory_space<hbm>>)
        tpu.yield
      }) : () -> ()
    } else {
    }
    %eq3A_42 = arith.constant 1 : i32
    %eq3A_43 = arith.cmpi eq, %arg0, %eq3A_42 : i32
    %convert_element_type3A_44 = arith.extui %eq3A_43 : i1 to i32
    %cond3A_45 = arith.constant 0 : i32
    %cond3A_46 = arith.cmpi ne, %convert_element_type3A_44, %cond3A_45 : i32
    scf.if %cond3A_46 {
      "tpu.region"() ({
        %run_scoped3A = tpu.sem_alloc : memref<!tpu.dma_semaphore, #tpu.memory_space<semaphore_mem>>
        %dma_start3A = arith.constant 0 : i32
        %dma_start3A_95 = tpu.memref_slice %arg8[%add3A_36, %dma_start3A] : memref<10112x128xf32, #tpu.memory_space<hbm>> -> memref<128x128xf32, #tpu.memory_space<hbm>>
        %dma_start3A_96 = arith.constant 0 : i32
        %dma_start3A_97 = tpu.memref_slice %arg8[%add3A_36, %dma_start3A_96] : memref<10112x128xf32, #tpu.memory_space<hbm>> -> memref<128x128xf32, #tpu.memory_space<hbm>>
        tpu.enqueue_dma source(%arg11 : memref<128x128xf32, #tpu.memory_space<vmem>>) target(%dma_start3A_97 : memref<128x128xf32, #tpu.memory_space<hbm>>) target_semaphore(%run_scoped3A : memref<!tpu.dma_semaphore, #tpu.memory_space<semaphore_mem>>)
        %dma_wait3A = arith.constant 0 : i32
        %dma_wait3A_98 = tpu.memref_slice %arg8[%add3A_36, %dma_wait3A] : memref<10112x128xf32, #tpu.memory_space<hbm>> -> memref<128x128xf32, #tpu.memory_space<hbm>>
        %dma_wait3A_99 = arith.constant 0 : i32
        %dma_wait3A_100 = tpu.memref_slice %arg8[%add3A_36, %dma_wait3A_99] : memref<10112x128xf32, #tpu.memory_space<hbm>> -> memref<128x128xf32, #tpu.memory_space<hbm>>
        tpu.wait_dma2 semaphore(%run_scoped3A : memref<!tpu.dma_semaphore, #tpu.memory_space<semaphore_mem>>) src(%arg11 : memref<128x128xf32, #tpu.memory_space<vmem>>) dst(%dma_wait3A_100 : memref<128x128xf32, #tpu.memory_space<hbm>>)
        tpu.yield
      }) : () -> ()
    } else {
    }
    %add3A_47 = arith.constant 128 : i32
    %add3A_48 = arith.addi %mul3A_0, %add3A_47 : i32
    "tpu.region"() ({
      %run_scoped3A = tpu.sem_alloc : memref<!tpu.dma_semaphore, #tpu.memory_space<semaphore_mem>>
      %dma_start3A = arith.constant 0 : i32
      %dma_start3A_95 = tpu.memref_slice %arg12[%add3A_48, %dma_start3A] : memref<10112x128xf32, #tpu.memory_space<vmem_shared>> -> memref<128x128xf32, #tpu.memory_space<vmem_shared>>
      %dma_start3A_96 = arith.constant 0 : i32
      %dma_start3A_97 = tpu.memref_slice %arg12[%add3A_48, %dma_start3A_96] : memref<10112x128xf32, #tpu.memory_space<vmem_shared>> -> memref<128x128xf32, #tpu.memory_space<vmem_shared>>
      tpu.enqueue_dma source(%dma_start3A_97 : memref<128x128xf32, #tpu.memory_space<vmem_shared>>) target(%arg11 : memref<128x128xf32, #tpu.memory_space<vmem>>) target_semaphore(%run_scoped3A : memref<!tpu.dma_semaphore, #tpu.memory_space<semaphore_mem>>)
      %dma_wait3A = arith.constant 0 : i32
      %dma_wait3A_98 = tpu.memref_slice %arg12[%add3A_48, %dma_wait3A] : memref<10112x128xf32, #tpu.memory_space<vmem_shared>> -> memref<128x128xf32, #tpu.memory_space<vmem_shared>>
      %dma_wait3A_99 = arith.constant 0 : i32
      %dma_wait3A_100 = tpu.memref_slice %arg12[%add3A_48, %dma_wait3A_99] : memref<10112x128xf32, #tpu.memory_space<vmem_shared>> -> memref<128x128xf32, #tpu.memory_space<vmem_shared>>
      tpu.wait_dma2 semaphore(%run_scoped3A : memref<!tpu.dma_semaphore, #tpu.memory_space<semaphore_mem>>) src(%dma_wait3A_100 : memref<128x128xf32, #tpu.memory_space<vmem_shared>>) dst(%arg11 : memref<128x128xf32, #tpu.memory_space<vmem>>)
      tpu.yield
    }) : () -> ()
    %eq3A_49 = arith.constant 0 : i32
    %eq3A_50 = arith.cmpi eq, %arg0, %eq3A_49 : i32
    %convert_element_type3A_51 = arith.extui %eq3A_50 : i1 to i32
    %cond3A_52 = arith.constant 0 : i32
    %cond3A_53 = arith.cmpi ne, %convert_element_type3A_51, %cond3A_52 : i32
    scf.if %cond3A_53 {
      "tpu.region"() ({
        %run_scoped3A = tpu.sem_alloc : memref<!tpu.dma_semaphore, #tpu.memory_space<semaphore_mem>>
        %dma_start3A = arith.constant 0 : i32
        %dma_start3A_95 = tpu.memref_slice %arg7[%add3A_48, %dma_start3A] : memref<10112x128xf32, #tpu.memory_space<hbm>> -> memref<128x128xf32, #tpu.memory_space<hbm>>
        %dma_start3A_96 = arith.constant 0 : i32
        %dma_start3A_97 = tpu.memref_slice %arg7[%add3A_48, %dma_start3A_96] : memref<10112x128xf32, #tpu.memory_space<hbm>> -> memref<128x128xf32, #tpu.memory_space<hbm>>
        tpu.enqueue_dma source(%arg11 : memref<128x128xf32, #tpu.memory_space<vmem>>) target(%dma_start3A_97 : memref<128x128xf32, #tpu.memory_space<hbm>>) target_semaphore(%run_scoped3A : memref<!tpu.dma_semaphore, #tpu.memory_space<semaphore_mem>>)
        %dma_wait3A = arith.constant 0 : i32
        %dma_wait3A_98 = tpu.memref_slice %arg7[%add3A_48, %dma_wait3A] : memref<10112x128xf32, #tpu.memory_space<hbm>> -> memref<128x128xf32, #tpu.memory_space<hbm>>
        %dma_wait3A_99 = arith.constant 0 : i32
        %dma_wait3A_100 = tpu.memref_slice %arg7[%add3A_48, %dma_wait3A_99] : memref<10112x128xf32, #tpu.memory_space<hbm>> -> memref<128x128xf32, #tpu.memory_space<hbm>>
        tpu.wait_dma2 semaphore(%run_scoped3A : memref<!tpu.dma_semaphore, #tpu.memory_space<semaphore_mem>>) src(%arg11 : memref<128x128xf32, #tpu.memory_space<vmem>>) dst(%dma_wait3A_100 : memref<128x128xf32, #tpu.memory_space<hbm>>)
        tpu.yield
      }) : () -> ()
    } else {
    }
    %eq3A_54 = arith.constant 1 : i32
    %eq3A_55 = arith.cmpi eq, %arg0, %eq3A_54 : i32
    %convert_element_type3A_56 = arith.extui %eq3A_55 : i1 to i32
    %cond3A_57 = arith.constant 0 : i32
    %cond3A_58 = arith.cmpi ne, %convert_element_type3A_56, %cond3A_57 : i32
    scf.if %cond3A_58 {
      "tpu.region"() ({
        %run_scoped3A = tpu.sem_alloc : memref<!tpu.dma_semaphore, #tpu.memory_space<semaphore_mem>>
        %dma_start3A = arith.constant 0 : i32
        %dma_start3A_95 = tpu.memref_slice %arg8[%add3A_48, %dma_start3A] : memref<10112x128xf32, #tpu.memory_space<hbm>> -> memref<128x128xf32, #tpu.memory_space<hbm>>
        %dma_start3A_96 = arith.constant 0 : i32
        %dma_start3A_97 = tpu.memref_slice %arg8[%add3A_48, %dma_start3A_96] : memref<10112x128xf32, #tpu.memory_space<hbm>> -> memref<128x128xf32, #tpu.memory_space<hbm>>
        tpu.enqueue_dma source(%arg11 : memref<128x128xf32, #tpu.memory_space<vmem>>) target(%dma_start3A_97 : memref<128x128xf32, #tpu.memory_space<hbm>>) target_semaphore(%run_scoped3A : memref<!tpu.dma_semaphore, #tpu.memory_space<semaphore_mem>>)
        %dma_wait3A = arith.constant 0 : i32
        %dma_wait3A_98 = tpu.memref_slice %arg8[%add3A_48, %dma_wait3A] : memref<10112x128xf32, #tpu.memory_space<hbm>> -> memref<128x128xf32, #tpu.memory_space<hbm>>
        %dma_wait3A_99 = arith.constant 0 : i32
        %dma_wait3A_100 = tpu.memref_slice %arg8[%add3A_48, %dma_wait3A_99] : memref<10112x128xf32, #tpu.memory_space<hbm>> -> memref<128x128xf32, #tpu.memory_space<hbm>>
        tpu.wait_dma2 semaphore(%run_scoped3A : memref<!tpu.dma_semaphore, #tpu.memory_space<semaphore_mem>>) src(%arg11 : memref<128x128xf32, #tpu.memory_space<vmem>>) dst(%dma_wait3A_100 : memref<128x128xf32, #tpu.memory_space<hbm>>)
        tpu.yield
      }) : () -> ()
    } else {
    }
    %add3A_59 = arith.constant 256 : i32
    %add3A_60 = arith.addi %mul3A_0, %add3A_59 : i32
    "tpu.region"() ({
      %run_scoped3A = tpu.sem_alloc : memref<!tpu.dma_semaphore, #tpu.memory_space<semaphore_mem>>
      %dma_start3A = arith.constant 0 : i32
      %dma_start3A_95 = tpu.memref_slice %arg12[%add3A_60, %dma_start3A] : memref<10112x128xf32, #tpu.memory_space<vmem_shared>> -> memref<128x128xf32, #tpu.memory_space<vmem_shared>>
      %dma_start3A_96 = arith.constant 0 : i32
      %dma_start3A_97 = tpu.memref_slice %arg12[%add3A_60, %dma_start3A_96] : memref<10112x128xf32, #tpu.memory_space<vmem_shared>> -> memref<128x128xf32, #tpu.memory_space<vmem_shared>>
      tpu.enqueue_dma source(%dma_start3A_97 : memref<128x128xf32, #tpu.memory_space<vmem_shared>>) target(%arg11 : memref<128x128xf32, #tpu.memory_space<vmem>>) target_semaphore(%run_scoped3A : memref<!tpu.dma_semaphore, #tpu.memory_space<semaphore_mem>>)
      %dma_wait3A = arith.constant 0 : i32
      %dma_wait3A_98 = tpu.memref_slice %arg12[%add3A_60, %dma_wait3A] : memref<10112x128xf32, #tpu.memory_space<vmem_shared>> -> memref<128x128xf32, #tpu.memory_space<vmem_shared>>
      %dma_wait3A_99 = arith.constant 0 : i32
      %dma_wait3A_100 = tpu.memref_slice %arg12[%add3A_60, %dma_wait3A_99] : memref<10112x128xf32, #tpu.memory_space<vmem_shared>> -> memref<128x128xf32, #tpu.memory_space<vmem_shared>>
      tpu.wait_dma2 semaphore(%run_scoped3A : memref<!tpu.dma_semaphore, #tpu.memory_space<semaphore_mem>>) src(%dma_wait3A_100 : memref<128x128xf32, #tpu.memory_space<vmem_shared>>) dst(%arg11 : memref<128x128xf32, #tpu.memory_space<vmem>>)
      tpu.yield
    }) : () -> ()
    %eq3A_61 = arith.constant 0 : i32
    %eq3A_62 = arith.cmpi eq, %arg0, %eq3A_61 : i32
    %convert_element_type3A_63 = arith.extui %eq3A_62 : i1 to i32
    %cond3A_64 = arith.constant 0 : i32
    %cond3A_65 = arith.cmpi ne, %convert_element_type3A_63, %cond3A_64 : i32
    scf.if %cond3A_65 {
      "tpu.region"() ({
        %run_scoped3A = tpu.sem_alloc : memref<!tpu.dma_semaphore, #tpu.memory_space<semaphore_mem>>
        %dma_start3A = arith.constant 0 : i32
        %dma_start3A_95 = tpu.memref_slice %arg7[%add3A_60, %dma_start3A] : memref<10112x128xf32, #tpu.memory_space<hbm>> -> memref<128x128xf32, #tpu.memory_space<hbm>>
        %dma_start3A_96 = arith.constant 0 : i32
        %dma_start3A_97 = tpu.memref_slice %arg7[%add3A_60, %dma_start3A_96] : memref<10112x128xf32, #tpu.memory_space<hbm>> -> memref<128x128xf32, #tpu.memory_space<hbm>>
        tpu.enqueue_dma source(%arg11 : memref<128x128xf32, #tpu.memory_space<vmem>>) target(%dma_start3A_97 : memref<128x128xf32, #tpu.memory_space<hbm>>) target_semaphore(%run_scoped3A : memref<!tpu.dma_semaphore, #tpu.memory_space<semaphore_mem>>)
        %dma_wait3A = arith.constant 0 : i32
        %dma_wait3A_98 = tpu.memref_slice %arg7[%add3A_60, %dma_wait3A] : memref<10112x128xf32, #tpu.memory_space<hbm>> -> memref<128x128xf32, #tpu.memory_space<hbm>>
        %dma_wait3A_99 = arith.constant 0 : i32
        %dma_wait3A_100 = tpu.memref_slice %arg7[%add3A_60, %dma_wait3A_99] : memref<10112x128xf32, #tpu.memory_space<hbm>> -> memref<128x128xf32, #tpu.memory_space<hbm>>
        tpu.wait_dma2 semaphore(%run_scoped3A : memref<!tpu.dma_semaphore, #tpu.memory_space<semaphore_mem>>) src(%arg11 : memref<128x128xf32, #tpu.memory_space<vmem>>) dst(%dma_wait3A_100 : memref<128x128xf32, #tpu.memory_space<hbm>>)
        tpu.yield
      }) : () -> ()
    } else {
    }
    %eq3A_66 = arith.constant 1 : i32
    %eq3A_67 = arith.cmpi eq, %arg0, %eq3A_66 : i32
    %convert_element_type3A_68 = arith.extui %eq3A_67 : i1 to i32
    %cond3A_69 = arith.constant 0 : i32
    %cond3A_70 = arith.cmpi ne, %convert_element_type3A_68, %cond3A_69 : i32
    scf.if %cond3A_70 {
      "tpu.region"() ({
        %run_scoped3A = tpu.sem_alloc : memref<!tpu.dma_semaphore, #tpu.memory_space<semaphore_mem>>
        %dma_start3A = arith.constant 0 : i32
        %dma_start3A_95 = tpu.memref_slice %arg8[%add3A_60, %dma_start3A] : memref<10112x128xf32, #tpu.memory_space<hbm>> -> memref<128x128xf32, #tpu.memory_space<hbm>>
        %dma_start3A_96 = arith.constant 0 : i32
        %dma_start3A_97 = tpu.memref_slice %arg8[%add3A_60, %dma_start3A_96] : memref<10112x128xf32, #tpu.memory_space<hbm>> -> memref<128x128xf32, #tpu.memory_space<hbm>>
        tpu.enqueue_dma source(%arg11 : memref<128x128xf32, #tpu.memory_space<vmem>>) target(%dma_start3A_97 : memref<128x128xf32, #tpu.memory_space<hbm>>) target_semaphore(%run_scoped3A : memref<!tpu.dma_semaphore, #tpu.memory_space<semaphore_mem>>)
        %dma_wait3A = arith.constant 0 : i32
        %dma_wait3A_98 = tpu.memref_slice %arg8[%add3A_60, %dma_wait3A] : memref<10112x128xf32, #tpu.memory_space<hbm>> -> memref<128x128xf32, #tpu.memory_space<hbm>>
        %dma_wait3A_99 = arith.constant 0 : i32
        %dma_wait3A_100 = tpu.memref_slice %arg8[%add3A_60, %dma_wait3A_99] : memref<10112x128xf32, #tpu.memory_space<hbm>> -> memref<128x128xf32, #tpu.memory_space<hbm>>
        tpu.wait_dma2 semaphore(%run_scoped3A : memref<!tpu.dma_semaphore, #tpu.memory_space<semaphore_mem>>) src(%arg11 : memref<128x128xf32, #tpu.memory_space<vmem>>) dst(%dma_wait3A_100 : memref<128x128xf32, #tpu.memory_space<hbm>>)
        tpu.yield
      }) : () -> ()
    } else {
    }
    %add3A_71 = arith.constant 384 : i32
    %add3A_72 = arith.addi %mul3A_0, %add3A_71 : i32
    "tpu.region"() ({
      %run_scoped3A = tpu.sem_alloc : memref<!tpu.dma_semaphore, #tpu.memory_space<semaphore_mem>>
      %dma_start3A = arith.constant 0 : i32
      %dma_start3A_95 = tpu.memref_slice %arg12[%add3A_72, %dma_start3A] : memref<10112x128xf32, #tpu.memory_space<vmem_shared>> -> memref<128x128xf32, #tpu.memory_space<vmem_shared>>
      %dma_start3A_96 = arith.constant 0 : i32
      %dma_start3A_97 = tpu.memref_slice %arg12[%add3A_72, %dma_start3A_96] : memref<10112x128xf32, #tpu.memory_space<vmem_shared>> -> memref<128x128xf32, #tpu.memory_space<vmem_shared>>
      tpu.enqueue_dma source(%dma_start3A_97 : memref<128x128xf32, #tpu.memory_space<vmem_shared>>) target(%arg11 : memref<128x128xf32, #tpu.memory_space<vmem>>) target_semaphore(%run_scoped3A : memref<!tpu.dma_semaphore, #tpu.memory_space<semaphore_mem>>)
      %dma_wait3A = arith.constant 0 : i32
      %dma_wait3A_98 = tpu.memref_slice %arg12[%add3A_72, %dma_wait3A] : memref<10112x128xf32, #tpu.memory_space<vmem_shared>> -> memref<128x128xf32, #tpu.memory_space<vmem_shared>>
      %dma_wait3A_99 = arith.constant 0 : i32
      %dma_wait3A_100 = tpu.memref_slice %arg12[%add3A_72, %dma_wait3A_99] : memref<10112x128xf32, #tpu.memory_space<vmem_shared>> -> memref<128x128xf32, #tpu.memory_space<vmem_shared>>
      tpu.wait_dma2 semaphore(%run_scoped3A : memref<!tpu.dma_semaphore, #tpu.memory_space<semaphore_mem>>) src(%dma_wait3A_100 : memref<128x128xf32, #tpu.memory_space<vmem_shared>>) dst(%arg11 : memref<128x128xf32, #tpu.memory_space<vmem>>)
      tpu.yield
    }) : () -> ()
    %eq3A_73 = arith.constant 0 : i32
    %eq3A_74 = arith.cmpi eq, %arg0, %eq3A_73 : i32
    %convert_element_type3A_75 = arith.extui %eq3A_74 : i1 to i32
    %cond3A_76 = arith.constant 0 : i32
    %cond3A_77 = arith.cmpi ne, %convert_element_type3A_75, %cond3A_76 : i32
    scf.if %cond3A_77 {
      "tpu.region"() ({
        %run_scoped3A = tpu.sem_alloc : memref<!tpu.dma_semaphore, #tpu.memory_space<semaphore_mem>>
        %dma_start3A = arith.constant 0 : i32
        %dma_start3A_95 = tpu.memref_slice %arg7[%add3A_72, %dma_start3A] : memref<10112x128xf32, #tpu.memory_space<hbm>> -> memref<128x128xf32, #tpu.memory_space<hbm>>
        %dma_start3A_96 = arith.constant 0 : i32
        %dma_start3A_97 = tpu.memref_slice %arg7[%add3A_72, %dma_start3A_96] : memref<10112x128xf32, #tpu.memory_space<hbm>> -> memref<128x128xf32, #tpu.memory_space<hbm>>
        tpu.enqueue_dma source(%arg11 : memref<128x128xf32, #tpu.memory_space<vmem>>) target(%dma_start3A_97 : memref<128x128xf32, #tpu.memory_space<hbm>>) target_semaphore(%run_scoped3A : memref<!tpu.dma_semaphore, #tpu.memory_space<semaphore_mem>>)
        %dma_wait3A = arith.constant 0 : i32
        %dma_wait3A_98 = tpu.memref_slice %arg7[%add3A_72, %dma_wait3A] : memref<10112x128xf32, #tpu.memory_space<hbm>> -> memref<128x128xf32, #tpu.memory_space<hbm>>
        %dma_wait3A_99 = arith.constant 0 : i32
        %dma_wait3A_100 = tpu.memref_slice %arg7[%add3A_72, %dma_wait3A_99] : memref<10112x128xf32, #tpu.memory_space<hbm>> -> memref<128x128xf32, #tpu.memory_space<hbm>>
        tpu.wait_dma2 semaphore(%run_scoped3A : memref<!tpu.dma_semaphore, #tpu.memory_space<semaphore_mem>>) src(%arg11 : memref<128x128xf32, #tpu.memory_space<vmem>>) dst(%dma_wait3A_100 : memref<128x128xf32, #tpu.memory_space<hbm>>)
        tpu.yield
      }) : () -> ()
    } else {
    }
    %eq3A_78 = arith.constant 1 : i32
    %eq3A_79 = arith.cmpi eq, %arg0, %eq3A_78 : i32
    %convert_element_type3A_80 = arith.extui %eq3A_79 : i1 to i32
    %cond3A_81 = arith.constant 0 : i32
    %cond3A_82 = arith.cmpi ne, %convert_element_type3A_80, %cond3A_81 : i32
    scf.if %cond3A_82 {
      "tpu.region"() ({
        %run_scoped3A = tpu.sem_alloc : memref<!tpu.dma_semaphore, #tpu.memory_space<semaphore_mem>>
        %dma_start3A = arith.constant 0 : i32
        %dma_start3A_95 = tpu.memref_slice %arg8[%add3A_72, %dma_start3A] : memref<10112x128xf32, #tpu.memory_space<hbm>> -> memref<128x128xf32, #tpu.memory_space<hbm>>
        %dma_start3A_96 = arith.constant 0 : i32
        %dma_start3A_97 = tpu.memref_slice %arg8[%add3A_72, %dma_start3A_96] : memref<10112x128xf32, #tpu.memory_space<hbm>> -> memref<128x128xf32, #tpu.memory_space<hbm>>
        tpu.enqueue_dma source(%arg11 : memref<128x128xf32, #tpu.memory_space<vmem>>) target(%dma_start3A_97 : memref<128x128xf32, #tpu.memory_space<hbm>>) target_semaphore(%run_scoped3A : memref<!tpu.dma_semaphore, #tpu.memory_space<semaphore_mem>>)
        %dma_wait3A = arith.constant 0 : i32
        %dma_wait3A_98 = tpu.memref_slice %arg8[%add3A_72, %dma_wait3A] : memref<10112x128xf32, #tpu.memory_space<hbm>> -> memref<128x128xf32, #tpu.memory_space<hbm>>
        %dma_wait3A_99 = arith.constant 0 : i32
        %dma_wait3A_100 = tpu.memref_slice %arg8[%add3A_72, %dma_wait3A_99] : memref<10112x128xf32, #tpu.memory_space<hbm>> -> memref<128x128xf32, #tpu.memory_space<hbm>>
        tpu.wait_dma2 semaphore(%run_scoped3A : memref<!tpu.dma_semaphore, #tpu.memory_space<semaphore_mem>>) src(%arg11 : memref<128x128xf32, #tpu.memory_space<vmem>>) dst(%dma_wait3A_100 : memref<128x128xf32, #tpu.memory_space<hbm>>)
        tpu.yield
      }) : () -> ()
    } else {
    }
    %add3A_83 = arith.constant 512 : i32
    %add3A_84 = arith.addi %mul3A_0, %add3A_83 : i32
    "tpu.region"() ({
      %run_scoped3A = tpu.sem_alloc : memref<!tpu.dma_semaphore, #tpu.memory_space<semaphore_mem>>
      %dma_start3A = arith.constant 0 : i32
      %dma_start3A_95 = arith.constant 0 : i32
      %dma_start3A_96 = tpu.memref_slice %arg11[%dma_start3A, %dma_start3A_95] : memref<128x128xf32, #tpu.memory_space<vmem>> -> memref<120x128xf32, #tpu.memory_space<vmem>>
      %dma_start3A_97 = arith.constant 0 : i32
      %dma_start3A_98 = tpu.memref_slice %arg12[%add3A_84, %dma_start3A_97] : memref<10112x128xf32, #tpu.memory_space<vmem_shared>> -> memref<120x128xf32, #tpu.memory_space<vmem_shared>>
      %dma_start3A_99 = arith.constant 0 : i32
      %dma_start3A_100 = arith.constant 0 : i32
      %dma_start3A_101 = tpu.memref_slice %arg11[%dma_start3A_99, %dma_start3A_100] : memref<128x128xf32, #tpu.memory_space<vmem>> -> memref<120x128xf32, #tpu.memory_space<vmem>>
      %dma_start3A_102 = arith.constant 0 : i32
      %dma_start3A_103 = tpu.memref_slice %arg12[%add3A_84, %dma_start3A_102] : memref<10112x128xf32, #tpu.memory_space<vmem_shared>> -> memref<120x128xf32, #tpu.memory_space<vmem_shared>>
      tpu.enqueue_dma source(%dma_start3A_103 : memref<120x128xf32, #tpu.memory_space<vmem_shared>>) target(%dma_start3A_101 : memref<120x128xf32, #tpu.memory_space<vmem>>) target_semaphore(%run_scoped3A : memref<!tpu.dma_semaphore, #tpu.memory_space<semaphore_mem>>)
      %dma_wait3A = arith.constant 0 : i32
      %dma_wait3A_104 = arith.constant 0 : i32
      %dma_wait3A_105 = tpu.memref_slice %arg11[%dma_wait3A, %dma_wait3A_104] : memref<128x128xf32, #tpu.memory_space<vmem>> -> memref<120x128xf32, #tpu.memory_space<vmem>>
      %dma_wait3A_106 = arith.constant 0 : i32
      %dma_wait3A_107 = tpu.memref_slice %arg12[%add3A_84, %dma_wait3A_106] : memref<10112x128xf32, #tpu.memory_space<vmem_shared>> -> memref<120x128xf32, #tpu.memory_space<vmem_shared>>
      %dma_wait3A_108 = arith.constant 0 : i32
      %dma_wait3A_109 = arith.constant 0 : i32
      %dma_wait3A_110 = tpu.memref_slice %arg11[%dma_wait3A_108, %dma_wait3A_109] : memref<128x128xf32, #tpu.memory_space<vmem>> -> memref<120x128xf32, #tpu.memory_space<vmem>>
      %dma_wait3A_111 = arith.constant 0 : i32
      %dma_wait3A_112 = tpu.memref_slice %arg12[%add3A_84, %dma_wait3A_111] : memref<10112x128xf32, #tpu.memory_space<vmem_shared>> -> memref<120x128xf32, #tpu.memory_space<vmem_shared>>
      tpu.wait_dma2 semaphore(%run_scoped3A : memref<!tpu.dma_semaphore, #tpu.memory_space<semaphore_mem>>) src(%dma_wait3A_112 : memref<120x128xf32, #tpu.memory_space<vmem_shared>>) dst(%dma_wait3A_110 : memref<120x128xf32, #tpu.memory_space<vmem>>)
      tpu.yield
    }) : () -> ()
    %eq3A_85 = arith.constant 0 : i32
    %eq3A_86 = arith.cmpi eq, %arg0, %eq3A_85 : i32
    %convert_element_type3A_87 = arith.extui %eq3A_86 : i1 to i32
    %cond3A_88 = arith.constant 0 : i32
    %cond3A_89 = arith.cmpi ne, %convert_element_type3A_87, %cond3A_88 : i32
    scf.if %cond3A_89 {
      "tpu.region"() ({
        %run_scoped3A = tpu.sem_alloc : memref<!tpu.dma_semaphore, #tpu.memory_space<semaphore_mem>>
        %dma_start3A = arith.constant 0 : i32
        %dma_start3A_95 = arith.constant 0 : i32
        %dma_start3A_96 = tpu.memref_slice %arg11[%dma_start3A, %dma_start3A_95] : memref<128x128xf32, #tpu.memory_space<vmem>> -> memref<120x128xf32, #tpu.memory_space<vmem>>
        %dma_start3A_97 = arith.constant 0 : i32
        %dma_start3A_98 = tpu.memref_slice %arg7[%add3A_84, %dma_start3A_97] : memref<10112x128xf32, #tpu.memory_space<hbm>> -> memref<120x128xf32, #tpu.memory_space<hbm>>
        %dma_start3A_99 = arith.constant 0 : i32
        %dma_start3A_100 = tpu.memref_slice %arg7[%add3A_84, %dma_start3A_99] : memref<10112x128xf32, #tpu.memory_space<hbm>> -> memref<120x128xf32, #tpu.memory_space<hbm>>
        %dma_start3A_101 = arith.constant 0 : i32
        %dma_start3A_102 = arith.constant 0 : i32
        %dma_start3A_103 = tpu.memref_slice %arg11[%dma_start3A_101, %dma_start3A_102] : memref<128x128xf32, #tpu.memory_space<vmem>> -> memref<120x128xf32, #tpu.memory_space<vmem>>
        tpu.enqueue_dma source(%dma_start3A_103 : memref<120x128xf32, #tpu.memory_space<vmem>>) target(%dma_start3A_100 : memref<120x128xf32, #tpu.memory_space<hbm>>) target_semaphore(%run_scoped3A : memref<!tpu.dma_semaphore, #tpu.memory_space<semaphore_mem>>)
        %dma_wait3A = arith.constant 0 : i32
        %dma_wait3A_104 = arith.constant 0 : i32
        %dma_wait3A_105 = tpu.memref_slice %arg11[%dma_wait3A, %dma_wait3A_104] : memref<128x128xf32, #tpu.memory_space<vmem>> -> memref<120x128xf32, #tpu.memory_space<vmem>>
        %dma_wait3A_106 = arith.constant 0 : i32
        %dma_wait3A_107 = tpu.memref_slice %arg7[%add3A_84, %dma_wait3A_106] : memref<10112x128xf32, #tpu.memory_space<hbm>> -> memref<120x128xf32, #tpu.memory_space<hbm>>
        %dma_wait3A_108 = arith.constant 0 : i32
        %dma_wait3A_109 = tpu.memref_slice %arg7[%add3A_84, %dma_wait3A_108] : memref<10112x128xf32, #tpu.memory_space<hbm>> -> memref<120x128xf32, #tpu.memory_space<hbm>>
        %dma_wait3A_110 = arith.constant 0 : i32
        %dma_wait3A_111 = arith.constant 0 : i32
        %dma_wait3A_112 = tpu.memref_slice %arg11[%dma_wait3A_110, %dma_wait3A_111] : memref<128x128xf32, #tpu.memory_space<vmem>> -> memref<120x128xf32, #tpu.memory_space<vmem>>
        tpu.wait_dma2 semaphore(%run_scoped3A : memref<!tpu.dma_semaphore, #tpu.memory_space<semaphore_mem>>) src(%dma_wait3A_112 : memref<120x128xf32, #tpu.memory_space<vmem>>) dst(%dma_wait3A_109 : memref<120x128xf32, #tpu.memory_space<hbm>>)
        tpu.yield
      }) : () -> ()
    } else {
    }
    %eq3A_90 = arith.constant 1 : i32
    %eq3A_91 = arith.cmpi eq, %arg0, %eq3A_90 : i32
    %convert_element_type3A_92 = arith.extui %eq3A_91 : i1 to i32
    %cond3A_93 = arith.constant 0 : i32
    %cond3A_94 = arith.cmpi ne, %convert_element_type3A_92, %cond3A_93 : i32
    scf.if %cond3A_94 {
      "tpu.region"() ({
        %run_scoped3A = tpu.sem_alloc : memref<!tpu.dma_semaphore, #tpu.memory_space<semaphore_mem>>
        %dma_start3A = arith.constant 0 : i32
        %dma_start3A_95 = arith.constant 0 : i32
        %dma_start3A_96 = tpu.memref_slice %arg11[%dma_start3A, %dma_start3A_95] : memref<128x128xf32, #tpu.memory_space<vmem>> -> memref<120x128xf32, #tpu.memory_space<vmem>>
        %dma_start3A_97 = arith.constant 0 : i32
        %dma_start3A_98 = tpu.memref_slice %arg8[%add3A_84, %dma_start3A_97] : memref<10112x128xf32, #tpu.memory_space<hbm>> -> memref<120x128xf32, #tpu.memory_space<hbm>>
        %dma_start3A_99 = arith.constant 0 : i32
        %dma_start3A_100 = tpu.memref_slice %arg8[%add3A_84, %dma_start3A_99] : memref<10112x128xf32, #tpu.memory_space<hbm>> -> memref<120x128xf32, #tpu.memory_space<hbm>>
        %dma_start3A_101 = arith.constant 0 : i32
        %dma_start3A_102 = arith.constant 0 : i32
        %dma_start3A_103 = tpu.memref_slice %arg11[%dma_start3A_101, %dma_start3A_102] : memref<128x128xf32, #tpu.memory_space<vmem>> -> memref<120x128xf32, #tpu.memory_space<vmem>>
        tpu.enqueue_dma source(%dma_start3A_103 : memref<120x128xf32, #tpu.memory_space<vmem>>) target(%dma_start3A_100 : memref<120x128xf32, #tpu.memory_space<hbm>>) target_semaphore(%run_scoped3A : memref<!tpu.dma_semaphore, #tpu.memory_space<semaphore_mem>>)
        %dma_wait3A = arith.constant 0 : i32
        %dma_wait3A_104 = arith.constant 0 : i32
        %dma_wait3A_105 = tpu.memref_slice %arg11[%dma_wait3A, %dma_wait3A_104] : memref<128x128xf32, #tpu.memory_space<vmem>> -> memref<120x128xf32, #tpu.memory_space<vmem>>
        %dma_wait3A_106 = arith.constant 0 : i32
        %dma_wait3A_107 = tpu.memref_slice %arg8[%add3A_84, %dma_wait3A_106] : memref<10112x128xf32, #tpu.memory_space<hbm>> -> memref<120x128xf32, #tpu.memory_space<hbm>>
        %dma_wait3A_108 = arith.constant 0 : i32
        %dma_wait3A_109 = tpu.memref_slice %arg8[%add3A_84, %dma_wait3A_108] : memref<10112x128xf32, #tpu.memory_space<hbm>> -> memref<120x128xf32, #tpu.memory_space<hbm>>
        %dma_wait3A_110 = arith.constant 0 : i32
        %dma_wait3A_111 = arith.constant 0 : i32
        %dma_wait3A_112 = tpu.memref_slice %arg11[%dma_wait3A_110, %dma_wait3A_111] : memref<128x128xf32, #tpu.memory_space<vmem>> -> memref<120x128xf32, #tpu.memory_space<vmem>>
        tpu.wait_dma2 semaphore(%run_scoped3A : memref<!tpu.dma_semaphore, #tpu.memory_space<semaphore_mem>>) src(%dma_wait3A_112 : memref<120x128xf32, #tpu.memory_space<vmem>>) dst(%dma_wait3A_109 : memref<120x128xf32, #tpu.memory_space<hbm>>)
        tpu.yield
      }) : () -> ()
    } else {
    }
    return
  }
}

#map = affine_map<(d0, d1) -> (0, 0)>
#map1 = affine_map<(d0, d1) -> (0, 0, 0)>
module attributes {stable_mosaic.version = 14 : i64} {
  func.func @_sc_body(%arg0: i32, %arg1: i32, %arg2: memref<10112x128xf32, #tpu.memory_space<hbm>>, %arg3: memref<16x122x128xi32, #tpu.memory_space<hbm>>, %arg4: memref<16x122x128xi32, #tpu.memory_space<hbm>>, %arg5: memref<16x36x128xi32, #tpu.memory_space<hbm>>, %arg6: memref<16x36x128xi32, #tpu.memory_space<hbm>>, %arg7: memref<10112x128xf32, #tpu.memory_space<hbm>>, %arg8: memref<10112x128xf32, #tpu.memory_space<hbm>>, %arg9: memref<122x128xi32, #tpu.memory_space<vmem>>, %arg10: memref<122x128xi32, #tpu.memory_space<vmem>>, %arg11: memref<128x128xf32, #tpu.memory_space<vmem>>, %arg12: memref<10112x128xf32, #tpu.memory_space<vmem_shared>>) attributes {dimension_semantics = [#tpu.dimension_semantics<core_parallel>, #tpu.dimension_semantics<subcore_parallel>], iteration_bounds = array<i64: 2, 16>, scalar_prefetch = 0 : i64, scratch_operands = 4 : i64, tpu.core_type = #tpu.core_type<sc_vector_subcore>, window_params = [{transform_indices = #map}, {transform_indices = #map1}, {transform_indices = #map1}, {transform_indices = #map1}, {transform_indices = #map1}, {transform_indices = #map}, {transform_indices = #map}]} {
    %mul3A = arith.constant 632 : i32
    %mul3A_0 = arith.muli %arg1, %mul3A : i32
    %scan3A = arith.constant 0 : i32
    %scan3A_1 = arith.constant 0 : i32
    %scan3A_2 = arith.constant 128 : i32
    %scan3A_3 = arith.addi %scan3A_1, %scan3A_2 : i32
    %scan3A_4 = arith.constant 1 : i32
    scf.for %scan3A_95 = %scan3A_1 to %scan3A_3 step %scan3A_4  : i32 {
      %broadcast_in_dim3A = arith.constant 0.000000e+00 : f32
      %broadcast_in_dim3A_96 = vector.broadcast %broadcast_in_dim3A : f32 to vector<16xf32>
      %swap3A = arith.index_cast %scan3A_95 : i32 to index
      %swap3A_97 = arith.constant 0 : index
      %swap3A_98 = tpu.vector_load %arg11[%swap3A, %swap3A_97] {strides = array<i32>} : memref<128x128xf32, #tpu.memory_space<vmem>>, vector<1x16xf32>,
      %swap3A_99 = vector.shape_cast %swap3A_98 : vector<1x16xf32> to vector<16xf32>
      %swap3A_100 = vector.shape_cast %broadcast_in_dim3A_96 : vector<16xf32> to vector<1x16xf32>
      tpu.vector_store %arg11[%swap3A, %swap3A_97], %swap3A_100 {strides = array<i32>} : memref<128x128xf32, #tpu.memory_space<vmem>>, vector<1x16xf32>,
      %broadcast_in_dim3A_101 = arith.constant 0.000000e+00 : f32
      %broadcast_in_dim3A_102 = vector.broadcast %broadcast_in_dim3A_101 : f32 to vector<16xf32>
      %swap3A_103 = arith.index_cast %scan3A_95 : i32 to index
      %swap3A_104 = arith.constant 16 : index
      %swap3A_105 = tpu.vector_load %arg11[%swap3A_103, %swap3A_104] {strides = array<i32>} : memref<128x128xf32, #tpu.memory_space<vmem>>, vector<1x16xf32>,
      %swap3A_106 = vector.shape_cast %swap3A_105 : vector<1x16xf32> to vector<16xf32>
      %swap3A_107 = vector.shape_cast %broadcast_in_dim3A_102 : vector<16xf32> to vector<1x16xf32>
      tpu.vector_store %arg11[%swap3A_103, %swap3A_104], %swap3A_107 {strides = array<i32>} : memref<128x128xf32, #tpu.memory_space<vmem>>, vector<1x16xf32>,
      %broadcast_in_dim3A_108 = arith.constant 0.000000e+00 : f32
      %broadcast_in_dim3A_109 = vector.broadcast %broadcast_in_dim3A_108 : f32 to vector<16xf32>
      %swap3A_110 = arith.index_cast %scan3A_95 : i32 to index
      %swap3A_111 = arith.constant 32 : index
      %swap3A_112 = tpu.vector_load %arg11[%swap3A_110, %swap3A_111] {strides = array<i32>} : memref<128x128xf32, #tpu.memory_space<vmem>>, vector<1x16xf32>,
      %swap3A_113 = vector.shape_cast %swap3A_112 : vector<1x16xf32> to vector<16xf32>
      %swap3A_114 = vector.shape_cast %broadcast_in_dim3A_109 : vector<16xf32> to vector<1x16xf32>
      tpu.vector_store %arg11[%swap3A_110, %swap3A_111], %swap3A_114 {strides = array<i32>} : memref<128x128xf32, #tpu.memory_space<vmem>>, vector<1x16xf32>,
      %broadcast_in_dim3A_115 = arith.constant 0.000000e+00 : f32
      %broadcast_in_dim3A_116 = vector.broadcast %broadcast_in_dim3A_115 : f32 to vector<16xf32>
      %swap3A_117 = arith.index_cast %scan3A_95 : i32 to index
      %swap3A_118 = arith.constant 48 : index
      %swap3A_119 = tpu.vector_load %arg11[%swap3A_117, %swap3A_118] {strides = array<i32>} : memref<128x128xf32, #tpu.memory_space<vmem>>, vector<1x16xf32>,
      %swap3A_120 = vector.shape_cast %swap3A_119 : vector<1x16xf32> to vector<16xf32>
      %swap3A_121 = vector.shape_cast %broadcast_in_dim3A_116 : vector<16xf32> to vector<1x16xf32>
      tpu.vector_store %arg11[%swap3A_117, %swap3A_118], %swap3A_121 {strides = array<i32>} : memref<128x128xf32, #tpu.memory_space<vmem>>, vector<1x16xf32>,
      %broadcast_in_dim3A_122 = arith.constant 0.000000e+00 : f32
      %broadcast_in_dim3A_123 = vector.broadcast %broadcast_in_dim3A_122 : f32 to vector<16xf32>
      %swap3A_124 = arith.index_cast %scan3A_95 : i32 to index
      %swap3A_125 = arith.constant 64 : index
      %swap3A_126 = tpu.vector_load %arg11[%swap3A_124, %swap3A_125] {strides = array<i32>} : memref<128x128xf32, #tpu.memory_space<vmem>>, vector<1x16xf32>,
      %swap3A_127 = vector.shape_cast %swap3A_126 : vector<1x16xf32> to vector<16xf32>
      %swap3A_128 = vector.shape_cast %broadcast_in_dim3A_123 : vector<16xf32> to vector<1x16xf32>
      tpu.vector_store %arg11[%swap3A_124, %swap3A_125], %swap3A_128 {strides = array<i32>} : memref<128x128xf32, #tpu.memory_space<vmem>>, vector<1x16xf32>,
      %broadcast_in_dim3A_129 = arith.constant 0.000000e+00 : f32
      %broadcast_in_dim3A_130 = vector.broadcast %broadcast_in_dim3A_129 : f32 to vector<16xf32>
      %swap3A_131 = arith.index_cast %scan3A_95 : i32 to index
      %swap3A_132 = arith.constant 80 : index
      %swap3A_133 = tpu.vector_load %arg11[%swap3A_131, %swap3A_132] {strides = array<i32>} : memref<128x128xf32, #tpu.memory_space<vmem>>, vector<1x16xf32>,
      %swap3A_134 = vector.shape_cast %swap3A_133 : vector<1x16xf32> to vector<16xf32>
      %swap3A_135 = vector.shape_cast %broadcast_in_dim3A_130 : vector<16xf32> to vector<1x16xf32>
      tpu.vector_store %arg11[%swap3A_131, %swap3A_132], %swap3A_135 {strides = array<i32>} : memref<128x128xf32, #tpu.memory_space<vmem>>, vector<1x16xf32>,
      %broadcast_in_dim3A_136 = arith.constant 0.000000e+00 : f32
      %broadcast_in_dim3A_137 = vector.broadcast %broadcast_in_dim3A_136 : f32 to vector<16xf32>
      %swap3A_138 = arith.index_cast %scan3A_95 : i32 to index
      %swap3A_139 = arith.constant 96 : index
      %swap3A_140 = tpu.vector_load %arg11[%swap3A_138, %swap3A_139] {strides = array<i32>} : memref<128x128xf32, #tpu.memory_space<vmem>>, vector<1x16xf32>,
      %swap3A_141 = vector.shape_cast %swap3A_140 : vector<1x16xf32> to vector<16xf32>
      %swap3A_142 = vector.shape_cast %broadcast_in_dim3A_137 : vector<16xf32> to vector<1x16xf32>
      tpu.vector_store %arg11[%swap3A_138, %swap3A_139], %swap3A_142 {strides = array<i32>} : memref<128x128xf32, #tpu.memory_space<vmem>>, vector<1x16xf32>,
      %broadcast_in_dim3A_143 = arith.constant 0.000000e+00 : f32
      %broadcast_in_dim3A_144 = vector.broadcast %broadcast_in_dim3A_143 : f32 to vector<16xf32>
      %swap3A_145 = arith.index_cast %scan3A_95 : i32 to index
      %swap3A_146 = arith.constant 112 : index
      %swap3A_147 = tpu.vector_load %arg11[%swap3A_145, %swap3A_146] {strides = array<i32>} : memref<128x128xf32, #tpu.memory_space<vmem>>, vector<1x16xf32>,
      %swap3A_148 = vector.shape_cast %swap3A_147 : vector<1x16xf32> to vector<16xf32>
      %swap3A_149 = vector.shape_cast %broadcast_in_dim3A_144 : vector<16xf32> to vector<1x16xf32>
      tpu.vector_store %arg11[%swap3A_145, %swap3A_146], %swap3A_149 {strides = array<i32>} : memref<128x128xf32, #tpu.memory_space<vmem>>, vector<1x16xf32>,
    }
    %scan3A_5 = arith.constant 128 : i32
    %add3A = arith.constant 0 : i32
    %add3A_6 = arith.addi %mul3A_0, %add3A : i32
    "tpu.region"() ({
      %run_scoped3A = tpu.sem_alloc : memref<!tpu.dma_semaphore, #tpu.memory_space<semaphore_mem>>
      %dma_start3A = arith.constant 0 : i32
      %dma_start3A_95 = tpu.memref_slice %arg12[%add3A_6, %dma_start3A] : memref<10112x128xf32, #tpu.memory_space<vmem_shared>> -> memref<128x128xf32, #tpu.memory_space<vmem_shared>>
      %dma_start3A_96 = arith.constant 0 : i32
      %dma_start3A_97 = tpu.memref_slice %arg12[%add3A_6, %dma_start3A_96] : memref<10112x128xf32, #tpu.memory_space<vmem_shared>> -> memref<128x128xf32, #tpu.memory_space<vmem_shared>>
      tpu.enqueue_dma source(%arg11 : memref<128x128xf32, #tpu.memory_space<vmem>>) target(%dma_start3A_97 : memref<128x128xf32, #tpu.memory_space<vmem_shared>>) target_semaphore(%run_scoped3A : memref<!tpu.dma_semaphore, #tpu.memory_space<semaphore_mem>>)
      %dma_wait3A = arith.constant 0 : i32
      %dma_wait3A_98 = tpu.memref_slice %arg12[%add3A_6, %dma_wait3A] : memref<10112x128xf32, #tpu.memory_space<vmem_shared>> -> memref<128x128xf32, #tpu.memory_space<vmem_shared>>
      %dma_wait3A_99 = arith.constant 0 : i32
      %dma_wait3A_100 = tpu.memref_slice %arg12[%add3A_6, %dma_wait3A_99] : memref<10112x128xf32, #tpu.memory_space<vmem_shared>> -> memref<128x128xf32, #tpu.memory_space<vmem_shared>>
      tpu.wait_dma2 semaphore(%run_scoped3A : memref<!tpu.dma_semaphore, #tpu.memory_space<semaphore_mem>>) src(%arg11 : memref<128x128xf32, #tpu.memory_space<vmem>>) dst(%dma_wait3A_100 : memref<128x128xf32, #tpu.memory_space<vmem_shared>>)
      tpu.yield
    }) : () -> ()
    %add3A_7 = arith.constant 128 : i32
    %add3A_8 = arith.addi %mul3A_0, %add3A_7 : i32
    "tpu.region"() ({
      %run_scoped3A = tpu.sem_alloc : memref<!tpu.dma_semaphore, #tpu.memory_space<semaphore_mem>>
      %dma_start3A = arith.constant 0 : i32
      %dma_start3A_95 = tpu.memref_slice %arg12[%add3A_8, %dma_start3A] : memref<10112x128xf32, #tpu.memory_space<vmem_shared>> -> memref<128x128xf32, #tpu.memory_space<vmem_shared>>
      %dma_start3A_96 = arith.constant 0 : i32
      %dma_start3A_97 = tpu.memref_slice %arg12[%add3A_8, %dma_start3A_96] : memref<10112x128xf32, #tpu.memory_space<vmem_shared>> -> memref<128x128xf32, #tpu.memory_space<vmem_shared>>
      tpu.enqueue_dma source(%arg11 : memref<128x128xf32, #tpu.memory_space<vmem>>) target(%dma_start3A_97 : memref<128x128xf32, #tpu.memory_space<vmem_shared>>) target_semaphore(%run_scoped3A : memref<!tpu.dma_semaphore, #tpu.memory_space<semaphore_mem>>)
      %dma_wait3A = arith.constant 0 : i32
      %dma_wait3A_98 = tpu.memref_slice %arg12[%add3A_8, %dma_wait3A] : memref<10112x128xf32, #tpu.memory_space<vmem_shared>> -> memref<128x128xf32, #tpu.memory_space<vmem_shared>>
      %dma_wait3A_99 = arith.constant 0 : i32
      %dma_wait3A_100 = tpu.memref_slice %arg12[%add3A_8, %dma_wait3A_99] : memref<10112x128xf32, #tpu.memory_space<vmem_shared>> -> memref<128x128xf32, #tpu.memory_space<vmem_shared>>
      tpu.wait_dma2 semaphore(%run_scoped3A : memref<!tpu.dma_semaphore, #tpu.memory_space<semaphore_mem>>) src(%arg11 : memref<128x128xf32, #tpu.memory_space<vmem>>) dst(%dma_wait3A_100 : memref<128x128xf32, #tpu.memory_space<vmem_shared>>)
      tpu.yield
    }) : () -> ()
    %add3A_9 = arith.constant 256 : i32
    %add3A_10 = arith.addi %mul3A_0, %add3A_9 : i32
    "tpu.region"() ({
      %run_scoped3A = tpu.sem_alloc : memref<!tpu.dma_semaphore, #tpu.memory_space<semaphore_mem>>
      %dma_start3A = arith.constant 0 : i32
      %dma_start3A_95 = tpu.memref_slice %arg12[%add3A_10, %dma_start3A] : memref<10112x128xf32, #tpu.memory_space<vmem_shared>> -> memref<128x128xf32, #tpu.memory_space<vmem_shared>>
      %dma_start3A_96 = arith.constant 0 : i32
      %dma_start3A_97 = tpu.memref_slice %arg12[%add3A_10, %dma_start3A_96] : memref<10112x128xf32, #tpu.memory_space<vmem_shared>> -> memref<128x128xf32, #tpu.memory_space<vmem_shared>>
      tpu.enqueue_dma source(%arg11 : memref<128x128xf32, #tpu.memory_space<vmem>>) target(%dma_start3A_97 : memref<128x128xf32, #tpu.memory_space<vmem_shared>>) target_semaphore(%run_scoped3A : memref<!tpu.dma_semaphore, #tpu.memory_space<semaphore_mem>>)
      %dma_wait3A = arith.constant 0 : i32
      %dma_wait3A_98 = tpu.memref_slice %arg12[%add3A_10, %dma_wait3A] : memref<10112x128xf32, #tpu.memory_space<vmem_shared>> -> memref<128x128xf32, #tpu.memory_space<vmem_shared>>
      %dma_wait3A_99 = arith.constant 0 : i32
      %dma_wait3A_100 = tpu.memref_slice %arg12[%add3A_10, %dma_wait3A_99] : memref<10112x128xf32, #tpu.memory_space<vmem_shared>> -> memref<128x128xf32, #tpu.memory_space<vmem_shared>>
      tpu.wait_dma2 semaphore(%run_scoped3A : memref<!tpu.dma_semaphore, #tpu.memory_space<semaphore_mem>>) src(%arg11 : memref<128x128xf32, #tpu.memory_space<vmem>>) dst(%dma_wait3A_100 : memref<128x128xf32, #tpu.memory_space<vmem_shared>>)
      tpu.yield
    }) : () -> ()
    %add3A_11 = arith.constant 384 : i32
    %add3A_12 = arith.addi %mul3A_0, %add3A_11 : i32
    "tpu.region"() ({
      %run_scoped3A = tpu.sem_alloc : memref<!tpu.dma_semaphore, #tpu.memory_space<semaphore_mem>>
      %dma_start3A = arith.constant 0 : i32
      %dma_start3A_95 = tpu.memref_slice %arg12[%add3A_12, %dma_start3A] : memref<10112x128xf32, #tpu.memory_space<vmem_shared>> -> memref<128x128xf32, #tpu.memory_space<vmem_shared>>
      %dma_start3A_96 = arith.constant 0 : i32
      %dma_start3A_97 = tpu.memref_slice %arg12[%add3A_12, %dma_start3A_96] : memref<10112x128xf32, #tpu.memory_space<vmem_shared>> -> memref<128x128xf32, #tpu.memory_space<vmem_shared>>
      tpu.enqueue_dma source(%arg11 : memref<128x128xf32, #tpu.memory_space<vmem>>) target(%dma_start3A_97 : memref<128x128xf32, #tpu.memory_space<vmem_shared>>) target_semaphore(%run_scoped3A : memref<!tpu.dma_semaphore, #tpu.memory_space<semaphore_mem>>)
      %dma_wait3A = arith.constant 0 : i32
      %dma_wait3A_98 = tpu.memref_slice %arg12[%add3A_12, %dma_wait3A] : memref<10112x128xf32, #tpu.memory_space<vmem_shared>> -> memref<128x128xf32, #tpu.memory_space<vmem_shared>>
      %dma_wait3A_99 = arith.constant 0 : i32
      %dma_wait3A_100 = tpu.memref_slice %arg12[%add3A_12, %dma_wait3A_99] : memref<10112x128xf32, #tpu.memory_space<vmem_shared>> -> memref<128x128xf32, #tpu.memory_space<vmem_shared>>
      tpu.wait_dma2 semaphore(%run_scoped3A : memref<!tpu.dma_semaphore, #tpu.memory_space<semaphore_mem>>) src(%arg11 : memref<128x128xf32, #tpu.memory_space<vmem>>) dst(%dma_wait3A_100 : memref<128x128xf32, #tpu.memory_space<vmem_shared>>)
      tpu.yield
    }) : () -> ()
    %add3A_13 = arith.constant 512 : i32
    %add3A_14 = arith.addi %mul3A_0, %add3A_13 : i32
    "tpu.region"() ({
      %run_scoped3A = tpu.sem_alloc : memref<!tpu.dma_semaphore, #tpu.memory_space<semaphore_mem>>
      %dma_start3A = arith.constant 0 : i32
      %dma_start3A_95 = arith.constant 0 : i32
      %dma_start3A_96 = tpu.memref_slice %arg11[%dma_start3A, %dma_start3A_95] : memref<128x128xf32, #tpu.memory_space<vmem>> -> memref<120x128xf32, #tpu.memory_space<vmem>>
      %dma_start3A_97 = arith.constant 0 : i32
      %dma_start3A_98 = tpu.memref_slice %arg12[%add3A_14, %dma_start3A_97] : memref<10112x128xf32, #tpu.memory_space<vmem_shared>> -> memref<120x128xf32, #tpu.memory_space<vmem_shared>>
      %dma_start3A_99 = arith.constant 0 : i32
      %dma_start3A_100 = tpu.memref_slice %arg12[%add3A_14, %dma_start3A_99] : memref<10112x128xf32, #tpu.memory_space<vmem_shared>> -> memref<120x128xf32, #tpu.memory_space<vmem_shared>>
      %dma_start3A_101 = arith.constant 0 : i32
      %dma_start3A_102 = arith.constant 0 : i32
      %dma_start3A_103 = tpu.memref_slice %arg11[%dma_start3A_101, %dma_start3A_102] : memref<128x128xf32, #tpu.memory_space<vmem>> -> memref<120x128xf32, #tpu.memory_space<vmem>>
      tpu.enqueue_dma source(%dma_start3A_103 : memref<120x128xf32, #tpu.memory_space<vmem>>) target(%dma_start3A_100 : memref<120x128xf32, #tpu.memory_space<vmem_shared>>) target_semaphore(%run_scoped3A : memref<!tpu.dma_semaphore, #tpu.memory_space<semaphore_mem>>)
      %dma_wait3A = arith.constant 0 : i32
      %dma_wait3A_104 = arith.constant 0 : i32
      %dma_wait3A_105 = tpu.memref_slice %arg11[%dma_wait3A, %dma_wait3A_104] : memref<128x128xf32, #tpu.memory_space<vmem>> -> memref<120x128xf32, #tpu.memory_space<vmem>>
      %dma_wait3A_106 = arith.constant 0 : i32
      %dma_wait3A_107 = tpu.memref_slice %arg12[%add3A_14, %dma_wait3A_106] : memref<10112x128xf32, #tpu.memory_space<vmem_shared>> -> memref<120x128xf32, #tpu.memory_space<vmem_shared>>
      %dma_wait3A_108 = arith.constant 0 : i32
      %dma_wait3A_109 = tpu.memref_slice %arg12[%add3A_14, %dma_wait3A_108] : memref<10112x128xf32, #tpu.memory_space<vmem_shared>> -> memref<120x128xf32, #tpu.memory_space<vmem_shared>>
      %dma_wait3A_110 = arith.constant 0 : i32
      %dma_wait3A_111 = arith.constant 0 : i32
      %dma_wait3A_112 = tpu.memref_slice %arg11[%dma_wait3A_110, %dma_wait3A_111] : memref<128x128xf32, #tpu.memory_space<vmem>> -> memref<120x128xf32, #tpu.memory_space<vmem>>
      tpu.wait_dma2 semaphore(%run_scoped3A : memref<!tpu.dma_semaphore, #tpu.memory_space<semaphore_mem>>) src(%dma_wait3A_112 : memref<120x128xf32, #tpu.memory_space<vmem>>) dst(%dma_wait3A_109 : memref<120x128xf32, #tpu.memory_space<vmem_shared>>)
      tpu.yield
    }) : () -> ()
    %barrier3A = arith.constant 0 : index
    tpu.barrier barrier_id(%barrier3A)
    %eq3A = arith.constant 0 : i32
    %eq3A_15 = arith.cmpi eq, %arg0, %eq3A : i32
    %convert_element_type3A = arith.extui %eq3A_15 : i1 to i32
    %cond3A = arith.constant 0 : i32
    %cond3A_16 = arith.cmpi ne, %convert_element_type3A, %cond3A : i32
    scf.if %cond3A_16 {
      "tpu.region"() ({
        %run_scoped3A = tpu.sem_alloc : memref<!tpu.dma_semaphore, #tpu.memory_space<semaphore_mem>>
        %dma_start3A = arith.constant 0 : i32
        %dma_start3A_95 = arith.constant 0 : i32
        %dma_start3A_96 = tpu.memref_slice %arg9[%dma_start3A, %dma_start3A_95] : memref<122x128xi32, #tpu.memory_space<vmem>> -> memref<122x128xi32, #tpu.memory_space<vmem>>
        %dma_start3A_97 = arith.constant 0 : i32
        %dma_start3A_98 = arith.constant 0 : i32
        %dma_start3A_99 = tpu.memref_slice %arg3[%arg1, %dma_start3A_97, %dma_start3A_98] : memref<16x122x128xi32, #tpu.memory_space<hbm>> -> memref<1x122x128xi32, #tpu.memory_space<hbm>>
        %dma_start3A_100 = tpu.memref_squeeze %dma_start3A_99 : memref<1x122x128xi32, #tpu.memory_space<hbm>> -> memref<122x128xi32, #tpu.memory_space<hbm>>
        %dma_start3A_101 = arith.constant 0 : i32
        %dma_start3A_102 = arith.constant 0 : i32
        %dma_start3A_103 = tpu.memref_slice %arg9[%dma_start3A_101, %dma_start3A_102] : memref<122x128xi32, #tpu.memory_space<vmem>> -> memref<122x128xi32, #tpu.memory_space<vmem>>
        %dma_start3A_104 = arith.constant 0 : i32
        %dma_start3A_105 = arith.constant 0 : i32
        %dma_start3A_106 = tpu.memref_slice %arg3[%arg1, %dma_start3A_104, %dma_start3A_105] : memref<16x122x128xi32, #tpu.memory_space<hbm>> -> memref<1x122x128xi32, #tpu.memory_space<hbm>>
        %dma_start3A_107 = tpu.memref_squeeze %dma_start3A_106 : memref<1x122x128xi32, #tpu.memory_space<hbm>> -> memref<122x128xi32, #tpu.memory_space<hbm>>
        tpu.enqueue_dma source(%dma_start3A_107 : memref<122x128xi32, #tpu.memory_space<hbm>>) target(%dma_start3A_103 : memref<122x128xi32, #tpu.memory_space<vmem>>) target_semaphore(%run_scoped3A : memref<!tpu.dma_semaphore, #tpu.memory_space<semaphore_mem>>)
        %dma_wait3A = arith.constant 0 : i32
        %dma_wait3A_108 = arith.constant 0 : i32
        %dma_wait3A_109 = tpu.memref_slice %arg9[%dma_wait3A, %dma_wait3A_108] : memref<122x128xi32, #tpu.memory_space<vmem>> -> memref<122x128xi32, #tpu.memory_space<vmem>>
        %dma_wait3A_110 = arith.constant 0 : i32
        %dma_wait3A_111 = arith.constant 0 : i32
        %dma_wait3A_112 = tpu.memref_slice %arg3[%arg1, %dma_wait3A_110, %dma_wait3A_111] : memref<16x122x128xi32, #tpu.memory_space<hbm>> -> memref<1x122x128xi32, #tpu.memory_space<hbm>>
        %dma_wait3A_113 = tpu.memref_squeeze %dma_wait3A_112 : memref<1x122x128xi32, #tpu.memory_space<hbm>> -> memref<122x128xi32, #tpu.memory_space<hbm>>
        %dma_wait3A_114 = arith.constant 0 : i32
        %dma_wait3A_115 = arith.constant 0 : i32
        %dma_wait3A_116 = tpu.memref_slice %arg9[%dma_wait3A_114, %dma_wait3A_115] : memref<122x128xi32, #tpu.memory_space<vmem>> -> memref<122x128xi32, #tpu.memory_space<vmem>>
        %dma_wait3A_117 = arith.constant 0 : i32
        %dma_wait3A_118 = arith.constant 0 : i32
        %dma_wait3A_119 = tpu.memref_slice %arg3[%arg1, %dma_wait3A_117, %dma_wait3A_118] : memref<16x122x128xi32, #tpu.memory_space<hbm>> -> memref<1x122x128xi32, #tpu.memory_space<hbm>>
        %dma_wait3A_120 = tpu.memref_squeeze %dma_wait3A_119 : memref<1x122x128xi32, #tpu.memory_space<hbm>> -> memref<122x128xi32, #tpu.memory_space<hbm>>
        tpu.wait_dma2 semaphore(%run_scoped3A : memref<!tpu.dma_semaphore, #tpu.memory_space<semaphore_mem>>) src(%dma_wait3A_120 : memref<122x128xi32, #tpu.memory_space<hbm>>) dst(%dma_wait3A_116 : memref<122x128xi32, #tpu.memory_space<vmem>>)
        tpu.yield
      }) : () -> ()
      "tpu.region"() ({
        %run_scoped3A = tpu.sem_alloc : memref<!tpu.dma_semaphore, #tpu.memory_space<semaphore_mem>>
        %dma_start3A = arith.constant 0 : i32
        %dma_start3A_95 = arith.constant 0 : i32
        %dma_start3A_96 = tpu.memref_slice %arg10[%dma_start3A, %dma_start3A_95] : memref<122x128xi32, #tpu.memory_space<vmem>> -> memref<122x128xi32, #tpu.memory_space<vmem>>
        %dma_start3A_97 = arith.constant 0 : i32
        %dma_start3A_98 = arith.constant 0 : i32
        %dma_start3A_99 = tpu.memref_slice %arg4[%arg1, %dma_start3A_97, %dma_start3A_98] : memref<16x122x128xi32, #tpu.memory_space<hbm>> -> memref<1x122x128xi32, #tpu.memory_space<hbm>>
        %dma_start3A_100 = tpu.memref_squeeze %dma_start3A_99 : memref<1x122x128xi32, #tpu.memory_space<hbm>> -> memref<122x128xi32, #tpu.memory_space<hbm>>
        %dma_start3A_101 = arith.constant 0 : i32
        %dma_start3A_102 = arith.constant 0 : i32
        %dma_start3A_103 = tpu.memref_slice %arg10[%dma_start3A_101, %dma_start3A_102] : memref<122x128xi32, #tpu.memory_space<vmem>> -> memref<122x128xi32, #tpu.memory_space<vmem>>
        %dma_start3A_104 = arith.constant 0 : i32
        %dma_start3A_105 = arith.constant 0 : i32
        %dma_start3A_106 = tpu.memref_slice %arg4[%arg1, %dma_start3A_104, %dma_start3A_105] : memref<16x122x128xi32, #tpu.memory_space<hbm>> -> memref<1x122x128xi32, #tpu.memory_space<hbm>>
        %dma_start3A_107 = tpu.memref_squeeze %dma_start3A_106 : memref<1x122x128xi32, #tpu.memory_space<hbm>> -> memref<122x128xi32, #tpu.memory_space<hbm>>
        tpu.enqueue_dma source(%dma_start3A_107 : memref<122x128xi32, #tpu.memory_space<hbm>>) target(%dma_start3A_103 : memref<122x128xi32, #tpu.memory_space<vmem>>) target_semaphore(%run_scoped3A : memref<!tpu.dma_semaphore, #tpu.memory_space<semaphore_mem>>)
        %dma_wait3A = arith.constant 0 : i32
        %dma_wait3A_108 = arith.constant 0 : i32
        %dma_wait3A_109 = tpu.memref_slice %arg10[%dma_wait3A, %dma_wait3A_108] : memref<122x128xi32, #tpu.memory_space<vmem>> -> memref<122x128xi32, #tpu.memory_space<vmem>>
        %dma_wait3A_110 = arith.constant 0 : i32
        %dma_wait3A_111 = arith.constant 0 : i32
        %dma_wait3A_112 = tpu.memref_slice %arg4[%arg1, %dma_wait3A_110, %dma_wait3A_111] : memref<16x122x128xi32, #tpu.memory_space<hbm>> -> memref<1x122x128xi32, #tpu.memory_space<hbm>>
        %dma_wait3A_113 = tpu.memref_squeeze %dma_wait3A_112 : memref<1x122x128xi32, #tpu.memory_space<hbm>> -> memref<122x128xi32, #tpu.memory_space<hbm>>
        %dma_wait3A_114 = arith.constant 0 : i32
        %dma_wait3A_115 = arith.constant 0 : i32
        %dma_wait3A_116 = tpu.memref_slice %arg10[%dma_wait3A_114, %dma_wait3A_115] : memref<122x128xi32, #tpu.memory_space<vmem>> -> memref<122x128xi32, #tpu.memory_space<vmem>>
        %dma_wait3A_117 = arith.constant 0 : i32
        %dma_wait3A_118 = arith.constant 0 : i32
        %dma_wait3A_119 = tpu.memref_slice %arg4[%arg1, %dma_wait3A_117, %dma_wait3A_118] : memref<16x122x128xi32, #tpu.memory_space<hbm>> -> memref<1x122x128xi32, #tpu.memory_space<hbm>>
        %dma_wait3A_120 = tpu.memref_squeeze %dma_wait3A_119 : memref<1x122x128xi32, #tpu.memory_space<hbm>> -> memref<122x128xi32, #tpu.memory_space<hbm>>
        tpu.wait_dma2 semaphore(%run_scoped3A : memref<!tpu.dma_semaphore, #tpu.memory_space<semaphore_mem>>) src(%dma_wait3A_120 : memref<122x128xi32, #tpu.memory_space<hbm>>) dst(%dma_wait3A_116 : memref<122x128xi32, #tpu.memory_space<vmem>>)
        tpu.yield
      }) : () -> ()
    } else {
    }
    %eq3A_17 = arith.constant 1 : i32
    %eq3A_18 = arith.cmpi eq, %arg0, %eq3A_17 : i32
    %convert_element_type3A_19 = arith.extui %eq3A_18 : i1 to i32
    %cond3A_20 = arith.constant 0 : i32
    %cond3A_21 = arith.cmpi ne, %convert_element_type3A_19, %cond3A_20 : i32
    scf.if %cond3A_21 {
      "tpu.region"() ({
        %run_scoped3A = tpu.sem_alloc : memref<!tpu.dma_semaphore, #tpu.memory_space<semaphore_mem>>
        %dma_start3A = arith.constant 0 : i32
        %dma_start3A_95 = arith.constant 0 : i32
        %dma_start3A_96 = tpu.memref_slice %arg9[%dma_start3A, %dma_start3A_95] : memref<122x128xi32, #tpu.memory_space<vmem>> -> memref<36x128xi32, #tpu.memory_space<vmem>>
        %dma_start3A_97 = arith.constant 0 : i32
        %dma_start3A_98 = arith.constant 0 : i32
        %dma_start3A_99 = tpu.memref_slice %arg5[%arg1, %dma_start3A_97, %dma_start3A_98] : memref<16x36x128xi32, #tpu.memory_space<hbm>> -> memref<1x36x128xi32, #tpu.memory_space<hbm>>
        %dma_start3A_100 = tpu.memref_squeeze %dma_start3A_99 : memref<1x36x128xi32, #tpu.memory_space<hbm>> -> memref<36x128xi32, #tpu.memory_space<hbm>>
        %dma_start3A_101 = arith.constant 0 : i32
        %dma_start3A_102 = arith.constant 0 : i32
        %dma_start3A_103 = tpu.memref_slice %arg9[%dma_start3A_101, %dma_start3A_102] : memref<122x128xi32, #tpu.memory_space<vmem>> -> memref<36x128xi32, #tpu.memory_space<vmem>>
        %dma_start3A_104 = arith.constant 0 : i32
        %dma_start3A_105 = arith.constant 0 : i32
        %dma_start3A_106 = tpu.memref_slice %arg5[%arg1, %dma_start3A_104, %dma_start3A_105] : memref<16x36x128xi32, #tpu.memory_space<hbm>> -> memref<1x36x128xi32, #tpu.memory_space<hbm>>
        %dma_start3A_107 = tpu.memref_squeeze %dma_start3A_106 : memref<1x36x128xi32, #tpu.memory_space<hbm>> -> memref<36x128xi32, #tpu.memory_space<hbm>>
        tpu.enqueue_dma source(%dma_start3A_107 : memref<36x128xi32, #tpu.memory_space<hbm>>) target(%dma_start3A_103 : memref<36x128xi32, #tpu.memory_space<vmem>>) target_semaphore(%run_scoped3A : memref<!tpu.dma_semaphore, #tpu.memory_space<semaphore_mem>>)
        %dma_wait3A = arith.constant 0 : i32
        %dma_wait3A_108 = arith.constant 0 : i32
        %dma_wait3A_109 = tpu.memref_slice %arg9[%dma_wait3A, %dma_wait3A_108] : memref<122x128xi32, #tpu.memory_space<vmem>> -> memref<36x128xi32, #tpu.memory_space<vmem>>
        %dma_wait3A_110 = arith.constant 0 : i32
        %dma_wait3A_111 = arith.constant 0 : i32
        %dma_wait3A_112 = tpu.memref_slice %arg5[%arg1, %dma_wait3A_110, %dma_wait3A_111] : memref<16x36x128xi32, #tpu.memory_space<hbm>> -> memref<1x36x128xi32, #tpu.memory_space<hbm>>
        %dma_wait3A_113 = tpu.memref_squeeze %dma_wait3A_112 : memref<1x36x128xi32, #tpu.memory_space<hbm>> -> memref<36x128xi32, #tpu.memory_space<hbm>>
        %dma_wait3A_114 = arith.constant 0 : i32
        %dma_wait3A_115 = arith.constant 0 : i32
        %dma_wait3A_116 = tpu.memref_slice %arg9[%dma_wait3A_114, %dma_wait3A_115] : memref<122x128xi32, #tpu.memory_space<vmem>> -> memref<36x128xi32, #tpu.memory_space<vmem>>
        %dma_wait3A_117 = arith.constant 0 : i32
        %dma_wait3A_118 = arith.constant 0 : i32
        %dma_wait3A_119 = tpu.memref_slice %arg5[%arg1, %dma_wait3A_117, %dma_wait3A_118] : memref<16x36x128xi32, #tpu.memory_space<hbm>> -> memref<1x36x128xi32, #tpu.memory_space<hbm>>
        %dma_wait3A_120 = tpu.memref_squeeze %dma_wait3A_119 : memref<1x36x128xi32, #tpu.memory_space<hbm>> -> memref<36x128xi32, #tpu.memory_space<hbm>>
        tpu.wait_dma2 semaphore(%run_scoped3A : memref<!tpu.dma_semaphore, #tpu.memory_space<semaphore_mem>>) src(%dma_wait3A_120 : memref<36x128xi32, #tpu.memory_space<hbm>>) dst(%dma_wait3A_116 : memref<36x128xi32, #tpu.memory_space<vmem>>)
        tpu.yield
      }) : () -> ()
      "tpu.region"() ({
        %run_scoped3A = tpu.sem_alloc : memref<!tpu.dma_semaphore, #tpu.memory_space<semaphore_mem>>
        %dma_start3A = arith.constant 0 : i32
        %dma_start3A_95 = arith.constant 0 : i32
        %dma_start3A_96 = tpu.memref_slice %arg10[%dma_start3A, %dma_start3A_95] : memref<122x128xi32, #tpu.memory_space<vmem>> -> memref<36x128xi32, #tpu.memory_space<vmem>>
        %dma_start3A_97 = arith.constant 0 : i32
        %dma_start3A_98 = arith.constant 0 : i32
        %dma_start3A_99 = tpu.memref_slice %arg6[%arg1, %dma_start3A_97, %dma_start3A_98] : memref<16x36x128xi32, #tpu.memory_space<hbm>> -> memref<1x36x128xi32, #tpu.memory_space<hbm>>
        %dma_start3A_100 = tpu.memref_squeeze %dma_start3A_99 : memref<1x36x128xi32, #tpu.memory_space<hbm>> -> memref<36x128xi32, #tpu.memory_space<hbm>>
        %dma_start3A_101 = arith.constant 0 : i32
        %dma_start3A_102 = arith.constant 0 : i32
        %dma_start3A_103 = tpu.memref_slice %arg10[%dma_start3A_101, %dma_start3A_102] : memref<122x128xi32, #tpu.memory_space<vmem>> -> memref<36x128xi32, #tpu.memory_space<vmem>>
        %dma_start3A_104 = arith.constant 0 : i32
        %dma_start3A_105 = arith.constant 0 : i32
        %dma_start3A_106 = tpu.memref_slice %arg6[%arg1, %dma_start3A_104, %dma_start3A_105] : memref<16x36x128xi32, #tpu.memory_space<hbm>> -> memref<1x36x128xi32, #tpu.memory_space<hbm>>
        %dma_start3A_107 = tpu.memref_squeeze %dma_start3A_106 : memref<1x36x128xi32, #tpu.memory_space<hbm>> -> memref<36x128xi32, #tpu.memory_space<hbm>>
        tpu.enqueue_dma source(%dma_start3A_107 : memref<36x128xi32, #tpu.memory_space<hbm>>) target(%dma_start3A_103 : memref<36x128xi32, #tpu.memory_space<vmem>>) target_semaphore(%run_scoped3A : memref<!tpu.dma_semaphore, #tpu.memory_space<semaphore_mem>>)
        %dma_wait3A = arith.constant 0 : i32
        %dma_wait3A_108 = arith.constant 0 : i32
        %dma_wait3A_109 = tpu.memref_slice %arg10[%dma_wait3A, %dma_wait3A_108] : memref<122x128xi32, #tpu.memory_space<vmem>> -> memref<36x128xi32, #tpu.memory_space<vmem>>
        %dma_wait3A_110 = arith.constant 0 : i32
        %dma_wait3A_111 = arith.constant 0 : i32
        %dma_wait3A_112 = tpu.memref_slice %arg6[%arg1, %dma_wait3A_110, %dma_wait3A_111] : memref<16x36x128xi32, #tpu.memory_space<hbm>> -> memref<1x36x128xi32, #tpu.memory_space<hbm>>
        %dma_wait3A_113 = tpu.memref_squeeze %dma_wait3A_112 : memref<1x36x128xi32, #tpu.memory_space<hbm>> -> memref<36x128xi32, #tpu.memory_space<hbm>>
        %dma_wait3A_114 = arith.constant 0 : i32
        %dma_wait3A_115 = arith.constant 0 : i32
        %dma_wait3A_116 = tpu.memref_slice %arg10[%dma_wait3A_114, %dma_wait3A_115] : memref<122x128xi32, #tpu.memory_space<vmem>> -> memref<36x128xi32, #tpu.memory_space<vmem>>
        %dma_wait3A_117 = arith.constant 0 : i32
        %dma_wait3A_118 = arith.constant 0 : i32
        %dma_wait3A_119 = tpu.memref_slice %arg6[%arg1, %dma_wait3A_117, %dma_wait3A_118] : memref<16x36x128xi32, #tpu.memory_space<hbm>> -> memref<1x36x128xi32, #tpu.memory_space<hbm>>
        %dma_wait3A_120 = tpu.memref_squeeze %dma_wait3A_119 : memref<1x36x128xi32, #tpu.memory_space<hbm>> -> memref<36x128xi32, #tpu.memory_space<hbm>>
        tpu.wait_dma2 semaphore(%run_scoped3A : memref<!tpu.dma_semaphore, #tpu.memory_space<semaphore_mem>>) src(%dma_wait3A_120 : memref<36x128xi32, #tpu.memory_space<hbm>>) dst(%dma_wait3A_116 : memref<36x128xi32, #tpu.memory_space<vmem>>)
        tpu.yield
      }) : () -> ()
    } else {
    }
    %eq3A_22 = arith.constant 0 : i32
    %eq3A_23 = arith.cmpi eq, %arg0, %eq3A_22 : i32
    %jit3A = arith.constant 122 : i32
    %jit3A_24 = arith.constant 36 : i32
    %select_n3A = arith.select %eq3A_23, %jit3A, %jit3A_24 : i32
    %while3A = arith.constant 0 : i32
    %while3A_25 = arith.constant 0 : i32
    %while3A_26 = arith.subi %select_n3A, %while3A_25 : i32
    %while3A_27 = arith.addi %while3A_25, %while3A_26 : i32
    %while3A_28 = arith.constant 1 : i32
    %while3A_29 = arith.divsi %while3A_26, %while3A_28 : i32
    %while3A_30 = arith.muli %while3A_29, %while3A_28 : i32
    %while3A_31 = arith.addi %while3A_25, %while3A_30 : i32
    %while3A_32 = arith.constant 1 : i32
    scf.for %while3A_95 = %while3A_25 to %while3A_31 step %while3A_32  : i32 {
      "tpu.region"() ({
        %run_scoped3A = tpu.sem_alloc : memref<!tpu.dma_semaphore, #tpu.memory_space<semaphore_mem>>
        %dma_start3A = arith.constant 0 : i32
        %dma_start3A_96 = tpu.memref_slice %arg9[%while3A_95, %dma_start3A] : memref<122x128xi32, #tpu.memory_space<vmem>> -> memref<1x128xi32, #tpu.memory_space<vmem>>
        %dma_start3A_97 = tpu.memref_squeeze %dma_start3A_96 : memref<1x128xi32, #tpu.memory_space<vmem>> -> memref<128xi32, #tpu.memory_space<vmem>>
        %dma_start3A_98 = arith.constant 0 : i32
        %dma_start3A_99 = arith.constant 0 : i32
        %dma_start3A_100 = tpu.memref_slice %arg2[%dma_start3A_98, %dma_start3A_99] : memref<10112x128xf32, #tpu.memory_space<hbm>> -> memref<10112x128xf32, #tpu.memory_space<hbm>>
        tpu.enqueue_indirect_dma source(%dma_start3A_100 : memref<10112x128xf32, #tpu.memory_space<hbm>>) target(%arg11 : memref<128x128xf32, #tpu.memory_space<vmem>>) offsets(%dma_start3A_97 : memref<128xi32, #tpu.memory_space<vmem>>) semaphore(%run_scoped3A : memref<!tpu.dma_semaphore, #tpu.memory_space<semaphore_mem>>)
        %dma_wait3A = arith.constant 0 : i32
        %dma_wait3A_101 = tpu.memref_slice %arg9[%while3A_95, %dma_wait3A] : memref<122x128xi32, #tpu.memory_space<vmem>> -> memref<1x128xi32, #tpu.memory_space<vmem>>
        %dma_wait3A_102 = tpu.memref_squeeze %dma_wait3A_101 : memref<1x128xi32, #tpu.memory_space<vmem>> -> memref<128xi32, #tpu.memory_space<vmem>>
        %dma_wait3A_103 = arith.constant 0 : i32
        %dma_wait3A_104 = arith.constant 0 : i32
        %dma_wait3A_105 = tpu.memref_slice %arg2[%dma_wait3A_103, %dma_wait3A_104] : memref<10112x128xf32, #tpu.memory_space<hbm>> -> memref<10112x128xf32, #tpu.memory_space<hbm>>
        tpu.wait_indirect_dma semaphore(%run_scoped3A : memref<!tpu.dma_semaphore, #tpu.memory_space<semaphore_mem>>) src(%dma_wait3A_105 : memref<10112x128xf32, #tpu.memory_space<hbm>>) dst(%arg11 : memref<128x128xf32, #tpu.memory_space<vmem>>)
        tpu.yield
      }) : () -> ()
      "tpu.region"() ({
        %run_scoped3A = tpu.sem_alloc : memref<!tpu.dma_semaphore, #tpu.memory_space<semaphore_mem>>
        %dma_start3A = arith.constant 0 : i32
        %dma_start3A_96 = tpu.memref_slice %arg10[%while3A_95, %dma_start3A] : memref<122x128xi32, #tpu.memory_space<vmem>> -> memref<1x128xi32, #tpu.memory_space<vmem>>
        %dma_start3A_97 = tpu.memref_squeeze %dma_start3A_96 : memref<1x128xi32, #tpu.memory_space<vmem>> -> memref<128xi32, #tpu.memory_space<vmem>>
        %dma_start3A_98 = arith.constant 0 : i32
        %dma_start3A_99 = arith.constant 0 : i32
        %dma_start3A_100 = tpu.memref_slice %arg12[%dma_start3A_98, %dma_start3A_99] : memref<10112x128xf32, #tpu.memory_space<vmem_shared>> -> memref<10112x128xf32, #tpu.memory_space<vmem_shared>>
        tpu.enqueue_indirect_dma source(%arg11 : memref<128x128xf32, #tpu.memory_space<vmem>>) target(%dma_start3A_100 : memref<10112x128xf32, #tpu.memory_space<vmem_shared>>) offsets(%dma_start3A_97 : memref<128xi32, #tpu.memory_space<vmem>>) semaphore(%run_scoped3A : memref<!tpu.dma_semaphore, #tpu.memory_space<semaphore_mem>>) {add = true}
        %dma_wait3A = arith.constant 0 : i32
        %dma_wait3A_101 = tpu.memref_slice %arg10[%while3A_95, %dma_wait3A] : memref<122x128xi32, #tpu.memory_space<vmem>> -> memref<1x128xi32, #tpu.memory_space<vmem>>
        %dma_wait3A_102 = tpu.memref_squeeze %dma_wait3A_101 : memref<1x128xi32, #tpu.memory_space<vmem>> -> memref<128xi32, #tpu.memory_space<vmem>>
        %dma_wait3A_103 = arith.constant 0 : i32
        %dma_wait3A_104 = arith.constant 0 : i32
        %dma_wait3A_105 = tpu.memref_slice %arg12[%dma_wait3A_103, %dma_wait3A_104] : memref<10112x128xf32, #tpu.memory_space<vmem_shared>> -> memref<10112x128xf32, #tpu.memory_space<vmem_shared>>
        tpu.wait_indirect_dma semaphore(%run_scoped3A : memref<!tpu.dma_semaphore, #tpu.memory_space<semaphore_mem>>) src(%arg11 : memref<128x128xf32, #tpu.memory_space<vmem>>) dst(%dma_wait3A_105 : memref<10112x128xf32, #tpu.memory_space<vmem_shared>>)
        tpu.yield
      }) : () -> ()
    }
    %while3A_33 = arith.constant 1 : i32
    scf.for %while3A_95 = %while3A_31 to %while3A_27 step %while3A_33  : i32 {
      "tpu.region"() ({
        %run_scoped3A = tpu.sem_alloc : memref<!tpu.dma_semaphore, #tpu.memory_space<semaphore_mem>>
        %dma_start3A = arith.constant 0 : i32
        %dma_start3A_96 = tpu.memref_slice %arg9[%while3A_95, %dma_start3A] : memref<122x128xi32, #tpu.memory_space<vmem>> -> memref<1x128xi32, #tpu.memory_space<vmem>>
        %dma_start3A_97 = tpu.memref_squeeze %dma_start3A_96 : memref<1x128xi32, #tpu.memory_space<vmem>> -> memref<128xi32, #tpu.memory_space<vmem>>
        %dma_start3A_98 = arith.constant 0 : i32
        %dma_start3A_99 = arith.constant 0 : i32
        %dma_start3A_100 = tpu.memref_slice %arg2[%dma_start3A_98, %dma_start3A_99] : memref<10112x128xf32, #tpu.memory_space<hbm>> -> memref<10112x128xf32, #tpu.memory_space<hbm>>
        tpu.enqueue_indirect_dma source(%dma_start3A_100 : memref<10112x128xf32, #tpu.memory_space<hbm>>) target(%arg11 : memref<128x128xf32, #tpu.memory_space<vmem>>) offsets(%dma_start3A_97 : memref<128xi32, #tpu.memory_space<vmem>>) semaphore(%run_scoped3A : memref<!tpu.dma_semaphore, #tpu.memory_space<semaphore_mem>>)
        %dma_wait3A = arith.constant 0 : i32
        %dma_wait3A_101 = tpu.memref_slice %arg9[%while3A_95, %dma_wait3A] : memref<122x128xi32, #tpu.memory_space<vmem>> -> memref<1x128xi32, #tpu.memory_space<vmem>>
        %dma_wait3A_102 = tpu.memref_squeeze %dma_wait3A_101 : memref<1x128xi32, #tpu.memory_space<vmem>> -> memref<128xi32, #tpu.memory_space<vmem>>
        %dma_wait3A_103 = arith.constant 0 : i32
        %dma_wait3A_104 = arith.constant 0 : i32
        %dma_wait3A_105 = tpu.memref_slice %arg2[%dma_wait3A_103, %dma_wait3A_104] : memref<10112x128xf32, #tpu.memory_space<hbm>> -> memref<10112x128xf32, #tpu.memory_space<hbm>>
        tpu.wait_indirect_dma semaphore(%run_scoped3A : memref<!tpu.dma_semaphore, #tpu.memory_space<semaphore_mem>>) src(%dma_wait3A_105 : memref<10112x128xf32, #tpu.memory_space<hbm>>) dst(%arg11 : memref<128x128xf32, #tpu.memory_space<vmem>>)
        tpu.yield
      }) : () -> ()
      "tpu.region"() ({
        %run_scoped3A = tpu.sem_alloc : memref<!tpu.dma_semaphore, #tpu.memory_space<semaphore_mem>>
        %dma_start3A = arith.constant 0 : i32
        %dma_start3A_96 = tpu.memref_slice %arg10[%while3A_95, %dma_start3A] : memref<122x128xi32, #tpu.memory_space<vmem>> -> memref<1x128xi32, #tpu.memory_space<vmem>>
        %dma_start3A_97 = tpu.memref_squeeze %dma_start3A_96 : memref<1x128xi32, #tpu.memory_space<vmem>> -> memref<128xi32, #tpu.memory_space<vmem>>
        %dma_start3A_98 = arith.constant 0 : i32
        %dma_start3A_99 = arith.constant 0 : i32
        %dma_start3A_100 = tpu.memref_slice %arg12[%dma_start3A_98, %dma_start3A_99] : memref<10112x128xf32, #tpu.memory_space<vmem_shared>> -> memref<10112x128xf32, #tpu.memory_space<vmem_shared>>
        tpu.enqueue_indirect_dma source(%arg11 : memref<128x128xf32, #tpu.memory_space<vmem>>) target(%dma_start3A_100 : memref<10112x128xf32, #tpu.memory_space<vmem_shared>>) offsets(%dma_start3A_97 : memref<128xi32, #tpu.memory_space<vmem>>) semaphore(%run_scoped3A : memref<!tpu.dma_semaphore, #tpu.memory_space<semaphore_mem>>) {add = true}
        %dma_wait3A = arith.constant 0 : i32
        %dma_wait3A_101 = tpu.memref_slice %arg10[%while3A_95, %dma_wait3A] : memref<122x128xi32, #tpu.memory_space<vmem>> -> memref<1x128xi32, #tpu.memory_space<vmem>>
        %dma_wait3A_102 = tpu.memref_squeeze %dma_wait3A_101 : memref<1x128xi32, #tpu.memory_space<vmem>> -> memref<128xi32, #tpu.memory_space<vmem>>
        %dma_wait3A_103 = arith.constant 0 : i32
        %dma_wait3A_104 = arith.constant 0 : i32
        %dma_wait3A_105 = tpu.memref_slice %arg12[%dma_wait3A_103, %dma_wait3A_104] : memref<10112x128xf32, #tpu.memory_space<vmem_shared>> -> memref<10112x128xf32, #tpu.memory_space<vmem_shared>>
        tpu.wait_indirect_dma semaphore(%run_scoped3A : memref<!tpu.dma_semaphore, #tpu.memory_space<semaphore_mem>>) src(%arg11 : memref<128x128xf32, #tpu.memory_space<vmem>>) dst(%dma_wait3A_105 : memref<10112x128xf32, #tpu.memory_space<vmem_shared>>)
        tpu.yield
      }) : () -> ()
    }
    %barrier3A_34 = arith.constant 0 : index
    tpu.barrier barrier_id(%barrier3A_34)
    %add3A_35 = arith.constant 0 : i32
    %add3A_36 = arith.addi %mul3A_0, %add3A_35 : i32
    "tpu.region"() ({
      %run_scoped3A = tpu.sem_alloc : memref<!tpu.dma_semaphore, #tpu.memory_space<semaphore_mem>>
      %dma_start3A = arith.constant 0 : i32
      %dma_start3A_95 = tpu.memref_slice %arg12[%add3A_36, %dma_start3A] : memref<10112x128xf32, #tpu.memory_space<vmem_shared>> -> memref<128x128xf32, #tpu.memory_space<vmem_shared>>
      %dma_start3A_96 = arith.constant 0 : i32
      %dma_start3A_97 = tpu.memref_slice %arg12[%add3A_36, %dma_start3A_96] : memref<10112x128xf32, #tpu.memory_space<vmem_shared>> -> memref<128x128xf32, #tpu.memory_space<vmem_shared>>
      tpu.enqueue_dma source(%dma_start3A_97 : memref<128x128xf32, #tpu.memory_space<vmem_shared>>) target(%arg11 : memref<128x128xf32, #tpu.memory_space<vmem>>) target_semaphore(%run_scoped3A : memref<!tpu.dma_semaphore, #tpu.memory_space<semaphore_mem>>)
      %dma_wait3A = arith.constant 0 : i32
      %dma_wait3A_98 = tpu.memref_slice %arg12[%add3A_36, %dma_wait3A] : memref<10112x128xf32, #tpu.memory_space<vmem_shared>> -> memref<128x128xf32, #tpu.memory_space<vmem_shared>>
      %dma_wait3A_99 = arith.constant 0 : i32
      %dma_wait3A_100 = tpu.memref_slice %arg12[%add3A_36, %dma_wait3A_99] : memref<10112x128xf32, #tpu.memory_space<vmem_shared>> -> memref<128x128xf32, #tpu.memory_space<vmem_shared>>
      tpu.wait_dma2 semaphore(%run_scoped3A : memref<!tpu.dma_semaphore, #tpu.memory_space<semaphore_mem>>) src(%dma_wait3A_100 : memref<128x128xf32, #tpu.memory_space<vmem_shared>>) dst(%arg11 : memref<128x128xf32, #tpu.memory_space<vmem>>)
      tpu.yield
    }) : () -> ()
    %eq3A_37 = arith.constant 0 : i32
    %eq3A_38 = arith.cmpi eq, %arg0, %eq3A_37 : i32
    %convert_element_type3A_39 = arith.extui %eq3A_38 : i1 to i32
    %cond3A_40 = arith.constant 0 : i32
    %cond3A_41 = arith.cmpi ne, %convert_element_type3A_39, %cond3A_40 : i32
    scf.if %cond3A_41 {
      "tpu.region"() ({
        %run_scoped3A = tpu.sem_alloc : memref<!tpu.dma_semaphore, #tpu.memory_space<semaphore_mem>>
        %dma_start3A = arith.constant 0 : i32
        %dma_start3A_95 = tpu.memref_slice %arg7[%add3A_36, %dma_start3A] : memref<10112x128xf32, #tpu.memory_space<hbm>> -> memref<128x128xf32, #tpu.memory_space<hbm>>
        %dma_start3A_96 = arith.constant 0 : i32
        %dma_start3A_97 = tpu.memref_slice %arg7[%add3A_36, %dma_start3A_96] : memref<10112x128xf32, #tpu.memory_space<hbm>> -> memref<128x128xf32, #tpu.memory_space<hbm>>
        tpu.enqueue_dma source(%arg11 : memref<128x128xf32, #tpu.memory_space<vmem>>) target(%dma_start3A_97 : memref<128x128xf32, #tpu.memory_space<hbm>>) target_semaphore(%run_scoped3A : memref<!tpu.dma_semaphore, #tpu.memory_space<semaphore_mem>>)
        %dma_wait3A = arith.constant 0 : i32
        %dma_wait3A_98 = tpu.memref_slice %arg7[%add3A_36, %dma_wait3A] : memref<10112x128xf32, #tpu.memory_space<hbm>> -> memref<128x128xf32, #tpu.memory_space<hbm>>
        %dma_wait3A_99 = arith.constant 0 : i32
        %dma_wait3A_100 = tpu.memref_slice %arg7[%add3A_36, %dma_wait3A_99] : memref<10112x128xf32, #tpu.memory_space<hbm>> -> memref<128x128xf32, #tpu.memory_space<hbm>>
        tpu.wait_dma2 semaphore(%run_scoped3A : memref<!tpu.dma_semaphore, #tpu.memory_space<semaphore_mem>>) src(%arg11 : memref<128x128xf32, #tpu.memory_space<vmem>>) dst(%dma_wait3A_100 : memref<128x128xf32, #tpu.memory_space<hbm>>)
        tpu.yield
      }) : () -> ()
    } else {
    }
    %eq3A_42 = arith.constant 1 : i32
    %eq3A_43 = arith.cmpi eq, %arg0, %eq3A_42 : i32
    %convert_element_type3A_44 = arith.extui %eq3A_43 : i1 to i32
    %cond3A_45 = arith.constant 0 : i32
    %cond3A_46 = arith.cmpi ne, %convert_element_type3A_44, %cond3A_45 : i32
    scf.if %cond3A_46 {
      "tpu.region"() ({
        %run_scoped3A = tpu.sem_alloc : memref<!tpu.dma_semaphore, #tpu.memory_space<semaphore_mem>>
        %dma_start3A = arith.constant 0 : i32
        %dma_start3A_95 = tpu.memref_slice %arg8[%add3A_36, %dma_start3A] : memref<10112x128xf32, #tpu.memory_space<hbm>> -> memref<128x128xf32, #tpu.memory_space<hbm>>
        %dma_start3A_96 = arith.constant 0 : i32
        %dma_start3A_97 = tpu.memref_slice %arg8[%add3A_36, %dma_start3A_96] : memref<10112x128xf32, #tpu.memory_space<hbm>> -> memref<128x128xf32, #tpu.memory_space<hbm>>
        tpu.enqueue_dma source(%arg11 : memref<128x128xf32, #tpu.memory_space<vmem>>) target(%dma_start3A_97 : memref<128x128xf32, #tpu.memory_space<hbm>>) target_semaphore(%run_scoped3A : memref<!tpu.dma_semaphore, #tpu.memory_space<semaphore_mem>>)
        %dma_wait3A = arith.constant 0 : i32
        %dma_wait3A_98 = tpu.memref_slice %arg8[%add3A_36, %dma_wait3A] : memref<10112x128xf32, #tpu.memory_space<hbm>> -> memref<128x128xf32, #tpu.memory_space<hbm>>
        %dma_wait3A_99 = arith.constant 0 : i32
        %dma_wait3A_100 = tpu.memref_slice %arg8[%add3A_36, %dma_wait3A_99] : memref<10112x128xf32, #tpu.memory_space<hbm>> -> memref<128x128xf32, #tpu.memory_space<hbm>>
        tpu.wait_dma2 semaphore(%run_scoped3A : memref<!tpu.dma_semaphore, #tpu.memory_space<semaphore_mem>>) src(%arg11 : memref<128x128xf32, #tpu.memory_space<vmem>>) dst(%dma_wait3A_100 : memref<128x128xf32, #tpu.memory_space<hbm>>)
        tpu.yield
      }) : () -> ()
    } else {
    }
    %add3A_47 = arith.constant 128 : i32
    %add3A_48 = arith.addi %mul3A_0, %add3A_47 : i32
    "tpu.region"() ({
      %run_scoped3A = tpu.sem_alloc : memref<!tpu.dma_semaphore, #tpu.memory_space<semaphore_mem>>
      %dma_start3A = arith.constant 0 : i32
      %dma_start3A_95 = tpu.memref_slice %arg12[%add3A_48, %dma_start3A] : memref<10112x128xf32, #tpu.memory_space<vmem_shared>> -> memref<128x128xf32, #tpu.memory_space<vmem_shared>>
      %dma_start3A_96 = arith.constant 0 : i32
      %dma_start3A_97 = tpu.memref_slice %arg12[%add3A_48, %dma_start3A_96] : memref<10112x128xf32, #tpu.memory_space<vmem_shared>> -> memref<128x128xf32, #tpu.memory_space<vmem_shared>>
      tpu.enqueue_dma source(%dma_start3A_97 : memref<128x128xf32, #tpu.memory_space<vmem_shared>>) target(%arg11 : memref<128x128xf32, #tpu.memory_space<vmem>>) target_semaphore(%run_scoped3A : memref<!tpu.dma_semaphore, #tpu.memory_space<semaphore_mem>>)
      %dma_wait3A = arith.constant 0 : i32
      %dma_wait3A_98 = tpu.memref_slice %arg12[%add3A_48, %dma_wait3A] : memref<10112x128xf32, #tpu.memory_space<vmem_shared>> -> memref<128x128xf32, #tpu.memory_space<vmem_shared>>
      %dma_wait3A_99 = arith.constant 0 : i32
      %dma_wait3A_100 = tpu.memref_slice %arg12[%add3A_48, %dma_wait3A_99] : memref<10112x128xf32, #tpu.memory_space<vmem_shared>> -> memref<128x128xf32, #tpu.memory_space<vmem_shared>>
      tpu.wait_dma2 semaphore(%run_scoped3A : memref<!tpu.dma_semaphore, #tpu.memory_space<semaphore_mem>>) src(%dma_wait3A_100 : memref<128x128xf32, #tpu.memory_space<vmem_shared>>) dst(%arg11 : memref<128x128xf32, #tpu.memory_space<vmem>>)
      tpu.yield
    }) : () -> ()
    %eq3A_49 = arith.constant 0 : i32
    %eq3A_50 = arith.cmpi eq, %arg0, %eq3A_49 : i32
    %convert_element_type3A_51 = arith.extui %eq3A_50 : i1 to i32
    %cond3A_52 = arith.constant 0 : i32
    %cond3A_53 = arith.cmpi ne, %convert_element_type3A_51, %cond3A_52 : i32
    scf.if %cond3A_53 {
      "tpu.region"() ({
        %run_scoped3A = tpu.sem_alloc : memref<!tpu.dma_semaphore, #tpu.memory_space<semaphore_mem>>
        %dma_start3A = arith.constant 0 : i32
        %dma_start3A_95 = tpu.memref_slice %arg7[%add3A_48, %dma_start3A] : memref<10112x128xf32, #tpu.memory_space<hbm>> -> memref<128x128xf32, #tpu.memory_space<hbm>>
        %dma_start3A_96 = arith.constant 0 : i32
        %dma_start3A_97 = tpu.memref_slice %arg7[%add3A_48, %dma_start3A_96] : memref<10112x128xf32, #tpu.memory_space<hbm>> -> memref<128x128xf32, #tpu.memory_space<hbm>>
        tpu.enqueue_dma source(%arg11 : memref<128x128xf32, #tpu.memory_space<vmem>>) target(%dma_start3A_97 : memref<128x128xf32, #tpu.memory_space<hbm>>) target_semaphore(%run_scoped3A : memref<!tpu.dma_semaphore, #tpu.memory_space<semaphore_mem>>)
        %dma_wait3A = arith.constant 0 : i32
        %dma_wait3A_98 = tpu.memref_slice %arg7[%add3A_48, %dma_wait3A] : memref<10112x128xf32, #tpu.memory_space<hbm>> -> memref<128x128xf32, #tpu.memory_space<hbm>>
        %dma_wait3A_99 = arith.constant 0 : i32
        %dma_wait3A_100 = tpu.memref_slice %arg7[%add3A_48, %dma_wait3A_99] : memref<10112x128xf32, #tpu.memory_space<hbm>> -> memref<128x128xf32, #tpu.memory_space<hbm>>
        tpu.wait_dma2 semaphore(%run_scoped3A : memref<!tpu.dma_semaphore, #tpu.memory_space<semaphore_mem>>) src(%arg11 : memref<128x128xf32, #tpu.memory_space<vmem>>) dst(%dma_wait3A_100 : memref<128x128xf32, #tpu.memory_space<hbm>>)
        tpu.yield
      }) : () -> ()
    } else {
    }
    %eq3A_54 = arith.constant 1 : i32
    %eq3A_55 = arith.cmpi eq, %arg0, %eq3A_54 : i32
    %convert_element_type3A_56 = arith.extui %eq3A_55 : i1 to i32
    %cond3A_57 = arith.constant 0 : i32
    %cond3A_58 = arith.cmpi ne, %convert_element_type3A_56, %cond3A_57 : i32
    scf.if %cond3A_58 {
      "tpu.region"() ({
        %run_scoped3A = tpu.sem_alloc : memref<!tpu.dma_semaphore, #tpu.memory_space<semaphore_mem>>
        %dma_start3A = arith.constant 0 : i32
        %dma_start3A_95 = tpu.memref_slice %arg8[%add3A_48, %dma_start3A] : memref<10112x128xf32, #tpu.memory_space<hbm>> -> memref<128x128xf32, #tpu.memory_space<hbm>>
        %dma_start3A_96 = arith.constant 0 : i32
        %dma_start3A_97 = tpu.memref_slice %arg8[%add3A_48, %dma_start3A_96] : memref<10112x128xf32, #tpu.memory_space<hbm>> -> memref<128x128xf32, #tpu.memory_space<hbm>>
        tpu.enqueue_dma source(%arg11 : memref<128x128xf32, #tpu.memory_space<vmem>>) target(%dma_start3A_97 : memref<128x128xf32, #tpu.memory_space<hbm>>) target_semaphore(%run_scoped3A : memref<!tpu.dma_semaphore, #tpu.memory_space<semaphore_mem>>)
        %dma_wait3A = arith.constant 0 : i32
        %dma_wait3A_98 = tpu.memref_slice %arg8[%add3A_48, %dma_wait3A] : memref<10112x128xf32, #tpu.memory_space<hbm>> -> memref<128x128xf32, #tpu.memory_space<hbm>>
        %dma_wait3A_99 = arith.constant 0 : i32
        %dma_wait3A_100 = tpu.memref_slice %arg8[%add3A_48, %dma_wait3A_99] : memref<10112x128xf32, #tpu.memory_space<hbm>> -> memref<128x128xf32, #tpu.memory_space<hbm>>
        tpu.wait_dma2 semaphore(%run_scoped3A : memref<!tpu.dma_semaphore, #tpu.memory_space<semaphore_mem>>) src(%arg11 : memref<128x128xf32, #tpu.memory_space<vmem>>) dst(%dma_wait3A_100 : memref<128x128xf32, #tpu.memory_space<hbm>>)
        tpu.yield
      }) : () -> ()
    } else {
    }
    %add3A_59 = arith.constant 256 : i32
    %add3A_60 = arith.addi %mul3A_0, %add3A_59 : i32
    "tpu.region"() ({
      %run_scoped3A = tpu.sem_alloc : memref<!tpu.dma_semaphore, #tpu.memory_space<semaphore_mem>>
      %dma_start3A = arith.constant 0 : i32
      %dma_start3A_95 = tpu.memref_slice %arg12[%add3A_60, %dma_start3A] : memref<10112x128xf32, #tpu.memory_space<vmem_shared>> -> memref<128x128xf32, #tpu.memory_space<vmem_shared>>
      %dma_start3A_96 = arith.constant 0 : i32
      %dma_start3A_97 = tpu.memref_slice %arg12[%add3A_60, %dma_start3A_96] : memref<10112x128xf32, #tpu.memory_space<vmem_shared>> -> memref<128x128xf32, #tpu.memory_space<vmem_shared>>
      tpu.enqueue_dma source(%dma_start3A_97 : memref<128x128xf32, #tpu.memory_space<vmem_shared>>) target(%arg11 : memref<128x128xf32, #tpu.memory_space<vmem>>) target_semaphore(%run_scoped3A : memref<!tpu.dma_semaphore, #tpu.memory_space<semaphore_mem>>)
      %dma_wait3A = arith.constant 0 : i32
      %dma_wait3A_98 = tpu.memref_slice %arg12[%add3A_60, %dma_wait3A] : memref<10112x128xf32, #tpu.memory_space<vmem_shared>> -> memref<128x128xf32, #tpu.memory_space<vmem_shared>>
      %dma_wait3A_99 = arith.constant 0 : i32
      %dma_wait3A_100 = tpu.memref_slice %arg12[%add3A_60, %dma_wait3A_99] : memref<10112x128xf32, #tpu.memory_space<vmem_shared>> -> memref<128x128xf32, #tpu.memory_space<vmem_shared>>
      tpu.wait_dma2 semaphore(%run_scoped3A : memref<!tpu.dma_semaphore, #tpu.memory_space<semaphore_mem>>) src(%dma_wait3A_100 : memref<128x128xf32, #tpu.memory_space<vmem_shared>>) dst(%arg11 : memref<128x128xf32, #tpu.memory_space<vmem>>)
      tpu.yield
    }) : () -> ()
    %eq3A_61 = arith.constant 0 : i32
    %eq3A_62 = arith.cmpi eq, %arg0, %eq3A_61 : i32
    %convert_element_type3A_63 = arith.extui %eq3A_62 : i1 to i32
    %cond3A_64 = arith.constant 0 : i32
    %cond3A_65 = arith.cmpi ne, %convert_element_type3A_63, %cond3A_64 : i32
    scf.if %cond3A_65 {
      "tpu.region"() ({
        %run_scoped3A = tpu.sem_alloc : memref<!tpu.dma_semaphore, #tpu.memory_space<semaphore_mem>>
        %dma_start3A = arith.constant 0 : i32
        %dma_start3A_95 = tpu.memref_slice %arg7[%add3A_60, %dma_start3A] : memref<10112x128xf32, #tpu.memory_space<hbm>> -> memref<128x128xf32, #tpu.memory_space<hbm>>
        %dma_start3A_96 = arith.constant 0 : i32
        %dma_start3A_97 = tpu.memref_slice %arg7[%add3A_60, %dma_start3A_96] : memref<10112x128xf32, #tpu.memory_space<hbm>> -> memref<128x128xf32, #tpu.memory_space<hbm>>
        tpu.enqueue_dma source(%arg11 : memref<128x128xf32, #tpu.memory_space<vmem>>) target(%dma_start3A_97 : memref<128x128xf32, #tpu.memory_space<hbm>>) target_semaphore(%run_scoped3A : memref<!tpu.dma_semaphore, #tpu.memory_space<semaphore_mem>>)
        %dma_wait3A = arith.constant 0 : i32
        %dma_wait3A_98 = tpu.memref_slice %arg7[%add3A_60, %dma_wait3A] : memref<10112x128xf32, #tpu.memory_space<hbm>> -> memref<128x128xf32, #tpu.memory_space<hbm>>
        %dma_wait3A_99 = arith.constant 0 : i32
        %dma_wait3A_100 = tpu.memref_slice %arg7[%add3A_60, %dma_wait3A_99] : memref<10112x128xf32, #tpu.memory_space<hbm>> -> memref<128x128xf32, #tpu.memory_space<hbm>>
        tpu.wait_dma2 semaphore(%run_scoped3A : memref<!tpu.dma_semaphore, #tpu.memory_space<semaphore_mem>>) src(%arg11 : memref<128x128xf32, #tpu.memory_space<vmem>>) dst(%dma_wait3A_100 : memref<128x128xf32, #tpu.memory_space<hbm>>)
        tpu.yield
      }) : () -> ()
    } else {
    }
    %eq3A_66 = arith.constant 1 : i32
    %eq3A_67 = arith.cmpi eq, %arg0, %eq3A_66 : i32
    %convert_element_type3A_68 = arith.extui %eq3A_67 : i1 to i32
    %cond3A_69 = arith.constant 0 : i32
    %cond3A_70 = arith.cmpi ne, %convert_element_type3A_68, %cond3A_69 : i32
    scf.if %cond3A_70 {
      "tpu.region"() ({
        %run_scoped3A = tpu.sem_alloc : memref<!tpu.dma_semaphore, #tpu.memory_space<semaphore_mem>>
        %dma_start3A = arith.constant 0 : i32
        %dma_start3A_95 = tpu.memref_slice %arg8[%add3A_60, %dma_start3A] : memref<10112x128xf32, #tpu.memory_space<hbm>> -> memref<128x128xf32, #tpu.memory_space<hbm>>
        %dma_start3A_96 = arith.constant 0 : i32
        %dma_start3A_97 = tpu.memref_slice %arg8[%add3A_60, %dma_start3A_96] : memref<10112x128xf32, #tpu.memory_space<hbm>> -> memref<128x128xf32, #tpu.memory_space<hbm>>
        tpu.enqueue_dma source(%arg11 : memref<128x128xf32, #tpu.memory_space<vmem>>) target(%dma_start3A_97 : memref<128x128xf32, #tpu.memory_space<hbm>>) target_semaphore(%run_scoped3A : memref<!tpu.dma_semaphore, #tpu.memory_space<semaphore_mem>>)
        %dma_wait3A = arith.constant 0 : i32
        %dma_wait3A_98 = tpu.memref_slice %arg8[%add3A_60, %dma_wait3A] : memref<10112x128xf32, #tpu.memory_space<hbm>> -> memref<128x128xf32, #tpu.memory_space<hbm>>
        %dma_wait3A_99 = arith.constant 0 : i32
        %dma_wait3A_100 = tpu.memref_slice %arg8[%add3A_60, %dma_wait3A_99] : memref<10112x128xf32, #tpu.memory_space<hbm>> -> memref<128x128xf32, #tpu.memory_space<hbm>>
        tpu.wait_dma2 semaphore(%run_scoped3A : memref<!tpu.dma_semaphore, #tpu.memory_space<semaphore_mem>>) src(%arg11 : memref<128x128xf32, #tpu.memory_space<vmem>>) dst(%dma_wait3A_100 : memref<128x128xf32, #tpu.memory_space<hbm>>)
        tpu.yield
      }) : () -> ()
    } else {
    }
    %add3A_71 = arith.constant 384 : i32
    %add3A_72 = arith.addi %mul3A_0, %add3A_71 : i32
    "tpu.region"() ({
      %run_scoped3A = tpu.sem_alloc : memref<!tpu.dma_semaphore, #tpu.memory_space<semaphore_mem>>
      %dma_start3A = arith.constant 0 : i32
      %dma_start3A_95 = tpu.memref_slice %arg12[%add3A_72, %dma_start3A] : memref<10112x128xf32, #tpu.memory_space<vmem_shared>> -> memref<128x128xf32, #tpu.memory_space<vmem_shared>>
      %dma_start3A_96 = arith.constant 0 : i32
      %dma_start3A_97 = tpu.memref_slice %arg12[%add3A_72, %dma_start3A_96] : memref<10112x128xf32, #tpu.memory_space<vmem_shared>> -> memref<128x128xf32, #tpu.memory_space<vmem_shared>>
      tpu.enqueue_dma source(%dma_start3A_97 : memref<128x128xf32, #tpu.memory_space<vmem_shared>>) target(%arg11 : memref<128x128xf32, #tpu.memory_space<vmem>>) target_semaphore(%run_scoped3A : memref<!tpu.dma_semaphore, #tpu.memory_space<semaphore_mem>>)
      %dma_wait3A = arith.constant 0 : i32
      %dma_wait3A_98 = tpu.memref_slice %arg12[%add3A_72, %dma_wait3A] : memref<10112x128xf32, #tpu.memory_space<vmem_shared>> -> memref<128x128xf32, #tpu.memory_space<vmem_shared>>
      %dma_wait3A_99 = arith.constant 0 : i32
      %dma_wait3A_100 = tpu.memref_slice %arg12[%add3A_72, %dma_wait3A_99] : memref<10112x128xf32, #tpu.memory_space<vmem_shared>> -> memref<128x128xf32, #tpu.memory_space<vmem_shared>>
      tpu.wait_dma2 semaphore(%run_scoped3A : memref<!tpu.dma_semaphore, #tpu.memory_space<semaphore_mem>>) src(%dma_wait3A_100 : memref<128x128xf32, #tpu.memory_space<vmem_shared>>) dst(%arg11 : memref<128x128xf32, #tpu.memory_space<vmem>>)
      tpu.yield
    }) : () -> ()
    %eq3A_73 = arith.constant 0 : i32
    %eq3A_74 = arith.cmpi eq, %arg0, %eq3A_73 : i32
    %convert_element_type3A_75 = arith.extui %eq3A_74 : i1 to i32
    %cond3A_76 = arith.constant 0 : i32
    %cond3A_77 = arith.cmpi ne, %convert_element_type3A_75, %cond3A_76 : i32
    scf.if %cond3A_77 {
      "tpu.region"() ({
        %run_scoped3A = tpu.sem_alloc : memref<!tpu.dma_semaphore, #tpu.memory_space<semaphore_mem>>
        %dma_start3A = arith.constant 0 : i32
        %dma_start3A_95 = tpu.memref_slice %arg7[%add3A_72, %dma_start3A] : memref<10112x128xf32, #tpu.memory_space<hbm>> -> memref<128x128xf32, #tpu.memory_space<hbm>>
        %dma_start3A_96 = arith.constant 0 : i32
        %dma_start3A_97 = tpu.memref_slice %arg7[%add3A_72, %dma_start3A_96] : memref<10112x128xf32, #tpu.memory_space<hbm>> -> memref<128x128xf32, #tpu.memory_space<hbm>>
        tpu.enqueue_dma source(%arg11 : memref<128x128xf32, #tpu.memory_space<vmem>>) target(%dma_start3A_97 : memref<128x128xf32, #tpu.memory_space<hbm>>) target_semaphore(%run_scoped3A : memref<!tpu.dma_semaphore, #tpu.memory_space<semaphore_mem>>)
        %dma_wait3A = arith.constant 0 : i32
        %dma_wait3A_98 = tpu.memref_slice %arg7[%add3A_72, %dma_wait3A] : memref<10112x128xf32, #tpu.memory_space<hbm>> -> memref<128x128xf32, #tpu.memory_space<hbm>>
        %dma_wait3A_99 = arith.constant 0 : i32
        %dma_wait3A_100 = tpu.memref_slice %arg7[%add3A_72, %dma_wait3A_99] : memref<10112x128xf32, #tpu.memory_space<hbm>> -> memref<128x128xf32, #tpu.memory_space<hbm>>
        tpu.wait_dma2 semaphore(%run_scoped3A : memref<!tpu.dma_semaphore, #tpu.memory_space<semaphore_mem>>) src(%arg11 : memref<128x128xf32, #tpu.memory_space<vmem>>) dst(%dma_wait3A_100 : memref<128x128xf32, #tpu.memory_space<hbm>>)
        tpu.yield
      }) : () -> ()
    } else {
    }
    %eq3A_78 = arith.constant 1 : i32
    %eq3A_79 = arith.cmpi eq, %arg0, %eq3A_78 : i32
    %convert_element_type3A_80 = arith.extui %eq3A_79 : i1 to i32
    %cond3A_81 = arith.constant 0 : i32
    %cond3A_82 = arith.cmpi ne, %convert_element_type3A_80, %cond3A_81 : i32
    scf.if %cond3A_82 {
      "tpu.region"() ({
        %run_scoped3A = tpu.sem_alloc : memref<!tpu.dma_semaphore, #tpu.memory_space<semaphore_mem>>
        %dma_start3A = arith.constant 0 : i32
        %dma_start3A_95 = tpu.memref_slice %arg8[%add3A_72, %dma_start3A] : memref<10112x128xf32, #tpu.memory_space<hbm>> -> memref<128x128xf32, #tpu.memory_space<hbm>>
        %dma_start3A_96 = arith.constant 0 : i32
        %dma_start3A_97 = tpu.memref_slice %arg8[%add3A_72, %dma_start3A_96] : memref<10112x128xf32, #tpu.memory_space<hbm>> -> memref<128x128xf32, #tpu.memory_space<hbm>>
        tpu.enqueue_dma source(%arg11 : memref<128x128xf32, #tpu.memory_space<vmem>>) target(%dma_start3A_97 : memref<128x128xf32, #tpu.memory_space<hbm>>) target_semaphore(%run_scoped3A : memref<!tpu.dma_semaphore, #tpu.memory_space<semaphore_mem>>)
        %dma_wait3A = arith.constant 0 : i32
        %dma_wait3A_98 = tpu.memref_slice %arg8[%add3A_72, %dma_wait3A] : memref<10112x128xf32, #tpu.memory_space<hbm>> -> memref<128x128xf32, #tpu.memory_space<hbm>>
        %dma_wait3A_99 = arith.constant 0 : i32
        %dma_wait3A_100 = tpu.memref_slice %arg8[%add3A_72, %dma_wait3A_99] : memref<10112x128xf32, #tpu.memory_space<hbm>> -> memref<128x128xf32, #tpu.memory_space<hbm>>
        tpu.wait_dma2 semaphore(%run_scoped3A : memref<!tpu.dma_semaphore, #tpu.memory_space<semaphore_mem>>) src(%arg11 : memref<128x128xf32, #tpu.memory_space<vmem>>) dst(%dma_wait3A_100 : memref<128x128xf32, #tpu.memory_space<hbm>>)
        tpu.yield
      }) : () -> ()
    } else {
    }
    %add3A_83 = arith.constant 512 : i32
    %add3A_84 = arith.addi %mul3A_0, %add3A_83 : i32
    "tpu.region"() ({
      %run_scoped3A = tpu.sem_alloc : memref<!tpu.dma_semaphore, #tpu.memory_space<semaphore_mem>>
      %dma_start3A = arith.constant 0 : i32
      %dma_start3A_95 = arith.constant 0 : i32
      %dma_start3A_96 = tpu.memref_slice %arg11[%dma_start3A, %dma_start3A_95] : memref<128x128xf32, #tpu.memory_space<vmem>> -> memref<120x128xf32, #tpu.memory_space<vmem>>
      %dma_start3A_97 = arith.constant 0 : i32
      %dma_start3A_98 = tpu.memref_slice %arg12[%add3A_84, %dma_start3A_97] : memref<10112x128xf32, #tpu.memory_space<vmem_shared>> -> memref<120x128xf32, #tpu.memory_space<vmem_shared>>
      %dma_start3A_99 = arith.constant 0 : i32
      %dma_start3A_100 = arith.constant 0 : i32
      %dma_start3A_101 = tpu.memref_slice %arg11[%dma_start3A_99, %dma_start3A_100] : memref<128x128xf32, #tpu.memory_space<vmem>> -> memref<120x128xf32, #tpu.memory_space<vmem>>
      %dma_start3A_102 = arith.constant 0 : i32
      %dma_start3A_103 = tpu.memref_slice %arg12[%add3A_84, %dma_start3A_102] : memref<10112x128xf32, #tpu.memory_space<vmem_shared>> -> memref<120x128xf32, #tpu.memory_space<vmem_shared>>
      tpu.enqueue_dma source(%dma_start3A_103 : memref<120x128xf32, #tpu.memory_space<vmem_shared>>) target(%dma_start3A_101 : memref<120x128xf32, #tpu.memory_space<vmem>>) target_semaphore(%run_scoped3A : memref<!tpu.dma_semaphore, #tpu.memory_space<semaphore_mem>>)
      %dma_wait3A = arith.constant 0 : i32
      %dma_wait3A_104 = arith.constant 0 : i32
      %dma_wait3A_105 = tpu.memref_slice %arg11[%dma_wait3A, %dma_wait3A_104] : memref<128x128xf32, #tpu.memory_space<vmem>> -> memref<120x128xf32, #tpu.memory_space<vmem>>
      %dma_wait3A_106 = arith.constant 0 : i32
      %dma_wait3A_107 = tpu.memref_slice %arg12[%add3A_84, %dma_wait3A_106] : memref<10112x128xf32, #tpu.memory_space<vmem_shared>> -> memref<120x128xf32, #tpu.memory_space<vmem_shared>>
      %dma_wait3A_108 = arith.constant 0 : i32
      %dma_wait3A_109 = arith.constant 0 : i32
      %dma_wait3A_110 = tpu.memref_slice %arg11[%dma_wait3A_108, %dma_wait3A_109] : memref<128x128xf32, #tpu.memory_space<vmem>> -> memref<120x128xf32, #tpu.memory_space<vmem>>
      %dma_wait3A_111 = arith.constant 0 : i32
      %dma_wait3A_112 = tpu.memref_slice %arg12[%add3A_84, %dma_wait3A_111] : memref<10112x128xf32, #tpu.memory_space<vmem_shared>> -> memref<120x128xf32, #tpu.memory_space<vmem_shared>>
      tpu.wait_dma2 semaphore(%run_scoped3A : memref<!tpu.dma_semaphore, #tpu.memory_space<semaphore_mem>>) src(%dma_wait3A_112 : memref<120x128xf32, #tpu.memory_space<vmem_shared>>) dst(%dma_wait3A_110 : memref<120x128xf32, #tpu.memory_space<vmem>>)
      tpu.yield
    }) : () -> ()
    %eq3A_85 = arith.constant 0 : i32
    %eq3A_86 = arith.cmpi eq, %arg0, %eq3A_85 : i32
    %convert_element_type3A_87 = arith.extui %eq3A_86 : i1 to i32
    %cond3A_88 = arith.constant 0 : i32
    %cond3A_89 = arith.cmpi ne, %convert_element_type3A_87, %cond3A_88 : i32
    scf.if %cond3A_89 {
      "tpu.region"() ({
        %run_scoped3A = tpu.sem_alloc : memref<!tpu.dma_semaphore, #tpu.memory_space<semaphore_mem>>
        %dma_start3A = arith.constant 0 : i32
        %dma_start3A_95 = arith.constant 0 : i32
        %dma_start3A_96 = tpu.memref_slice %arg11[%dma_start3A, %dma_start3A_95] : memref<128x128xf32, #tpu.memory_space<vmem>> -> memref<120x128xf32, #tpu.memory_space<vmem>>
        %dma_start3A_97 = arith.constant 0 : i32
        %dma_start3A_98 = tpu.memref_slice %arg7[%add3A_84, %dma_start3A_97] : memref<10112x128xf32, #tpu.memory_space<hbm>> -> memref<120x128xf32, #tpu.memory_space<hbm>>
        %dma_start3A_99 = arith.constant 0 : i32
        %dma_start3A_100 = tpu.memref_slice %arg7[%add3A_84, %dma_start3A_99] : memref<10112x128xf32, #tpu.memory_space<hbm>> -> memref<120x128xf32, #tpu.memory_space<hbm>>
        %dma_start3A_101 = arith.constant 0 : i32
        %dma_start3A_102 = arith.constant 0 : i32
        %dma_start3A_103 = tpu.memref_slice %arg11[%dma_start3A_101, %dma_start3A_102] : memref<128x128xf32, #tpu.memory_space<vmem>> -> memref<120x128xf32, #tpu.memory_space<vmem>>
        tpu.enqueue_dma source(%dma_start3A_103 : memref<120x128xf32, #tpu.memory_space<vmem>>) target(%dma_start3A_100 : memref<120x128xf32, #tpu.memory_space<hbm>>) target_semaphore(%run_scoped3A : memref<!tpu.dma_semaphore, #tpu.memory_space<semaphore_mem>>)
        %dma_wait3A = arith.constant 0 : i32
        %dma_wait3A_104 = arith.constant 0 : i32
        %dma_wait3A_105 = tpu.memref_slice %arg11[%dma_wait3A, %dma_wait3A_104] : memref<128x128xf32, #tpu.memory_space<vmem>> -> memref<120x128xf32, #tpu.memory_space<vmem>>
        %dma_wait3A_106 = arith.constant 0 : i32
        %dma_wait3A_107 = tpu.memref_slice %arg7[%add3A_84, %dma_wait3A_106] : memref<10112x128xf32, #tpu.memory_space<hbm>> -> memref<120x128xf32, #tpu.memory_space<hbm>>
        %dma_wait3A_108 = arith.constant 0 : i32
        %dma_wait3A_109 = tpu.memref_slice %arg7[%add3A_84, %dma_wait3A_108] : memref<10112x128xf32, #tpu.memory_space<hbm>> -> memref<120x128xf32, #tpu.memory_space<hbm>>
        %dma_wait3A_110 = arith.constant 0 : i32
        %dma_wait3A_111 = arith.constant 0 : i32
        %dma_wait3A_112 = tpu.memref_slice %arg11[%dma_wait3A_110, %dma_wait3A_111] : memref<128x128xf32, #tpu.memory_space<vmem>> -> memref<120x128xf32, #tpu.memory_space<vmem>>
        tpu.wait_dma2 semaphore(%run_scoped3A : memref<!tpu.dma_semaphore, #tpu.memory_space<semaphore_mem>>) src(%dma_wait3A_112 : memref<120x128xf32, #tpu.memory_space<vmem>>) dst(%dma_wait3A_109 : memref<120x128xf32, #tpu.memory_space<hbm>>)
        tpu.yield
      }) : () -> ()
    } else {
    }
    %eq3A_90 = arith.constant 1 : i32
    %eq3A_91 = arith.cmpi eq, %arg0, %eq3A_90 : i32
    %convert_element_type3A_92 = arith.extui %eq3A_91 : i1 to i32
    %cond3A_93 = arith.constant 0 : i32
    %cond3A_94 = arith.cmpi ne, %convert_element_type3A_92, %cond3A_93 : i32
    scf.if %cond3A_94 {
      "tpu.region"() ({
        %run_scoped3A = tpu.sem_alloc : memref<!tpu.dma_semaphore, #tpu.memory_space<semaphore_mem>>
        %dma_start3A = arith.constant 0 : i32
        %dma_start3A_95 = arith.constant 0 : i32
        %dma_start3A_96 = tpu.memref_slice %arg11[%dma_start3A, %dma_start3A_95] : memref<128x128xf32, #tpu.memory_space<vmem>> -> memref<120x128xf32, #tpu.memory_space<vmem>>
        %dma_start3A_97 = arith.constant 0 : i32
        %dma_start3A_98 = tpu.memref_slice %arg8[%add3A_84, %dma_start3A_97] : memref<10112x128xf32, #tpu.memory_space<hbm>> -> memref<120x128xf32, #tpu.memory_space<hbm>>
        %dma_start3A_99 = arith.constant 0 : i32
        %dma_start3A_100 = tpu.memref_slice %arg8[%add3A_84, %dma_start3A_99] : memref<10112x128xf32, #tpu.memory_space<hbm>> -> memref<120x128xf32, #tpu.memory_space<hbm>>
        %dma_start3A_101 = arith.constant 0 : i32
        %dma_start3A_102 = arith.constant 0 : i32
        %dma_start3A_103 = tpu.memref_slice %arg11[%dma_start3A_101, %dma_start3A_102] : memref<128x128xf32, #tpu.memory_space<vmem>> -> memref<120x128xf32, #tpu.memory_space<vmem>>
        tpu.enqueue_dma source(%dma_start3A_103 : memref<120x128xf32, #tpu.memory_space<vmem>>) target(%dma_start3A_100 : memref<120x128xf32, #tpu.memory_space<hbm>>) target_semaphore(%run_scoped3A : memref<!tpu.dma_semaphore, #tpu.memory_space<semaphore_mem>>)
        %dma_wait3A = arith.constant 0 : i32
        %dma_wait3A_104 = arith.constant 0 : i32
        %dma_wait3A_105 = tpu.memref_slice %arg11[%dma_wait3A, %dma_wait3A_104] : memref<128x128xf32, #tpu.memory_space<vmem>> -> memref<120x128xf32, #tpu.memory_space<vmem>>
        %dma_wait3A_106 = arith.constant 0 : i32
        %dma_wait3A_107 = tpu.memref_slice %arg8[%add3A_84, %dma_wait3A_106] : memref<10112x128xf32, #tpu.memory_space<hbm>> -> memref<120x128xf32, #tpu.memory_space<hbm>>
        %dma_wait3A_108 = arith.constant 0 : i32
        %dma_wait3A_109 = tpu.memref_slice %arg8[%add3A_84, %dma_wait3A_108] : memref<10112x128xf32, #tpu.memory_space<hbm>> -> memref<120x128xf32, #tpu.memory_space<hbm>>
        %dma_wait3A_110 = arith.constant 0 : i32
        %dma_wait3A_111 = arith.constant 0 : i32
        %dma_wait3A_112 = tpu.memref_slice %arg11[%dma_wait3A_110, %dma_wait3A_111] : memref<128x128xf32, #tpu.memory_space<vmem>> -> memref<120x128xf32, #tpu.memory_space<vmem>>
        tpu.wait_dma2 semaphore(%run_scoped3A : memref<!tpu.dma_semaphore, #tpu.memory_space<semaphore_mem>>) src(%dma_wait3A_112 : memref<120x128xf32, #tpu.memory_space<vmem>>) dst(%dma_wait3A_109 : memref<120x128xf32, #tpu.memory_space<hbm>>)
        tpu.yield
      }) : () -> ()
    } else {
    }
    return
  }
}

module attributes {stable_mosaic.version = 14 : i64} {
  func.func @_combine_body(%arg0: i32, %arg1: memref<632x128xf32, #tpu.memory_space<vmem>>, %arg2: memref<632x128xf32, #tpu.memory_space<vmem>>, %arg3: memref<632x128xf32, #tpu.memory_space<vmem>>) attributes {dimension_semantics = [#tpu.dimension_semantics<arbitrary>], iteration_bounds = array<i64: 16>, scalar_prefetch = 0 : i64, scratch_operands = 0 : i64, tpu.core_type = #tpu.core_type<tc>, window_params = [{transform_indices = @transform_0, window_bounds = array<i64: 632, 128>}, {transform_indices = @transform_1, window_bounds = array<i64: 632, 128>}, {transform_indices = @transform_2, window_bounds = array<i64: 632, 128>}]} {
    %get3A = arith.constant 0 : index
    %get3A_0 = arith.constant 0 : index
    %get3A_1 = vector.load %arg1[%get3A, %get3A_0] : memref<632x128xf32, #tpu.memory_space<vmem>>, vector<632x128xf32>
    %get3A_2 = arith.constant 0 : index
    %get3A_3 = arith.constant 0 : index
    %get3A_4 = vector.load %arg2[%get3A_2, %get3A_3] : memref<632x128xf32, #tpu.memory_space<vmem>>, vector<632x128xf32>
    %add3A = arith.addf %get3A_1, %get3A_4 : vector<632x128xf32>
    %swap3A = arith.constant 0 : index
    %swap3A_5 = arith.constant 0 : index
    %swap3A_6 = vector.load %arg3[%swap3A, %swap3A_5] : memref<632x128xf32, #tpu.memory_space<vmem>>, vector<632x128xf32>
    tpu.vector_store %arg3[%swap3A, %swap3A_5], %add3A {strides = array<i32>} : memref<632x128xf32, #tpu.memory_space<vmem>>, vector<632x128xf32>,
    return
  }
  func.func @transform_0(%arg0: i32) -> (i32, i32) {
    %c0_i32 = arith.constant 0 : i32
    %c0_i32_0 = arith.constant 0 : i32
    return %arg0, %c0_i32 : i32, i32
  }
  func.func @transform_1(%arg0: i32) -> (i32, i32) {
    %c0_i32 = arith.constant 0 : i32
    %c0_i32_0 = arith.constant 0 : i32
    return %arg0, %c0_i32 : i32, i32
  }
  func.func @transform_2(%arg0: i32) -> (i32, i32) {
    %c0_i32 = arith.constant 0 : i32
    %c0_i32_0 = arith.constant 0 : i32
    return %arg0, %c0_i32 : i32, i32
  }
}

module attributes {stable_mosaic.version = 14 : i64} {
  func.func @_mlp_body(%arg0: i32, %arg1: memref<1000x16xf32, #tpu.memory_space<vmem>>, %arg2: memref<16x32xf32, #tpu.memory_space<vmem>>, %arg3: memref<1x32xf32, #tpu.memory_space<vmem>>, %arg4: memref<32x32xf32, #tpu.memory_space<vmem>>, %arg5: memref<1x32xf32, #tpu.memory_space<vmem>>, %arg6: memref<32x6xf32, #tpu.memory_space<vmem>>, %arg7: memref<1x6xf32, #tpu.memory_space<vmem>>, %arg8: memref<1000x6xf32, #tpu.memory_space<vmem>>) attributes {dimension_semantics = [#tpu.dimension_semantics<arbitrary>], iteration_bounds = array<i64: 10>, scalar_prefetch = 0 : i64, scratch_operands = 0 : i64, tpu.core_type = #tpu.core_type<tc>, window_params = [{transform_indices = @transform_0, window_bounds = array<i64: 1000, 16>}, {pipeline_mode = #tpu.pipeline_mode<synchronous>, transform_indices = @transform_1, window_bounds = array<i64: 16, 32>}, {pipeline_mode = #tpu.pipeline_mode<synchronous>, transform_indices = @transform_2, window_bounds = array<i64: 1, 32>}, {pipeline_mode = #tpu.pipeline_mode<synchronous>, transform_indices = @transform_3, window_bounds = array<i64: 32, 32>}, {pipeline_mode = #tpu.pipeline_mode<synchronous>, transform_indices = @transform_4, window_bounds = array<i64: 1, 32>}, {pipeline_mode = #tpu.pipeline_mode<synchronous>, transform_indices = @transform_5, window_bounds = array<i64: 32, 6>}, {pipeline_mode = #tpu.pipeline_mode<synchronous>, transform_indices = @transform_6, window_bounds = array<i64: 1, 6>}, {transform_indices = @transform_7, window_bounds = array<i64: 1000, 6>}]} {
    %get3A = arith.constant 0 : index
    %get3A_0 = arith.constant 0 : index
    %get3A_1 = vector.load %arg1[%get3A, %get3A_0] : memref<1000x16xf32, #tpu.memory_space<vmem>>, vector<1000x16xf32>
    %get3A_2 = arith.constant 0 : index
    %get3A_3 = arith.constant 0 : index
    %get3A_4 = vector.load %arg2[%get3A_2, %get3A_3] : memref<16x32xf32, #tpu.memory_space<vmem>>, vector<16x32xf32>
    %dot_general3A = arith.constant dense<0.000000e+00> : vector<1000x32xf32>
    %dot_general3A_5 = tpu.matmul %get3A_1, %get3A_4, %dot_general3A {dimension_numbers = #tpu.dot_dimension_numbers<[1], [0], [0], [1], [0, 0, 1, 1], [], []>, transpose_lhs_hint = false} : vector<1000x16xf32>, vector<16x32xf32>, vector<1000x32xf32> -> vector<1000x32xf32>
    %get3A_6 = arith.constant 0 : index
    %get3A_7 = arith.constant 0 : index
    %get3A_8 = vector.load %arg3[%get3A_6, %get3A_7] : memref<1x32xf32, #tpu.memory_space<vmem>>, vector<1x32xf32>
    %add3A = vector.broadcast %get3A_8 : vector<1x32xf32> to vector<1000x32xf32>
    %add3A_9 = arith.addf %dot_general3A_5, %add3A : vector<1000x32xf32>
    %max3A = arith.constant 0.000000e+00 : f32
    %max3A_10 = vector.broadcast %max3A : f32 to vector<1000x32xf32>
    %max3A_11 = arith.maximumf %add3A_9, %max3A_10 : vector<1000x32xf32>
    %get3A_12 = arith.constant 0 : index
    %get3A_13 = arith.constant 0 : index
    %get3A_14 = vector.load %arg4[%get3A_12, %get3A_13] : memref<32x32xf32, #tpu.memory_space<vmem>>, vector<32x32xf32>
    %dot_general3A_15 = arith.constant dense<0.000000e+00> : vector<1000x32xf32>
    %dot_general3A_16 = tpu.matmul %max3A_11, %get3A_14, %dot_general3A_15 {dimension_numbers = #tpu.dot_dimension_numbers<[1], [0], [0], [1], [0, 0, 1, 1], [], []>, transpose_lhs_hint = false} : vector<1000x32xf32>, vector<32x32xf32>, vector<1000x32xf32> -> vector<1000x32xf32>
    %get3A_17 = arith.constant 0 : index
    %get3A_18 = arith.constant 0 : index
    %get3A_19 = vector.load %arg5[%get3A_17, %get3A_18] : memref<1x32xf32, #tpu.memory_space<vmem>>, vector<1x32xf32>
    %add3A_20 = vector.broadcast %get3A_19 : vector<1x32xf32> to vector<1000x32xf32>
    %add3A_21 = arith.addf %dot_general3A_16, %add3A_20 : vector<1000x32xf32>
    %max3A_22 = arith.constant 0.000000e+00 : f32
    %max3A_23 = vector.broadcast %max3A_22 : f32 to vector<1000x32xf32>
    %max3A_24 = arith.maximumf %add3A_21, %max3A_23 : vector<1000x32xf32>
    %get3A_25 = arith.constant 0 : index
    %get3A_26 = arith.constant 0 : index
    %get3A_27 = vector.load %arg6[%get3A_25, %get3A_26] : memref<32x6xf32, #tpu.memory_space<vmem>>, vector<32x6xf32>
    %dot_general3A_28 = arith.constant dense<0.000000e+00> : vector<1000x6xf32>
    %dot_general3A_29 = tpu.matmul %max3A_24, %get3A_27, %dot_general3A_28 {dimension_numbers = #tpu.dot_dimension_numbers<[1], [0], [0], [1], [0, 0, 1, 1], [], []>, transpose_lhs_hint = false} : vector<1000x32xf32>, vector<32x6xf32>, vector<1000x6xf32> -> vector<1000x6xf32>
    %get3A_30 = arith.constant 0 : index
    %get3A_31 = arith.constant 0 : index
    %get3A_32 = vector.load %arg7[%get3A_30, %get3A_31] : memref<1x6xf32, #tpu.memory_space<vmem>>, vector<1x6xf32>
    %add3A_33 = vector.broadcast %get3A_32 : vector<1x6xf32> to vector<1000x6xf32>
    %add3A_34 = arith.addf %dot_general3A_29, %add3A_33 : vector<1000x6xf32>
    %reduce_max3A = arith.constant dense<0xFF800000> : vector<1000xf32>
    %reduce_max3A_35 = vector.multi_reduction <maximumf>, %add3A_34, %reduce_max3A [1] : vector<1000x6xf32> to vector<1000xf32>
    %broadcast_in_dim3A = vector.shape_cast %reduce_max3A_35 : vector<1000xf32> to vector<1000x1xf32>
    %sub3A = vector.broadcast %broadcast_in_dim3A : vector<1000x1xf32> to vector<1000x6xf32>
    %sub3A_36 = arith.subf %add3A_34, %sub3A : vector<1000x6xf32>
    %exp3A = math.exp %sub3A_36 : vector<1000x6xf32>
    %reduce_sum3A = arith.constant dense<0.000000e+00> : vector<1000xf32>
    %reduce_sum3A_37 = vector.multi_reduction <add>, %exp3A, %reduce_sum3A [1] : vector<1000x6xf32> to vector<1000xf32>
    %broadcast_in_dim3A_38 = vector.shape_cast %reduce_sum3A_37 : vector<1000xf32> to vector<1000x1xf32>
    %div3A = vector.broadcast %broadcast_in_dim3A_38 : vector<1000x1xf32> to vector<1000x6xf32>
    %div3A_39 = arith.divf %exp3A, %div3A : vector<1000x6xf32>
    %swap3A = arith.constant 0 : index
    %swap3A_40 = arith.constant 0 : index
    %swap3A_41 = vector.load %arg8[%swap3A, %swap3A_40] : memref<1000x6xf32, #tpu.memory_space<vmem>>, vector<1000x6xf32>
    tpu.vector_store %arg8[%swap3A, %swap3A_40], %div3A_39 {strides = array<i32>} : memref<1000x6xf32, #tpu.memory_space<vmem>>, vector<1000x6xf32>,
    return
  }
  func.func @transform_0(%arg0: i32) -> (i32, i32) {
    %c0_i32 = arith.constant 0 : i32
    %c0_i32_0 = arith.constant 0 : i32
    return %arg0, %c0_i32 : i32, i32
  }
  func.func @transform_1(%arg0: i32) -> (i32, i32) {
    %c0_i32 = arith.constant 0 : i32
    %c0_i32_0 = arith.constant 0 : i32
    %c0_i32_1 = arith.constant 0 : i32
    return %c0_i32, %c0_i32_0 : i32, i32
  }
  func.func @transform_2(%arg0: i32) -> (i32, i32) {
    %c0_i32 = arith.constant 0 : i32
    %c0_i32_0 = arith.constant 0 : i32
    %c0_i32_1 = arith.constant 0 : i32
    return %c0_i32, %c0_i32_0 : i32, i32
  }
  func.func @transform_3(%arg0: i32) -> (i32, i32) {
    %c0_i32 = arith.constant 0 : i32
    %c0_i32_0 = arith.constant 0 : i32
    %c0_i32_1 = arith.constant 0 : i32
    return %c0_i32, %c0_i32_0 : i32, i32
  }
  func.func @transform_4(%arg0: i32) -> (i32, i32) {
    %c0_i32 = arith.constant 0 : i32
    %c0_i32_0 = arith.constant 0 : i32
    %c0_i32_1 = arith.constant 0 : i32
    return %c0_i32, %c0_i32_0 : i32, i32
  }
  func.func @transform_5(%arg0: i32) -> (i32, i32) {
    %c0_i32 = arith.constant 0 : i32
    %c0_i32_0 = arith.constant 0 : i32
    %c0_i32_1 = arith.constant 0 : i32
    return %c0_i32, %c0_i32_0 : i32, i32
  }
  func.func @transform_6(%arg0: i32) -> (i32, i32) {
    %c0_i32 = arith.constant 0 : i32
    %c0_i32_0 = arith.constant 0 : i32
    %c0_i32_1 = arith.constant 0 : i32
    return %c0_i32, %c0_i32_0 : i32, i32
  }
  func.func @transform_7(%arg0: i32) -> (i32, i32) {
    %c0_i32 = arith.constant 0 : i32
    %c0_i32_0 = arith.constant 0 : i32
    return %arg0, %c0_i32 : i32, i32
  }
}

module attributes {stable_mosaic.version = 14 : i64} {
  func.func @_finalize_body(%arg0: i32, %arg1: memref<1000x6xf32, #tpu.memory_space<vmem>>, %arg2: memref<1000x128xf32, #tpu.memory_space<vmem>>, %arg3: memref<1000x128xf32, #tpu.memory_space<vmem>>, %arg4: memref<1000x128xf32, #tpu.memory_space<vmem>>, %arg5: memref<1000x128xf32, #tpu.memory_space<vmem>>, %arg6: memref<1000x128xf32, #tpu.memory_space<vmem>>, %arg7: memref<1000x128xf32, #tpu.memory_space<vmem>>, %arg8: memref<1000x128xf32, #tpu.memory_space<vmem>>, %arg9: memref<1000x128xf32, #tpu.memory_space<vmem>>, %arg10: memref<1x128xf32, #tpu.memory_space<vmem>>, %arg11: memref<1x128xf32, #tpu.memory_space<vmem>>, %arg12: memref<1000x1xf32, #tpu.memory_space<vmem>>, %arg13: memref<1000x128xf32, #tpu.memory_space<vmem>>) attributes {dimension_semantics = [#tpu.dimension_semantics<arbitrary>], iteration_bounds = array<i64: 10>, scalar_prefetch = 0 : i64, scratch_operands = 0 : i64, tpu.core_type = #tpu.core_type<tc>, window_params = [{transform_indices = @transform_0, window_bounds = array<i64: 1000, 6>}, {transform_indices = @transform_1, window_bounds = array<i64: 1000, 128>}, {transform_indices = @transform_2, window_bounds = array<i64: 1000, 128>}, {transform_indices = @transform_3, window_bounds = array<i64: 1000, 128>}, {transform_indices = @transform_4, window_bounds = array<i64: 1000, 128>}, {transform_indices = @transform_5, window_bounds = array<i64: 1000, 128>}, {transform_indices = @transform_6, window_bounds = array<i64: 1000, 128>}, {transform_indices = @transform_7, window_bounds = array<i64: 1000, 128>}, {transform_indices = @transform_8, window_bounds = array<i64: 1000, 128>}, {pipeline_mode = #tpu.pipeline_mode<synchronous>, transform_indices = @transform_9, window_bounds = array<i64: 1, 128>}, {pipeline_mode = #tpu.pipeline_mode<synchronous>, transform_indices = @transform_10, window_bounds = array<i64: 1, 128>}, {transform_indices = @transform_11, window_bounds = array<i64: 1000, 1>}, {transform_indices = @transform_12, window_bounds = array<i64: 1000, 128>}]} {
    %get3A = arith.constant 0 : index
    %get3A_0 = arith.constant 0 : index
    %get3A_1 = vector.load %arg1[%get3A, %get3A_0] : memref<1000x6xf32, #tpu.memory_space<vmem>>, vector<1000x6xf32>
    %slice3A = vector.extract_strided_slice %get3A_1 {offsets = [0, 0], sizes = [1000, 1], strides = [1, 1]} : vector<1000x6xf32> to vector<1000x1xf32>
    %get3A_2 = arith.constant 0 : index
    %get3A_3 = arith.constant 0 : index
    %get3A_4 = vector.load %arg2[%get3A_2, %get3A_3] : memref<1000x128xf32, #tpu.memory_space<vmem>>, vector<1000x128xf32>
    %mul3A = vector.broadcast %slice3A : vector<1000x1xf32> to vector<1000x128xf32>
    %mul3A_5 = arith.mulf %mul3A, %get3A_4 : vector<1000x128xf32>
    %slice3A_6 = vector.extract_strided_slice %get3A_1 {offsets = [0, 1], sizes = [1000, 1], strides = [1, 1]} : vector<1000x6xf32> to vector<1000x1xf32>
    %get3A_7 = arith.constant 0 : index
    %get3A_8 = arith.constant 0 : index
    %get3A_9 = vector.load %arg3[%get3A_7, %get3A_8] : memref<1000x128xf32, #tpu.memory_space<vmem>>, vector<1000x128xf32>
    %mul3A_10 = vector.broadcast %slice3A_6 : vector<1000x1xf32> to vector<1000x128xf32>
    %mul3A_11 = arith.mulf %mul3A_10, %get3A_9 : vector<1000x128xf32>
    %add3A = arith.addf %mul3A_5, %mul3A_11 : vector<1000x128xf32>
    %slice3A_12 = vector.extract_strided_slice %get3A_1 {offsets = [0, 2], sizes = [1000, 1], strides = [1, 1]} : vector<1000x6xf32> to vector<1000x1xf32>
    %get3A_13 = arith.constant 0 : index
    %get3A_14 = arith.constant 0 : index
    %get3A_15 = vector.load %arg4[%get3A_13, %get3A_14] : memref<1000x128xf32, #tpu.memory_space<vmem>>, vector<1000x128xf32>
    %mul3A_16 = vector.broadcast %slice3A_12 : vector<1000x1xf32> to vector<1000x128xf32>
    %mul3A_17 = arith.mulf %mul3A_16, %get3A_15 : vector<1000x128xf32>
    %add3A_18 = arith.addf %add3A, %mul3A_17 : vector<1000x128xf32>
    %slice3A_19 = vector.extract_strided_slice %get3A_1 {offsets = [0, 3], sizes = [1000, 1], strides = [1, 1]} : vector<1000x6xf32> to vector<1000x1xf32>
    %get3A_20 = arith.constant 0 : index
    %get3A_21 = arith.constant 0 : index
    %get3A_22 = vector.load %arg5[%get3A_20, %get3A_21] : memref<1000x128xf32, #tpu.memory_space<vmem>>, vector<1000x128xf32>
    %mul3A_23 = vector.broadcast %slice3A_19 : vector<1000x1xf32> to vector<1000x128xf32>
    %mul3A_24 = arith.mulf %mul3A_23, %get3A_22 : vector<1000x128xf32>
    %add3A_25 = arith.addf %add3A_18, %mul3A_24 : vector<1000x128xf32>
    %slice3A_26 = vector.extract_strided_slice %get3A_1 {offsets = [0, 4], sizes = [1000, 1], strides = [1, 1]} : vector<1000x6xf32> to vector<1000x1xf32>
    %get3A_27 = arith.constant 0 : index
    %get3A_28 = arith.constant 0 : index
    %get3A_29 = vector.load %arg6[%get3A_27, %get3A_28] : memref<1000x128xf32, #tpu.memory_space<vmem>>, vector<1000x128xf32>
    %mul3A_30 = vector.broadcast %slice3A_26 : vector<1000x1xf32> to vector<1000x128xf32>
    %mul3A_31 = arith.mulf %mul3A_30, %get3A_29 : vector<1000x128xf32>
    %add3A_32 = arith.addf %add3A_25, %mul3A_31 : vector<1000x128xf32>
    %slice3A_33 = vector.extract_strided_slice %get3A_1 {offsets = [0, 5], sizes = [1000, 1], strides = [1, 1]} : vector<1000x6xf32> to vector<1000x1xf32>
    %get3A_34 = arith.constant 0 : index
    %get3A_35 = arith.constant 0 : index
    %get3A_36 = vector.load %arg7[%get3A_34, %get3A_35] : memref<1000x128xf32, #tpu.memory_space<vmem>>, vector<1000x128xf32>
    %get3A_37 = arith.constant 0 : index
    %get3A_38 = arith.constant 0 : index
    %get3A_39 = vector.load %arg8[%get3A_37, %get3A_38] : memref<1000x128xf32, #tpu.memory_space<vmem>>, vector<1000x128xf32>
    %add3A_40 = arith.addf %get3A_36, %get3A_39 : vector<1000x128xf32>
    %mul3A_41 = vector.broadcast %slice3A_33 : vector<1000x1xf32> to vector<1000x128xf32>
    %mul3A_42 = arith.mulf %mul3A_41, %add3A_40 : vector<1000x128xf32>
    %add3A_43 = arith.addf %add3A_32, %mul3A_42 : vector<1000x128xf32>
    %mul3A_44 = arith.mulf %add3A_43, %add3A_43 : vector<1000x128xf32>
    %reduce_sum3A = arith.constant dense<0.000000e+00> : vector<1000xf32>
    %reduce_sum3A_45 = vector.multi_reduction <add>, %mul3A_44, %reduce_sum3A [1] : vector<1000x128xf32> to vector<1000xf32>
    %broadcast_in_dim3A = vector.shape_cast %reduce_sum3A_45 : vector<1000xf32> to vector<1000x1xf32>
    %div3A = arith.constant 1.280000e+02 : f32
    %div3A_46 = vector.broadcast %div3A : f32 to vector<1000x1xf32>
    %div3A_47 = arith.divf %broadcast_in_dim3A, %div3A_46 : vector<1000x1xf32>
    %add3A_48 = arith.constant 9.99999974E-6 : f32
    %add3A_49 = vector.broadcast %add3A_48 : f32 to vector<1000x1xf32>
    %add3A_50 = arith.addf %div3A_47, %add3A_49 : vector<1000x1xf32>
    %rsqrt3A = math.rsqrt %add3A_50 : vector<1000x1xf32>
    %get3A_51 = arith.constant 0 : index
    %get3A_52 = arith.constant 0 : index
    %get3A_53 = vector.load %arg12[%get3A_51, %get3A_52] : memref<1000x1xf32, #tpu.memory_space<vmem>>, vector<1000x1xf32>
    %get3A_54 = arith.constant 0 : index
    %get3A_55 = arith.constant 0 : index
    %get3A_56 = vector.load %arg9[%get3A_54, %get3A_55] : memref<1000x128xf32, #tpu.memory_space<vmem>>, vector<1000x128xf32>
    %mul3A_57 = vector.broadcast %rsqrt3A : vector<1000x1xf32> to vector<1000x128xf32>
    %mul3A_58 = arith.mulf %add3A_43, %mul3A_57 : vector<1000x128xf32>
    %get3A_59 = arith.constant 0 : index
    %get3A_60 = arith.constant 0 : index
    %get3A_61 = vector.load %arg10[%get3A_59, %get3A_60] : memref<1x128xf32, #tpu.memory_space<vmem>>, vector<1x128xf32>
    %mul3A_62 = vector.broadcast %get3A_61 : vector<1x128xf32> to vector<1000x128xf32>
    %mul3A_63 = arith.mulf %mul3A_58, %mul3A_62 : vector<1000x128xf32>
    %add3A_64 = arith.addf %get3A_56, %mul3A_63 : vector<1000x128xf32>
    %get3A_65 = arith.constant 0 : index
    %get3A_66 = arith.constant 0 : index
    %get3A_67 = vector.load %arg11[%get3A_65, %get3A_66] : memref<1x128xf32, #tpu.memory_space<vmem>>, vector<1x128xf32>
    %add3A_68 = vector.broadcast %get3A_67 : vector<1x128xf32> to vector<1000x128xf32>
    %add3A_69 = arith.addf %add3A_64, %add3A_68 : vector<1000x128xf32>
    %mul3A_70 = vector.broadcast %get3A_53 : vector<1000x1xf32> to vector<1000x128xf32>
    %mul3A_71 = arith.mulf %mul3A_70, %add3A_69 : vector<1000x128xf32>
    %swap3A = arith.constant 0 : index
    %swap3A_72 = arith.constant 0 : index
    %swap3A_73 = vector.load %arg13[%swap3A, %swap3A_72] : memref<1000x128xf32, #tpu.memory_space<vmem>>, vector<1000x128xf32>
    tpu.vector_store %arg13[%swap3A, %swap3A_72], %mul3A_71 {strides = array<i32>} : memref<1000x128xf32, #tpu.memory_space<vmem>>, vector<1000x128xf32>,
    return
  }
  func.func @transform_0(%arg0: i32) -> (i32, i32) {
    %c0_i32 = arith.constant 0 : i32
    %c0_i32_0 = arith.constant 0 : i32
    return %arg0, %c0_i32 : i32, i32
  }
  func.func @transform_1(%arg0: i32) -> (i32, i32) {
    %c0_i32 = arith.constant 0 : i32
    %c0_i32_0 = arith.constant 0 : i32
    return %arg0, %c0_i32 : i32, i32
  }
  func.func @transform_2(%arg0: i32) -> (i32, i32) {
    %c0_i32 = arith.constant 0 : i32
    %c0_i32_0 = arith.constant 0 : i32
    return %arg0, %c0_i32 : i32, i32
  }
  func.func @transform_3(%arg0: i32) -> (i32, i32) {
    %c0_i32 = arith.constant 0 : i32
    %c0_i32_0 = arith.constant 0 : i32
    return %arg0, %c0_i32 : i32, i32
  }
  func.func @transform_4(%arg0: i32) -> (i32, i32) {
    %c0_i32 = arith.constant 0 : i32
    %c0_i32_0 = arith.constant 0 : i32
    return %arg0, %c0_i32 : i32, i32
  }
  func.func @transform_5(%arg0: i32) -> (i32, i32) {
    %c0_i32 = arith.constant 0 : i32
    %c0_i32_0 = arith.constant 0 : i32
    return %arg0, %c0_i32 : i32, i32
  }
  func.func @transform_6(%arg0: i32) -> (i32, i32) {
    %c0_i32 = arith.constant 0 : i32
    %c0_i32_0 = arith.constant 0 : i32
    return %arg0, %c0_i32 : i32, i32
  }
  func.func @transform_7(%arg0: i32) -> (i32, i32) {
    %c0_i32 = arith.constant 0 : i32
    %c0_i32_0 = arith.constant 0 : i32
    return %arg0, %c0_i32 : i32, i32
  }
  func.func @transform_8(%arg0: i32) -> (i32, i32) {
    %c0_i32 = arith.constant 0 : i32
    %c0_i32_0 = arith.constant 0 : i32
    return %arg0, %c0_i32 : i32, i32
  }
  func.func @transform_9(%arg0: i32) -> (i32, i32) {
    %c0_i32 = arith.constant 0 : i32
    %c0_i32_0 = arith.constant 0 : i32
    %c0_i32_1 = arith.constant 0 : i32
    return %c0_i32, %c0_i32_0 : i32, i32
  }
  func.func @transform_10(%arg0: i32) -> (i32, i32) {
    %c0_i32 = arith.constant 0 : i32
    %c0_i32_0 = arith.constant 0 : i32
    %c0_i32_1 = arith.constant 0 : i32
    return %c0_i32, %c0_i32_0 : i32, i32
  }
  func.func @transform_11(%arg0: i32) -> (i32, i32) {
    %c0_i32 = arith.constant 0 : i32
    %c0_i32_0 = arith.constant 0 : i32
    return %arg0, %c0_i32 : i32, i32
  }
  func.func @transform_12(%arg0: i32) -> (i32, i32) {
    %c0_i32 = arith.constant 0 : i32
    %c0_i32_0 = arith.constant 0 : i32
    return %arg0, %c0_i32 : i32, i32
  }
}

</mosaic_0001>

<sc_bundles>
// kernel: kernel.13.cloned.1.call-start
scs
__scs_entry_jumppad:
0x0: {  	(pc) =	sbr.rel $0x88, $3  }
0x1: {  	(tag) =	ssettag $0x0;
	lr =	simm.s32 $0x1  }
0x2: {  	[smem:$0x3F94] =	sst lr;
	_ =	strace $0xD0000000  }
0x3: {  	_ = 	snop  }
0x4: {  	_ = 	snop  }
0x5: {  	_ = 	snop  }
0x6: {  	_ = 	snop  }
0x7: {  	_ = 	snop  }
__scs_overlays_trampoline_lowered:
0x8: {  	[smem:$0x3FA3] =	sst s0  }
0x9: {  	[smem:$0x3FA4] =	sst s1  }
0xa: {  	[smem:$0x3FA5] =	sst s2  }
0xb: {  	[smem:$0x3FA6] =	sst s3  }
0xc: {  	[smem:$0x3FA7] =	sst s4  }
0xd: {  	[smem:$0x3FA8] =	sst s5  }
0xe: {  	[smem:$0x3FA9] =	sst s6  }
0xf: {  	[smem:$0x3FAA] =	sst s7  }
0x10: {  	[smem:$0x3FAB] =	sst s8  }
0x11: {  	[smem:$0x3FAC] =	sst s9;
	s0 =	simm.s32 @!p0 $0x0  }
0x12: {  	s1 =	sld [smem:$0x3F92];
	s0 =	simm.s32 @p0 $0x1  }
0x13: {  	[smem:$0x3FAD] =	sst s0;
	s0 =	simm.s32 @!p1 $0x0  }
0x14: {  	s2 =	sld [smem:$0x3F91];
	s0 =	simm.s32 @p1 $0x1  }
0x15: {  	[smem:$0x3FAE] =	sst s0;
	s0 =	simm.s32 @!p2 $0x0  }
0x16: {  	s3 =	sld [smem:$0x3FDB];
	s0 =	simm.s32 @p2 $0x1  }
0x17: {  	s4 =	simm.s32 $0x1BF5;
	[smem:$0x3FB0] =	sst s0  }
0x18: {  	s0 =	sld [smem:$0x3F93];
	_ =	swait.ge [sflag:s4], $0x0  }
0x19: {  	s7 =	sld [smem:$0x3F94]  }
0x1a: {  	s8 =	sadd.s32 $0xFFFFE003, lr  }
0x1b: {  	s9 =	sadd.s32 $0xFFFFFEF7, lr;
	s5 =	simm.s32 $0xFFFFFFFF;
	p2 =	slt.u32 s8, $0xFFFFF086  }
0x1c: {  	p1 =	slt.u32 s9, $0xF7A;
	s5 =	simm.s32 @!p2 $0x0  }
0x1d: {  	s5 =	simm.s32 @p1 $0x1;
	p0 =	seq.s32 s7, s2  }
0x1e: {  	s7 =	smul.u32 @!p0 $0xF7A, s2;
	p2 =	seq.s32 @!p0 s5, $0x0  }
0x1f: {  	s9 =	smul.u32 $0xF7A, s1;
	s8 =	simm.s32 @!p0 $0x1BF5;
	p2 =	por !p2, p0  }
0x20: {  	[sflag:s8] =	ssyncset.s32 @!p0 $0xFFFFF086;
	s6 =	sadd.s32 @!p0 s3, s7;
	s7 =	simm.s32 @!p0 $0x108  }
0x21: {  	s3 =	sadd.s32 s3, s9;
	s6 =	sadd.s32 @!p0 $0x88, s6;
	s7 =	simm.s32 @p2 $0x1082  }
0x22: {  	[simem:s7], [sflag:s8] =	dma.local @!p0 [hbm:s6], $0xF7A  }
0x23: {  	s9 =	sor.u32 $0xD0000000, s2;
	s6 =	simm.s32 $0x108;
	_ =	swait.ge @!p0 [sflag:s8], $0x0  }
0x24: {  	s3 =	sadd.s32 $0x88, s3;
	s6 =	simm.s32 @!p1 $0x1082;
	[sflag:s4] =	ssyncset.s32 $0xFFFFF086  }
0x25: {  	[simem:s6], [sflag:s4] =	dma.local [hbm:s3], $0xF7A  }
0x26: {  	[smem:$0x3F94] =	sst s1;
	(tag) =	ssettag s2;
	_ =	strace s9  }
0x27: {  	s1 =	sld [smem:$0x3FA4]  }
0x28: {  	s2 =	sld [smem:$0x3FA5]  }
0x29: {  	s4 =	sld [smem:$0x3FA7]  }
0x2a: {  	p0 =	seq.s32 s5, $0x0;
	s5 =	sld [smem:$0x3FA8]  }
0x2b: {  	s6 =	sld [smem:$0x3FA9]  }
0x2c: {  	s7 =	sld [smem:$0x3FAA]  }
0x2d: {  	s3 =	simm.s32 $0x108;
	s8 =	sld [smem:$0x3FAB]  }
0x2e: {  	s3 =	simm.s32 @!p0 $0x1082;
	s9 =	sld [smem:$0x3FAC]  }
0x2f: {  	lr =	sadd.s32 s0, s3;
	s0 =	sld [smem:$0x3FA3]  }
0x30: {  	s3 =	sld [smem:$0x3FA6]  }
0x31: {  	[smem:$0x3FAF] =	sst s10  }
0x32: {  	s10 =	sld [smem:$0x3FAD];
	_ =	sdelay $0x3  }
0x33: {  	p0 =	seq.s32 s10, $0x1;
	s10 =	sld [smem:$0x3FAF];
	_ =	sdelay $0x3  }
0x34: {  	[smem:$0x3FAF] =	sst s10  }
0x35: {  	s10 =	sld [smem:$0x3FAE];
	_ =	sdelay $0x3  }
0x36: {  	p1 =	seq.s32 s10, $0x1;
	s10 =	sld [smem:$0x3FAF];
	_ =	sdelay $0x3  }
0x37: {  	[smem:$0x3FAF] =	sst s10  }
0x38: {  	s10 =	sld [smem:$0x3FB0]  }
0x39: {  	_ = 	snop;
	(pc) =	sbr.ind lr, $3  }
0x3a: {  	_ = 	snop  }
0x3b: {  	_ = 	snop  }
0x3c: {  	p2 =	seq.s32 s10, $0x1;
	s10 =	sld [smem:$0x3FAF]  }
0x3d: {  	_ =	shalt  }
0x3e: {  	_ =	shalt  }
0x3f: {  	_ =	shalt  }
0x40: {  	_ =	shalt  }
0x41: {  	_ =	shalt  }
0x42: {  	_ =	shalt  }
0x43: {  	_ =	shalt  }
0x44: {  	_ =	shalt  }
0x45: {  	_ =	shalt  }
0x46: {  	_ =	shalt  }
0x47: {  	_ =	shalt  }
0x48: {  	_ =	shalt  }
0x49: {  	_ =	shalt  }
0x4a: {  	_ =	shalt  }
0x4b: {  	_ =	shalt  }
0x4c: {  	_ =	shalt  }
0x4d: {  	_ =	shalt  }
0x4e: {  	_ =	shalt  }
0x4f: {  	_ =	shalt  }
0x50: {  	_ =	shalt  }
0x51: {  	_ =	shalt  }
0x52: {  	_ =	shalt  }
0x53: {  	_ =	shalt  }
0x54: {  	_ =	shalt  }
0x55: {  	_ =	shalt  }
0x56: {  	_ =	shalt  }
0x57: {  	_ =	shalt  }
0x58: {  	_ =	shalt  }
0x59: {  	_ =	shalt  }
0x5a: {  	_ =	shalt  }
0x5b: {  	_ =	shalt  }
0x5c: {  	_ =	shalt  }
0x5d: {  	_ =	shalt  }
0x5e: {  	_ =	shalt  }
0x5f: {  	_ =	shalt  }
0x60: {  	_ =	shalt  }
0x61: {  	_ =	shalt  }
0x62: {  	_ =	shalt  }
0x63: {  	_ =	shalt  }
0x64: {  	_ =	shalt  }
0x65: {  	_ =	shalt  }
0x66: {  	_ =	shalt  }
0x67: {  	_ =	shalt  }
0x68: {  	_ =	shalt  }
0x69: {  	_ =	shalt  }
0x6a: {  	_ =	shalt  }
0x6b: {  	_ =	shalt  }
0x6c: {  	_ =	shalt  }
0x6d: {  	_ =	shalt  }
0x6e: {  	_ =	shalt  }
0x6f: {  	_ =	shalt  }
0x70: {  	_ =	shalt  }
0x71: {  	_ =	shalt  }
0x72: {  	_ =	shalt  }
0x73: {  	_ =	shalt  }
0x74: {  	_ =	shalt  }
0x75: {  	_ =	shalt  }
0x76: {  	_ =	shalt  }
0x77: {  	_ =	shalt  }
0x78: {  	_ =	shalt  }
0x79: {  	_ =	shalt  }
0x7a: {  	_ =	shalt  }
0x7b: {  	_ =	shalt  }
0x7c: {  	_ =	shalt  }
0x7d: {  	_ =	shalt  }
0x7e: {  	_ =	shalt  }
0x7f: {  	_ =	shalt  }
0x80: {  	_ =	shalt  }
0x81: {  	_ =	shalt  }
0x82: {  	_ =	shalt  }
0x83: {  	_ =	shalt  }
0x84: {  	_ =	shalt  }
0x85: {  	_ =	shalt  }
0x86: {  	_ =	shalt  }
0x87: {  	_ =	shalt  }
.Lfunc_end0:
.L_simem_size_0:
called_computation_lowered:
.L_overlay_start_0:
0x88: {  	s2 =	sld [smem:$0x3FD9]  }
0x89: {  	s3 =	sld [smem:$0x3FFE];
	_ =	sdelay $0x1  }
0x8a: {  	s1 =	srdreg.scid  }
0x8b: {  	s0 =	sand.u32 $0x1, s1  }
0x8c: {  	s14 =	sshll.u32 s0, $0xA;
	s2 =	sadd.s32 s3, s2  }
0x8d: {  	s2 =	sadd.s32 s2, s14  }
0x8e: {  	[smem:$0x3FBB] =	sst s2  }
0x8f: {  	_ = 	snop  }
0x90: {  	s2 =	sld [smem:$0x3FD0];
	_ =	sdelay $0x2  }
0x91: {  	s15 =	simm.s32 $0xA;
	s4 =	simm.s32 $0x10  }
0x92: {  	[smem:s4], [sflag:s15] =	dma.local [hbm:s2], $0x1  }
0x93: {  	_ =	swait.eq [sflag:s15], $0x1  }
0x94: {  	[sflag:s15] =	ssyncset.done $0x0  }
0x95: {  	[sflag:s15] =	ssyncadd.s32 $0xFFFFFFFF  }
0x96: {  	s16 =	sld [smem:$0x10];
	(tm) =	ssettm $0x1  }
0x97: {  	s17 =	sld [smem:$0x3FFB];
	_ =	sdelay $0x3  }
0x98: {  	_ =	strace s17  }
0x99: {  	s3 =	sld [smem:$0x3FFC];
	_ =	sdelay $0x3  }
0x9a: {  	_ =	strace s3  }
0x9b: {  	s3 =	sld [smem:$0x3FFD];
	_ =	sdelay $0x3  }
0x9c: {  	_ =	strace s3  }
0x9d: {  	_ =	strace $0x8FFFFFFF  }
0x9e: {  	s18 =	sld [smem:$0x3FDB];
	_ =	sdelay $0x1  }
0x9f: {  	s19 =	simm.s32 $_scs_section_size  }
0xa0: {  	s5 =	simm.s32 $_size__tile_overlayer_lowered;
	s6 =	simm.s32 $_tile_overlayer_lowered  }
0xa1: {  	s22 =	simm.s32 $0x1BFF;
	s21 =	sshll.u32 s6, $0x1;
	s3 =	sadd.s32 s19, s18  }
0xa2: {  	s7 =	simm.s32 $0x0;
	s20 =	sshll.u32 s5, $0x1;
	s5 =	sadd.s32 s21, s3  }
0xa3: {  	[timem:s7], [sflag:s22] =	dma.local [hbm:s5], s20  }
0xa4: {  	_ =	swait.ge [sflag:s22], s20  }
0xa5: {  	s4 =	ssub.s32 $0x0, s20;
	[sflag:s22] =	ssyncset.done $0x0  }
0xa6: {  	[sflag:s22] =	ssyncadd.s32 s4;
	_ =	sdelay $0x1  }
0xa7: {  	s23 =	simm.s32 $0x1B8B  }
0xa8: {  	_ =	swait.ge [sflag:s23], $0x1  }
0xa9: {  	[sflag:s23] =	ssyncset.done $0x0  }
0xaa: {  	s25 =	simm.s32 $0x1B8E;
	s24 =	sld [smem:$0x3FFE];
	[sflag:s23] =	ssyncadd.s32 $0xFFFFFFFF  }
0xab: {  	s26 =	simm.s32 $execute0_lowered;
	[smem:$0x3FD2] =	sst s25  }
0xac: {  	s5 =	sshll.u32 s26, $0x1;
	_ =	strace $0x80000046;
	[dreg:$0x1] =	wrdreg $0xFFFFFFFF  }
0xad: {  	s28 =	simm.s32 $_size_execute0_lowered;
	s3 =	sadd.s32 s3, s5;
	[dreg:$0x0] =	wrdreg $0x0  }
0xae: {  	s5 =	sshll.u32 s28, $0x1;
	[dreg:$0x2] =	wrdreg s3  }
0xaf: {  	[dreg:$0x3] =	wrdreg s5  }
0xb0: {  	[dreg:$0x4] =	wrdreg $0xC0  }
0xb1: {  	_ =	task [dreg:s7], $0x5FFFF  }
0xb2: {  	[dreg:$0x1] =	wrdreg $0xFFFFFFFF  }
0xb3: {  	[dreg:$0x0] =	wrdreg $0x60  }
0xb4: {  	[dreg:$0x2] =	wrdreg s24  }
0xb5: {  	[dreg:$0x3] =	wrdreg s16  }
0xb6: {  	[dreg:$0x4] =	wrdreg $0xC0000  }
0xb7: {  	[dreg:$0x5] =	wrdreg $0x9  }
0xb8: {  	_ =	task.clear_ibuf [dreg:s7], $0x6FFFF;
	_ =	strace $0x90000046  }
0xb9: {  	s29 =	simm.s32 $0x9;
	_ =	strace $0x80000048  }
0xba: {  	_ =	swait.ge [sflag:s29], $0x1  }
0xbb: {  	[sflag:s29] =	ssyncadd.s32 $0xFFFFFFFF  }
0xbc: {  	_ =	strace $0x90000048  }
0xbd: {  	_ =	sfence  }
0xbe: {  	s30 =	sld [smem:$0x0];
	_ =	sdelay $0x2  }
0xbf: {  	s31 =	sshll.u32 s1, $0xD;
	s1 =	sshrl.u32 s1, $0x2  }
0xc0: {  	s3 =	sand.u32 $0x4000, s31;
	s1 =	sadd.s32 s1, s30  }
0xc1: {  	s0 =	sor.u32 s3, s0;
	s1 =	sshll.u32 s1, $0x11  }
0xc2: {  	s0 =	sor.u32 s1, s0  }
0xc3: {  	s0 =	sadd.s32 $0x8F2B, s0  }
0xc4: {  	[sflag:s0] =	ssyncadd.remote.s32 $0x1  }
0xc5: {  	_ =	sfence.sel $0xFFFF  }
0xc6: {  	[dreg:$0x0] =	wrdreg $0xFFFFFFFF;
	(pc) =	sbr.abs _section_cstart, $3  }
0xc7: {  	[dreg:$0x1] =	wrdreg $0xFFFFFFFF  }
0xc8: {  	_ =	task.clear_ibuf [dreg:s7], $0x2FFFF;
	_ =	strace $0x9FFFFFFF  }
0xc9: {  	(tm) =	ssettm $0x7FFFFFFF  }
tec
execute0_lowered:
.L_overlay_start_1:
0x0: {  	(tag) =	ssettag $0x1  }
0x1: {  	s14 =	rddreg [dreg:$0x0]  }
0x2: {  	s12 =	rddreg [dreg:$0x1]  }
0x3: {  	s2 =	rddreg [dreg:$0x2]  }
0x4: {  	s0 =	rddreg [dreg:$0x3];
	s1 =	stileid.u32  }
0x5: {  	s3 =	simm.s32 $0x0;
	s6 =	srdreg.scid;
	s5 =	smul.u32 $0x280, s1  }
0x6: {  	[smem:$0x7FF] =	sst s3;
	s7 =	smul.u32 $0x278, s1  }
0x7: {  	s4 =	sadd.s32 $0x12600, s14;
	s13 =	sshll.u32 s1, $0xB;
	s26 =	smul.u32 $0x4F000, s1  }
0x8: {  	s20 =	sand.u32 $0x1, s6;
	s22 =	smul.u32 $0x2780, s1;
	_ =	strace $0x80000047  }
0x9: {  	s15 =	sadd.s32 s13, s14;
	s28 =	ssub.s32 $0x2, s20;
	p0 =	seq.s32 s20, $0x0  }
0xa: {  	s12 =	sadd.s32 s12, s13;
	s11 =	sadd.s32 s5, s14;
	s16 =	sadd.s32 $0x80, s7  }
0xb: {  	s8 =	sshrl.u32 s28, $0x1;
	s6 =	sshrl.u32 s26, $0x2;
	s18 =	sadd.s32 $0x100, s7  }
0xc: {  	s19 =	sadd.s32 $0x180, s7;
	s21 =	sadd.s32 $0x200, s7;
	s13 =	sadd.s32 $0xA600, s15  }
0xd: {  	s15 =	simm.s32 $0x39E00;
	s9 =	sshll.u32 s16, $0x7;
	s17 =	ssub.s32 s28, s8  }
0xe: {  	s5 =	sadd.s32 s6, s2;
	s29 =	sshll.u32 s18, $0x7;
	s30 =	sshll.u32 s19, $0x7  }
0xf: {  	s31 =	sshll.u32 s21, $0x7;
	s10 =	sadd.s32 $0x5600, s11;
	s11 =	sadd.s32 $0x7E00, s11  }
0x10: {  	s16 =	sshll.u32 s16, $0x4;
	s15 =	simm.s32 @!p0 $0x61600;
	s18 =	sshll.u32 s18, $0x4  }
0x11: {  	s19 =	sshll.u32 s19, $0x4;
	s21 =	sshll.u32 s21, $0x4;
	p0 =	sne.s32 s20, $0x0  }
0x12: {  	s20 =	simm.s32 $0x8000;
	s6 =	sadd.s32 s9, s2;
	s7 =	sadd.s32 s29, s2  }
0x13: {  	s8 =	sadd.s32 s30, s2;
	s9 =	sadd.s32 s31, s2;
	s23 =	sadd.s32 s15, s14  }
0x14: {  	s14 =	smax.u32 s17, $0x1;
	s15 =	sadd.s32 s23, s22;
	s16 =	sadd.s32 s23, s16  }
0x15: {  	s17 =	sadd.s32 s23, s18;
	s18 =	sadd.s32 s23, s19;
	s19 =	sadd.s32 s23, s21  }
0x16: {  	v0 =	vimm.f32 $0.0e+00;
	s21 =	simm.s32 $0x1;
	s22 =	simm.s32 $0x80;
	s23 =	simm.s32 $0x0  }
.LBB2_1:
0x17: {  	s24 =	simm.s32 $0x0;
	s25 =	simm.s32 $0x200  }
.LBB2_2:
0x18: {  	p1 =	sne.s32 s25, $0xFE00;
	[tilespmem:s24+$0x8070] =	vst v0  }
0x19: {  	[tilespmem:s24+$0x8000] =	vst v0  }
0x1a: {  	[tilespmem:s24+$0x8010] =	vst v0  }
.Ltmp0:
0x1b: {  	[tilespmem:s24+$0x8020] =	vst v0;
	(pc) =	sbr.rel @p1 .LBB2_2-.Ltmp0, $4  }
0x1c: {  	[tilespmem:s24+$0x8030] =	vst v0  }
0x1d: {  	[tilespmem:s24+$0x8040] =	vst v0  }
0x1e: {  	[tilespmem:s24+$0x8050] =	vst v0  }
0x1f: {  	[tilespmem:s24+$0x8060] =	vst v0;
	s24 =	sshra.s32 s25, $0x2;
	s25 =	sadd.s32 $0x200, s25  }
0x20: {  	[tilespmem:s24+$0x8070] =	vst v0  }
0x21: {  	[tilespmem:s24+$0x8000] =	vst v0  }
0x22: {  	[tilespmem:s24+$0x8010] =	vst v0  }
0x23: {  	[tilespmem:s24+$0x8020] =	vst v0  }
0x24: {  	[tilespmem:s24+$0x8030] =	vst v0  }
0x25: {  	[tilespmem:s24+$0x8040] =	vst v0  }
0x26: {  	[tilespmem:s24+$0x8050] =	vst v0  }
0x27: {  	[tilespmem:s24+$0x8060] =	vst v0  }
0x28: {  	[spmem:s5] =	stream.linear.scatter [tilespmem:s20], [sflag:$0x1], $0x4000, $0x38;
	[tilespmem:$0x1FC00] =	vst v63  }
0x29: {  	_ =	swait.ge [sflag:s21], $0x4000  }
0x2a: {  	[sflag:s21] =	ssyncset.done $0x0  }
0x2b: {  	[sflag:s21] =	ssyncadd.s32 $0xFFFFC000  }
0x2c: {  	[spmem:s6] =	stream.linear.scatter [tilespmem:s20], [sflag:$0x1], $0x4000, $0x38;
	[tilespmem:$0x1FC00] =	vst v63  }
0x2d: {  	_ =	swait.ge [sflag:s21], $0x4000  }
0x2e: {  	[sflag:s21] =	ssyncset.done $0x0  }
0x2f: {  	[sflag:s21] =	ssyncadd.s32 $0xFFFFC000  }
0x30: {  	[spmem:s7] =	stream.linear.scatter [tilespmem:s20], [sflag:$0x1], $0x4000, $0x38;
	[tilespmem:$0x1FC00] =	vst v63  }
0x31: {  	_ =	swait.ge [sflag:s21], $0x4000  }
0x32: {  	[sflag:s21] =	ssyncset.done $0x0  }
0x33: {  	[sflag:s21] =	ssyncadd.s32 $0xFFFFC000  }
0x34: {  	[spmem:s8] =	stream.linear.scatter [tilespmem:s20], [sflag:$0x1], $0x4000, $0x38;
	[tilespmem:$0x1FC00] =	vst v63  }
0x35: {  	_ =	swait.ge [sflag:s21], $0x4000  }
0x36: {  	[sflag:s21] =	ssyncset.done $0x0  }
0x37: {  	[sflag:s21] =	ssyncadd.s32 $0xFFFFC000  }
0x38: {  	[spmem:s9] =	stream.linear.scatter [tilespmem:s20], [sflag:$0x1], $0x3C00, $0x38;
	[tilespmem:$0x1FC00] =	vst v63  }
0x39: {  	_ =	swait.ge [sflag:s21], $0x3C00  }
0x3a: {  	[sflag:s21] =	ssyncset.done $0x0  }
0x3b: {  	[sflag:s21] =	ssyncadd.s32 $0xFFFFC400  }
0x3c: {  	s24 =	simm.s32 @p0 $0x0;
	s25 =	simm.s32 @p0 $0x1;
	[bflag:$0x0] =	sbarrier.arrive $0xFFFF  }
0x3d: {  	[tilespmem:s24], [sflag:$0x1] =	stream.linear.gather @p0 [hbm4b:s10+s24], $0x1200, $0x38;
	[tilespmem:$0x1FC00] =	vst v63  }
0x3e: {  	_ =	swait.ge @p0 [sflag:s25], $0x1200  }
0x3f: {  	[sflag:s25] =	ssyncset.done @p0 $0x0  }
0x40: {  	s26 =	simm.s32 @p0 $0x4000;
	[sflag:s25] =	ssyncadd.s32 @p0 $0xFFFFEE00  }
0x41: {  	[tilespmem:s26], [sflag:$0x1] =	stream.linear.gather @p0 [hbm4b:s11+s24], $0x1200, $0x38;
	[tilespmem:$0x1FC00] =	vst v63  }
0x42: {  	_ =	swait.ge @p0 [sflag:s25], $0x1200  }
0x43: {  	[sflag:s25] =	ssyncset.done @p0 $0x0  }
0x44: {  	s24 =	simm.s32 @!p0 $0x0;
	[sflag:s25] =	ssyncadd.s32 @p0 $0xFFFFEE00;
	s25 =	simm.s32 @!p0 $0x1  }
0x45: {  	[tilespmem:s24], [sflag:$0x1] =	stream.linear.gather @!p0 [hbm4b:s12+s24], $0x3D00, $0x38;
	[tilespmem:$0x1FC00] =	vst v63  }
0x46: {  	_ =	swait.ge @!p0 [sflag:s25], $0x3D00  }
0x47: {  	[sflag:s25] =	ssyncset.done @!p0 $0x0  }
0x48: {  	s26 =	simm.s32 @!p0 $0x4000;
	[sflag:s25] =	ssyncadd.s32 @!p0 $0xFFFFC300  }
0x49: {  	[tilespmem:s26], [sflag:$0x1] =	stream.linear.gather @!p0 [hbm4b:s13+s24], $0x3D00, $0x38;
	[tilespmem:$0x1FC00] =	vst v63  }
0x4a: {  	_ =	swait.ge @!p0 [sflag:s25], $0x3D00  }
0x4b: {  	s26 =	simm.s32 @!p0 $0x7A;
	[sflag:s25] =	ssyncset.done @!p0 $0x0  }
0x4c: {  	s24 =	simm.s32 $0x0;
	s26 =	simm.s32 @p0 $0x24;
	[sflag:s25] =	ssyncadd.s32 @!p0 $0xFFFFC300  }
0x4d: {  	[tilespmem:s20], [sflag:$0x1] =	stream.indirect.gather [hbm4b:s4+s22], $0x80, s24, s22, $0xb8;
	[tilespmem:$0x1FC00] =	vst v63  }
0x4e: {  	p1 =	sne.s32 s26, $0x1;
	_ =	swait.ge [sflag:s21], $0x4000  }
.Ltmp1:
0x4f: {  	[sflag:s21] =	ssyncset.done $0x0;
	(pc) =	sbr.rel @!p1 .LBB2_5-.Ltmp1, $4  }
0x50: {  	s25 =	simm.s32 $0x4000;
	[sflag:s21] =	ssyncadd.s32 $0xFFFFC000  }
0x51: {  	[spmem:s2] =	stream.indirect.scatter.add.f32 [tilespmem:s20], [sflag:$0x1], $0x80, s25, s22, $0xb8;
	[tilespmem:$0x1FC00] =	vst v63  }
0x52: {  	_ =	swait.ge [sflag:s21], $0x4000  }
0x53: {  	s26 =	sadd.s32 $0xFFFFFFFF, s26;
	[sflag:s21] =	ssyncset.done $0x0  }
.LBB2_4:
0x54: {  	[sflag:s21] =	ssyncadd.s32 $0xFFFFC000;
	s24 =	sadd.s32 $0x80, s24;
	s25 =	sadd.s32 $0x80, s25  }
0x55: {  	[tilespmem:s20], [sflag:$0x1] =	stream.indirect.gather [hbm4b:s4+s22], $0x80, s24, s22, $0xb8;
	[tilespmem:$0x1FC00] =	vst v63  }
0x56: {  	p1 =	sne.s32 s26, $0x1;
	s26 =	sadd.s32 $0xFFFFFFFF, s26;
	_ =	swait.ge [sflag:s21], $0x4000  }
.Ltmp2:
0x57: {  	[sflag:s21] =	ssyncset.done $0x0;
	(pc) =	sbr.rel @p1 .LBB2_4-.Ltmp2, $4  }
0x58: {  	[sflag:s21] =	ssyncadd.s32 $0xFFFFC000  }
0x59: {  	[spmem:s2] =	stream.indirect.scatter.add.f32 [tilespmem:s20], [sflag:$0x1], $0x80, s25, s22, $0xb8;
	[tilespmem:$0x1FC00] =	vst v63  }
0x5a: {  	_ =	swait.ge [sflag:s21], $0x4000  }
0x5b: {  	[sflag:s21] =	ssyncset.done $0x0  }
.LBB2_5:
0x5c: {  	[sflag:s21] =	ssyncadd.s32 $0xFFFFC000  }
0x5d: {  	[bflag:$0x0] =	sbarrier.arrive $0xFFFF  }
0x5e: {  	[tilespmem:s20], [sflag:$0x1] =	stream.linear.gather [spmem:s5], $0x4000, $0x38;
	[tilespmem:$0x1FC00] =	vst v63  }
0x5f: {  	_ =	swait.ge [sflag:s21], $0x4000  }
0x60: {  	[sflag:s21] =	ssyncset.done $0x0  }
0x61: {  	[sflag:s21] =	ssyncadd.s32 $0xFFFFC000  }
0x62: {  	[hbm4b:s15+s3] =	stream.linear.scatter [tilespmem:s20], [sflag:$0x1], $0x4000, $0x38;
	[tilespmem:$0x1FC00] =	vst v63  }
0x63: {  	_ =	swait.ge [sflag:s21], $0x4000  }
0x64: {  	[sflag:s21] =	ssyncset.done $0x0  }
0x65: {  	[sflag:s21] =	ssyncadd.s32 $0xFFFFC000  }
0x66: {  	[tilespmem:s20], [sflag:$0x1] =	stream.linear.gather [spmem:s6], $0x4000, $0x38;
	[tilespmem:$0x1FC00] =	vst v63  }
0x67: {  	_ =	swait.ge [sflag:s21], $0x4000  }
0x68: {  	[sflag:s21] =	ssyncset.done $0x0  }
0x69: {  	[sflag:s21] =	ssyncadd.s32 $0xFFFFC000  }
0x6a: {  	[hbm4b:s16+s3] =	stream.linear.scatter [tilespmem:s20], [sflag:$0x1], $0x4000, $0x38;
	[tilespmem:$0x1FC00] =	vst v63  }
0x6b: {  	_ =	swait.ge [sflag:s21], $0x4000  }
0x6c: {  	[sflag:s21] =	ssyncset.done $0x0  }
0x6d: {  	[sflag:s21] =	ssyncadd.s32 $0xFFFFC000  }
0x6e: {  	[tilespmem:s20], [sflag:$0x1] =	stream.linear.gather [spmem:s7], $0x4000, $0x38;
	[tilespmem:$0x1FC00] =	vst v63  }
0x6f: {  	_ =	swait.ge [sflag:s21], $0x4000  }
0x70: {  	[sflag:s21] =	ssyncset.done $0x0  }
0x71: {  	[sflag:s21] =	ssyncadd.s32 $0xFFFFC000  }
0x72: {  	[hbm4b:s17+s3] =	stream.linear.scatter [tilespmem:s20], [sflag:$0x1], $0x4000, $0x38;
	[tilespmem:$0x1FC00] =	vst v63  }
0x73: {  	_ =	swait.ge [sflag:s21], $0x4000  }
0x74: {  	[sflag:s21] =	ssyncset.done $0x0  }
0x75: {  	[sflag:s21] =	ssyncadd.s32 $0xFFFFC000  }
0x76: {  	[tilespmem:s20], [sflag:$0x1] =	stream.linear.gather [spmem:s8], $0x4000, $0x38;
	[tilespmem:$0x1FC00] =	vst v63  }
0x77: {  	_ =	swait.ge [sflag:s21], $0x4000  }
0x78: {  	[sflag:s21] =	ssyncset.done $0x0  }
0x79: {  	[sflag:s21] =	ssyncadd.s32 $0xFFFFC000  }
0x7a: {  	[hbm4b:s18+s3] =	stream.linear.scatter [tilespmem:s20], [sflag:$0x1], $0x4000, $0x38;
	[tilespmem:$0x1FC00] =	vst v63  }
0x7b: {  	_ =	swait.ge [sflag:s21], $0x4000  }
0x7c: {  	[sflag:s21] =	ssyncset.done $0x0  }
0x7d: {  	[sflag:s21] =	ssyncadd.s32 $0xFFFFC000  }
0x7e: {  	[tilespmem:s20], [sflag:$0x1] =	stream.linear.gather [spmem:s9], $0x3C00, $0x38;
	[tilespmem:$0x1FC00] =	vst v63  }
0x7f: {  	s23 =	sadd.s32 $0x1, s23;
	_ =	swait.ge [sflag:s21], $0x3C00  }
0x80: {  	p1 =	sne.s32 s23, s14;
	[sflag:s21] =	ssyncset.done $0x0  }
.Ltmp3:
0x81: {  	[sflag:s21] =	ssyncadd.s32 $0xFFFFC400;
	(pc) =	sbr.rel @p1 .LBB2_1-.Ltmp3, $4  }
0x82: {  	[hbm4b:s19+s3] =	stream.linear.scatter [tilespmem:s20], [sflag:$0x1], $0x3C00, $0x38;
	[tilespmem:$0x1FC00] =	vst v63  }
0x83: {  	_ =	swait.ge [sflag:s21], $0x3C00  }
0x84: {  	[sflag:s21] =	ssyncset.done $0x0  }
0x85: {  	[sflag:s21] =	ssyncadd.s32 $0xFFFFC400  }
0x86: {  	_ =	sfence.sel $0x180000  }
0x87: {  	[bflag:$0x0] =	sbarrier.arrive $0xFFFF  }
0x88: {  	p0 =	sne.s32 s1, $0x0;
	_ =	strace $0x90000047  }
0x89: {  	s0 =	sadd.s32 @!p0 $0x100000, s0;
	[bflag:$0x2] =	sbarrier.arrive $0xFFFF  }
0x8a: {  	[sflag:s0] =	ssyncadd.tile.s32 @!p0 $0x1;
	_ =	shalt  }
.Lfunc_end2:
_tile_overlayer_lowered:
.L_overlay_start_2:
0x8b: {  	(tag) =	ssettag $0x2  }
0x8c: {  	s0 =	rddreg [dreg:$0x0];
	s2 =	stileid.u32  }
0x8d: {  	s1 =	rddreg [dreg:$0x1];
	p0 =	sne.s32 s2, $0x0  }
0x8e: {  	s3 =	rddreg [dreg:$0x2];
	[bflag:$0x3] =	sbarrier.arrive $0xFFFF;
	s2 =	simm.s32 @!p0 $0x1C01  }
0x8f: {  	[timem:s3], [sflag:s2] =	dma.local @!p0 [hbm:s0], s1  }
0x90: {  	s0 =	simm.s32 @!p0 $0x1  }
0x91: {  	_ =	swait.ge @!p0 [sflag:s0], s1  }
0x92: {  	s1 =	ssub.s32 @!p0 $0x0, s1;
	[sflag:s0] =	ssyncset.done @!p0 $0x0  }
0x93: {  	[sflag:s0] =	ssyncadd.s32 @!p0 s1  }
0x94: {  	[bflag:$0x3] =	sbarrier.arrive $0xFFFF  }
0x95: {  	_ =	shalt  }

// kernel: kernel.16.cloned.1.call-start
scs
__scs_entry_jumppad:
0x0: {  	(pc) =	sbr.rel $0x88, $3  }
0x1: {  	(tag) =	ssettag $0x0;
	lr =	simm.s32 $0x1  }
0x2: {  	[smem:$0x3F94] =	sst lr;
	_ =	strace $0xD0000000  }
0x3: {  	_ = 	snop  }
0x4: {  	_ = 	snop  }
0x5: {  	_ = 	snop  }
0x6: {  	_ = 	snop  }
0x7: {  	_ = 	snop  }
__scs_overlays_trampoline_lowered:
0x8: {  	[smem:$0x3FA3] =	sst s0  }
0x9: {  	[smem:$0x3FA4] =	sst s1  }
0xa: {  	[smem:$0x3FA5] =	sst s2  }
0xb: {  	[smem:$0x3FA6] =	sst s3  }
0xc: {  	[smem:$0x3FA7] =	sst s4  }
0xd: {  	[smem:$0x3FA8] =	sst s5  }
0xe: {  	[smem:$0x3FA9] =	sst s6  }
0xf: {  	[smem:$0x3FAA] =	sst s7  }
0x10: {  	[smem:$0x3FAB] =	sst s8  }
0x11: {  	[smem:$0x3FAC] =	sst s9;
	s0 =	simm.s32 @!p0 $0x0  }
0x12: {  	s1 =	sld [smem:$0x3F92];
	s0 =	simm.s32 @p0 $0x1  }
0x13: {  	[smem:$0x3FAD] =	sst s0;
	s0 =	simm.s32 @!p1 $0x0  }
0x14: {  	s2 =	sld [smem:$0x3F91];
	s0 =	simm.s32 @p1 $0x1  }
0x15: {  	[smem:$0x3FAE] =	sst s0;
	s0 =	simm.s32 @!p2 $0x0  }
0x16: {  	s3 =	sld [smem:$0x3FDB];
	s0 =	simm.s32 @p2 $0x1  }
0x17: {  	s4 =	simm.s32 $0x1BF5;
	[smem:$0x3FB0] =	sst s0  }
0x18: {  	s0 =	sld [smem:$0x3F93];
	_ =	swait.ge [sflag:s4], $0x0  }
0x19: {  	s7 =	sld [smem:$0x3F94]  }
0x1a: {  	s8 =	sadd.s32 $0xFFFFE003, lr  }
0x1b: {  	s9 =	sadd.s32 $0xFFFFFEF7, lr;
	s5 =	simm.s32 $0xFFFFFFFF;
	p2 =	slt.u32 s8, $0xFFFFF086  }
0x1c: {  	p1 =	slt.u32 s9, $0xF7A;
	s5 =	simm.s32 @!p2 $0x0  }
0x1d: {  	s5 =	simm.s32 @p1 $0x1;
	p0 =	seq.s32 s7, s2  }
0x1e: {  	s7 =	smul.u32 @!p0 $0xF7A, s2;
	p2 =	seq.s32 @!p0 s5, $0x0  }
0x1f: {  	s9 =	smul.u32 $0xF7A, s1;
	s8 =	simm.s32 @!p0 $0x1BF5;
	p2 =	por !p2, p0  }
0x20: {  	[sflag:s8] =	ssyncset.s32 @!p0 $0xFFFFF086;
	s6 =	sadd.s32 @!p0 s3, s7;
	s7 =	simm.s32 @!p0 $0x108  }
0x21: {  	s3 =	sadd.s32 s3, s9;
	s6 =	sadd.s32 @!p0 $0x88, s6;
	s7 =	simm.s32 @p2 $0x1082  }
0x22: {  	[simem:s7], [sflag:s8] =	dma.local @!p0 [hbm:s6], $0xF7A  }
0x23: {  	s9 =	sor.u32 $0xD0000000, s2;
	s6 =	simm.s32 $0x108;
	_ =	swait.ge @!p0 [sflag:s8], $0x0  }
0x24: {  	s3 =	sadd.s32 $0x88, s3;
	s6 =	simm.s32 @!p1 $0x1082;
	[sflag:s4] =	ssyncset.s32 $0xFFFFF086  }
0x25: {  	[simem:s6], [sflag:s4] =	dma.local [hbm:s3], $0xF7A  }
0x26: {  	[smem:$0x3F94] =	sst s1;
	(tag) =	ssettag s2;
	_ =	strace s9  }
0x27: {  	s1 =	sld [smem:$0x3FA4]  }
0x28: {  	s2 =	sld [smem:$0x3FA5]  }
0x29: {  	s4 =	sld [smem:$0x3FA7]  }
0x2a: {  	p0 =	seq.s32 s5, $0x0;
	s5 =	sld [smem:$0x3FA8]  }
0x2b: {  	s6 =	sld [smem:$0x3FA9]  }
0x2c: {  	s7 =	sld [smem:$0x3FAA]  }
0x2d: {  	s3 =	simm.s32 $0x108;
	s8 =	sld [smem:$0x3FAB]  }
0x2e: {  	s3 =	simm.s32 @!p0 $0x1082;
	s9 =	sld [smem:$0x3FAC]  }
0x2f: {  	lr =	sadd.s32 s0, s3;
	s0 =	sld [smem:$0x3FA3]  }
0x30: {  	s3 =	sld [smem:$0x3FA6]  }
0x31: {  	[smem:$0x3FAF] =	sst s10  }
0x32: {  	s10 =	sld [smem:$0x3FAD];
	_ =	sdelay $0x3  }
0x33: {  	p0 =	seq.s32 s10, $0x1;
	s10 =	sld [smem:$0x3FAF];
	_ =	sdelay $0x3  }
0x34: {  	[smem:$0x3FAF] =	sst s10  }
0x35: {  	s10 =	sld [smem:$0x3FAE];
	_ =	sdelay $0x3  }
0x36: {  	p1 =	seq.s32 s10, $0x1;
	s10 =	sld [smem:$0x3FAF];
	_ =	sdelay $0x3  }
0x37: {  	[smem:$0x3FAF] =	sst s10  }
0x38: {  	s10 =	sld [smem:$0x3FB0]  }
0x39: {  	_ = 	snop;
	(pc) =	sbr.ind lr, $3  }
0x3a: {  	_ = 	snop  }
0x3b: {  	_ = 	snop  }
0x3c: {  	p2 =	seq.s32 s10, $0x1;
	s10 =	sld [smem:$0x3FAF]  }
0x3d: {  	_ =	shalt  }
0x3e: {  	_ =	shalt  }
0x3f: {  	_ =	shalt  }
0x40: {  	_ =	shalt  }
0x41: {  	_ =	shalt  }
0x42: {  	_ =	shalt  }
0x43: {  	_ =	shalt  }
0x44: {  	_ =	shalt  }
0x45: {  	_ =	shalt  }
0x46: {  	_ =	shalt  }
0x47: {  	_ =	shalt  }
0x48: {  	_ =	shalt  }
0x49: {  	_ =	shalt  }
0x4a: {  	_ =	shalt  }
0x4b: {  	_ =	shalt  }
0x4c: {  	_ =	shalt  }
0x4d: {  	_ =	shalt  }
0x4e: {  	_ =	shalt  }
0x4f: {  	_ =	shalt  }
0x50: {  	_ =	shalt  }
0x51: {  	_ =	shalt  }
0x52: {  	_ =	shalt  }
0x53: {  	_ =	shalt  }
0x54: {  	_ =	shalt  }
0x55: {  	_ =	shalt  }
0x56: {  	_ =	shalt  }
0x57: {  	_ =	shalt  }
0x58: {  	_ =	shalt  }
0x59: {  	_ =	shalt  }
0x5a: {  	_ =	shalt  }
0x5b: {  	_ =	shalt  }
0x5c: {  	_ =	shalt  }
0x5d: {  	_ =	shalt  }
0x5e: {  	_ =	shalt  }
0x5f: {  	_ =	shalt  }
0x60: {  	_ =	shalt  }
0x61: {  	_ =	shalt  }
0x62: {  	_ =	shalt  }
0x63: {  	_ =	shalt  }
0x64: {  	_ =	shalt  }
0x65: {  	_ =	shalt  }
0x66: {  	_ =	shalt  }
0x67: {  	_ =	shalt  }
0x68: {  	_ =	shalt  }
0x69: {  	_ =	shalt  }
0x6a: {  	_ =	shalt  }
0x6b: {  	_ =	shalt  }
0x6c: {  	_ =	shalt  }
0x6d: {  	_ =	shalt  }
0x6e: {  	_ =	shalt  }
0x6f: {  	_ =	shalt  }
0x70: {  	_ =	shalt  }
0x71: {  	_ =	shalt  }
0x72: {  	_ =	shalt  }
0x73: {  	_ =	shalt  }
0x74: {  	_ =	shalt  }
0x75: {  	_ =	shalt  }
0x76: {  	_ =	shalt  }
0x77: {  	_ =	shalt  }
0x78: {  	_ =	shalt  }
0x79: {  	_ =	shalt  }
0x7a: {  	_ =	shalt  }
0x7b: {  	_ =	shalt  }
0x7c: {  	_ =	shalt  }
0x7d: {  	_ =	shalt  }
0x7e: {  	_ =	shalt  }
0x7f: {  	_ =	shalt  }
0x80: {  	_ =	shalt  }
0x81: {  	_ =	shalt  }
0x82: {  	_ =	shalt  }
0x83: {  	_ =	shalt  }
0x84: {  	_ =	shalt  }
0x85: {  	_ =	shalt  }
0x86: {  	_ =	shalt  }
0x87: {  	_ =	shalt  }
.Lfunc_end0:
.L_simem_size_0:
called_computation.1_lowered:
.L_overlay_start_0:
0x88: {  	s2 =	sld [smem:$0x3FD9]  }
0x89: {  	s3 =	sld [smem:$0x3FFE];
	_ =	sdelay $0x1  }
0x8a: {  	s1 =	srdreg.scid  }
0x8b: {  	s0 =	sand.u32 $0x1, s1  }
0x8c: {  	s14 =	sshll.u32 s0, $0xA;
	s2 =	sadd.s32 s3, s2  }
0x8d: {  	s2 =	sadd.s32 s2, s14  }
0x8e: {  	[smem:$0x3FBB] =	sst s2  }
0x8f: {  	_ = 	snop  }
0x90: {  	s2 =	sld [smem:$0x3FD0];
	_ =	sdelay $0x2  }
0x91: {  	s15 =	simm.s32 $0xA;
	s4 =	simm.s32 $0x10  }
0x92: {  	[smem:s4], [sflag:s15] =	dma.local [hbm:s2], $0x1  }
0x93: {  	_ =	swait.eq [sflag:s15], $0x1  }
0x94: {  	[sflag:s15] =	ssyncset.done $0x0  }
0x95: {  	[sflag:s15] =	ssyncadd.s32 $0xFFFFFFFF  }
0x96: {  	s16 =	sld [smem:$0x10];
	(tm) =	ssettm $0x1  }
0x97: {  	s17 =	sld [smem:$0x3FFB];
	_ =	sdelay $0x3  }
0x98: {  	_ =	strace s17  }
0x99: {  	s3 =	sld [smem:$0x3FFC];
	_ =	sdelay $0x3  }
0x9a: {  	_ =	strace s3  }
0x9b: {  	s3 =	sld [smem:$0x3FFD];
	_ =	sdelay $0x3  }
0x9c: {  	_ =	strace s3  }
0x9d: {  	_ =	strace $0x8FFFFFFF  }
0x9e: {  	s18 =	sld [smem:$0x3FDB];
	_ =	sdelay $0x1  }
0x9f: {  	s19 =	simm.s32 $_scs_section_size  }
0xa0: {  	s5 =	simm.s32 $_size__tile_overlayer_lowered;
	s6 =	simm.s32 $_tile_overlayer_lowered  }
0xa1: {  	s22 =	simm.s32 $0x1BFF;
	s21 =	sshll.u32 s6, $0x1;
	s3 =	sadd.s32 s19, s18  }
0xa2: {  	s7 =	simm.s32 $0x0;
	s20 =	sshll.u32 s5, $0x1;
	s5 =	sadd.s32 s21, s3  }
0xa3: {  	[timem:s7], [sflag:s22] =	dma.local [hbm:s5], s20  }
0xa4: {  	_ =	swait.ge [sflag:s22], s20  }
0xa5: {  	s4 =	ssub.s32 $0x0, s20;
	[sflag:s22] =	ssyncset.done $0x0  }
0xa6: {  	[sflag:s22] =	ssyncadd.s32 s4;
	_ =	sdelay $0x1  }
0xa7: {  	s23 =	simm.s32 $0x1B8B  }
0xa8: {  	_ =	swait.ge [sflag:s23], $0x1  }
0xa9: {  	[sflag:s23] =	ssyncset.done $0x0  }
0xaa: {  	s25 =	simm.s32 $0x1B8E;
	s24 =	sld [smem:$0x3FFE];
	[sflag:s23] =	ssyncadd.s32 $0xFFFFFFFF  }
0xab: {  	s26 =	simm.s32 $execute0_lowered;
	[smem:$0x3FD2] =	sst s25  }
0xac: {  	s5 =	sshll.u32 s26, $0x1;
	_ =	strace $0x80000049;
	[dreg:$0x1] =	wrdreg $0xFFFFFFFF  }
0xad: {  	s28 =	simm.s32 $_size_execute0_lowered;
	s3 =	sadd.s32 s3, s5;
	[dreg:$0x0] =	wrdreg $0x0  }
0xae: {  	s5 =	sshll.u32 s28, $0x1;
	[dreg:$0x2] =	wrdreg s3  }
0xaf: {  	[dreg:$0x3] =	wrdreg s5  }
0xb0: {  	[dreg:$0x4] =	wrdreg $0xC0  }
0xb1: {  	_ =	task [dreg:s7], $0x5FFFF  }
0xb2: {  	[dreg:$0x1] =	wrdreg $0xFFFFFFFF  }
0xb3: {  	[dreg:$0x0] =	wrdreg $0x60  }
0xb4: {  	[dreg:$0x2] =	wrdreg s24  }
0xb5: {  	[dreg:$0x3] =	wrdreg s16  }
0xb6: {  	[dreg:$0x4] =	wrdreg $0xC0000  }
0xb7: {  	[dreg:$0x5] =	wrdreg $0x9  }
0xb8: {  	_ =	task.clear_ibuf [dreg:s7], $0x6FFFF;
	_ =	strace $0x90000049  }
0xb9: {  	s29 =	simm.s32 $0x9;
	_ =	strace $0x8000004B  }
0xba: {  	_ =	swait.ge [sflag:s29], $0x1  }
0xbb: {  	[sflag:s29] =	ssyncadd.s32 $0xFFFFFFFF  }
0xbc: {  	_ =	strace $0x9000004B  }
0xbd: {  	_ =	sfence  }
0xbe: {  	s30 =	sld [smem:$0x0];
	_ =	sdelay $0x2  }
0xbf: {  	s31 =	sshll.u32 s1, $0xD;
	s1 =	sshrl.u32 s1, $0x2  }
0xc0: {  	s3 =	sand.u32 $0x4000, s31;
	s1 =	sadd.s32 s1, s30  }
0xc1: {  	s0 =	sor.u32 s3, s0;
	s1 =	sshll.u32 s1, $0x11  }
0xc2: {  	s0 =	sor.u32 s1, s0  }
0xc3: {  	s0 =	sadd.s32 $0x8F2B, s0  }
0xc4: {  	[sflag:s0] =	ssyncadd.remote.s32 $0x1  }
0xc5: {  	_ =	sfence.sel $0xFFFF  }
0xc6: {  	[dreg:$0x0] =	wrdreg $0xFFFFFFFF;
	(pc) =	sbr.abs _section_cstart, $3  }
0xc7: {  	[dreg:$0x1] =	wrdreg $0xFFFFFFFF  }
0xc8: {  	_ =	task.clear_ibuf [dreg:s7], $0x2FFFF;
	_ =	strace $0x9FFFFFFF  }
0xc9: {  	(tm) =	ssettm $0x7FFFFFFF  }
tec
execute0_lowered:
.L_overlay_start_1:
0x0: {  	(tag) =	ssettag $0x1  }
0x1: {  	s14 =	rddreg [dreg:$0x0]  }
0x2: {  	s12 =	rddreg [dreg:$0x1]  }
0x3: {  	s2 =	rddreg [dreg:$0x2]  }
0x4: {  	s0 =	rddreg [dreg:$0x3];
	s1 =	stileid.u32  }
0x5: {  	s3 =	simm.s32 $0x0;
	s6 =	srdreg.scid;
	s5 =	smul.u32 $0x280, s1  }
0x6: {  	[smem:$0x7FF] =	sst s3;
	s7 =	smul.u32 $0x278, s1  }
0x7: {  	s4 =	sadd.s32 $0x12600, s14;
	s13 =	sshll.u32 s1, $0xB;
	s26 =	smul.u32 $0x4F000, s1  }
0x8: {  	s20 =	sand.u32 $0x1, s6;
	s22 =	smul.u32 $0x2780, s1;
	_ =	strace $0x8000004A  }
0x9: {  	s15 =	sadd.s32 s13, s14;
	s28 =	ssub.s32 $0x2, s20;
	p0 =	seq.s32 s20, $0x0  }
0xa: {  	s12 =	sadd.s32 s12, s13;
	s11 =	sadd.s32 s5, s14;
	s16 =	sadd.s32 $0x80, s7  }
0xb: {  	s8 =	sshrl.u32 s28, $0x1;
	s6 =	sshrl.u32 s26, $0x2;
	s18 =	sadd.s32 $0x100, s7  }
0xc: {  	s19 =	sadd.s32 $0x180, s7;
	s21 =	sadd.s32 $0x200, s7;
	s13 =	sadd.s32 $0xA600, s15  }
0xd: {  	s15 =	simm.s32 $0x39E00;
	s9 =	sshll.u32 s16, $0x7;
	s17 =	ssub.s32 s28, s8  }
0xe: {  	s5 =	sadd.s32 s6, s2;
	s29 =	sshll.u32 s18, $0x7;
	s30 =	sshll.u32 s19, $0x7  }
0xf: {  	s31 =	sshll.u32 s21, $0x7;
	s10 =	sadd.s32 $0x5600, s11;
	s11 =	sadd.s32 $0x7E00, s11  }
0x10: {  	s16 =	sshll.u32 s16, $0x4;
	s15 =	simm.s32 @!p0 $0x61600;
	s18 =	sshll.u32 s18, $0x4  }
0x11: {  	s19 =	sshll.u32 s19, $0x4;
	s21 =	sshll.u32 s21, $0x4;
	p0 =	sne.s32 s20, $0x0  }
0x12: {  	s20 =	simm.s32 $0x8000;
	s6 =	sadd.s32 s9, s2;
	s7 =	sadd.s32 s29, s2  }
0x13: {  	s8 =	sadd.s32 s30, s2;
	s9 =	sadd.s32 s31, s2;
	s23 =	sadd.s32 s15, s14  }
0x14: {  	s14 =	smax.u32 s17, $0x1;
	s15 =	sadd.s32 s23, s22;
	s16 =	sadd.s32 s23, s16  }
0x15: {  	s17 =	sadd.s32 s23, s18;
	s18 =	sadd.s32 s23, s19;
	s19 =	sadd.s32 s23, s21  }
0x16: {  	v0 =	vimm.f32 $0.0e+00;
	s21 =	simm.s32 $0x1;
	s22 =	simm.s32 $0x80;
	s23 =	simm.s32 $0x0  }
.LBB2_1:
0x17: {  	s24 =	simm.s32 $0x0;
	s25 =	simm.s32 $0x200  }
.LBB2_2:
0x18: {  	p1 =	sne.s32 s25, $0xFE00;
	[tilespmem:s24+$0x8070] =	vst v0  }
0x19: {  	[tilespmem:s24+$0x8000] =	vst v0  }
0x1a: {  	[tilespmem:s24+$0x8010] =	vst v0  }
.Ltmp0:
0x1b: {  	[tilespmem:s24+$0x8020] =	vst v0;
	(pc) =	sbr.rel @p1 .LBB2_2-.Ltmp0, $4  }
0x1c: {  	[tilespmem:s24+$0x8030] =	vst v0  }
0x1d: {  	[tilespmem:s24+$0x8040] =	vst v0  }
0x1e: {  	[tilespmem:s24+$0x8050] =	vst v0  }
0x1f: {  	[tilespmem:s24+$0x8060] =	vst v0;
	s24 =	sshra.s32 s25, $0x2;
	s25 =	sadd.s32 $0x200, s25  }
0x20: {  	[tilespmem:s24+$0x8070] =	vst v0  }
0x21: {  	[tilespmem:s24+$0x8000] =	vst v0  }
0x22: {  	[tilespmem:s24+$0x8010] =	vst v0  }
0x23: {  	[tilespmem:s24+$0x8020] =	vst v0  }
0x24: {  	[tilespmem:s24+$0x8030] =	vst v0  }
0x25: {  	[tilespmem:s24+$0x8040] =	vst v0  }
0x26: {  	[tilespmem:s24+$0x8050] =	vst v0  }
0x27: {  	[tilespmem:s24+$0x8060] =	vst v0  }
0x28: {  	[spmem:s5] =	stream.linear.scatter [tilespmem:s20], [sflag:$0x1], $0x4000, $0x38;
	[tilespmem:$0x1FC00] =	vst v63  }
0x29: {  	_ =	swait.ge [sflag:s21], $0x4000  }
0x2a: {  	[sflag:s21] =	ssyncset.done $0x0  }
0x2b: {  	[sflag:s21] =	ssyncadd.s32 $0xFFFFC000  }
0x2c: {  	[spmem:s6] =	stream.linear.scatter [tilespmem:s20], [sflag:$0x1], $0x4000, $0x38;
	[tilespmem:$0x1FC00] =	vst v63  }
0x2d: {  	_ =	swait.ge [sflag:s21], $0x4000  }
0x2e: {  	[sflag:s21] =	ssyncset.done $0x0  }
0x2f: {  	[sflag:s21] =	ssyncadd.s32 $0xFFFFC000  }
0x30: {  	[spmem:s7] =	stream.linear.scatter [tilespmem:s20], [sflag:$0x1], $0x4000, $0x38;
	[tilespmem:$0x1FC00] =	vst v63  }
0x31: {  	_ =	swait.ge [sflag:s21], $0x4000  }
0x32: {  	[sflag:s21] =	ssyncset.done $0x0  }
0x33: {  	[sflag:s21] =	ssyncadd.s32 $0xFFFFC000  }
0x34: {  	[spmem:s8] =	stream.linear.scatter [tilespmem:s20], [sflag:$0x1], $0x4000, $0x38;
	[tilespmem:$0x1FC00] =	vst v63  }
0x35: {  	_ =	swait.ge [sflag:s21], $0x4000  }
0x36: {  	[sflag:s21] =	ssyncset.done $0x0  }
0x37: {  	[sflag:s21] =	ssyncadd.s32 $0xFFFFC000  }
0x38: {  	[spmem:s9] =	stream.linear.scatter [tilespmem:s20], [sflag:$0x1], $0x3C00, $0x38;
	[tilespmem:$0x1FC00] =	vst v63  }
0x39: {  	_ =	swait.ge [sflag:s21], $0x3C00  }
0x3a: {  	[sflag:s21] =	ssyncset.done $0x0  }
0x3b: {  	[sflag:s21] =	ssyncadd.s32 $0xFFFFC400  }
0x3c: {  	s24 =	simm.s32 @p0 $0x0;
	s25 =	simm.s32 @p0 $0x1;
	[bflag:$0x0] =	sbarrier.arrive $0xFFFF  }
0x3d: {  	[tilespmem:s24], [sflag:$0x1] =	stream.linear.gather @p0 [hbm4b:s10+s24], $0x1200, $0x38;
	[tilespmem:$0x1FC00] =	vst v63  }
0x3e: {  	_ =	swait.ge @p0 [sflag:s25], $0x1200  }
0x3f: {  	[sflag:s25] =	ssyncset.done @p0 $0x0  }
0x40: {  	s26 =	simm.s32 @p0 $0x4000;
	[sflag:s25] =	ssyncadd.s32 @p0 $0xFFFFEE00  }
0x41: {  	[tilespmem:s26], [sflag:$0x1] =	stream.linear.gather @p0 [hbm4b:s11+s24], $0x1200, $0x38;
	[tilespmem:$0x1FC00] =	vst v63  }
0x42: {  	_ =	swait.ge @p0 [sflag:s25], $0x1200  }
0x43: {  	[sflag:s25] =	ssyncset.done @p0 $0x0  }
0x44: {  	s24 =	simm.s32 @!p0 $0x0;
	[sflag:s25] =	ssyncadd.s32 @p0 $0xFFFFEE00;
	s25 =	simm.s32 @!p0 $0x1  }
0x45: {  	[tilespmem:s24], [sflag:$0x1] =	stream.linear.gather @!p0 [hbm4b:s12+s24], $0x3D00, $0x38;
	[tilespmem:$0x1FC00] =	vst v63  }
0x46: {  	_ =	swait.ge @!p0 [sflag:s25], $0x3D00  }
0x47: {  	[sflag:s25] =	ssyncset.done @!p0 $0x0  }
0x48: {  	s26 =	simm.s32 @!p0 $0x4000;
	[sflag:s25] =	ssyncadd.s32 @!p0 $0xFFFFC300  }
0x49: {  	[tilespmem:s26], [sflag:$0x1] =	stream.linear.gather @!p0 [hbm4b:s13+s24], $0x3D00, $0x38;
	[tilespmem:$0x1FC00] =	vst v63  }
0x4a: {  	_ =	swait.ge @!p0 [sflag:s25], $0x3D00  }
0x4b: {  	s26 =	simm.s32 @!p0 $0x7A;
	[sflag:s25] =	ssyncset.done @!p0 $0x0  }
0x4c: {  	s24 =	simm.s32 $0x0;
	s26 =	simm.s32 @p0 $0x24;
	[sflag:s25] =	ssyncadd.s32 @!p0 $0xFFFFC300  }
0x4d: {  	[tilespmem:s20], [sflag:$0x1] =	stream.indirect.gather [hbm4b:s4+s22], $0x80, s24, s22, $0xb8;
	[tilespmem:$0x1FC00] =	vst v63  }
0x4e: {  	p1 =	sne.s32 s26, $0x1;
	_ =	swait.ge [sflag:s21], $0x4000  }
.Ltmp1:
0x4f: {  	[sflag:s21] =	ssyncset.done $0x0;
	(pc) =	sbr.rel @!p1 .LBB2_5-.Ltmp1, $4  }
0x50: {  	s25 =	simm.s32 $0x4000;
	[sflag:s21] =	ssyncadd.s32 $0xFFFFC000  }
0x51: {  	[spmem:s2] =	stream.indirect.scatter.add.f32 [tilespmem:s20], [sflag:$0x1], $0x80, s25, s22, $0xb8;
	[tilespmem:$0x1FC00] =	vst v63  }
0x52: {  	_ =	swait.ge [sflag:s21], $0x4000  }
0x53: {  	s26 =	sadd.s32 $0xFFFFFFFF, s26;
	[sflag:s21] =	ssyncset.done $0x0  }
.LBB2_4:
0x54: {  	[sflag:s21] =	ssyncadd.s32 $0xFFFFC000;
	s24 =	sadd.s32 $0x80, s24;
	s25 =	sadd.s32 $0x80, s25  }
0x55: {  	[tilespmem:s20], [sflag:$0x1] =	stream.indirect.gather [hbm4b:s4+s22], $0x80, s24, s22, $0xb8;
	[tilespmem:$0x1FC00] =	vst v63  }
0x56: {  	p1 =	sne.s32 s26, $0x1;
	s26 =	sadd.s32 $0xFFFFFFFF, s26;
	_ =	swait.ge [sflag:s21], $0x4000  }
.Ltmp2:
0x57: {  	[sflag:s21] =	ssyncset.done $0x0;
	(pc) =	sbr.rel @p1 .LBB2_4-.Ltmp2, $4  }
0x58: {  	[sflag:s21] =	ssyncadd.s32 $0xFFFFC000  }
0x59: {  	[spmem:s2] =	stream.indirect.scatter.add.f32 [tilespmem:s20], [sflag:$0x1], $0x80, s25, s22, $0xb8;
	[tilespmem:$0x1FC00] =	vst v63  }
0x5a: {  	_ =	swait.ge [sflag:s21], $0x4000  }
0x5b: {  	[sflag:s21] =	ssyncset.done $0x0  }
.LBB2_5:
0x5c: {  	[sflag:s21] =	ssyncadd.s32 $0xFFFFC000  }
0x5d: {  	[bflag:$0x0] =	sbarrier.arrive $0xFFFF  }
0x5e: {  	[tilespmem:s20], [sflag:$0x1] =	stream.linear.gather [spmem:s5], $0x4000, $0x38;
	[tilespmem:$0x1FC00] =	vst v63  }
0x5f: {  	_ =	swait.ge [sflag:s21], $0x4000  }
0x60: {  	[sflag:s21] =	ssyncset.done $0x0  }
0x61: {  	[sflag:s21] =	ssyncadd.s32 $0xFFFFC000  }
0x62: {  	[hbm4b:s15+s3] =	stream.linear.scatter [tilespmem:s20], [sflag:$0x1], $0x4000, $0x38;
	[tilespmem:$0x1FC00] =	vst v63  }
0x63: {  	_ =	swait.ge [sflag:s21], $0x4000  }
0x64: {  	[sflag:s21] =	ssyncset.done $0x0  }
0x65: {  	[sflag:s21] =	ssyncadd.s32 $0xFFFFC000  }
0x66: {  	[tilespmem:s20], [sflag:$0x1] =	stream.linear.gather [spmem:s6], $0x4000, $0x38;
	[tilespmem:$0x1FC00] =	vst v63  }
0x67: {  	_ =	swait.ge [sflag:s21], $0x4000  }
0x68: {  	[sflag:s21] =	ssyncset.done $0x0  }
0x69: {  	[sflag:s21] =	ssyncadd.s32 $0xFFFFC000  }
0x6a: {  	[hbm4b:s16+s3] =	stream.linear.scatter [tilespmem:s20], [sflag:$0x1], $0x4000, $0x38;
	[tilespmem:$0x1FC00] =	vst v63  }
0x6b: {  	_ =	swait.ge [sflag:s21], $0x4000  }
0x6c: {  	[sflag:s21] =	ssyncset.done $0x0  }
0x6d: {  	[sflag:s21] =	ssyncadd.s32 $0xFFFFC000  }
0x6e: {  	[tilespmem:s20], [sflag:$0x1] =	stream.linear.gather [spmem:s7], $0x4000, $0x38;
	[tilespmem:$0x1FC00] =	vst v63  }
0x6f: {  	_ =	swait.ge [sflag:s21], $0x4000  }
0x70: {  	[sflag:s21] =	ssyncset.done $0x0  }
0x71: {  	[sflag:s21] =	ssyncadd.s32 $0xFFFFC000  }
0x72: {  	[hbm4b:s17+s3] =	stream.linear.scatter [tilespmem:s20], [sflag:$0x1], $0x4000, $0x38;
	[tilespmem:$0x1FC00] =	vst v63  }
0x73: {  	_ =	swait.ge [sflag:s21], $0x4000  }
0x74: {  	[sflag:s21] =	ssyncset.done $0x0  }
0x75: {  	[sflag:s21] =	ssyncadd.s32 $0xFFFFC000  }
0x76: {  	[tilespmem:s20], [sflag:$0x1] =	stream.linear.gather [spmem:s8], $0x4000, $0x38;
	[tilespmem:$0x1FC00] =	vst v63  }
0x77: {  	_ =	swait.ge [sflag:s21], $0x4000  }
0x78: {  	[sflag:s21] =	ssyncset.done $0x0  }
0x79: {  	[sflag:s21] =	ssyncadd.s32 $0xFFFFC000  }
0x7a: {  	[hbm4b:s18+s3] =	stream.linear.scatter [tilespmem:s20], [sflag:$0x1], $0x4000, $0x38;
	[tilespmem:$0x1FC00] =	vst v63  }
0x7b: {  	_ =	swait.ge [sflag:s21], $0x4000  }
0x7c: {  	[sflag:s21] =	ssyncset.done $0x0  }
0x7d: {  	[sflag:s21] =	ssyncadd.s32 $0xFFFFC000  }
0x7e: {  	[tilespmem:s20], [sflag:$0x1] =	stream.linear.gather [spmem:s9], $0x3C00, $0x38;
	[tilespmem:$0x1FC00] =	vst v63  }
0x7f: {  	s23 =	sadd.s32 $0x1, s23;
	_ =	swait.ge [sflag:s21], $0x3C00  }
0x80: {  	p1 =	sne.s32 s23, s14;
	[sflag:s21] =	ssyncset.done $0x0  }
.Ltmp3:
0x81: {  	[sflag:s21] =	ssyncadd.s32 $0xFFFFC400;
	(pc) =	sbr.rel @p1 .LBB2_1-.Ltmp3, $4  }
0x82: {  	[hbm4b:s19+s3] =	stream.linear.scatter [tilespmem:s20], [sflag:$0x1], $0x3C00, $0x38;
	[tilespmem:$0x1FC00] =	vst v63  }
0x83: {  	_ =	swait.ge [sflag:s21], $0x3C00  }
0x84: {  	[sflag:s21] =	ssyncset.done $0x0  }
0x85: {  	[sflag:s21] =	ssyncadd.s32 $0xFFFFC400  }
0x86: {  	_ =	sfence.sel $0x180000  }
0x87: {  	[bflag:$0x0] =	sbarrier.arrive $0xFFFF  }
0x88: {  	p0 =	sne.s32 s1, $0x0;
	_ =	strace $0x9000004A  }
0x89: {  	s0 =	sadd.s32 @!p0 $0x100000, s0;
	[bflag:$0x2] =	sbarrier.arrive $0xFFFF  }
0x8a: {  	[sflag:s0] =	ssyncadd.tile.s32 @!p0 $0x1;
	_ =	shalt  }
.Lfunc_end2:
_tile_overlayer_lowered:
.L_overlay_start_2:
0x8b: {  	(tag) =	ssettag $0x2  }
0x8c: {  	s0 =	rddreg [dreg:$0x0];
	s2 =	stileid.u32  }
0x8d: {  	s1 =	rddreg [dreg:$0x1];
	p0 =	sne.s32 s2, $0x0  }
0x8e: {  	s3 =	rddreg [dreg:$0x2];
	[bflag:$0x3] =	sbarrier.arrive $0xFFFF;
	s2 =	simm.s32 @!p0 $0x1C01  }
0x8f: {  	[timem:s3], [sflag:s2] =	dma.local @!p0 [hbm:s0], s1  }
0x90: {  	s0 =	simm.s32 @!p0 $0x1  }
0x91: {  	_ =	swait.ge @!p0 [sflag:s0], s1  }
0x92: {  	s1 =	ssub.s32 @!p0 $0x0, s1;
	[sflag:s0] =	ssyncset.done @!p0 $0x0  }
0x93: {  	[sflag:s0] =	ssyncadd.s32 @!p0 s1  }
0x94: {  	[bflag:$0x3] =	sbarrier.arrive $0xFFFF  }
0x95: {  	_ =	shalt  }

// kernel: kernel.19.cloned.1.call-start
scs
__scs_entry_jumppad:
0x0: {  	(pc) =	sbr.rel $0x88, $3  }
0x1: {  	(tag) =	ssettag $0x0;
	lr =	simm.s32 $0x1  }
0x2: {  	[smem:$0x3F94] =	sst lr;
	_ =	strace $0xD0000000  }
0x3: {  	_ = 	snop  }
0x4: {  	_ = 	snop  }
0x5: {  	_ = 	snop  }
0x6: {  	_ = 	snop  }
0x7: {  	_ = 	snop  }
__scs_overlays_trampoline_lowered:
0x8: {  	[smem:$0x3FA3] =	sst s0  }
0x9: {  	[smem:$0x3FA4] =	sst s1  }
0xa: {  	[smem:$0x3FA5] =	sst s2  }
0xb: {  	[smem:$0x3FA6] =	sst s3  }
0xc: {  	[smem:$0x3FA7] =	sst s4  }
0xd: {  	[smem:$0x3FA8] =	sst s5  }
0xe: {  	[smem:$0x3FA9] =	sst s6  }
0xf: {  	[smem:$0x3FAA] =	sst s7  }
0x10: {  	[smem:$0x3FAB] =	sst s8  }
0x11: {  	[smem:$0x3FAC] =	sst s9;
	s0 =	simm.s32 @!p0 $0x0  }
0x12: {  	s1 =	sld [smem:$0x3F92];
	s0 =	simm.s32 @p0 $0x1  }
0x13: {  	[smem:$0x3FAD] =	sst s0;
	s0 =	simm.s32 @!p1 $0x0  }
0x14: {  	s2 =	sld [smem:$0x3F91];
	s0 =	simm.s32 @p1 $0x1  }
0x15: {  	[smem:$0x3FAE] =	sst s0;
	s0 =	simm.s32 @!p2 $0x0  }
0x16: {  	s3 =	sld [smem:$0x3FDB];
	s0 =	simm.s32 @p2 $0x1  }
0x17: {  	s4 =	simm.s32 $0x1BF5;
	[smem:$0x3FB0] =	sst s0  }
0x18: {  	s0 =	sld [smem:$0x3F93];
	_ =	swait.ge [sflag:s4], $0x0  }
0x19: {  	s7 =	sld [smem:$0x3F94]  }
0x1a: {  	s8 =	sadd.s32 $0xFFFFE003, lr  }
0x1b: {  	s9 =	sadd.s32 $0xFFFFFEF7, lr;
	s5 =	simm.s32 $0xFFFFFFFF;
	p2 =	slt.u32 s8, $0xFFFFF086  }
0x1c: {  	p1 =	slt.u32 s9, $0xF7A;
	s5 =	simm.s32 @!p2 $0x0  }
0x1d: {  	s5 =	simm.s32 @p1 $0x1;
	p0 =	seq.s32 s7, s2  }
0x1e: {  	s7 =	smul.u32 @!p0 $0xF7A, s2;
	p2 =	seq.s32 @!p0 s5, $0x0  }
0x1f: {  	s9 =	smul.u32 $0xF7A, s1;
	s8 =	simm.s32 @!p0 $0x1BF5;
	p2 =	por !p2, p0  }
0x20: {  	[sflag:s8] =	ssyncset.s32 @!p0 $0xFFFFF086;
	s6 =	sadd.s32 @!p0 s3, s7;
	s7 =	simm.s32 @!p0 $0x108  }
0x21: {  	s3 =	sadd.s32 s3, s9;
	s6 =	sadd.s32 @!p0 $0x88, s6;
	s7 =	simm.s32 @p2 $0x1082  }
0x22: {  	[simem:s7], [sflag:s8] =	dma.local @!p0 [hbm:s6], $0xF7A  }
0x23: {  	s9 =	sor.u32 $0xD0000000, s2;
	s6 =	simm.s32 $0x108;
	_ =	swait.ge @!p0 [sflag:s8], $0x0  }
0x24: {  	s3 =	sadd.s32 $0x88, s3;
	s6 =	simm.s32 @!p1 $0x1082;
	[sflag:s4] =	ssyncset.s32 $0xFFFFF086  }
0x25: {  	[simem:s6], [sflag:s4] =	dma.local [hbm:s3], $0xF7A  }
0x26: {  	[smem:$0x3F94] =	sst s1;
	(tag) =	ssettag s2;
	_ =	strace s9  }
0x27: {  	s1 =	sld [smem:$0x3FA4]  }
0x28: {  	s2 =	sld [smem:$0x3FA5]  }
0x29: {  	s4 =	sld [smem:$0x3FA7]  }
0x2a: {  	p0 =	seq.s32 s5, $0x0;
	s5 =	sld [smem:$0x3FA8]  }
0x2b: {  	s6 =	sld [smem:$0x3FA9]  }
0x2c: {  	s7 =	sld [smem:$0x3FAA]  }
0x2d: {  	s3 =	simm.s32 $0x108;
	s8 =	sld [smem:$0x3FAB]  }
0x2e: {  	s3 =	simm.s32 @!p0 $0x1082;
	s9 =	sld [smem:$0x3FAC]  }
0x2f: {  	lr =	sadd.s32 s0, s3;
	s0 =	sld [smem:$0x3FA3]  }
0x30: {  	s3 =	sld [smem:$0x3FA6]  }
0x31: {  	[smem:$0x3FAF] =	sst s10  }
0x32: {  	s10 =	sld [smem:$0x3FAD];
	_ =	sdelay $0x3  }
0x33: {  	p0 =	seq.s32 s10, $0x1;
	s10 =	sld [smem:$0x3FAF];
	_ =	sdelay $0x3  }
0x34: {  	[smem:$0x3FAF] =	sst s10  }
0x35: {  	s10 =	sld [smem:$0x3FAE];
	_ =	sdelay $0x3  }
0x36: {  	p1 =	seq.s32 s10, $0x1;
	s10 =	sld [smem:$0x3FAF];
	_ =	sdelay $0x3  }
0x37: {  	[smem:$0x3FAF] =	sst s10  }
0x38: {  	s10 =	sld [smem:$0x3FB0]  }
0x39: {  	_ = 	snop;
	(pc) =	sbr.ind lr, $3  }
0x3a: {  	_ = 	snop  }
0x3b: {  	_ = 	snop  }
0x3c: {  	p2 =	seq.s32 s10, $0x1;
	s10 =	sld [smem:$0x3FAF]  }
0x3d: {  	_ =	shalt  }
0x3e: {  	_ =	shalt  }
0x3f: {  	_ =	shalt  }
0x40: {  	_ =	shalt  }
0x41: {  	_ =	shalt  }
0x42: {  	_ =	shalt  }
0x43: {  	_ =	shalt  }
0x44: {  	_ =	shalt  }
0x45: {  	_ =	shalt  }
0x46: {  	_ =	shalt  }
0x47: {  	_ =	shalt  }
0x48: {  	_ =	shalt  }
0x49: {  	_ =	shalt  }
0x4a: {  	_ =	shalt  }
0x4b: {  	_ =	shalt  }
0x4c: {  	_ =	shalt  }
0x4d: {  	_ =	shalt  }
0x4e: {  	_ =	shalt  }
0x4f: {  	_ =	shalt  }
0x50: {  	_ =	shalt  }
0x51: {  	_ =	shalt  }
0x52: {  	_ =	shalt  }
0x53: {  	_ =	shalt  }
0x54: {  	_ =	shalt  }
0x55: {  	_ =	shalt  }
0x56: {  	_ =	shalt  }
0x57: {  	_ =	shalt  }
0x58: {  	_ =	shalt  }
0x59: {  	_ =	shalt  }
0x5a: {  	_ =	shalt  }
0x5b: {  	_ =	shalt  }
0x5c: {  	_ =	shalt  }
0x5d: {  	_ =	shalt  }
0x5e: {  	_ =	shalt  }
0x5f: {  	_ =	shalt  }
0x60: {  	_ =	shalt  }
0x61: {  	_ =	shalt  }
0x62: {  	_ =	shalt  }
0x63: {  	_ =	shalt  }
0x64: {  	_ =	shalt  }
0x65: {  	_ =	shalt  }
0x66: {  	_ =	shalt  }
0x67: {  	_ =	shalt  }
0x68: {  	_ =	shalt  }
0x69: {  	_ =	shalt  }
0x6a: {  	_ =	shalt  }
0x6b: {  	_ =	shalt  }
0x6c: {  	_ =	shalt  }
0x6d: {  	_ =	shalt  }
0x6e: {  	_ =	shalt  }
0x6f: {  	_ =	shalt  }
0x70: {  	_ =	shalt  }
0x71: {  	_ =	shalt  }
0x72: {  	_ =	shalt  }
0x73: {  	_ =	shalt  }
0x74: {  	_ =	shalt  }
0x75: {  	_ =	shalt  }
0x76: {  	_ =	shalt  }
0x77: {  	_ =	shalt  }
0x78: {  	_ =	shalt  }
0x79: {  	_ =	shalt  }
0x7a: {  	_ =	shalt  }
0x7b: {  	_ =	shalt  }
0x7c: {  	_ =	shalt  }
0x7d: {  	_ =	shalt  }
0x7e: {  	_ =	shalt  }
0x7f: {  	_ =	shalt  }
0x80: {  	_ =	shalt  }
0x81: {  	_ =	shalt  }
0x82: {  	_ =	shalt  }
0x83: {  	_ =	shalt  }
0x84: {  	_ =	shalt  }
0x85: {  	_ =	shalt  }
0x86: {  	_ =	shalt  }
0x87: {  	_ =	shalt  }
.Lfunc_end0:
.L_simem_size_0:
called_computation.2_lowered:
.L_overlay_start_0:
0x88: {  	s2 =	sld [smem:$0x3FD9]  }
0x89: {  	s3 =	sld [smem:$0x3FFE];
	_ =	sdelay $0x1  }
0x8a: {  	s1 =	srdreg.scid  }
0x8b: {  	s0 =	sand.u32 $0x1, s1  }
0x8c: {  	s14 =	sshll.u32 s0, $0xA;
	s2 =	sadd.s32 s3, s2  }
0x8d: {  	s2 =	sadd.s32 s2, s14  }
0x8e: {  	[smem:$0x3FBB] =	sst s2  }
0x8f: {  	_ = 	snop  }
0x90: {  	s2 =	sld [smem:$0x3FD0];
	_ =	sdelay $0x2  }
0x91: {  	s15 =	simm.s32 $0xA;
	s4 =	simm.s32 $0x10  }
0x92: {  	[smem:s4], [sflag:s15] =	dma.local [hbm:s2], $0x1  }
0x93: {  	_ =	swait.eq [sflag:s15], $0x1  }
0x94: {  	[sflag:s15] =	ssyncset.done $0x0  }
0x95: {  	[sflag:s15] =	ssyncadd.s32 $0xFFFFFFFF  }
0x96: {  	s16 =	sld [smem:$0x10];
	(tm) =	ssettm $0x1  }
0x97: {  	s17 =	sld [smem:$0x3FFB];
	_ =	sdelay $0x3  }
0x98: {  	_ =	strace s17  }
0x99: {  	s3 =	sld [smem:$0x3FFC];
	_ =	sdelay $0x3  }
0x9a: {  	_ =	strace s3  }
0x9b: {  	s3 =	sld [smem:$0x3FFD];
	_ =	sdelay $0x3  }
0x9c: {  	_ =	strace s3  }
0x9d: {  	_ =	strace $0x8FFFFFFF  }
0x9e: {  	s18 =	sld [smem:$0x3FDB];
	_ =	sdelay $0x1  }
0x9f: {  	s19 =	simm.s32 $_scs_section_size  }
0xa0: {  	s5 =	simm.s32 $_size__tile_overlayer_lowered;
	s6 =	simm.s32 $_tile_overlayer_lowered  }
0xa1: {  	s22 =	simm.s32 $0x1BFF;
	s21 =	sshll.u32 s6, $0x1;
	s3 =	sadd.s32 s19, s18  }
0xa2: {  	s7 =	simm.s32 $0x0;
	s20 =	sshll.u32 s5, $0x1;
	s5 =	sadd.s32 s21, s3  }
0xa3: {  	[timem:s7], [sflag:s22] =	dma.local [hbm:s5], s20  }
0xa4: {  	_ =	swait.ge [sflag:s22], s20  }
0xa5: {  	s4 =	ssub.s32 $0x0, s20;
	[sflag:s22] =	ssyncset.done $0x0  }
0xa6: {  	[sflag:s22] =	ssyncadd.s32 s4;
	_ =	sdelay $0x1  }
0xa7: {  	s23 =	simm.s32 $0x1B8B  }
0xa8: {  	_ =	swait.ge [sflag:s23], $0x1  }
0xa9: {  	[sflag:s23] =	ssyncset.done $0x0  }
0xaa: {  	s25 =	simm.s32 $0x1B8E;
	s24 =	sld [smem:$0x3FFE];
	[sflag:s23] =	ssyncadd.s32 $0xFFFFFFFF  }
0xab: {  	s26 =	simm.s32 $execute0_lowered;
	[smem:$0x3FD2] =	sst s25  }
0xac: {  	s5 =	sshll.u32 s26, $0x1;
	_ =	strace $0x8000004C;
	[dreg:$0x1] =	wrdreg $0xFFFFFFFF  }
0xad: {  	s28 =	simm.s32 $_size_execute0_lowered;
	s3 =	sadd.s32 s3, s5;
	[dreg:$0x0] =	wrdreg $0x0  }
0xae: {  	s5 =	sshll.u32 s28, $0x1;
	[dreg:$0x2] =	wrdreg s3  }
0xaf: {  	[dreg:$0x3] =	wrdreg s5  }
0xb0: {  	[dreg:$0x4] =	wrdreg $0xC0  }
0xb1: {  	_ =	task [dreg:s7], $0x5FFFF  }
0xb2: {  	[dreg:$0x1] =	wrdreg $0xFFFFFFFF  }
0xb3: {  	[dreg:$0x0] =	wrdreg $0x60  }
0xb4: {  	[dreg:$0x2] =	wrdreg s24  }
0xb5: {  	[dreg:$0x3] =	wrdreg s16  }
0xb6: {  	[dreg:$0x4] =	wrdreg $0xC0000  }
0xb7: {  	[dreg:$0x5] =	wrdreg $0x9  }
0xb8: {  	_ =	task.clear_ibuf [dreg:s7], $0x6FFFF;
	_ =	strace $0x9000004C  }
0xb9: {  	s29 =	simm.s32 $0x9;
	_ =	strace $0x8000004E  }
0xba: {  	_ =	swait.ge [sflag:s29], $0x1  }
0xbb: {  	[sflag:s29] =	ssyncadd.s32 $0xFFFFFFFF  }
0xbc: {  	_ =	strace $0x9000004E  }
0xbd: {  	_ =	sfence  }
0xbe: {  	s30 =	sld [smem:$0x0];
	_ =	sdelay $0x2  }
0xbf: {  	s31 =	sshll.u32 s1, $0xD;
	s1 =	sshrl.u32 s1, $0x2  }
0xc0: {  	s3 =	sand.u32 $0x4000, s31;
	s1 =	sadd.s32 s1, s30  }
0xc1: {  	s0 =	sor.u32 s3, s0;
	s1 =	sshll.u32 s1, $0x11  }
0xc2: {  	s0 =	sor.u32 s1, s0  }
0xc3: {  	s0 =	sadd.s32 $0x8F2B, s0  }
0xc4: {  	[sflag:s0] =	ssyncadd.remote.s32 $0x1  }
0xc5: {  	_ =	sfence.sel $0xFFFF  }
0xc6: {  	[dreg:$0x0] =	wrdreg $0xFFFFFFFF;
	(pc) =	sbr.abs _section_cstart, $3  }
0xc7: {  	[dreg:$0x1] =	wrdreg $0xFFFFFFFF  }
0xc8: {  	_ =	task.clear_ibuf [dreg:s7], $0x2FFFF;
	_ =	strace $0x9FFFFFFF  }
0xc9: {  	(tm) =	ssettm $0x7FFFFFFF  }
tec
execute0_lowered:
.L_overlay_start_1:
0x0: {  	(tag) =	ssettag $0x1  }
0x1: {  	s14 =	rddreg [dreg:$0x0]  }
0x2: {  	s12 =	rddreg [dreg:$0x1]  }
0x3: {  	s2 =	rddreg [dreg:$0x2]  }
0x4: {  	s0 =	rddreg [dreg:$0x3];
	s1 =	stileid.u32  }
0x5: {  	s3 =	simm.s32 $0x0;
	s6 =	srdreg.scid;
	s5 =	smul.u32 $0x280, s1  }
0x6: {  	[smem:$0x7FF] =	sst s3;
	s7 =	smul.u32 $0x278, s1  }
0x7: {  	s4 =	sadd.s32 $0x39E00, s14;
	s13 =	sshll.u32 s1, $0xB;
	s26 =	smul.u32 $0x4F000, s1  }
0x8: {  	s20 =	sand.u32 $0x1, s6;
	s22 =	smul.u32 $0x2780, s1;
	_ =	strace $0x8000004D  }
0x9: {  	s15 =	sadd.s32 s13, s14;
	s28 =	ssub.s32 $0x2, s20;
	p0 =	seq.s32 s20, $0x0  }
0xa: {  	s12 =	sadd.s32 s12, s13;
	s11 =	sadd.s32 s5, s14;
	s16 =	sadd.s32 $0x80, s7  }
0xb: {  	s8 =	sshrl.u32 s28, $0x1;
	s6 =	sshrl.u32 s26, $0x2;
	s18 =	sadd.s32 $0x100, s7  }
0xc: {  	s19 =	sadd.s32 $0x180, s7;
	s21 =	sadd.s32 $0x200, s7;
	s13 =	sadd.s32 $0xA600, s15  }
0xd: {  	s15 =	simm.s32 $0x61600;
	s9 =	sshll.u32 s16, $0x7;
	s17 =	ssub.s32 s28, s8  }
0xe: {  	s5 =	sadd.s32 s6, s2;
	s29 =	sshll.u32 s18, $0x7;
	s30 =	sshll.u32 s19, $0x7  }
0xf: {  	s31 =	sshll.u32 s21, $0x7;
	s10 =	sadd.s32 $0x5600, s11;
	s11 =	sadd.s32 $0x7E00, s11  }
0x10: {  	s16 =	sshll.u32 s16, $0x4;
	s15 =	simm.s32 @!p0 $0x88E00;
	s18 =	sshll.u32 s18, $0x4  }
0x11: {  	s19 =	sshll.u32 s19, $0x4;
	s21 =	sshll.u32 s21, $0x4;
	p0 =	sne.s32 s20, $0x0  }
0x12: {  	s20 =	simm.s32 $0x8000;
	s6 =	sadd.s32 s9, s2;
	s7 =	sadd.s32 s29, s2  }
0x13: {  	s8 =	sadd.s32 s30, s2;
	s9 =	sadd.s32 s31, s2;
	s23 =	sadd.s32 s15, s14  }
0x14: {  	s14 =	smax.u32 s17, $0x1;
	s15 =	sadd.s32 s23, s22;
	s16 =	sadd.s32 s23, s16  }
0x15: {  	s17 =	sadd.s32 s23, s18;
	s18 =	sadd.s32 s23, s19;
	s19 =	sadd.s32 s23, s21  }
0x16: {  	v0 =	vimm.f32 $0.0e+00;
	s21 =	simm.s32 $0x1;
	s22 =	simm.s32 $0x80;
	s23 =	simm.s32 $0x0  }
.LBB2_1:
0x17: {  	s24 =	simm.s32 $0x0;
	s25 =	simm.s32 $0x200  }
.LBB2_2:
0x18: {  	p1 =	sne.s32 s25, $0xFE00;
	[tilespmem:s24+$0x8070] =	vst v0  }
0x19: {  	[tilespmem:s24+$0x8000] =	vst v0  }
0x1a: {  	[tilespmem:s24+$0x8010] =	vst v0  }
.Ltmp0:
0x1b: {  	[tilespmem:s24+$0x8020] =	vst v0;
	(pc) =	sbr.rel @p1 .LBB2_2-.Ltmp0, $4  }
0x1c: {  	[tilespmem:s24+$0x8030] =	vst v0  }
0x1d: {  	[tilespmem:s24+$0x8040] =	vst v0  }
0x1e: {  	[tilespmem:s24+$0x8050] =	vst v0  }
0x1f: {  	[tilespmem:s24+$0x8060] =	vst v0;
	s24 =	sshra.s32 s25, $0x2;
	s25 =	sadd.s32 $0x200, s25  }
0x20: {  	[tilespmem:s24+$0x8070] =	vst v0  }
0x21: {  	[tilespmem:s24+$0x8000] =	vst v0  }
0x22: {  	[tilespmem:s24+$0x8010] =	vst v0  }
0x23: {  	[tilespmem:s24+$0x8020] =	vst v0  }
0x24: {  	[tilespmem:s24+$0x8030] =	vst v0  }
0x25: {  	[tilespmem:s24+$0x8040] =	vst v0  }
0x26: {  	[tilespmem:s24+$0x8050] =	vst v0  }
0x27: {  	[tilespmem:s24+$0x8060] =	vst v0  }
0x28: {  	[spmem:s5] =	stream.linear.scatter [tilespmem:s20], [sflag:$0x1], $0x4000, $0x38;
	[tilespmem:$0x1FC00] =	vst v63  }
0x29: {  	_ =	swait.ge [sflag:s21], $0x4000  }
0x2a: {  	[sflag:s21] =	ssyncset.done $0x0  }
0x2b: {  	[sflag:s21] =	ssyncadd.s32 $0xFFFFC000  }
0x2c: {  	[spmem:s6] =	stream.linear.scatter [tilespmem:s20], [sflag:$0x1], $0x4000, $0x38;
	[tilespmem:$0x1FC00] =	vst v63  }
0x2d: {  	_ =	swait.ge [sflag:s21], $0x4000  }
0x2e: {  	[sflag:s21] =	ssyncset.done $0x0  }
0x2f: {  	[sflag:s21] =	ssyncadd.s32 $0xFFFFC000  }
0x30: {  	[spmem:s7] =	stream.linear.scatter [tilespmem:s20], [sflag:$0x1], $0x4000, $0x38;
	[tilespmem:$0x1FC00] =	vst v63  }
0x31: {  	_ =	swait.ge [sflag:s21], $0x4000  }
0x32: {  	[sflag:s21] =	ssyncset.done $0x0  }
0x33: {  	[sflag:s21] =	ssyncadd.s32 $0xFFFFC000  }
0x34: {  	[spmem:s8] =	stream.linear.scatter [tilespmem:s20], [sflag:$0x1], $0x4000, $0x38;
	[tilespmem:$0x1FC00] =	vst v63  }
0x35: {  	_ =	swait.ge [sflag:s21], $0x4000  }
0x36: {  	[sflag:s21] =	ssyncset.done $0x0  }
0x37: {  	[sflag:s21] =	ssyncadd.s32 $0xFFFFC000  }
0x38: {  	[spmem:s9] =	stream.linear.scatter [tilespmem:s20], [sflag:$0x1], $0x3C00, $0x38;
	[tilespmem:$0x1FC00] =	vst v63  }
0x39: {  	_ =	swait.ge [sflag:s21], $0x3C00  }
0x3a: {  	[sflag:s21] =	ssyncset.done $0x0  }
0x3b: {  	[sflag:s21] =	ssyncadd.s32 $0xFFFFC400  }
0x3c: {  	s24 =	simm.s32 @p0 $0x0;
	s25 =	simm.s32 @p0 $0x1;
	[bflag:$0x0] =	sbarrier.arrive $0xFFFF  }
0x3d: {  	[tilespmem:s24], [sflag:$0x1] =	stream.linear.gather @p0 [hbm4b:s10+s24], $0x1200, $0x38;
	[tilespmem:$0x1FC00] =	vst v63  }
0x3e: {  	_ =	swait.ge @p0 [sflag:s25], $0x1200  }
0x3f: {  	[sflag:s25] =	ssyncset.done @p0 $0x0  }
0x40: {  	s26 =	simm.s32 @p0 $0x4000;
	[sflag:s25] =	ssyncadd.s32 @p0 $0xFFFFEE00  }
0x41: {  	[tilespmem:s26], [sflag:$0x1] =	stream.linear.gather @p0 [hbm4b:s11+s24], $0x1200, $0x38;
	[tilespmem:$0x1FC00] =	vst v63  }
0x42: {  	_ =	swait.ge @p0 [sflag:s25], $0x1200  }
0x43: {  	[sflag:s25] =	ssyncset.done @p0 $0x0  }
0x44: {  	s24 =	simm.s32 @!p0 $0x0;
	[sflag:s25] =	ssyncadd.s32 @p0 $0xFFFFEE00;
	s25 =	simm.s32 @!p0 $0x1  }
0x45: {  	[tilespmem:s24], [sflag:$0x1] =	stream.linear.gather @!p0 [hbm4b:s12+s24], $0x3D00, $0x38;
	[tilespmem:$0x1FC00] =	vst v63  }
0x46: {  	_ =	swait.ge @!p0 [sflag:s25], $0x3D00  }
0x47: {  	[sflag:s25] =	ssyncset.done @!p0 $0x0  }
0x48: {  	s26 =	simm.s32 @!p0 $0x4000;
	[sflag:s25] =	ssyncadd.s32 @!p0 $0xFFFFC300  }
0x49: {  	[tilespmem:s26], [sflag:$0x1] =	stream.linear.gather @!p0 [hbm4b:s13+s24], $0x3D00, $0x38;
	[tilespmem:$0x1FC00] =	vst v63  }
0x4a: {  	_ =	swait.ge @!p0 [sflag:s25], $0x3D00  }
0x4b: {  	s26 =	simm.s32 @!p0 $0x7A;
	[sflag:s25] =	ssyncset.done @!p0 $0x0  }
0x4c: {  	s24 =	simm.s32 $0x0;
	s26 =	simm.s32 @p0 $0x24;
	[sflag:s25] =	ssyncadd.s32 @!p0 $0xFFFFC300  }
0x4d: {  	[tilespmem:s20], [sflag:$0x1] =	stream.indirect.gather [hbm4b:s4+s22], $0x80, s24, s22, $0xb8;
	[tilespmem:$0x1FC00] =	vst v63  }
0x4e: {  	p1 =	sne.s32 s26, $0x1;
	_ =	swait.ge [sflag:s21], $0x4000  }
.Ltmp1:
0x4f: {  	[sflag:s21] =	ssyncset.done $0x0;
	(pc) =	sbr.rel @!p1 .LBB2_5-.Ltmp1, $4  }
0x50: {  	s25 =	simm.s32 $0x4000;
	[sflag:s21] =	ssyncadd.s32 $0xFFFFC000  }
0x51: {  	[spmem:s2] =	stream.indirect.scatter.add.f32 [tilespmem:s20], [sflag:$0x1], $0x80, s25, s22, $0xb8;
	[tilespmem:$0x1FC00] =	vst v63  }
0x52: {  	_ =	swait.ge [sflag:s21], $0x4000  }
0x53: {  	s26 =	sadd.s32 $0xFFFFFFFF, s26;
	[sflag:s21] =	ssyncset.done $0x0  }
.LBB2_4:
0x54: {  	[sflag:s21] =	ssyncadd.s32 $0xFFFFC000;
	s24 =	sadd.s32 $0x80, s24;
	s25 =	sadd.s32 $0x80, s25  }
0x55: {  	[tilespmem:s20], [sflag:$0x1] =	stream.indirect.gather [hbm4b:s4+s22], $0x80, s24, s22, $0xb8;
	[tilespmem:$0x1FC00] =	vst v63  }
0x56: {  	p1 =	sne.s32 s26, $0x1;
	s26 =	sadd.s32 $0xFFFFFFFF, s26;
	_ =	swait.ge [sflag:s21], $0x4000  }
.Ltmp2:
0x57: {  	[sflag:s21] =	ssyncset.done $0x0;
	(pc) =	sbr.rel @p1 .LBB2_4-.Ltmp2, $4  }
0x58: {  	[sflag:s21] =	ssyncadd.s32 $0xFFFFC000  }
0x59: {  	[spmem:s2] =	stream.indirect.scatter.add.f32 [tilespmem:s20], [sflag:$0x1], $0x80, s25, s22, $0xb8;
	[tilespmem:$0x1FC00] =	vst v63  }
0x5a: {  	_ =	swait.ge [sflag:s21], $0x4000  }
0x5b: {  	[sflag:s21] =	ssyncset.done $0x0  }
.LBB2_5:
0x5c: {  	[sflag:s21] =	ssyncadd.s32 $0xFFFFC000  }
0x5d: {  	[bflag:$0x0] =	sbarrier.arrive $0xFFFF  }
0x5e: {  	[tilespmem:s20], [sflag:$0x1] =	stream.linear.gather [spmem:s5], $0x4000, $0x38;
	[tilespmem:$0x1FC00] =	vst v63  }
0x5f: {  	_ =	swait.ge [sflag:s21], $0x4000  }
0x60: {  	[sflag:s21] =	ssyncset.done $0x0  }
0x61: {  	[sflag:s21] =	ssyncadd.s32 $0xFFFFC000  }
0x62: {  	[hbm4b:s15+s3] =	stream.linear.scatter [tilespmem:s20], [sflag:$0x1], $0x4000, $0x38;
	[tilespmem:$0x1FC00] =	vst v63  }
0x63: {  	_ =	swait.ge [sflag:s21], $0x4000  }
0x64: {  	[sflag:s21] =	ssyncset.done $0x0  }
0x65: {  	[sflag:s21] =	ssyncadd.s32 $0xFFFFC000  }
0x66: {  	[tilespmem:s20], [sflag:$0x1] =	stream.linear.gather [spmem:s6], $0x4000, $0x38;
	[tilespmem:$0x1FC00] =	vst v63  }
0x67: {  	_ =	swait.ge [sflag:s21], $0x4000  }
0x68: {  	[sflag:s21] =	ssyncset.done $0x0  }
0x69: {  	[sflag:s21] =	ssyncadd.s32 $0xFFFFC000  }
0x6a: {  	[hbm4b:s16+s3] =	stream.linear.scatter [tilespmem:s20], [sflag:$0x1], $0x4000, $0x38;
	[tilespmem:$0x1FC00] =	vst v63  }
0x6b: {  	_ =	swait.ge [sflag:s21], $0x4000  }
0x6c: {  	[sflag:s21] =	ssyncset.done $0x0  }
0x6d: {  	[sflag:s21] =	ssyncadd.s32 $0xFFFFC000  }
0x6e: {  	[tilespmem:s20], [sflag:$0x1] =	stream.linear.gather [spmem:s7], $0x4000, $0x38;
	[tilespmem:$0x1FC00] =	vst v63  }
0x6f: {  	_ =	swait.ge [sflag:s21], $0x4000  }
0x70: {  	[sflag:s21] =	ssyncset.done $0x0  }
0x71: {  	[sflag:s21] =	ssyncadd.s32 $0xFFFFC000  }
0x72: {  	[hbm4b:s17+s3] =	stream.linear.scatter [tilespmem:s20], [sflag:$0x1], $0x4000, $0x38;
	[tilespmem:$0x1FC00] =	vst v63  }
0x73: {  	_ =	swait.ge [sflag:s21], $0x4000  }
0x74: {  	[sflag:s21] =	ssyncset.done $0x0  }
0x75: {  	[sflag:s21] =	ssyncadd.s32 $0xFFFFC000  }
0x76: {  	[tilespmem:s20], [sflag:$0x1] =	stream.linear.gather [spmem:s8], $0x4000, $0x38;
	[tilespmem:$0x1FC00] =	vst v63  }
0x77: {  	_ =	swait.ge [sflag:s21], $0x4000  }
0x78: {  	[sflag:s21] =	ssyncset.done $0x0  }
0x79: {  	[sflag:s21] =	ssyncadd.s32 $0xFFFFC000  }
0x7a: {  	[hbm4b:s18+s3] =	stream.linear.scatter [tilespmem:s20], [sflag:$0x1], $0x4000, $0x38;
	[tilespmem:$0x1FC00] =	vst v63  }
0x7b: {  	_ =	swait.ge [sflag:s21], $0x4000  }
0x7c: {  	[sflag:s21] =	ssyncset.done $0x0  }
0x7d: {  	[sflag:s21] =	ssyncadd.s32 $0xFFFFC000  }
0x7e: {  	[tilespmem:s20], [sflag:$0x1] =	stream.linear.gather [spmem:s9], $0x3C00, $0x38;
	[tilespmem:$0x1FC00] =	vst v63  }
0x7f: {  	s23 =	sadd.s32 $0x1, s23;
	_ =	swait.ge [sflag:s21], $0x3C00  }
0x80: {  	p1 =	sne.s32 s23, s14;
	[sflag:s21] =	ssyncset.done $0x0  }
.Ltmp3:
0x81: {  	[sflag:s21] =	ssyncadd.s32 $0xFFFFC400;
	(pc) =	sbr.rel @p1 .LBB2_1-.Ltmp3, $4  }
0x82: {  	[hbm4b:s19+s3] =	stream.linear.scatter [tilespmem:s20], [sflag:$0x1], $0x3C00, $0x38;
	[tilespmem:$0x1FC00] =	vst v63  }
0x83: {  	_ =	swait.ge [sflag:s21], $0x3C00  }
0x84: {  	[sflag:s21] =	ssyncset.done $0x0  }
0x85: {  	[sflag:s21] =	ssyncadd.s32 $0xFFFFC400  }
0x86: {  	_ =	sfence.sel $0x180000  }
0x87: {  	[bflag:$0x0] =	sbarrier.arrive $0xFFFF  }
0x88: {  	p0 =	sne.s32 s1, $0x0;
	_ =	strace $0x9000004D  }
0x89: {  	s0 =	sadd.s32 @!p0 $0x100000, s0;
	[bflag:$0x2] =	sbarrier.arrive $0xFFFF  }
0x8a: {  	[sflag:s0] =	ssyncadd.tile.s32 @!p0 $0x1;
	_ =	shalt  }
.Lfunc_end2:
_tile_overlayer_lowered:
.L_overlay_start_2:
0x8b: {  	(tag) =	ssettag $0x2  }
0x8c: {  	s0 =	rddreg [dreg:$0x0];
	s2 =	stileid.u32  }
0x8d: {  	s1 =	rddreg [dreg:$0x1];
	p0 =	sne.s32 s2, $0x0  }
0x8e: {  	s3 =	rddreg [dreg:$0x2];
	[bflag:$0x3] =	sbarrier.arrive $0xFFFF;
	s2 =	simm.s32 @!p0 $0x1C01  }
0x8f: {  	[timem:s3], [sflag:s2] =	dma.local @!p0 [hbm:s0], s1  }
0x90: {  	s0 =	simm.s32 @!p0 $0x1  }
0x91: {  	_ =	swait.ge @!p0 [sflag:s0], s1  }
0x92: {  	s1 =	ssub.s32 @!p0 $0x0, s1;
	[sflag:s0] =	ssyncset.done @!p0 $0x0  }
0x93: {  	[sflag:s0] =	ssyncadd.s32 @!p0 s1  }
0x94: {  	[bflag:$0x3] =	sbarrier.arrive $0xFFFF  }
0x95: {  	_ =	shalt  }

// kernel: kernel.22.cloned.1.call-start
scs
__scs_entry_jumppad:
0x0: {  	(pc) =	sbr.rel $0x88, $3  }
0x1: {  	(tag) =	ssettag $0x0;
	lr =	simm.s32 $0x1  }
0x2: {  	[smem:$0x3F94] =	sst lr;
	_ =	strace $0xD0000000  }
0x3: {  	_ = 	snop  }
0x4: {  	_ = 	snop  }
0x5: {  	_ = 	snop  }
0x6: {  	_ = 	snop  }
0x7: {  	_ = 	snop  }
__scs_overlays_trampoline_lowered:
0x8: {  	[smem:$0x3FA3] =	sst s0  }
0x9: {  	[smem:$0x3FA4] =	sst s1  }
0xa: {  	[smem:$0x3FA5] =	sst s2  }
0xb: {  	[smem:$0x3FA6] =	sst s3  }
0xc: {  	[smem:$0x3FA7] =	sst s4  }
0xd: {  	[smem:$0x3FA8] =	sst s5  }
0xe: {  	[smem:$0x3FA9] =	sst s6  }
0xf: {  	[smem:$0x3FAA] =	sst s7  }
0x10: {  	[smem:$0x3FAB] =	sst s8  }
0x11: {  	[smem:$0x3FAC] =	sst s9;
	s0 =	simm.s32 @!p0 $0x0  }
0x12: {  	s1 =	sld [smem:$0x3F92];
	s0 =	simm.s32 @p0 $0x1  }
0x13: {  	[smem:$0x3FAD] =	sst s0;
	s0 =	simm.s32 @!p1 $0x0  }
0x14: {  	s2 =	sld [smem:$0x3F91];
	s0 =	simm.s32 @p1 $0x1  }
0x15: {  	[smem:$0x3FAE] =	sst s0;
	s0 =	simm.s32 @!p2 $0x0  }
0x16: {  	s3 =	sld [smem:$0x3FDB];
	s0 =	simm.s32 @p2 $0x1  }
0x17: {  	s4 =	simm.s32 $0x1BF5;
	[smem:$0x3FB0] =	sst s0  }
0x18: {  	s0 =	sld [smem:$0x3F93];
	_ =	swait.ge [sflag:s4], $0x0  }
0x19: {  	s7 =	sld [smem:$0x3F94]  }
0x1a: {  	s8 =	sadd.s32 $0xFFFFE003, lr  }
0x1b: {  	s9 =	sadd.s32 $0xFFFFFEF7, lr;
	s5 =	simm.s32 $0xFFFFFFFF;
	p2 =	slt.u32 s8, $0xFFFFF086  }
0x1c: {  	p1 =	slt.u32 s9, $0xF7A;
	s5 =	simm.s32 @!p2 $0x0  }
0x1d: {  	s5 =	simm.s32 @p1 $0x1;
	p0 =	seq.s32 s7, s2  }
0x1e: {  	s7 =	smul.u32 @!p0 $0xF7A, s2;
	p2 =	seq.s32 @!p0 s5, $0x0  }
0x1f: {  	s9 =	smul.u32 $0xF7A, s1;
	s8 =	simm.s32 @!p0 $0x1BF5;
	p2 =	por !p2, p0  }
0x20: {  	[sflag:s8] =	ssyncset.s32 @!p0 $0xFFFFF086;
	s6 =	sadd.s32 @!p0 s3, s7;
	s7 =	simm.s32 @!p0 $0x108  }
0x21: {  	s3 =	sadd.s32 s3, s9;
	s6 =	sadd.s32 @!p0 $0x88, s6;
	s7 =	simm.s32 @p2 $0x1082  }
0x22: {  	[simem:s7], [sflag:s8] =	dma.local @!p0 [hbm:s6], $0xF7A  }
0x23: {  	s9 =	sor.u32 $0xD0000000, s2;
	s6 =	simm.s32 $0x108;
	_ =	swait.ge @!p0 [sflag:s8], $0x0  }
0x24: {  	s3 =	sadd.s32 $0x88, s3;
	s6 =	simm.s32 @!p1 $0x1082;
	[sflag:s4] =	ssyncset.s32 $0xFFFFF086  }
0x25: {  	[simem:s6], [sflag:s4] =	dma.local [hbm:s3], $0xF7A  }
0x26: {  	[smem:$0x3F94] =	sst s1;
	(tag) =	ssettag s2;
	_ =	strace s9  }
0x27: {  	s1 =	sld [smem:$0x3FA4]  }
0x28: {  	s2 =	sld [smem:$0x3FA5]  }
0x29: {  	s4 =	sld [smem:$0x3FA7]  }
0x2a: {  	p0 =	seq.s32 s5, $0x0;
	s5 =	sld [smem:$0x3FA8]  }
0x2b: {  	s6 =	sld [smem:$0x3FA9]  }
0x2c: {  	s7 =	sld [smem:$0x3FAA]  }
0x2d: {  	s3 =	simm.s32 $0x108;
	s8 =	sld [smem:$0x3FAB]  }
0x2e: {  	s3 =	simm.s32 @!p0 $0x1082;
	s9 =	sld [smem:$0x3FAC]  }
0x2f: {  	lr =	sadd.s32 s0, s3;
	s0 =	sld [smem:$0x3FA3]  }
0x30: {  	s3 =	sld [smem:$0x3FA6]  }
0x31: {  	[smem:$0x3FAF] =	sst s10  }
0x32: {  	s10 =	sld [smem:$0x3FAD];
	_ =	sdelay $0x3  }
0x33: {  	p0 =	seq.s32 s10, $0x1;
	s10 =	sld [smem:$0x3FAF];
	_ =	sdelay $0x3  }
0x34: {  	[smem:$0x3FAF] =	sst s10  }
0x35: {  	s10 =	sld [smem:$0x3FAE];
	_ =	sdelay $0x3  }
0x36: {  	p1 =	seq.s32 s10, $0x1;
	s10 =	sld [smem:$0x3FAF];
	_ =	sdelay $0x3  }
0x37: {  	[smem:$0x3FAF] =	sst s10  }
0x38: {  	s10 =	sld [smem:$0x3FB0]  }
0x39: {  	_ = 	snop;
	(pc) =	sbr.ind lr, $3  }
0x3a: {  	_ = 	snop  }
0x3b: {  	_ = 	snop  }
0x3c: {  	p2 =	seq.s32 s10, $0x1;
	s10 =	sld [smem:$0x3FAF]  }
0x3d: {  	_ =	shalt  }
0x3e: {  	_ =	shalt  }
0x3f: {  	_ =	shalt  }
0x40: {  	_ =	shalt  }
0x41: {  	_ =	shalt  }
0x42: {  	_ =	shalt  }
0x43: {  	_ =	shalt  }
0x44: {  	_ =	shalt  }
0x45: {  	_ =	shalt  }
0x46: {  	_ =	shalt  }
0x47: {  	_ =	shalt  }
0x48: {  	_ =	shalt  }
0x49: {  	_ =	shalt  }
0x4a: {  	_ =	shalt  }
0x4b: {  	_ =	shalt  }
0x4c: {  	_ =	shalt  }
0x4d: {  	_ =	shalt  }
0x4e: {  	_ =	shalt  }
0x4f: {  	_ =	shalt  }
0x50: {  	_ =	shalt  }
0x51: {  	_ =	shalt  }
0x52: {  	_ =	shalt  }
0x53: {  	_ =	shalt  }
0x54: {  	_ =	shalt  }
0x55: {  	_ =	shalt  }
0x56: {  	_ =	shalt  }
0x57: {  	_ =	shalt  }
0x58: {  	_ =	shalt  }
0x59: {  	_ =	shalt  }
0x5a: {  	_ =	shalt  }
0x5b: {  	_ =	shalt  }
0x5c: {  	_ =	shalt  }
0x5d: {  	_ =	shalt  }
0x5e: {  	_ =	shalt  }
0x5f: {  	_ =	shalt  }
0x60: {  	_ =	shalt  }
0x61: {  	_ =	shalt  }
0x62: {  	_ =	shalt  }
0x63: {  	_ =	shalt  }
0x64: {  	_ =	shalt  }
0x65: {  	_ =	shalt  }
0x66: {  	_ =	shalt  }
0x67: {  	_ =	shalt  }
0x68: {  	_ =	shalt  }
0x69: {  	_ =	shalt  }
0x6a: {  	_ =	shalt  }
0x6b: {  	_ =	shalt  }
0x6c: {  	_ =	shalt  }
0x6d: {  	_ =	shalt  }
0x6e: {  	_ =	shalt  }
0x6f: {  	_ =	shalt  }
0x70: {  	_ =	shalt  }
0x71: {  	_ =	shalt  }
0x72: {  	_ =	shalt  }
0x73: {  	_ =	shalt  }
0x74: {  	_ =	shalt  }
0x75: {  	_ =	shalt  }
0x76: {  	_ =	shalt  }
0x77: {  	_ =	shalt  }
0x78: {  	_ =	shalt  }
0x79: {  	_ =	shalt  }
0x7a: {  	_ =	shalt  }
0x7b: {  	_ =	shalt  }
0x7c: {  	_ =	shalt  }
0x7d: {  	_ =	shalt  }
0x7e: {  	_ =	shalt  }
0x7f: {  	_ =	shalt  }
0x80: {  	_ =	shalt  }
0x81: {  	_ =	shalt  }
0x82: {  	_ =	shalt  }
0x83: {  	_ =	shalt  }
0x84: {  	_ =	shalt  }
0x85: {  	_ =	shalt  }
0x86: {  	_ =	shalt  }
0x87: {  	_ =	shalt  }
.Lfunc_end0:
.L_simem_size_0:
called_computation.3_lowered:
.L_overlay_start_0:
0x88: {  	s2 =	sld [smem:$0x3FD9]  }
0x89: {  	s3 =	sld [smem:$0x3FFE];
	_ =	sdelay $0x1  }
0x8a: {  	s1 =	srdreg.scid  }
0x8b: {  	s0 =	sand.u32 $0x1, s1  }
0x8c: {  	s14 =	sshll.u32 s0, $0xA;
	s2 =	sadd.s32 s3, s2  }
0x8d: {  	s2 =	sadd.s32 s2, s14  }
0x8e: {  	[smem:$0x3FBB] =	sst s2  }
0x8f: {  	_ = 	snop  }
0x90: {  	s2 =	sld [smem:$0x3FD0];
	_ =	sdelay $0x2  }
0x91: {  	s15 =	simm.s32 $0xA;
	s4 =	simm.s32 $0x10  }
0x92: {  	[smem:s4], [sflag:s15] =	dma.local [hbm:s2], $0x1  }
0x93: {  	_ =	swait.eq [sflag:s15], $0x1  }
0x94: {  	[sflag:s15] =	ssyncset.done $0x0  }
0x95: {  	[sflag:s15] =	ssyncadd.s32 $0xFFFFFFFF  }
0x96: {  	s16 =	sld [smem:$0x10];
	(tm) =	ssettm $0x1  }
0x97: {  	s17 =	sld [smem:$0x3FFB];
	_ =	sdelay $0x3  }
0x98: {  	_ =	strace s17  }
0x99: {  	s3 =	sld [smem:$0x3FFC];
	_ =	sdelay $0x3  }
0x9a: {  	_ =	strace s3  }
0x9b: {  	s3 =	sld [smem:$0x3FFD];
	_ =	sdelay $0x3  }
0x9c: {  	_ =	strace s3  }
0x9d: {  	_ =	strace $0x8FFFFFFF  }
0x9e: {  	s18 =	sld [smem:$0x3FDB];
	_ =	sdelay $0x1  }
0x9f: {  	s19 =	simm.s32 $_scs_section_size  }
0xa0: {  	s5 =	simm.s32 $_size__tile_overlayer_lowered;
	s6 =	simm.s32 $_tile_overlayer_lowered  }
0xa1: {  	s22 =	simm.s32 $0x1BFF;
	s21 =	sshll.u32 s6, $0x1;
	s3 =	sadd.s32 s19, s18  }
0xa2: {  	s7 =	simm.s32 $0x0;
	s20 =	sshll.u32 s5, $0x1;
	s5 =	sadd.s32 s21, s3  }
0xa3: {  	[timem:s7], [sflag:s22] =	dma.local [hbm:s5], s20  }
0xa4: {  	_ =	swait.ge [sflag:s22], s20  }
0xa5: {  	s4 =	ssub.s32 $0x0, s20;
	[sflag:s22] =	ssyncset.done $0x0  }
0xa6: {  	[sflag:s22] =	ssyncadd.s32 s4;
	_ =	sdelay $0x1  }
0xa7: {  	s23 =	simm.s32 $0x1B8B  }
0xa8: {  	_ =	swait.ge [sflag:s23], $0x1  }
0xa9: {  	[sflag:s23] =	ssyncset.done $0x0  }
0xaa: {  	s25 =	simm.s32 $0x1B8E;
	s24 =	sld [smem:$0x3FFE];
	[sflag:s23] =	ssyncadd.s32 $0xFFFFFFFF  }
0xab: {  	s26 =	simm.s32 $execute0_lowered;
	[smem:$0x3FD2] =	sst s25  }
0xac: {  	s5 =	sshll.u32 s26, $0x1;
	_ =	strace $0x8000004F;
	[dreg:$0x1] =	wrdreg $0xFFFFFFFF  }
0xad: {  	s28 =	simm.s32 $_size_execute0_lowered;
	s3 =	sadd.s32 s3, s5;
	[dreg:$0x0] =	wrdreg $0x0  }
0xae: {  	s5 =	sshll.u32 s28, $0x1;
	[dreg:$0x2] =	wrdreg s3  }
0xaf: {  	[dreg:$0x3] =	wrdreg s5  }
0xb0: {  	[dreg:$0x4] =	wrdreg $0xC0  }
0xb1: {  	_ =	task [dreg:s7], $0x5FFFF  }
0xb2: {  	[dreg:$0x1] =	wrdreg $0xFFFFFFFF  }
0xb3: {  	[dreg:$0x0] =	wrdreg $0x60  }
0xb4: {  	[dreg:$0x2] =	wrdreg s24  }
0xb5: {  	[dreg:$0x3] =	wrdreg s16  }
0xb6: {  	[dreg:$0x4] =	wrdreg $0xC0000  }
0xb7: {  	[dreg:$0x5] =	wrdreg $0x9  }
0xb8: {  	_ =	task.clear_ibuf [dreg:s7], $0x6FFFF;
	_ =	strace $0x9000004F  }
0xb9: {  	s29 =	simm.s32 $0x9;
	_ =	strace $0x80000051  }
0xba: {  	_ =	swait.ge [sflag:s29], $0x1  }
0xbb: {  	[sflag:s29] =	ssyncadd.s32 $0xFFFFFFFF  }
0xbc: {  	_ =	strace $0x90000051  }
0xbd: {  	_ =	sfence  }
0xbe: {  	s30 =	sld [smem:$0x0];
	_ =	sdelay $0x2  }
0xbf: {  	s31 =	sshll.u32 s1, $0xD;
	s1 =	sshrl.u32 s1, $0x2  }
0xc0: {  	s3 =	sand.u32 $0x4000, s31;
	s1 =	sadd.s32 s1, s30  }
0xc1: {  	s0 =	sor.u32 s3, s0;
	s1 =	sshll.u32 s1, $0x11  }
0xc2: {  	s0 =	sor.u32 s1, s0  }
0xc3: {  	s0 =	sadd.s32 $0x8F2B, s0  }
0xc4: {  	[sflag:s0] =	ssyncadd.remote.s32 $0x1  }
0xc5: {  	_ =	sfence.sel $0xFFFF  }
0xc6: {  	[dreg:$0x0] =	wrdreg $0xFFFFFFFF;
	(pc) =	sbr.abs _section_cstart, $3  }
0xc7: {  	[dreg:$0x1] =	wrdreg $0xFFFFFFFF  }
0xc8: {  	_ =	task.clear_ibuf [dreg:s7], $0x2FFFF;
	_ =	strace $0x9FFFFFFF  }
0xc9: {  	(tm) =	ssettm $0x7FFFFFFF  }
tec
execute0_lowered:
.L_overlay_start_1:
0x0: {  	(tag) =	ssettag $0x1  }
0x1: {  	s14 =	rddreg [dreg:$0x0]  }
0x2: {  	s12 =	rddreg [dreg:$0x1]  }
0x3: {  	s2 =	rddreg [dreg:$0x2]  }
0x4: {  	s0 =	rddreg [dreg:$0x3];
	s1 =	stileid.u32  }
0x5: {  	s3 =	simm.s32 $0x0;
	s6 =	srdreg.scid;
	s5 =	smul.u32 $0x280, s1  }
0x6: {  	[smem:$0x7FF] =	sst s3;
	s7 =	smul.u32 $0x278, s1  }
0x7: {  	s4 =	sadd.s32 $0x61600, s14;
	s13 =	sshll.u32 s1, $0xB;
	s26 =	smul.u32 $0x4F000, s1  }
0x8: {  	s20 =	sand.u32 $0x1, s6;
	s22 =	smul.u32 $0x2780, s1;
	_ =	strace $0x80000050  }
0x9: {  	s15 =	sadd.s32 s13, s14;
	s28 =	ssub.s32 $0x2, s20;
	p0 =	seq.s32 s20, $0x0  }
0xa: {  	s12 =	sadd.s32 s12, s13;
	s11 =	sadd.s32 s5, s14;
	s16 =	sadd.s32 $0x80, s7  }
0xb: {  	s8 =	sshrl.u32 s28, $0x1;
	s6 =	sshrl.u32 s26, $0x2;
	s18 =	sadd.s32 $0x100, s7  }
0xc: {  	s19 =	sadd.s32 $0x180, s7;
	s21 =	sadd.s32 $0x200, s7;
	s13 =	sadd.s32 $0xA600, s15  }
0xd: {  	s15 =	simm.s32 $0x88E00;
	s9 =	sshll.u32 s16, $0x7;
	s17 =	ssub.s32 s28, s8  }
0xe: {  	s5 =	sadd.s32 s6, s2;
	s29 =	sshll.u32 s18, $0x7;
	s30 =	sshll.u32 s19, $0x7  }
0xf: {  	s31 =	sshll.u32 s21, $0x7;
	s10 =	sadd.s32 $0x5600, s11;
	s11 =	sadd.s32 $0x7E00, s11  }
0x10: {  	s16 =	sshll.u32 s16, $0x4;
	s15 =	simm.s32 @!p0 $0xB0600;
	s18 =	sshll.u32 s18, $0x4  }
0x11: {  	s19 =	sshll.u32 s19, $0x4;
	s21 =	sshll.u32 s21, $0x4;
	p0 =	sne.s32 s20, $0x0  }
0x12: {  	s20 =	simm.s32 $0x8000;
	s6 =	sadd.s32 s9, s2;
	s7 =	sadd.s32 s29, s2  }
0x13: {  	s8 =	sadd.s32 s30, s2;
	s9 =	sadd.s32 s31, s2;
	s23 =	sadd.s32 s15, s14  }
0x14: {  	s14 =	smax.u32 s17, $0x1;
	s15 =	sadd.s32 s23, s22;
	s16 =	sadd.s32 s23, s16  }
0x15: {  	s17 =	sadd.s32 s23, s18;
	s18 =	sadd.s32 s23, s19;
	s19 =	sadd.s32 s23, s21  }
0x16: {  	v0 =	vimm.f32 $0.0e+00;
	s21 =	simm.s32 $0x1;
	s22 =	simm.s32 $0x80;
	s23 =	simm.s32 $0x0  }
.LBB2_1:
0x17: {  	s24 =	simm.s32 $0x0;
	s25 =	simm.s32 $0x200  }
.LBB2_2:
0x18: {  	p1 =	sne.s32 s25, $0xFE00;
	[tilespmem:s24+$0x8070] =	vst v0  }
0x19: {  	[tilespmem:s24+$0x8000] =	vst v0  }
0x1a: {  	[tilespmem:s24+$0x8010] =	vst v0  }
.Ltmp0:
0x1b: {  	[tilespmem:s24+$0x8020] =	vst v0;
	(pc) =	sbr.rel @p1 .LBB2_2-.Ltmp0, $4  }
0x1c: {  	[tilespmem:s24+$0x8030] =	vst v0  }
0x1d: {  	[tilespmem:s24+$0x8040] =	vst v0  }
0x1e: {  	[tilespmem:s24+$0x8050] =	vst v0  }
0x1f: {  	[tilespmem:s24+$0x8060] =	vst v0;
	s24 =	sshra.s32 s25, $0x2;
	s25 =	sadd.s32 $0x200, s25  }
0x20: {  	[tilespmem:s24+$0x8070] =	vst v0  }
0x21: {  	[tilespmem:s24+$0x8000] =	vst v0  }
0x22: {  	[tilespmem:s24+$0x8010] =	vst v0  }
0x23: {  	[tilespmem:s24+$0x8020] =	vst v0  }
0x24: {  	[tilespmem:s24+$0x8030] =	vst v0  }
0x25: {  	[tilespmem:s24+$0x8040] =	vst v0  }
0x26: {  	[tilespmem:s24+$0x8050] =	vst v0  }
0x27: {  	[tilespmem:s24+$0x8060] =	vst v0  }
0x28: {  	[spmem:s5] =	stream.linear.scatter [tilespmem:s20], [sflag:$0x1], $0x4000, $0x38;
	[tilespmem:$0x1FC00] =	vst v63  }
0x29: {  	_ =	swait.ge [sflag:s21], $0x4000  }
0x2a: {  	[sflag:s21] =	ssyncset.done $0x0  }
0x2b: {  	[sflag:s21] =	ssyncadd.s32 $0xFFFFC000  }
0x2c: {  	[spmem:s6] =	stream.linear.scatter [tilespmem:s20], [sflag:$0x1], $0x4000, $0x38;
	[tilespmem:$0x1FC00] =	vst v63  }
0x2d: {  	_ =	swait.ge [sflag:s21], $0x4000  }
0x2e: {  	[sflag:s21] =	ssyncset.done $0x0  }
0x2f: {  	[sflag:s21] =	ssyncadd.s32 $0xFFFFC000  }
0x30: {  	[spmem:s7] =	stream.linear.scatter [tilespmem:s20], [sflag:$0x1], $0x4000, $0x38;
	[tilespmem:$0x1FC00] =	vst v63  }
0x31: {  	_ =	swait.ge [sflag:s21], $0x4000  }
0x32: {  	[sflag:s21] =	ssyncset.done $0x0  }
0x33: {  	[sflag:s21] =	ssyncadd.s32 $0xFFFFC000  }
0x34: {  	[spmem:s8] =	stream.linear.scatter [tilespmem:s20], [sflag:$0x1], $0x4000, $0x38;
	[tilespmem:$0x1FC00] =	vst v63  }
0x35: {  	_ =	swait.ge [sflag:s21], $0x4000  }
0x36: {  	[sflag:s21] =	ssyncset.done $0x0  }
0x37: {  	[sflag:s21] =	ssyncadd.s32 $0xFFFFC000  }
0x38: {  	[spmem:s9] =	stream.linear.scatter [tilespmem:s20], [sflag:$0x1], $0x3C00, $0x38;
	[tilespmem:$0x1FC00] =	vst v63  }
0x39: {  	_ =	swait.ge [sflag:s21], $0x3C00  }
0x3a: {  	[sflag:s21] =	ssyncset.done $0x0  }
0x3b: {  	[sflag:s21] =	ssyncadd.s32 $0xFFFFC400  }
0x3c: {  	s24 =	simm.s32 @p0 $0x0;
	s25 =	simm.s32 @p0 $0x1;
	[bflag:$0x0] =	sbarrier.arrive $0xFFFF  }
0x3d: {  	[tilespmem:s24], [sflag:$0x1] =	stream.linear.gather @p0 [hbm4b:s10+s24], $0x1200, $0x38;
	[tilespmem:$0x1FC00] =	vst v63  }
0x3e: {  	_ =	swait.ge @p0 [sflag:s25], $0x1200  }
0x3f: {  	[sflag:s25] =	ssyncset.done @p0 $0x0  }
0x40: {  	s26 =	simm.s32 @p0 $0x4000;
	[sflag:s25] =	ssyncadd.s32 @p0 $0xFFFFEE00  }
0x41: {  	[tilespmem:s26], [sflag:$0x1] =	stream.linear.gather @p0 [hbm4b:s11+s24], $0x1200, $0x38;
	[tilespmem:$0x1FC00] =	vst v63  }
0x42: {  	_ =	swait.ge @p0 [sflag:s25], $0x1200  }
0x43: {  	[sflag:s25] =	ssyncset.done @p0 $0x0  }
0x44: {  	s24 =	simm.s32 @!p0 $0x0;
	[sflag:s25] =	ssyncadd.s32 @p0 $0xFFFFEE00;
	s25 =	simm.s32 @!p0 $0x1  }
0x45: {  	[tilespmem:s24], [sflag:$0x1] =	stream.linear.gather @!p0 [hbm4b:s12+s24], $0x3D00, $0x38;
	[tilespmem:$0x1FC00] =	vst v63  }
0x46: {  	_ =	swait.ge @!p0 [sflag:s25], $0x3D00  }
0x47: {  	[sflag:s25] =	ssyncset.done @!p0 $0x0  }
0x48: {  	s26 =	simm.s32 @!p0 $0x4000;
	[sflag:s25] =	ssyncadd.s32 @!p0 $0xFFFFC300  }
0x49: {  	[tilespmem:s26], [sflag:$0x1] =	stream.linear.gather @!p0 [hbm4b:s13+s24], $0x3D00, $0x38;
	[tilespmem:$0x1FC00] =	vst v63  }
0x4a: {  	_ =	swait.ge @!p0 [sflag:s25], $0x3D00  }
0x4b: {  	s26 =	simm.s32 @!p0 $0x7A;
	[sflag:s25] =	ssyncset.done @!p0 $0x0  }
0x4c: {  	s24 =	simm.s32 $0x0;
	s26 =	simm.s32 @p0 $0x24;
	[sflag:s25] =	ssyncadd.s32 @!p0 $0xFFFFC300  }
0x4d: {  	[tilespmem:s20], [sflag:$0x1] =	stream.indirect.gather [hbm4b:s4+s22], $0x80, s24, s22, $0xb8;
	[tilespmem:$0x1FC00] =	vst v63  }
0x4e: {  	p1 =	sne.s32 s26, $0x1;
	_ =	swait.ge [sflag:s21], $0x4000  }
.Ltmp1:
0x4f: {  	[sflag:s21] =	ssyncset.done $0x0;
	(pc) =	sbr.rel @!p1 .LBB2_5-.Ltmp1, $4  }
0x50: {  	s25 =	simm.s32 $0x4000;
	[sflag:s21] =	ssyncadd.s32 $0xFFFFC000  }
0x51: {  	[spmem:s2] =	stream.indirect.scatter.add.f32 [tilespmem:s20], [sflag:$0x1], $0x80, s25, s22, $0xb8;
	[tilespmem:$0x1FC00] =	vst v63  }
0x52: {  	_ =	swait.ge [sflag:s21], $0x4000  }
0x53: {  	s26 =	sadd.s32 $0xFFFFFFFF, s26;
	[sflag:s21] =	ssyncset.done $0x0  }
.LBB2_4:
0x54: {  	[sflag:s21] =	ssyncadd.s32 $0xFFFFC000;
	s24 =	sadd.s32 $0x80, s24;
	s25 =	sadd.s32 $0x80, s25  }
0x55: {  	[tilespmem:s20], [sflag:$0x1] =	stream.indirect.gather [hbm4b:s4+s22], $0x80, s24, s22, $0xb8;
	[tilespmem:$0x1FC00] =	vst v63  }
0x56: {  	p1 =	sne.s32 s26, $0x1;
	s26 =	sadd.s32 $0xFFFFFFFF, s26;
	_ =	swait.ge [sflag:s21], $0x4000  }
.Ltmp2:
0x57: {  	[sflag:s21] =	ssyncset.done $0x0;
	(pc) =	sbr.rel @p1 .LBB2_4-.Ltmp2, $4  }
0x58: {  	[sflag:s21] =	ssyncadd.s32 $0xFFFFC000  }
0x59: {  	[spmem:s2] =	stream.indirect.scatter.add.f32 [tilespmem:s20], [sflag:$0x1], $0x80, s25, s22, $0xb8;
	[tilespmem:$0x1FC00] =	vst v63  }
0x5a: {  	_ =	swait.ge [sflag:s21], $0x4000  }
0x5b: {  	[sflag:s21] =	ssyncset.done $0x0  }
.LBB2_5:
0x5c: {  	[sflag:s21] =	ssyncadd.s32 $0xFFFFC000  }
0x5d: {  	[bflag:$0x0] =	sbarrier.arrive $0xFFFF  }
0x5e: {  	[tilespmem:s20], [sflag:$0x1] =	stream.linear.gather [spmem:s5], $0x4000, $0x38;
	[tilespmem:$0x1FC00] =	vst v63  }
0x5f: {  	_ =	swait.ge [sflag:s21], $0x4000  }
0x60: {  	[sflag:s21] =	ssyncset.done $0x0  }
0x61: {  	[sflag:s21] =	ssyncadd.s32 $0xFFFFC000  }
0x62: {  	[hbm4b:s15+s3] =	stream.linear.scatter [tilespmem:s20], [sflag:$0x1], $0x4000, $0x38;
	[tilespmem:$0x1FC00] =	vst v63  }
0x63: {  	_ =	swait.ge [sflag:s21], $0x4000  }
0x64: {  	[sflag:s21] =	ssyncset.done $0x0  }
0x65: {  	[sflag:s21] =	ssyncadd.s32 $0xFFFFC000  }
0x66: {  	[tilespmem:s20], [sflag:$0x1] =	stream.linear.gather [spmem:s6], $0x4000, $0x38;
	[tilespmem:$0x1FC00] =	vst v63  }
0x67: {  	_ =	swait.ge [sflag:s21], $0x4000  }
0x68: {  	[sflag:s21] =	ssyncset.done $0x0  }
0x69: {  	[sflag:s21] =	ssyncadd.s32 $0xFFFFC000  }
0x6a: {  	[hbm4b:s16+s3] =	stream.linear.scatter [tilespmem:s20], [sflag:$0x1], $0x4000, $0x38;
	[tilespmem:$0x1FC00] =	vst v63  }
0x6b: {  	_ =	swait.ge [sflag:s21], $0x4000  }
0x6c: {  	[sflag:s21] =	ssyncset.done $0x0  }
0x6d: {  	[sflag:s21] =	ssyncadd.s32 $0xFFFFC000  }
0x6e: {  	[tilespmem:s20], [sflag:$0x1] =	stream.linear.gather [spmem:s7], $0x4000, $0x38;
	[tilespmem:$0x1FC00] =	vst v63  }
0x6f: {  	_ =	swait.ge [sflag:s21], $0x4000  }
0x70: {  	[sflag:s21] =	ssyncset.done $0x0  }
0x71: {  	[sflag:s21] =	ssyncadd.s32 $0xFFFFC000  }
0x72: {  	[hbm4b:s17+s3] =	stream.linear.scatter [tilespmem:s20], [sflag:$0x1], $0x4000, $0x38;
	[tilespmem:$0x1FC00] =	vst v63  }
0x73: {  	_ =	swait.ge [sflag:s21], $0x4000  }
0x74: {  	[sflag:s21] =	ssyncset.done $0x0  }
0x75: {  	[sflag:s21] =	ssyncadd.s32 $0xFFFFC000  }
0x76: {  	[tilespmem:s20], [sflag:$0x1] =	stream.linear.gather [spmem:s8], $0x4000, $0x38;
	[tilespmem:$0x1FC00] =	vst v63  }
0x77: {  	_ =	swait.ge [sflag:s21], $0x4000  }
0x78: {  	[sflag:s21] =	ssyncset.done $0x0  }
0x79: {  	[sflag:s21] =	ssyncadd.s32 $0xFFFFC000  }
0x7a: {  	[hbm4b:s18+s3] =	stream.linear.scatter [tilespmem:s20], [sflag:$0x1], $0x4000, $0x38;
	[tilespmem:$0x1FC00] =	vst v63  }
0x7b: {  	_ =	swait.ge [sflag:s21], $0x4000  }
0x7c: {  	[sflag:s21] =	ssyncset.done $0x0  }
0x7d: {  	[sflag:s21] =	ssyncadd.s32 $0xFFFFC000  }
0x7e: {  	[tilespmem:s20], [sflag:$0x1] =	stream.linear.gather [spmem:s9], $0x3C00, $0x38;
	[tilespmem:$0x1FC00] =	vst v63  }
0x7f: {  	s23 =	sadd.s32 $0x1, s23;
	_ =	swait.ge [sflag:s21], $0x3C00  }
0x80: {  	p1 =	sne.s32 s23, s14;
	[sflag:s21] =	ssyncset.done $0x0  }
.Ltmp3:
0x81: {  	[sflag:s21] =	ssyncadd.s32 $0xFFFFC400;
	(pc) =	sbr.rel @p1 .LBB2_1-.Ltmp3, $4  }
0x82: {  	[hbm4b:s19+s3] =	stream.linear.scatter [tilespmem:s20], [sflag:$0x1], $0x3C00, $0x38;
	[tilespmem:$0x1FC00] =	vst v63  }
0x83: {  	_ =	swait.ge [sflag:s21], $0x3C00  }
0x84: {  	[sflag:s21] =	ssyncset.done $0x0  }
0x85: {  	[sflag:s21] =	ssyncadd.s32 $0xFFFFC400  }
0x86: {  	_ =	sfence.sel $0x180000  }
0x87: {  	[bflag:$0x0] =	sbarrier.arrive $0xFFFF  }
0x88: {  	p0 =	sne.s32 s1, $0x0;
	_ =	strace $0x90000050  }
0x89: {  	s0 =	sadd.s32 @!p0 $0x100000, s0;
	[bflag:$0x2] =	sbarrier.arrive $0xFFFF  }
0x8a: {  	[sflag:s0] =	ssyncadd.tile.s32 @!p0 $0x1;
	_ =	shalt  }
.Lfunc_end2:
_tile_overlayer_lowered:
.L_overlay_start_2:
0x8b: {  	(tag) =	ssettag $0x2  }
0x8c: {  	s0 =	rddreg [dreg:$0x0];
	s2 =	stileid.u32  }
0x8d: {  	s1 =	rddreg [dreg:$0x1];
	p0 =	sne.s32 s2, $0x0  }
0x8e: {  	s3 =	rddreg [dreg:$0x2];
	[bflag:$0x3] =	sbarrier.arrive $0xFFFF;
	s2 =	simm.s32 @!p0 $0x1C01  }
0x8f: {  	[timem:s3], [sflag:s2] =	dma.local @!p0 [hbm:s0], s1  }
0x90: {  	s0 =	simm.s32 @!p0 $0x1  }
0x91: {  	_ =	swait.ge @!p0 [sflag:s0], s1  }
0x92: {  	s1 =	ssub.s32 @!p0 $0x0, s1;
	[sflag:s0] =	ssyncset.done @!p0 $0x0  }
0x93: {  	[sflag:s0] =	ssyncadd.s32 @!p0 s1  }
0x94: {  	[bflag:$0x3] =	sbarrier.arrive $0xFFFF  }
0x95: {  	_ =	shalt  }

// kernel: kernel.25.cloned.1.call-start
scs
__scs_entry_jumppad:
0x0: {  	(pc) =	sbr.rel $0x88, $3  }
0x1: {  	(tag) =	ssettag $0x0;
	lr =	simm.s32 $0x1  }
0x2: {  	[smem:$0x3F94] =	sst lr;
	_ =	strace $0xD0000000  }
0x3: {  	_ = 	snop  }
0x4: {  	_ = 	snop  }
0x5: {  	_ = 	snop  }
0x6: {  	_ = 	snop  }
0x7: {  	_ = 	snop  }
__scs_overlays_trampoline_lowered:
0x8: {  	[smem:$0x3FA3] =	sst s0  }
0x9: {  	[smem:$0x3FA4] =	sst s1  }
0xa: {  	[smem:$0x3FA5] =	sst s2  }
0xb: {  	[smem:$0x3FA6] =	sst s3  }
0xc: {  	[smem:$0x3FA7] =	sst s4  }
0xd: {  	[smem:$0x3FA8] =	sst s5  }
0xe: {  	[smem:$0x3FA9] =	sst s6  }
0xf: {  	[smem:$0x3FAA] =	sst s7  }
0x10: {  	[smem:$0x3FAB] =	sst s8  }
0x11: {  	[smem:$0x3FAC] =	sst s9;
	s0 =	simm.s32 @!p0 $0x0  }
0x12: {  	s1 =	sld [smem:$0x3F92];
	s0 =	simm.s32 @p0 $0x1  }
0x13: {  	[smem:$0x3FAD] =	sst s0;
	s0 =	simm.s32 @!p1 $0x0  }
0x14: {  	s2 =	sld [smem:$0x3F91];
	s0 =	simm.s32 @p1 $0x1  }
0x15: {  	[smem:$0x3FAE] =	sst s0;
	s0 =	simm.s32 @!p2 $0x0  }
0x16: {  	s3 =	sld [smem:$0x3FDB];
	s0 =	simm.s32 @p2 $0x1  }
0x17: {  	s4 =	simm.s32 $0x1BF5;
	[smem:$0x3FB0] =	sst s0  }
0x18: {  	s0 =	sld [smem:$0x3F93];
	_ =	swait.ge [sflag:s4], $0x0  }
0x19: {  	s7 =	sld [smem:$0x3F94]  }
0x1a: {  	s8 =	sadd.s32 $0xFFFFE003, lr  }
0x1b: {  	s9 =	sadd.s32 $0xFFFFFEF7, lr;
	s5 =	simm.s32 $0xFFFFFFFF;
	p2 =	slt.u32 s8, $0xFFFFF086  }
0x1c: {  	p1 =	slt.u32 s9, $0xF7A;
	s5 =	simm.s32 @!p2 $0x0  }
0x1d: {  	s5 =	simm.s32 @p1 $0x1;
	p0 =	seq.s32 s7, s2  }
0x1e: {  	s7 =	smul.u32 @!p0 $0xF7A, s2;
	p2 =	seq.s32 @!p0 s5, $0x0  }
0x1f: {  	s9 =	smul.u32 $0xF7A, s1;
	s8 =	simm.s32 @!p0 $0x1BF5;
	p2 =	por !p2, p0  }
0x20: {  	[sflag:s8] =	ssyncset.s32 @!p0 $0xFFFFF086;
	s6 =	sadd.s32 @!p0 s3, s7;
	s7 =	simm.s32 @!p0 $0x108  }
0x21: {  	s3 =	sadd.s32 s3, s9;
	s6 =	sadd.s32 @!p0 $0x88, s6;
	s7 =	simm.s32 @p2 $0x1082  }
0x22: {  	[simem:s7], [sflag:s8] =	dma.local @!p0 [hbm:s6], $0xF7A  }
0x23: {  	s9 =	sor.u32 $0xD0000000, s2;
	s6 =	simm.s32 $0x108;
	_ =	swait.ge @!p0 [sflag:s8], $0x0  }
0x24: {  	s3 =	sadd.s32 $0x88, s3;
	s6 =	simm.s32 @!p1 $0x1082;
	[sflag:s4] =	ssyncset.s32 $0xFFFFF086  }
0x25: {  	[simem:s6], [sflag:s4] =	dma.local [hbm:s3], $0xF7A  }
0x26: {  	[smem:$0x3F94] =	sst s1;
	(tag) =	ssettag s2;
	_ =	strace s9  }
0x27: {  	s1 =	sld [smem:$0x3FA4]  }
0x28: {  	s2 =	sld [smem:$0x3FA5]  }
0x29: {  	s4 =	sld [smem:$0x3FA7]  }
0x2a: {  	p0 =	seq.s32 s5, $0x0;
	s5 =	sld [smem:$0x3FA8]  }
0x2b: {  	s6 =	sld [smem:$0x3FA9]  }
0x2c: {  	s7 =	sld [smem:$0x3FAA]  }
0x2d: {  	s3 =	simm.s32 $0x108;
	s8 =	sld [smem:$0x3FAB]  }
0x2e: {  	s3 =	simm.s32 @!p0 $0x1082;
	s9 =	sld [smem:$0x3FAC]  }
0x2f: {  	lr =	sadd.s32 s0, s3;
	s0 =	sld [smem:$0x3FA3]  }
0x30: {  	s3 =	sld [smem:$0x3FA6]  }
0x31: {  	[smem:$0x3FAF] =	sst s10  }
0x32: {  	s10 =	sld [smem:$0x3FAD];
	_ =	sdelay $0x3  }
0x33: {  	p0 =	seq.s32 s10, $0x1;
	s10 =	sld [smem:$0x3FAF];
	_ =	sdelay $0x3  }
0x34: {  	[smem:$0x3FAF] =	sst s10  }
0x35: {  	s10 =	sld [smem:$0x3FAE];
	_ =	sdelay $0x3  }
0x36: {  	p1 =	seq.s32 s10, $0x1;
	s10 =	sld [smem:$0x3FAF];
	_ =	sdelay $0x3  }
0x37: {  	[smem:$0x3FAF] =	sst s10  }
0x38: {  	s10 =	sld [smem:$0x3FB0]  }
0x39: {  	_ = 	snop;
	(pc) =	sbr.ind lr, $3  }
0x3a: {  	_ = 	snop  }
0x3b: {  	_ = 	snop  }
0x3c: {  	p2 =	seq.s32 s10, $0x1;
	s10 =	sld [smem:$0x3FAF]  }
0x3d: {  	_ =	shalt  }
0x3e: {  	_ =	shalt  }
0x3f: {  	_ =	shalt  }
0x40: {  	_ =	shalt  }
0x41: {  	_ =	shalt  }
0x42: {  	_ =	shalt  }
0x43: {  	_ =	shalt  }
0x44: {  	_ =	shalt  }
0x45: {  	_ =	shalt  }
0x46: {  	_ =	shalt  }
0x47: {  	_ =	shalt  }
0x48: {  	_ =	shalt  }
0x49: {  	_ =	shalt  }
0x4a: {  	_ =	shalt  }
0x4b: {  	_ =	shalt  }
0x4c: {  	_ =	shalt  }
0x4d: {  	_ =	shalt  }
0x4e: {  	_ =	shalt  }
0x4f: {  	_ =	shalt  }
0x50: {  	_ =	shalt  }
0x51: {  	_ =	shalt  }
0x52: {  	_ =	shalt  }
0x53: {  	_ =	shalt  }
0x54: {  	_ =	shalt  }
0x55: {  	_ =	shalt  }
0x56: {  	_ =	shalt  }
0x57: {  	_ =	shalt  }
0x58: {  	_ =	shalt  }
0x59: {  	_ =	shalt  }
0x5a: {  	_ =	shalt  }
0x5b: {  	_ =	shalt  }
0x5c: {  	_ =	shalt  }
0x5d: {  	_ =	shalt  }
0x5e: {  	_ =	shalt  }
0x5f: {  	_ =	shalt  }
0x60: {  	_ =	shalt  }
0x61: {  	_ =	shalt  }
0x62: {  	_ =	shalt  }
0x63: {  	_ =	shalt  }
0x64: {  	_ =	shalt  }
0x65: {  	_ =	shalt  }
0x66: {  	_ =	shalt  }
0x67: {  	_ =	shalt  }
0x68: {  	_ =	shalt  }
0x69: {  	_ =	shalt  }
0x6a: {  	_ =	shalt  }
0x6b: {  	_ =	shalt  }
0x6c: {  	_ =	shalt  }
0x6d: {  	_ =	shalt  }
0x6e: {  	_ =	shalt  }
0x6f: {  	_ =	shalt  }
0x70: {  	_ =	shalt  }
0x71: {  	_ =	shalt  }
0x72: {  	_ =	shalt  }
0x73: {  	_ =	shalt  }
0x74: {  	_ =	shalt  }
0x75: {  	_ =	shalt  }
0x76: {  	_ =	shalt  }
0x77: {  	_ =	shalt  }
0x78: {  	_ =	shalt  }
0x79: {  	_ =	shalt  }
0x7a: {  	_ =	shalt  }
0x7b: {  	_ =	shalt  }
0x7c: {  	_ =	shalt  }
0x7d: {  	_ =	shalt  }
0x7e: {  	_ =	shalt  }
0x7f: {  	_ =	shalt  }
0x80: {  	_ =	shalt  }
0x81: {  	_ =	shalt  }
0x82: {  	_ =	shalt  }
0x83: {  	_ =	shalt  }
0x84: {  	_ =	shalt  }
0x85: {  	_ =	shalt  }
0x86: {  	_ =	shalt  }
0x87: {  	_ =	shalt  }
.Lfunc_end0:
.L_simem_size_0:
called_computation.4_lowered:
.L_overlay_start_0:
0x88: {  	s2 =	sld [smem:$0x3FD9]  }
0x89: {  	s3 =	sld [smem:$0x3FFE];
	_ =	sdelay $0x1  }
0x8a: {  	s1 =	srdreg.scid  }
0x8b: {  	s0 =	sand.u32 $0x1, s1  }
0x8c: {  	s14 =	sshll.u32 s0, $0xA;
	s2 =	sadd.s32 s3, s2  }
0x8d: {  	s2 =	sadd.s32 s2, s14  }
0x8e: {  	[smem:$0x3FBB] =	sst s2  }
0x8f: {  	_ = 	snop  }
0x90: {  	s2 =	sld [smem:$0x3FD0];
	_ =	sdelay $0x2  }
0x91: {  	s15 =	simm.s32 $0xA;
	s4 =	simm.s32 $0x10  }
0x92: {  	[smem:s4], [sflag:s15] =	dma.local [hbm:s2], $0x1  }
0x93: {  	_ =	swait.eq [sflag:s15], $0x1  }
0x94: {  	[sflag:s15] =	ssyncset.done $0x0  }
0x95: {  	[sflag:s15] =	ssyncadd.s32 $0xFFFFFFFF  }
0x96: {  	s16 =	sld [smem:$0x10];
	(tm) =	ssettm $0x1  }
0x97: {  	s17 =	sld [smem:$0x3FFB];
	_ =	sdelay $0x3  }
0x98: {  	_ =	strace s17  }
0x99: {  	s3 =	sld [smem:$0x3FFC];
	_ =	sdelay $0x3  }
0x9a: {  	_ =	strace s3  }
0x9b: {  	s3 =	sld [smem:$0x3FFD];
	_ =	sdelay $0x3  }
0x9c: {  	_ =	strace s3  }
0x9d: {  	_ =	strace $0x8FFFFFFF  }
0x9e: {  	s18 =	sld [smem:$0x3FDB];
	_ =	sdelay $0x1  }
0x9f: {  	s19 =	simm.s32 $_scs_section_size  }
0xa0: {  	s5 =	simm.s32 $_size__tile_overlayer_lowered;
	s6 =	simm.s32 $_tile_overlayer_lowered  }
0xa1: {  	s22 =	simm.s32 $0x1BFF;
	s21 =	sshll.u32 s6, $0x1;
	s3 =	sadd.s32 s19, s18  }
0xa2: {  	s7 =	simm.s32 $0x0;
	s20 =	sshll.u32 s5, $0x1;
	s5 =	sadd.s32 s21, s3  }
0xa3: {  	[timem:s7], [sflag:s22] =	dma.local [hbm:s5], s20  }
0xa4: {  	_ =	swait.ge [sflag:s22], s20  }
0xa5: {  	s4 =	ssub.s32 $0x0, s20;
	[sflag:s22] =	ssyncset.done $0x0  }
0xa6: {  	[sflag:s22] =	ssyncadd.s32 s4;
	_ =	sdelay $0x1  }
0xa7: {  	s23 =	simm.s32 $0x1B8B  }
0xa8: {  	_ =	swait.ge [sflag:s23], $0x1  }
0xa9: {  	[sflag:s23] =	ssyncset.done $0x0  }
0xaa: {  	s25 =	simm.s32 $0x1B8E;
	s24 =	sld [smem:$0x3FFE];
	[sflag:s23] =	ssyncadd.s32 $0xFFFFFFFF  }
0xab: {  	s26 =	simm.s32 $execute0_lowered;
	[smem:$0x3FD2] =	sst s25  }
0xac: {  	s5 =	sshll.u32 s26, $0x1;
	_ =	strace $0x80000052;
	[dreg:$0x1] =	wrdreg $0xFFFFFFFF  }
0xad: {  	s28 =	simm.s32 $_size_execute0_lowered;
	s3 =	sadd.s32 s3, s5;
	[dreg:$0x0] =	wrdreg $0x0  }
0xae: {  	s5 =	sshll.u32 s28, $0x1;
	[dreg:$0x2] =	wrdreg s3  }
0xaf: {  	[dreg:$0x3] =	wrdreg s5  }
0xb0: {  	[dreg:$0x4] =	wrdreg $0xC0  }
0xb1: {  	_ =	task [dreg:s7], $0x5FFFF  }
0xb2: {  	[dreg:$0x1] =	wrdreg $0xFFFFFFFF  }
0xb3: {  	[dreg:$0x0] =	wrdreg $0x60  }
0xb4: {  	[dreg:$0x2] =	wrdreg s24  }
0xb5: {  	[dreg:$0x3] =	wrdreg s16  }
0xb6: {  	[dreg:$0x4] =	wrdreg $0xC0000  }
0xb7: {  	[dreg:$0x5] =	wrdreg $0x9  }
0xb8: {  	_ =	task.clear_ibuf [dreg:s7], $0x6FFFF;
	_ =	strace $0x90000052  }
0xb9: {  	s29 =	simm.s32 $0x9;
	_ =	strace $0x80000054  }
0xba: {  	_ =	swait.ge [sflag:s29], $0x1  }
0xbb: {  	[sflag:s29] =	ssyncadd.s32 $0xFFFFFFFF  }
0xbc: {  	_ =	strace $0x90000054  }
0xbd: {  	_ =	sfence  }
0xbe: {  	s30 =	sld [smem:$0x0];
	_ =	sdelay $0x2  }
0xbf: {  	s31 =	sshll.u32 s1, $0xD;
	s1 =	sshrl.u32 s1, $0x2  }
0xc0: {  	s3 =	sand.u32 $0x4000, s31;
	s1 =	sadd.s32 s1, s30  }
0xc1: {  	s0 =	sor.u32 s3, s0;
	s1 =	sshll.u32 s1, $0x11  }
0xc2: {  	s0 =	sor.u32 s1, s0  }
0xc3: {  	s0 =	sadd.s32 $0x8F2B, s0  }
0xc4: {  	[sflag:s0] =	ssyncadd.remote.s32 $0x1  }
0xc5: {  	_ =	sfence.sel $0xFFFF  }
0xc6: {  	[dreg:$0x0] =	wrdreg $0xFFFFFFFF;
	(pc) =	sbr.abs _section_cstart, $3  }
0xc7: {  	[dreg:$0x1] =	wrdreg $0xFFFFFFFF  }
0xc8: {  	_ =	task.clear_ibuf [dreg:s7], $0x2FFFF;
	_ =	strace $0x9FFFFFFF  }
0xc9: {  	(tm) =	ssettm $0x7FFFFFFF  }
tec
execute0_lowered:
.L_overlay_start_1:
0x0: {  	(tag) =	ssettag $0x1  }
0x1: {  	s14 =	rddreg [dreg:$0x0]  }
0x2: {  	s12 =	rddreg [dreg:$0x1]  }
0x3: {  	s2 =	rddreg [dreg:$0x2]  }
0x4: {  	s0 =	rddreg [dreg:$0x3];
	s1 =	stileid.u32  }
0x5: {  	s3 =	simm.s32 $0x0;
	s6 =	srdreg.scid;
	s5 =	smul.u32 $0x280, s1  }
0x6: {  	[smem:$0x7FF] =	sst s3;
	s7 =	smul.u32 $0x278, s1  }
0x7: {  	s4 =	sadd.s32 $0x88E00, s14;
	s13 =	sshll.u32 s1, $0xB;
	s26 =	smul.u32 $0x4F000, s1  }
0x8: {  	s20 =	sand.u32 $0x1, s6;
	s22 =	smul.u32 $0x2780, s1;
	_ =	strace $0x80000053  }
0x9: {  	s15 =	sadd.s32 s13, s14;
	s28 =	ssub.s32 $0x2, s20;
	p0 =	seq.s32 s20, $0x0  }
0xa: {  	s12 =	sadd.s32 s12, s13;
	s11 =	sadd.s32 s5, s14;
	s16 =	sadd.s32 $0x80, s7  }
0xb: {  	s8 =	sshrl.u32 s28, $0x1;
	s6 =	sshrl.u32 s26, $0x2;
	s18 =	sadd.s32 $0x100, s7  }
0xc: {  	s19 =	sadd.s32 $0x180, s7;
	s21 =	sadd.s32 $0x200, s7;
	s13 =	sadd.s32 $0xA600, s15  }
0xd: {  	s15 =	simm.s32 $0xB0600;
	s9 =	sshll.u32 s16, $0x7;
	s17 =	ssub.s32 s28, s8  }
0xe: {  	s5 =	sadd.s32 s6, s2;
	s29 =	sshll.u32 s18, $0x7;
	s30 =	sshll.u32 s19, $0x7  }
0xf: {  	s31 =	sshll.u32 s21, $0x7;
	s10 =	sadd.s32 $0x5600, s11;
	s11 =	sadd.s32 $0x7E00, s11  }
0x10: {  	s16 =	sshll.u32 s16, $0x4;
	s15 =	simm.s32 @!p0 $0xD7E00;
	s18 =	sshll.u32 s18, $0x4  }
0x11: {  	s19 =	sshll.u32 s19, $0x4;
	s21 =	sshll.u32 s21, $0x4;
	p0 =	sne.s32 s20, $0x0  }
0x12: {  	s20 =	simm.s32 $0x8000;
	s6 =	sadd.s32 s9, s2;
	s7 =	sadd.s32 s29, s2  }
0x13: {  	s8 =	sadd.s32 s30, s2;
	s9 =	sadd.s32 s31, s2;
	s23 =	sadd.s32 s15, s14  }
0x14: {  	s14 =	smax.u32 s17, $0x1;
	s15 =	sadd.s32 s23, s22;
	s16 =	sadd.s32 s23, s16  }
0x15: {  	s17 =	sadd.s32 s23, s18;
	s18 =	sadd.s32 s23, s19;
	s19 =	sadd.s32 s23, s21  }
0x16: {  	v0 =	vimm.f32 $0.0e+00;
	s21 =	simm.s32 $0x1;
	s22 =	simm.s32 $0x80;
	s23 =	simm.s32 $0x0  }
.LBB2_1:
0x17: {  	s24 =	simm.s32 $0x0;
	s25 =	simm.s32 $0x200  }
.LBB2_2:
0x18: {  	p1 =	sne.s32 s25, $0xFE00;
	[tilespmem:s24+$0x8070] =	vst v0  }
0x19: {  	[tilespmem:s24+$0x8000] =	vst v0  }
0x1a: {  	[tilespmem:s24+$0x8010] =	vst v0  }
.Ltmp0:
0x1b: {  	[tilespmem:s24+$0x8020] =	vst v0;
	(pc) =	sbr.rel @p1 .LBB2_2-.Ltmp0, $4  }
0x1c: {  	[tilespmem:s24+$0x8030] =	vst v0  }
0x1d: {  	[tilespmem:s24+$0x8040] =	vst v0  }
0x1e: {  	[tilespmem:s24+$0x8050] =	vst v0  }
0x1f: {  	[tilespmem:s24+$0x8060] =	vst v0;
	s24 =	sshra.s32 s25, $0x2;
	s25 =	sadd.s32 $0x200, s25  }
0x20: {  	[tilespmem:s24+$0x8070] =	vst v0  }
0x21: {  	[tilespmem:s24+$0x8000] =	vst v0  }
0x22: {  	[tilespmem:s24+$0x8010] =	vst v0  }
0x23: {  	[tilespmem:s24+$0x8020] =	vst v0  }
0x24: {  	[tilespmem:s24+$0x8030] =	vst v0  }
0x25: {  	[tilespmem:s24+$0x8040] =	vst v0  }
0x26: {  	[tilespmem:s24+$0x8050] =	vst v0  }
0x27: {  	[tilespmem:s24+$0x8060] =	vst v0  }
0x28: {  	[spmem:s5] =	stream.linear.scatter [tilespmem:s20], [sflag:$0x1], $0x4000, $0x38;
	[tilespmem:$0x1FC00] =	vst v63  }
0x29: {  	_ =	swait.ge [sflag:s21], $0x4000  }
0x2a: {  	[sflag:s21] =	ssyncset.done $0x0  }
0x2b: {  	[sflag:s21] =	ssyncadd.s32 $0xFFFFC000  }
0x2c: {  	[spmem:s6] =	stream.linear.scatter [tilespmem:s20], [sflag:$0x1], $0x4000, $0x38;
	[tilespmem:$0x1FC00] =	vst v63  }
0x2d: {  	_ =	swait.ge [sflag:s21], $0x4000  }
0x2e: {  	[sflag:s21] =	ssyncset.done $0x0  }
0x2f: {  	[sflag:s21] =	ssyncadd.s32 $0xFFFFC000  }
0x30: {  	[spmem:s7] =	stream.linear.scatter [tilespmem:s20], [sflag:$0x1], $0x4000, $0x38;
	[tilespmem:$0x1FC00] =	vst v63  }
0x31: {  	_ =	swait.ge [sflag:s21], $0x4000  }
0x32: {  	[sflag:s21] =	ssyncset.done $0x0  }
0x33: {  	[sflag:s21] =	ssyncadd.s32 $0xFFFFC000  }
0x34: {  	[spmem:s8] =	stream.linear.scatter [tilespmem:s20], [sflag:$0x1], $0x4000, $0x38;
	[tilespmem:$0x1FC00] =	vst v63  }
0x35: {  	_ =	swait.ge [sflag:s21], $0x4000  }
0x36: {  	[sflag:s21] =	ssyncset.done $0x0  }
0x37: {  	[sflag:s21] =	ssyncadd.s32 $0xFFFFC000  }
0x38: {  	[spmem:s9] =	stream.linear.scatter [tilespmem:s20], [sflag:$0x1], $0x3C00, $0x38;
	[tilespmem:$0x1FC00] =	vst v63  }
0x39: {  	_ =	swait.ge [sflag:s21], $0x3C00  }
0x3a: {  	[sflag:s21] =	ssyncset.done $0x0  }
0x3b: {  	[sflag:s21] =	ssyncadd.s32 $0xFFFFC400  }
0x3c: {  	s24 =	simm.s32 @p0 $0x0;
	s25 =	simm.s32 @p0 $0x1;
	[bflag:$0x0] =	sbarrier.arrive $0xFFFF  }
0x3d: {  	[tilespmem:s24], [sflag:$0x1] =	stream.linear.gather @p0 [hbm4b:s10+s24], $0x1200, $0x38;
	[tilespmem:$0x1FC00] =	vst v63  }
0x3e: {  	_ =	swait.ge @p0 [sflag:s25], $0x1200  }
0x3f: {  	[sflag:s25] =	ssyncset.done @p0 $0x0  }
0x40: {  	s26 =	simm.s32 @p0 $0x4000;
	[sflag:s25] =	ssyncadd.s32 @p0 $0xFFFFEE00  }
0x41: {  	[tilespmem:s26], [sflag:$0x1] =	stream.linear.gather @p0 [hbm4b:s11+s24], $0x1200, $0x38;
	[tilespmem:$0x1FC00] =	vst v63  }
0x42: {  	_ =	swait.ge @p0 [sflag:s25], $0x1200  }
0x43: {  	[sflag:s25] =	ssyncset.done @p0 $0x0  }
0x44: {  	s24 =	simm.s32 @!p0 $0x0;
	[sflag:s25] =	ssyncadd.s32 @p0 $0xFFFFEE00;
	s25 =	simm.s32 @!p0 $0x1  }
0x45: {  	[tilespmem:s24], [sflag:$0x1] =	stream.linear.gather @!p0 [hbm4b:s12+s24], $0x3D00, $0x38;
	[tilespmem:$0x1FC00] =	vst v63  }
0x46: {  	_ =	swait.ge @!p0 [sflag:s25], $0x3D00  }
0x47: {  	[sflag:s25] =	ssyncset.done @!p0 $0x0  }
0x48: {  	s26 =	simm.s32 @!p0 $0x4000;
	[sflag:s25] =	ssyncadd.s32 @!p0 $0xFFFFC300  }
0x49: {  	[tilespmem:s26], [sflag:$0x1] =	stream.linear.gather @!p0 [hbm4b:s13+s24], $0x3D00, $0x38;
	[tilespmem:$0x1FC00] =	vst v63  }
0x4a: {  	_ =	swait.ge @!p0 [sflag:s25], $0x3D00  }
0x4b: {  	s26 =	simm.s32 @!p0 $0x7A;
	[sflag:s25] =	ssyncset.done @!p0 $0x0  }
0x4c: {  	s24 =	simm.s32 $0x0;
	s26 =	simm.s32 @p0 $0x24;
	[sflag:s25] =	ssyncadd.s32 @!p0 $0xFFFFC300  }
0x4d: {  	[tilespmem:s20], [sflag:$0x1] =	stream.indirect.gather [hbm4b:s4+s22], $0x80, s24, s22, $0xb8;
	[tilespmem:$0x1FC00] =	vst v63  }
0x4e: {  	p1 =	sne.s32 s26, $0x1;
	_ =	swait.ge [sflag:s21], $0x4000  }
.Ltmp1:
0x4f: {  	[sflag:s21] =	ssyncset.done $0x0;
	(pc) =	sbr.rel @!p1 .LBB2_5-.Ltmp1, $4  }
0x50: {  	s25 =	simm.s32 $0x4000;
	[sflag:s21] =	ssyncadd.s32 $0xFFFFC000  }
0x51: {  	[spmem:s2] =	stream.indirect.scatter.add.f32 [tilespmem:s20], [sflag:$0x1], $0x80, s25, s22, $0xb8;
	[tilespmem:$0x1FC00] =	vst v63  }
0x52: {  	_ =	swait.ge [sflag:s21], $0x4000  }
0x53: {  	s26 =	sadd.s32 $0xFFFFFFFF, s26;
	[sflag:s21] =	ssyncset.done $0x0  }
.LBB2_4:
0x54: {  	[sflag:s21] =	ssyncadd.s32 $0xFFFFC000;
	s24 =	sadd.s32 $0x80, s24;
	s25 =	sadd.s32 $0x80, s25  }
0x55: {  	[tilespmem:s20], [sflag:$0x1] =	stream.indirect.gather [hbm4b:s4+s22], $0x80, s24, s22, $0xb8;
	[tilespmem:$0x1FC00] =	vst v63  }
0x56: {  	p1 =	sne.s32 s26, $0x1;
	s26 =	sadd.s32 $0xFFFFFFFF, s26;
	_ =	swait.ge [sflag:s21], $0x4000  }
.Ltmp2:
0x57: {  	[sflag:s21] =	ssyncset.done $0x0;
	(pc) =	sbr.rel @p1 .LBB2_4-.Ltmp2, $4  }
0x58: {  	[sflag:s21] =	ssyncadd.s32 $0xFFFFC000  }
0x59: {  	[spmem:s2] =	stream.indirect.scatter.add.f32 [tilespmem:s20], [sflag:$0x1], $0x80, s25, s22, $0xb8;
	[tilespmem:$0x1FC00] =	vst v63  }
0x5a: {  	_ =	swait.ge [sflag:s21], $0x4000  }
0x5b: {  	[sflag:s21] =	ssyncset.done $0x0  }
.LBB2_5:
0x5c: {  	[sflag:s21] =	ssyncadd.s32 $0xFFFFC000  }
0x5d: {  	[bflag:$0x0] =	sbarrier.arrive $0xFFFF  }
0x5e: {  	[tilespmem:s20], [sflag:$0x1] =	stream.linear.gather [spmem:s5], $0x4000, $0x38;
	[tilespmem:$0x1FC00] =	vst v63  }
0x5f: {  	_ =	swait.ge [sflag:s21], $0x4000  }
0x60: {  	[sflag:s21] =	ssyncset.done $0x0  }
0x61: {  	[sflag:s21] =	ssyncadd.s32 $0xFFFFC000  }
0x62: {  	[hbm4b:s15+s3] =	stream.linear.scatter [tilespmem:s20], [sflag:$0x1], $0x4000, $0x38;
	[tilespmem:$0x1FC00] =	vst v63  }
0x63: {  	_ =	swait.ge [sflag:s21], $0x4000  }
0x64: {  	[sflag:s21] =	ssyncset.done $0x0  }
0x65: {  	[sflag:s21] =	ssyncadd.s32 $0xFFFFC000  }
0x66: {  	[tilespmem:s20], [sflag:$0x1] =	stream.linear.gather [spmem:s6], $0x4000, $0x38;
	[tilespmem:$0x1FC00] =	vst v63  }
0x67: {  	_ =	swait.ge [sflag:s21], $0x4000  }
0x68: {  	[sflag:s21] =	ssyncset.done $0x0  }
0x69: {  	[sflag:s21] =	ssyncadd.s32 $0xFFFFC000  }
0x6a: {  	[hbm4b:s16+s3] =	stream.linear.scatter [tilespmem:s20], [sflag:$0x1], $0x4000, $0x38;
	[tilespmem:$0x1FC00] =	vst v63  }
0x6b: {  	_ =	swait.ge [sflag:s21], $0x4000  }
0x6c: {  	[sflag:s21] =	ssyncset.done $0x0  }
0x6d: {  	[sflag:s21] =	ssyncadd.s32 $0xFFFFC000  }
0x6e: {  	[tilespmem:s20], [sflag:$0x1] =	stream.linear.gather [spmem:s7], $0x4000, $0x38;
	[tilespmem:$0x1FC00] =	vst v63  }
0x6f: {  	_ =	swait.ge [sflag:s21], $0x4000  }
0x70: {  	[sflag:s21] =	ssyncset.done $0x0  }
0x71: {  	[sflag:s21] =	ssyncadd.s32 $0xFFFFC000  }
0x72: {  	[hbm4b:s17+s3] =	stream.linear.scatter [tilespmem:s20], [sflag:$0x1], $0x4000, $0x38;
	[tilespmem:$0x1FC00] =	vst v63  }
0x73: {  	_ =	swait.ge [sflag:s21], $0x4000  }
0x74: {  	[sflag:s21] =	ssyncset.done $0x0  }
0x75: {  	[sflag:s21] =	ssyncadd.s32 $0xFFFFC000  }
0x76: {  	[tilespmem:s20], [sflag:$0x1] =	stream.linear.gather [spmem:s8], $0x4000, $0x38;
	[tilespmem:$0x1FC00] =	vst v63  }
0x77: {  	_ =	swait.ge [sflag:s21], $0x4000  }
0x78: {  	[sflag:s21] =	ssyncset.done $0x0  }
0x79: {  	[sflag:s21] =	ssyncadd.s32 $0xFFFFC000  }
0x7a: {  	[hbm4b:s18+s3] =	stream.linear.scatter [tilespmem:s20], [sflag:$0x1], $0x4000, $0x38;
	[tilespmem:$0x1FC00] =	vst v63  }
0x7b: {  	_ =	swait.ge [sflag:s21], $0x4000  }
0x7c: {  	[sflag:s21] =	ssyncset.done $0x0  }
0x7d: {  	[sflag:s21] =	ssyncadd.s32 $0xFFFFC000  }
0x7e: {  	[tilespmem:s20], [sflag:$0x1] =	stream.linear.gather [spmem:s9], $0x3C00, $0x38;
	[tilespmem:$0x1FC00] =	vst v63  }
0x7f: {  	s23 =	sadd.s32 $0x1, s23;
	_ =	swait.ge [sflag:s21], $0x3C00  }
0x80: {  	p1 =	sne.s32 s23, s14;
	[sflag:s21] =	ssyncset.done $0x0  }
.Ltmp3:
0x81: {  	[sflag:s21] =	ssyncadd.s32 $0xFFFFC400;
	(pc) =	sbr.rel @p1 .LBB2_1-.Ltmp3, $4  }
0x82: {  	[hbm4b:s19+s3] =	stream.linear.scatter [tilespmem:s20], [sflag:$0x1], $0x3C00, $0x38;
	[tilespmem:$0x1FC00] =	vst v63  }
0x83: {  	_ =	swait.ge [sflag:s21], $0x3C00  }
0x84: {  	[sflag:s21] =	ssyncset.done $0x0  }
0x85: {  	[sflag:s21] =	ssyncadd.s32 $0xFFFFC400  }
0x86: {  	_ =	sfence.sel $0x180000  }
0x87: {  	[bflag:$0x0] =	sbarrier.arrive $0xFFFF  }
0x88: {  	p0 =	sne.s32 s1, $0x0;
	_ =	strace $0x90000053  }
0x89: {  	s0 =	sadd.s32 @!p0 $0x100000, s0;
	[bflag:$0x2] =	sbarrier.arrive $0xFFFF  }
0x8a: {  	[sflag:s0] =	ssyncadd.tile.s32 @!p0 $0x1;
	_ =	shalt  }
.Lfunc_end2:
_tile_overlayer_lowered:
.L_overlay_start_2:
0x8b: {  	(tag) =	ssettag $0x2  }
0x8c: {  	s0 =	rddreg [dreg:$0x0];
	s2 =	stileid.u32  }
0x8d: {  	s1 =	rddreg [dreg:$0x1];
	p0 =	sne.s32 s2, $0x0  }
0x8e: {  	s3 =	rddreg [dreg:$0x2];
	[bflag:$0x3] =	sbarrier.arrive $0xFFFF;
	s2 =	simm.s32 @!p0 $0x1C01  }
0x8f: {  	[timem:s3], [sflag:s2] =	dma.local @!p0 [hbm:s0], s1  }
0x90: {  	s0 =	simm.s32 @!p0 $0x1  }
0x91: {  	_ =	swait.ge @!p0 [sflag:s0], s1  }
0x92: {  	s1 =	ssub.s32 @!p0 $0x0, s1;
	[sflag:s0] =	ssyncset.done @!p0 $0x0  }
0x93: {  	[sflag:s0] =	ssyncadd.s32 @!p0 s1  }
0x94: {  	[bflag:$0x3] =	sbarrier.arrive $0xFFFF  }
0x95: {  	_ =	shalt  }

</sc_bundles>
